<compile_context>
chip_gen: v7x
topology: tpu7x:2x2x1
jax: 0.10.2.dev20260603
libtpu: 0.0.44.dev20260713+nightly
codegen_flags: <defaults>
</compile_context>

<pallas_src>
import functools

import jax
import jax.numpy as jnp
from jax import lax
from jax.experimental import pallas as pl
from jax.experimental.pallas import tpu as pltpu
from jax.experimental.pallas import tpu_sc as plsc

GD = 19
SPACING = 12.0
ORG = -108.0
INV_SP = 1.0 / SPACING

SXY = GD * GD
PLANE = GD * GD * GD
PPAD = ((PLANE + 63) // 64) * 64

NC, NS, L = 2, 16, 16
NW = NC * NS


def _bspline_w(u):
    u2 = u * u
    u3 = u2 * u
    om = 1.0 - u
    om2 = om * om
    w0 = om2 * om * (1.0 / 6.0)
    w1 = ((3.0 * u - 6.0) * u2 + 4.0) * (1.0 / 6.0)
    w3 = u3 * (1.0 / 6.0)
    w2 = 1.0 - w0 - w1 - w3
    s = INV_SP
    d0 = om2 * (-0.5 * s)
    d1 = ((1.5 * u - 2.0) * u) * s
    d3 = u2 * (0.5 * s)
    d2 = -(d0 + d1 + d3)
    return (w0, w1, w2, w3), (d0, d1, d2, d3)


def _make_sc_call(n_points, chunk):
    pw = n_points // NW
    nchunk = pw // chunk
    groups = chunk // L

    mesh = plsc.VectorSubcoreMesh(core_axis_name="c", subcore_axis_name="s")

    @functools.partial(
        pl.kernel,
        out_type=(
            jax.ShapeDtypeStruct((3, n_points), jnp.float32),
            jax.ShapeDtypeStruct((9, n_points), jnp.float32),
        ),
        mesh=mesh,
        compiler_params=pltpu.CompilerParams(needs_layout_passes=False),
        scratch_types=[
            pltpu.VMEM((PPAD,), jnp.float32),
            pltpu.VMEM((PPAD,), jnp.float32),
            pltpu.VMEM((PPAD,), jnp.float32),
            pltpu.VMEM((chunk,), jnp.float32),
            pltpu.VMEM((chunk,), jnp.float32),
            pltpu.VMEM((chunk,), jnp.float32),
            pltpu.VMEM((3, chunk), jnp.float32),
            pltpu.VMEM((9, chunk), jnp.float32),
        ],
    )
    def sc_call(ptsT_hbm, gridp_hbm, dispT_hbm, jacT_hbm,
                g0_v, g1_v, g2_v, px_v, py_v, pz_v, disp_v, jac_v):
        wid = lax.axis_index("s") * NC + lax.axis_index("c")
        pltpu.sync_copy(gridp_hbm.at[pl.ds(0, PPAD)], g0_v)
        pltpu.sync_copy(gridp_hbm.at[pl.ds(PPAD, PPAD)], g1_v)
        pltpu.sync_copy(gridp_hbm.at[pl.ds(2 * PPAD, PPAD)], g2_v)
        base_w = wid * pw

        def group_body(g):
            off = g * L
            ws, dws, gbase = [], [], []
            for dim, pref in enumerate((px_v, py_v, pz_v)):
                pt = pref[pl.ds(off, L)]
                p = (pt - ORG) * INV_SP
                fi = p.astype(jnp.int32)
                u = p - fi.astype(jnp.float32)
                w4, d4 = _bspline_w(u)
                ws.append(w4)
                dws.append(d4)
                stride = (SXY, GD, 1)[dim]
                i0 = fi - 1
                if stride == 1:
                    gbase.append([i0 + a for a in range(4)])
                else:
                    gbase.append([(i0 + a) * stride for a in range(4)])
            wx, wy, wz = ws
            dwx, dwy, dwz = dws
            gx, gy, gz = gbase

            one = jnp.full((L,), 1.0, jnp.float32)
            disp = [None, None, None]
            jxa = [one, None, None]
            jya = [None, one, None]
            jza = [None, None, one]

            for a in range(4):
                SA = [None, None, None]
                UA = [None, None, None]
                TA = [None, None, None]
                for b in range(4):
                    bxy = gx[a] + gy[b]
                    S = [None, None, None]
                    T = [None, None, None]
                    for c in range(4):
                        vidx = bxy + gz[c]
                        for d, gref in enumerate((g0_v, g1_v, g2_v)):
                            gval = plsc.load_gather(gref, [vidx])
                            if c == 0:
                                S[d] = gval * wz[0]
                                T[d] = gval * dwz[0]
                            else:
                                S[d] = S[d] + gval * wz[c]
                                T[d] = T[d] + gval * dwz[c]
                    for d in range(3):
                        if b == 0:
                            SA[d] = wy[0] * S[d]
                            UA[d] = dwy[0] * S[d]
                            TA[d] = wy[0] * T[d]
                        else:
                            SA[d] = SA[d] + wy[b] * S[d]
                            UA[d] = UA[d] + dwy[b] * S[d]
                            TA[d] = TA[d] + wy[b] * T[d]
                for d in range(3):
                    if a == 0:
                        disp[d] = wx[0] * SA[d]
                    else:
                        disp[d] = disp[d] + wx[a] * SA[d]
                    def acc(cur, w_, v_):
                        return w_ * v_ if cur is None else cur + w_ * v_
                    jxa[d] = acc(jxa[d], dwx[a], SA[d])
                    jya[d] = acc(jya[d], wx[a], UA[d])
                    jza[d] = acc(jza[d], wx[a], TA[d])

            for d in range(3):
                disp_v[d, pl.ds(off, L)] = disp[d]
                jac_v[d * 3 + 0, pl.ds(off, L)] = jxa[d]
                jac_v[d * 3 + 1, pl.ds(off, L)] = jya[d]
                jac_v[d * 3 + 2, pl.ds(off, L)] = jza[d]

        def chunk_body(ci, _):
            base = base_w + ci * chunk
            for dim, pref in enumerate((px_v, py_v, pz_v)):
                pltpu.sync_copy(
                    ptsT_hbm.at[pl.ds(dim * n_points + base, chunk)], pref)
            plsc.parallel_loop(0, groups, 1, unroll=2)(group_body)
            pltpu.sync_copy(disp_v, dispT_hbm.at[:, pl.ds(base, chunk)])
            pltpu.sync_copy(jac_v, jacT_hbm.at[:, pl.ds(base, chunk)])
            return 0

        lax.fori_loop(0, nchunk, chunk_body, 0, unroll=False)

    return sc_call


def kernel(points, grid):
    n = points.shape[0]
    ptsT = points.T.reshape(-1)
    gridp = jnp.pad(grid.reshape(-1, 3).T,
                    ((0, 0), (0, PPAD - PLANE))).reshape(-1)
    sc_call = _make_sc_call(n, 2048)
    dispT, jacT = sc_call(ptsT, gridp)
    return dispT, jacT

# --- scband reference (transcript-rebuilt; emitter-appended) ---
"""Pipeline reference for scband-ffd-4638564680323 (READ-ONLY COPY).

The authoritative reference and input builder live on the scoring server;
editing this copy changes nothing except your own understanding.
"""

import jax, jax.numpy as jnp
import numpy as np

NVOX = np.array([128.0, 128.0, 128.0], np.float32)
DVOX = np.array([1.5, 1.5, 1.5], np.float32)
SPACING_VOX = np.array([8.0, 8.0, 8.0], np.float32)
GRID_DIM = np.array([int(NVOX[i] / SPACING_VOX[i]) + 3 for i in range(3)], np.int32)  # [19,19,19]
SPACING_SCENE = (SPACING_VOX * DVOX).astype(np.float32)
ORIGIN = (-DVOX * NVOX / 2.0 - SPACING_SCENE).astype(np.float32)
N_POINTS = 262144


def setup_inputs(seed: int = 0) -> dict:
    key = jax.random.key(seed)
    k1, k2 = jax.random.split(key)
    pts01 = jax.random.uniform(k1, (N_POINTS, 3), dtype=jnp.float32)
    # points in scene units, strictly inside the volume
    points = (pts01 - 0.5) * jnp.asarray(DVOX * NVOX) * 0.95
    grid = jax.random.normal(k2, (int(GRID_DIM[0]), int(GRID_DIM[1]), int(GRID_DIM[2]), 3), dtype=jnp.float32) * 0.5
    return {"points": points, "grid": grid}


def _bspline_weights(u):
    # u: [N,3] fractional coords in [0,1). Returns (w, dw) each [N,4,3].
    u2 = u * u
    u3 = u2 * u
    w0 = (1.0 - u) ** 3 / 6.0
    w1 = (3.0 * u3 - 6.0 * u2 + 4.0) / 6.0
    w2 = (-3.0 * u3 + 3.0 * u2 + 3.0 * u + 1.0) / 6.0
    w3 = u3 / 6.0
    w = jnp.stack([w0, w1, w2, w3], axis=1)
    d0 = -((1.0 - u) ** 2) / 2.0
    d1 = (9.0 * u2 - 12.0 * u) / 6.0
    d2 = (-9.0 * u2 + 6.0 * u + 3.0) / 6.0
    d3 = u2 / 2.0
    dw = jnp.stack([d0, d1, d2, d3], axis=1)
    return w, dw


def _ffd_forward(points, grid):
    sp = jnp.asarray(SPACING_SCENE)
    org = jnp.asarray(ORIGIN)
    gd = jnp.asarray(GRID_DIM)
    p = (points - org) / sp  # points_in_voxels, [N,3]
    i = jnp.floor(p).astype(jnp.int32)
    u = p - i.astype(jnp.float32)
    w, dw = _bspline_weights(u)  # [N,4,3]
    idx = i[:, None, :] - 1 + jnp.arange(4, dtype=jnp.int32)[None, :, None]  # [N,4,3]
    idx = jnp.clip(idx, 0, gd[None, None, :] - 1)
    ix = idx[:, :, 0]
    iy = idx[:, :, 1]
    iz = idx[:, :, 2]
    # gather 4x4x4 neighborhood of control points: [N,4,4,4,3]
    G = grid[ix[:, :, None, None], iy[:, None, :, None], iz[:, None, None, :]]
    wx = w[:, :, 0]
    wy = w[:, :, 1]
    wz = w[:, :, 2]
    dwx = dw[:, :, 0] / sp[0]
    dwy = dw[:, :, 1] / sp[1]
    dwz = dw[:, :, 2] / sp[2]
    W = wx[:, :, None, None] * wy[:, None, :, None] * wz[:, None, None, :]  # [N,4,4,4]
    displacement = jnp.einsum('nabc,nabcd->nd', W, G)  # [N,3]
    Wx = dwx[:, :, None, None] * wy[:, None, :, None] * wz[:, None, None, :]
    Wy = wx[:, :, None, None] * dwy[:, None, :, None] * wz[:, None, None, :]
    Wz = wx[:, :, None, None] * wy[:, None, :, None] * dwz[:, None, None, :]
    Jx = jnp.einsum('nabc,nabcd->nd', Wx, G)  # d disp / d x
    Jy = jnp.einsum('nabc,nabcd->nd', Wy, G)
    Jz = jnp.einsum('nabc,nabcd->nd', Wz, G)
    jacobian = jnp.stack([Jx, Jy, Jz], axis=-1)  # [N,3,3]
    jacobian = jacobian + jnp.eye(3, dtype=jnp.float32)[None, :, :]
    return displacement, jacobian


def reference(points, grid):
    return _ffd_forward(points, grid)

if __name__ == "__main__":
    import jax
    _d = setup_inputs()
    print(jax.jit(kernel)(*tuple(_d.values())))

</pallas_src>

<mosaic_0001>
#map = affine_map<(d0, d1) -> (0)>
#map1 = affine_map<(d0, d1) -> (0, 0)>
module attributes {stable_mosaic.version = 14 : i64} {
  func.func @sc_call(%arg0: i32, %arg1: i32, %arg2: memref<786432xf32, #tpu.memory_space<hbm>>, %arg3: memref<20736xf32, #tpu.memory_space<hbm>>, %arg4: memref<3x262144xf32, #tpu.memory_space<hbm>>, %arg5: memref<9x262144xf32, #tpu.memory_space<hbm>>, %arg6: memref<6912xf32, #tpu.memory_space<vmem>>, %arg7: memref<6912xf32, #tpu.memory_space<vmem>>, %arg8: memref<6912xf32, #tpu.memory_space<vmem>>, %arg9: memref<2048xf32, #tpu.memory_space<vmem>>, %arg10: memref<2048xf32, #tpu.memory_space<vmem>>, %arg11: memref<2048xf32, #tpu.memory_space<vmem>>, %arg12: memref<3x2048xf32, #tpu.memory_space<vmem>>, %arg13: memref<9x2048xf32, #tpu.memory_space<vmem>>) attributes {dimension_semantics = [#tpu.dimension_semantics<core_parallel>, #tpu.dimension_semantics<subcore_parallel>], iteration_bounds = array<i64: 2, 16>, scalar_prefetch = 0 : i64, scratch_operands = 8 : i64, tpu.core_type = #tpu.core_type<sc_vector_subcore>, window_params = [{transform_indices = #map}, {transform_indices = #map}, {transform_indices = #map1}, {transform_indices = #map1}]} {
    %mul3A = arith.constant 2 : i32
    %mul3A_0 = arith.muli %arg1, %mul3A : i32
    %add3A = arith.addi %mul3A_0, %arg0 : i32
    "tpu.region"() ({
      %run_scoped3A = tpu.sem_alloc : memref<!tpu.dma_semaphore, #tpu.memory_space<semaphore_mem>>
      %dma_start3A = arith.constant 0 : i32
      %dma_start3A_9 = tpu.memref_slice %arg3[%dma_start3A] : memref<20736xf32, #tpu.memory_space<hbm>> -> memref<6912xf32, #tpu.memory_space<hbm>>
      %dma_start3A_10 = arith.constant 0 : i32
      %dma_start3A_11 = tpu.memref_slice %arg3[%dma_start3A_10] : memref<20736xf32, #tpu.memory_space<hbm>> -> memref<6912xf32, #tpu.memory_space<hbm>>
      tpu.enqueue_dma source(%dma_start3A_11 : memref<6912xf32, #tpu.memory_space<hbm>>) target(%arg6 : memref<6912xf32, #tpu.memory_space<vmem>>) target_semaphore(%run_scoped3A : memref<!tpu.dma_semaphore, #tpu.memory_space<semaphore_mem>>)
      %dma_wait3A = arith.constant 0 : i32
      %dma_wait3A_12 = tpu.memref_slice %arg3[%dma_wait3A] : memref<20736xf32, #tpu.memory_space<hbm>> -> memref<6912xf32, #tpu.memory_space<hbm>>
      %dma_wait3A_13 = arith.constant 0 : i32
      %dma_wait3A_14 = tpu.memref_slice %arg3[%dma_wait3A_13] : memref<20736xf32, #tpu.memory_space<hbm>> -> memref<6912xf32, #tpu.memory_space<hbm>>
      tpu.wait_dma2 semaphore(%run_scoped3A : memref<!tpu.dma_semaphore, #tpu.memory_space<semaphore_mem>>) src(%dma_wait3A_14 : memref<6912xf32, #tpu.memory_space<hbm>>) dst(%arg6 : memref<6912xf32, #tpu.memory_space<vmem>>)
      tpu.yield
    }) : () -> ()
    "tpu.region"() ({
      %run_scoped3A = tpu.sem_alloc : memref<!tpu.dma_semaphore, #tpu.memory_space<semaphore_mem>>
      %dma_start3A = arith.constant 6912 : i32
      %dma_start3A_9 = tpu.memref_slice %arg3[%dma_start3A] : memref<20736xf32, #tpu.memory_space<hbm>> -> memref<6912xf32, #tpu.memory_space<hbm>>
      %dma_start3A_10 = arith.constant 6912 : i32
      %dma_start3A_11 = tpu.memref_slice %arg3[%dma_start3A_10] : memref<20736xf32, #tpu.memory_space<hbm>> -> memref<6912xf32, #tpu.memory_space<hbm>>
      tpu.enqueue_dma source(%dma_start3A_11 : memref<6912xf32, #tpu.memory_space<hbm>>) target(%arg7 : memref<6912xf32, #tpu.memory_space<vmem>>) target_semaphore(%run_scoped3A : memref<!tpu.dma_semaphore, #tpu.memory_space<semaphore_mem>>)
      %dma_wait3A = arith.constant 6912 : i32
      %dma_wait3A_12 = tpu.memref_slice %arg3[%dma_wait3A] : memref<20736xf32, #tpu.memory_space<hbm>> -> memref<6912xf32, #tpu.memory_space<hbm>>
      %dma_wait3A_13 = arith.constant 6912 : i32
      %dma_wait3A_14 = tpu.memref_slice %arg3[%dma_wait3A_13] : memref<20736xf32, #tpu.memory_space<hbm>> -> memref<6912xf32, #tpu.memory_space<hbm>>
      tpu.wait_dma2 semaphore(%run_scoped3A : memref<!tpu.dma_semaphore, #tpu.memory_space<semaphore_mem>>) src(%dma_wait3A_14 : memref<6912xf32, #tpu.memory_space<hbm>>) dst(%arg7 : memref<6912xf32, #tpu.memory_space<vmem>>)
      tpu.yield
    }) : () -> ()
    "tpu.region"() ({
      %run_scoped3A = tpu.sem_alloc : memref<!tpu.dma_semaphore, #tpu.memory_space<semaphore_mem>>
      %dma_start3A = arith.constant 13824 : i32
      %dma_start3A_9 = tpu.memref_slice %arg3[%dma_start3A] : memref<20736xf32, #tpu.memory_space<hbm>> -> memref<6912xf32, #tpu.memory_space<hbm>>
      %dma_start3A_10 = arith.constant 13824 : i32
      %dma_start3A_11 = tpu.memref_slice %arg3[%dma_start3A_10] : memref<20736xf32, #tpu.memory_space<hbm>> -> memref<6912xf32, #tpu.memory_space<hbm>>
      tpu.enqueue_dma source(%dma_start3A_11 : memref<6912xf32, #tpu.memory_space<hbm>>) target(%arg8 : memref<6912xf32, #tpu.memory_space<vmem>>) target_semaphore(%run_scoped3A : memref<!tpu.dma_semaphore, #tpu.memory_space<semaphore_mem>>)
      %dma_wait3A = arith.constant 13824 : i32
      %dma_wait3A_12 = tpu.memref_slice %arg3[%dma_wait3A] : memref<20736xf32, #tpu.memory_space<hbm>> -> memref<6912xf32, #tpu.memory_space<hbm>>
      %dma_wait3A_13 = arith.constant 13824 : i32
      %dma_wait3A_14 = tpu.memref_slice %arg3[%dma_wait3A_13] : memref<20736xf32, #tpu.memory_space<hbm>> -> memref<6912xf32, #tpu.memory_space<hbm>>
      tpu.wait_dma2 semaphore(%run_scoped3A : memref<!tpu.dma_semaphore, #tpu.memory_space<semaphore_mem>>) src(%dma_wait3A_14 : memref<6912xf32, #tpu.memory_space<hbm>>) dst(%arg8 : memref<6912xf32, #tpu.memory_space<vmem>>)
      tpu.yield
    }) : () -> ()
    %mul3A_1 = arith.constant 8192 : i32
    %mul3A_2 = arith.muli %add3A, %mul3A_1 : i32
    %scan3A = arith.constant 0 : i32
    %scan3A_3 = arith.constant 0 : i32
    %scan3A_4 = arith.constant 4 : i32
    %scan3A_5 = arith.addi %scan3A_3, %scan3A_4 : i32
    %scan3A_6 = arith.constant 1 : i32
    %scan3A_7 = scf.for %scan3A_9 = %scan3A_3 to %scan3A_5 step %scan3A_6 iter_args(%scan3A_10 = %scan3A) -> (i32)  : i32 {
      %mul3A_11 = arith.constant 2048 : i32
      %mul3A_12 = arith.muli %scan3A_9, %mul3A_11 : i32
      %add3A_13 = arith.addi %mul3A_2, %mul3A_12 : i32
      %add3A_14 = arith.constant 0 : i32
      %add3A_15 = arith.addi %add3A_14, %add3A_13 : i32
      "tpu.region"() ({
        %run_scoped3A = tpu.sem_alloc : memref<!tpu.dma_semaphore, #tpu.memory_space<semaphore_mem>>
        %dma_start3A = tpu.memref_slice %arg2[%add3A_15] : memref<786432xf32, #tpu.memory_space<hbm>> -> memref<2048xf32, #tpu.memory_space<hbm>>
        %dma_start3A_23 = tpu.memref_slice %arg2[%add3A_15] : memref<786432xf32, #tpu.memory_space<hbm>> -> memref<2048xf32, #tpu.memory_space<hbm>>
        tpu.enqueue_dma source(%dma_start3A_23 : memref<2048xf32, #tpu.memory_space<hbm>>) target(%arg9 : memref<2048xf32, #tpu.memory_space<vmem>>) target_semaphore(%run_scoped3A : memref<!tpu.dma_semaphore, #tpu.memory_space<semaphore_mem>>)
        %dma_wait3A = tpu.memref_slice %arg2[%add3A_15] : memref<786432xf32, #tpu.memory_space<hbm>> -> memref<2048xf32, #tpu.memory_space<hbm>>
        %dma_wait3A_24 = tpu.memref_slice %arg2[%add3A_15] : memref<786432xf32, #tpu.memory_space<hbm>> -> memref<2048xf32, #tpu.memory_space<hbm>>
        tpu.wait_dma2 semaphore(%run_scoped3A : memref<!tpu.dma_semaphore, #tpu.memory_space<semaphore_mem>>) src(%dma_wait3A_24 : memref<2048xf32, #tpu.memory_space<hbm>>) dst(%arg9 : memref<2048xf32, #tpu.memory_space<vmem>>)
        tpu.yield
      }) : () -> ()
      %add3A_16 = arith.constant 262144 : i32
      %add3A_17 = arith.addi %add3A_16, %add3A_13 : i32
      "tpu.region"() ({
        %run_scoped3A = tpu.sem_alloc : memref<!tpu.dma_semaphore, #tpu.memory_space<semaphore_mem>>
        %dma_start3A = tpu.memref_slice %arg2[%add3A_17] : memref<786432xf32, #tpu.memory_space<hbm>> -> memref<2048xf32, #tpu.memory_space<hbm>>
        %dma_start3A_23 = tpu.memref_slice %arg2[%add3A_17] : memref<786432xf32, #tpu.memory_space<hbm>> -> memref<2048xf32, #tpu.memory_space<hbm>>
        tpu.enqueue_dma source(%dma_start3A_23 : memref<2048xf32, #tpu.memory_space<hbm>>) target(%arg10 : memref<2048xf32, #tpu.memory_space<vmem>>) target_semaphore(%run_scoped3A : memref<!tpu.dma_semaphore, #tpu.memory_space<semaphore_mem>>)
        %dma_wait3A = tpu.memref_slice %arg2[%add3A_17] : memref<786432xf32, #tpu.memory_space<hbm>> -> memref<2048xf32, #tpu.memory_space<hbm>>
        %dma_wait3A_24 = tpu.memref_slice %arg2[%add3A_17] : memref<786432xf32, #tpu.memory_space<hbm>> -> memref<2048xf32, #tpu.memory_space<hbm>>
        tpu.wait_dma2 semaphore(%run_scoped3A : memref<!tpu.dma_semaphore, #tpu.memory_space<semaphore_mem>>) src(%dma_wait3A_24 : memref<2048xf32, #tpu.memory_space<hbm>>) dst(%arg10 : memref<2048xf32, #tpu.memory_space<vmem>>)
        tpu.yield
      }) : () -> ()
      %add3A_18 = arith.constant 524288 : i32
      %add3A_19 = arith.addi %add3A_18, %add3A_13 : i32
      "tpu.region"() ({
        %run_scoped3A = tpu.sem_alloc : memref<!tpu.dma_semaphore, #tpu.memory_space<semaphore_mem>>
        %dma_start3A = tpu.memref_slice %arg2[%add3A_19] : memref<786432xf32, #tpu.memory_space<hbm>> -> memref<2048xf32, #tpu.memory_space<hbm>>
        %dma_start3A_23 = tpu.memref_slice %arg2[%add3A_19] : memref<786432xf32, #tpu.memory_space<hbm>> -> memref<2048xf32, #tpu.memory_space<hbm>>
        tpu.enqueue_dma source(%dma_start3A_23 : memref<2048xf32, #tpu.memory_space<hbm>>) target(%arg11 : memref<2048xf32, #tpu.memory_space<vmem>>) target_semaphore(%run_scoped3A : memref<!tpu.dma_semaphore, #tpu.memory_space<semaphore_mem>>)
        %dma_wait3A = tpu.memref_slice %arg2[%add3A_19] : memref<786432xf32, #tpu.memory_space<hbm>> -> memref<2048xf32, #tpu.memory_space<hbm>>
        %dma_wait3A_24 = tpu.memref_slice %arg2[%add3A_19] : memref<786432xf32, #tpu.memory_space<hbm>> -> memref<2048xf32, #tpu.memory_space<hbm>>
        tpu.wait_dma2 semaphore(%run_scoped3A : memref<!tpu.dma_semaphore, #tpu.memory_space<semaphore_mem>>) src(%dma_wait3A_24 : memref<2048xf32, #tpu.memory_space<hbm>>) dst(%arg11 : memref<2048xf32, #tpu.memory_space<vmem>>)
        tpu.yield
      }) : () -> ()
      %parallel_loop3A = arith.constant 0 : i32
      %parallel_loop3A_20 = arith.constant 128 : i32
      %parallel_loop3A_21 = arith.constant 1 : i32
      scf.for %parallel_loop3A_23 = %parallel_loop3A to %parallel_loop3A_20 step %parallel_loop3A_21  : i32 {
        %parallel_loop3A_24 = arith.constant 16 : i32
        %parallel_loop3A_25 = arith.muli %parallel_loop3A_23, %parallel_loop3A_24 : i32
        %parallel_loop3A_26 = arith.index_cast %parallel_loop3A_25 : i32 to index
        %parallel_loop3A_27 = tpu.vector_load %arg9[%parallel_loop3A_26] {strides = array<i32>} : memref<2048xf32, #tpu.memory_space<vmem>>, vector<16xf32>,
        %parallel_loop3A_28 = arith.constant -1.080000e+02 : f32
        %parallel_loop3A_29 = vector.broadcast %parallel_loop3A_28 : f32 to vector<16xf32>
        %parallel_loop3A_30 = arith.subf %parallel_loop3A_27, %parallel_loop3A_29 : vector<16xf32>
        %parallel_loop3A_31 = arith.constant 0.0833333358 : f32
        %parallel_loop3A_32 = vector.broadcast %parallel_loop3A_31 : f32 to vector<16xf32>
        %parallel_loop3A_33 = arith.mulf %parallel_loop3A_30, %parallel_loop3A_32 : vector<16xf32>
        %parallel_loop3A_34 = arith.fptosi %parallel_loop3A_33 : vector<16xf32> to vector<16xi32>
        %parallel_loop3A_35 = arith.sitofp %parallel_loop3A_34 : vector<16xi32> to vector<16xf32>
        %parallel_loop3A_36 = arith.subf %parallel_loop3A_33, %parallel_loop3A_35 : vector<16xf32>
        %parallel_loop3A_37 = arith.mulf %parallel_loop3A_36, %parallel_loop3A_36 : vector<16xf32>
        %parallel_loop3A_38 = arith.mulf %parallel_loop3A_37, %parallel_loop3A_36 : vector<16xf32>
        %parallel_loop3A_39 = arith.constant 1.000000e+00 : f32
        %parallel_loop3A_40 = vector.broadcast %parallel_loop3A_39 : f32 to vector<16xf32>
        %parallel_loop3A_41 = arith.subf %parallel_loop3A_40, %parallel_loop3A_36 : vector<16xf32>
        %parallel_loop3A_42 = arith.mulf %parallel_loop3A_41, %parallel_loop3A_41 : vector<16xf32>
        %parallel_loop3A_43 = arith.mulf %parallel_loop3A_42, %parallel_loop3A_41 : vector<16xf32>
        %parallel_loop3A_44 = arith.constant 0.166666672 : f32
        %parallel_loop3A_45 = vector.broadcast %parallel_loop3A_44 : f32 to vector<16xf32>
        %parallel_loop3A_46 = arith.mulf %parallel_loop3A_43, %parallel_loop3A_45 : vector<16xf32>
        %parallel_loop3A_47 = arith.constant 3.000000e+00 : f32
        %parallel_loop3A_48 = vector.broadcast %parallel_loop3A_47 : f32 to vector<16xf32>
        %parallel_loop3A_49 = arith.mulf %parallel_loop3A_48, %parallel_loop3A_36 : vector<16xf32>
        %parallel_loop3A_50 = arith.constant 6.000000e+00 : f32
        %parallel_loop3A_51 = vector.broadcast %parallel_loop3A_50 : f32 to vector<16xf32>
        %parallel_loop3A_52 = arith.subf %parallel_loop3A_49, %parallel_loop3A_51 : vector<16xf32>
        %parallel_loop3A_53 = arith.mulf %parallel_loop3A_52, %parallel_loop3A_37 : vector<16xf32>
        %parallel_loop3A_54 = arith.constant 4.000000e+00 : f32
        %parallel_loop3A_55 = vector.broadcast %parallel_loop3A_54 : f32 to vector<16xf32>
        %parallel_loop3A_56 = arith.addf %parallel_loop3A_53, %parallel_loop3A_55 : vector<16xf32>
        %parallel_loop3A_57 = arith.constant 0.166666672 : f32
        %parallel_loop3A_58 = vector.broadcast %parallel_loop3A_57 : f32 to vector<16xf32>
        %parallel_loop3A_59 = arith.mulf %parallel_loop3A_56, %parallel_loop3A_58 : vector<16xf32>
        %parallel_loop3A_60 = arith.constant 0.166666672 : f32
        %parallel_loop3A_61 = vector.broadcast %parallel_loop3A_60 : f32 to vector<16xf32>
        %parallel_loop3A_62 = arith.mulf %parallel_loop3A_38, %parallel_loop3A_61 : vector<16xf32>
        %parallel_loop3A_63 = arith.constant 1.000000e+00 : f32
        %parallel_loop3A_64 = vector.broadcast %parallel_loop3A_63 : f32 to vector<16xf32>
        %parallel_loop3A_65 = arith.subf %parallel_loop3A_64, %parallel_loop3A_46 : vector<16xf32>
        %parallel_loop3A_66 = arith.subf %parallel_loop3A_65, %parallel_loop3A_59 : vector<16xf32>
        %parallel_loop3A_67 = arith.subf %parallel_loop3A_66, %parallel_loop3A_62 : vector<16xf32>
        %parallel_loop3A_68 = arith.constant -0.0416666679 : f32
        %parallel_loop3A_69 = vector.broadcast %parallel_loop3A_68 : f32 to vector<16xf32>
        %parallel_loop3A_70 = arith.mulf %parallel_loop3A_42, %parallel_loop3A_69 : vector<16xf32>
        %parallel_loop3A_71 = arith.constant 1.500000e+00 : f32
        %parallel_loop3A_72 = vector.broadcast %parallel_loop3A_71 : f32 to vector<16xf32>
        %parallel_loop3A_73 = arith.mulf %parallel_loop3A_72, %parallel_loop3A_36 : vector<16xf32>
        %parallel_loop3A_74 = arith.constant 2.000000e+00 : f32
        %parallel_loop3A_75 = vector.broadcast %parallel_loop3A_74 : f32 to vector<16xf32>
        %parallel_loop3A_76 = arith.subf %parallel_loop3A_73, %parallel_loop3A_75 : vector<16xf32>
        %parallel_loop3A_77 = arith.mulf %parallel_loop3A_76, %parallel_loop3A_36 : vector<16xf32>
        %parallel_loop3A_78 = arith.constant 0.0833333358 : f32
        %parallel_loop3A_79 = vector.broadcast %parallel_loop3A_78 : f32 to vector<16xf32>
        %parallel_loop3A_80 = arith.mulf %parallel_loop3A_77, %parallel_loop3A_79 : vector<16xf32>
        %parallel_loop3A_81 = arith.constant 0.0416666679 : f32
        %parallel_loop3A_82 = vector.broadcast %parallel_loop3A_81 : f32 to vector<16xf32>
        %parallel_loop3A_83 = arith.mulf %parallel_loop3A_37, %parallel_loop3A_82 : vector<16xf32>
        %parallel_loop3A_84 = arith.addf %parallel_loop3A_70, %parallel_loop3A_80 : vector<16xf32>
        %parallel_loop3A_85 = arith.addf %parallel_loop3A_84, %parallel_loop3A_83 : vector<16xf32>
        %parallel_loop3A_86 = arith.constant 0.000000e+00 : f32
        %parallel_loop3A_87 = vector.broadcast %parallel_loop3A_86 : f32 to vector<16xf32>
        %parallel_loop3A_88 = arith.subf %parallel_loop3A_87, %parallel_loop3A_85 : vector<16xf32>
        %parallel_loop3A_89 = arith.constant 1 : i32
        %parallel_loop3A_90 = vector.broadcast %parallel_loop3A_89 : i32 to vector<16xi32>
        %parallel_loop3A_91 = arith.subi %parallel_loop3A_34, %parallel_loop3A_90 : vector<16xi32>
        %parallel_loop3A_92 = arith.constant 0 : i32
        %parallel_loop3A_93 = vector.broadcast %parallel_loop3A_92 : i32 to vector<16xi32>
        %parallel_loop3A_94 = arith.addi %parallel_loop3A_91, %parallel_loop3A_93 : vector<16xi32>
        %parallel_loop3A_95 = arith.constant 361 : i32
        %parallel_loop3A_96 = vector.broadcast %parallel_loop3A_95 : i32 to vector<16xi32>
        %parallel_loop3A_97 = arith.muli %parallel_loop3A_94, %parallel_loop3A_96 : vector<16xi32>
        %parallel_loop3A_98 = arith.constant 1 : i32
        %parallel_loop3A_99 = vector.broadcast %parallel_loop3A_98 : i32 to vector<16xi32>
        %parallel_loop3A_100 = arith.addi %parallel_loop3A_91, %parallel_loop3A_99 : vector<16xi32>
        %parallel_loop3A_101 = arith.constant 361 : i32
        %parallel_loop3A_102 = vector.broadcast %parallel_loop3A_101 : i32 to vector<16xi32>
        %parallel_loop3A_103 = arith.muli %parallel_loop3A_100, %parallel_loop3A_102 : vector<16xi32>
        %parallel_loop3A_104 = arith.constant 2 : i32
        %parallel_loop3A_105 = vector.broadcast %parallel_loop3A_104 : i32 to vector<16xi32>
        %parallel_loop3A_106 = arith.addi %parallel_loop3A_91, %parallel_loop3A_105 : vector<16xi32>
        %parallel_loop3A_107 = arith.constant 361 : i32
        %parallel_loop3A_108 = vector.broadcast %parallel_loop3A_107 : i32 to vector<16xi32>
        %parallel_loop3A_109 = arith.muli %parallel_loop3A_106, %parallel_loop3A_108 : vector<16xi32>
        %parallel_loop3A_110 = arith.constant 3 : i32
        %parallel_loop3A_111 = vector.broadcast %parallel_loop3A_110 : i32 to vector<16xi32>
        %parallel_loop3A_112 = arith.addi %parallel_loop3A_91, %parallel_loop3A_111 : vector<16xi32>
        %parallel_loop3A_113 = arith.constant 361 : i32
        %parallel_loop3A_114 = vector.broadcast %parallel_loop3A_113 : i32 to vector<16xi32>
        %parallel_loop3A_115 = arith.muli %parallel_loop3A_112, %parallel_loop3A_114 : vector<16xi32>
        %parallel_loop3A_116 = arith.index_cast %parallel_loop3A_25 : i32 to index
        %parallel_loop3A_117 = tpu.vector_load %arg10[%parallel_loop3A_116] {strides = array<i32>} : memref<2048xf32, #tpu.memory_space<vmem>>, vector<16xf32>,
        %parallel_loop3A_118 = arith.constant -1.080000e+02 : f32
        %parallel_loop3A_119 = vector.broadcast %parallel_loop3A_118 : f32 to vector<16xf32>
        %parallel_loop3A_120 = arith.subf %parallel_loop3A_117, %parallel_loop3A_119 : vector<16xf32>
        %parallel_loop3A_121 = arith.constant 0.0833333358 : f32
        %parallel_loop3A_122 = vector.broadcast %parallel_loop3A_121 : f32 to vector<16xf32>
        %parallel_loop3A_123 = arith.mulf %parallel_loop3A_120, %parallel_loop3A_122 : vector<16xf32>
        %parallel_loop3A_124 = arith.fptosi %parallel_loop3A_123 : vector<16xf32> to vector<16xi32>
        %parallel_loop3A_125 = arith.sitofp %parallel_loop3A_124 : vector<16xi32> to vector<16xf32>
        %parallel_loop3A_126 = arith.subf %parallel_loop3A_123, %parallel_loop3A_125 : vector<16xf32>
        %parallel_loop3A_127 = arith.mulf %parallel_loop3A_126, %parallel_loop3A_126 : vector<16xf32>
        %parallel_loop3A_128 = arith.mulf %parallel_loop3A_127, %parallel_loop3A_126 : vector<16xf32>
        %parallel_loop3A_129 = arith.constant 1.000000e+00 : f32
        %parallel_loop3A_130 = vector.broadcast %parallel_loop3A_129 : f32 to vector<16xf32>
        %parallel_loop3A_131 = arith.subf %parallel_loop3A_130, %parallel_loop3A_126 : vector<16xf32>
        %parallel_loop3A_132 = arith.mulf %parallel_loop3A_131, %parallel_loop3A_131 : vector<16xf32>
        %parallel_loop3A_133 = arith.mulf %parallel_loop3A_132, %parallel_loop3A_131 : vector<16xf32>
        %parallel_loop3A_134 = arith.constant 0.166666672 : f32
        %parallel_loop3A_135 = vector.broadcast %parallel_loop3A_134 : f32 to vector<16xf32>
        %parallel_loop3A_136 = arith.mulf %parallel_loop3A_133, %parallel_loop3A_135 : vector<16xf32>
        %parallel_loop3A_137 = arith.constant 3.000000e+00 : f32
        %parallel_loop3A_138 = vector.broadcast %parallel_loop3A_137 : f32 to vector<16xf32>
        %parallel_loop3A_139 = arith.mulf %parallel_loop3A_138, %parallel_loop3A_126 : vector<16xf32>
        %parallel_loop3A_140 = arith.constant 6.000000e+00 : f32
        %parallel_loop3A_141 = vector.broadcast %parallel_loop3A_140 : f32 to vector<16xf32>
        %parallel_loop3A_142 = arith.subf %parallel_loop3A_139, %parallel_loop3A_141 : vector<16xf32>
        %parallel_loop3A_143 = arith.mulf %parallel_loop3A_142, %parallel_loop3A_127 : vector<16xf32>
        %parallel_loop3A_144 = arith.constant 4.000000e+00 : f32
        %parallel_loop3A_145 = vector.broadcast %parallel_loop3A_144 : f32 to vector<16xf32>
        %parallel_loop3A_146 = arith.addf %parallel_loop3A_143, %parallel_loop3A_145 : vector<16xf32>
        %parallel_loop3A_147 = arith.constant 0.166666672 : f32
        %parallel_loop3A_148 = vector.broadcast %parallel_loop3A_147 : f32 to vector<16xf32>
        %parallel_loop3A_149 = arith.mulf %parallel_loop3A_146, %parallel_loop3A_148 : vector<16xf32>
        %parallel_loop3A_150 = arith.constant 0.166666672 : f32
        %parallel_loop3A_151 = vector.broadcast %parallel_loop3A_150 : f32 to vector<16xf32>
        %parallel_loop3A_152 = arith.mulf %parallel_loop3A_128, %parallel_loop3A_151 : vector<16xf32>
        %parallel_loop3A_153 = arith.constant 1.000000e+00 : f32
        %parallel_loop3A_154 = vector.broadcast %parallel_loop3A_153 : f32 to vector<16xf32>
        %parallel_loop3A_155 = arith.subf %parallel_loop3A_154, %parallel_loop3A_136 : vector<16xf32>
        %parallel_loop3A_156 = arith.subf %parallel_loop3A_155, %parallel_loop3A_149 : vector<16xf32>
        %parallel_loop3A_157 = arith.subf %parallel_loop3A_156, %parallel_loop3A_152 : vector<16xf32>
        %parallel_loop3A_158 = arith.constant -0.0416666679 : f32
        %parallel_loop3A_159 = vector.broadcast %parallel_loop3A_158 : f32 to vector<16xf32>
        %parallel_loop3A_160 = arith.mulf %parallel_loop3A_132, %parallel_loop3A_159 : vector<16xf32>
        %parallel_loop3A_161 = arith.constant 1.500000e+00 : f32
        %parallel_loop3A_162 = vector.broadcast %parallel_loop3A_161 : f32 to vector<16xf32>
        %parallel_loop3A_163 = arith.mulf %parallel_loop3A_162, %parallel_loop3A_126 : vector<16xf32>
        %parallel_loop3A_164 = arith.constant 2.000000e+00 : f32
        %parallel_loop3A_165 = vector.broadcast %parallel_loop3A_164 : f32 to vector<16xf32>
        %parallel_loop3A_166 = arith.subf %parallel_loop3A_163, %parallel_loop3A_165 : vector<16xf32>
        %parallel_loop3A_167 = arith.mulf %parallel_loop3A_166, %parallel_loop3A_126 : vector<16xf32>
        %parallel_loop3A_168 = arith.constant 0.0833333358 : f32
        %parallel_loop3A_169 = vector.broadcast %parallel_loop3A_168 : f32 to vector<16xf32>
        %parallel_loop3A_170 = arith.mulf %parallel_loop3A_167, %parallel_loop3A_169 : vector<16xf32>
        %parallel_loop3A_171 = arith.constant 0.0416666679 : f32
        %parallel_loop3A_172 = vector.broadcast %parallel_loop3A_171 : f32 to vector<16xf32>
        %parallel_loop3A_173 = arith.mulf %parallel_loop3A_127, %parallel_loop3A_172 : vector<16xf32>
        %parallel_loop3A_174 = arith.addf %parallel_loop3A_160, %parallel_loop3A_170 : vector<16xf32>
        %parallel_loop3A_175 = arith.addf %parallel_loop3A_174, %parallel_loop3A_173 : vector<16xf32>
        %parallel_loop3A_176 = arith.constant 0.000000e+00 : f32
        %parallel_loop3A_177 = vector.broadcast %parallel_loop3A_176 : f32 to vector<16xf32>
        %parallel_loop3A_178 = arith.subf %parallel_loop3A_177, %parallel_loop3A_175 : vector<16xf32>
        %parallel_loop3A_179 = arith.constant 1 : i32
        %parallel_loop3A_180 = vector.broadcast %parallel_loop3A_179 : i32 to vector<16xi32>
        %parallel_loop3A_181 = arith.subi %parallel_loop3A_124, %parallel_loop3A_180 : vector<16xi32>
        %parallel_loop3A_182 = arith.constant 0 : i32
        %parallel_loop3A_183 = vector.broadcast %parallel_loop3A_182 : i32 to vector<16xi32>
        %parallel_loop3A_184 = arith.addi %parallel_loop3A_181, %parallel_loop3A_183 : vector<16xi32>
        %parallel_loop3A_185 = arith.constant 19 : i32
        %parallel_loop3A_186 = vector.broadcast %parallel_loop3A_185 : i32 to vector<16xi32>
        %parallel_loop3A_187 = arith.muli %parallel_loop3A_184, %parallel_loop3A_186 : vector<16xi32>
        %parallel_loop3A_188 = arith.constant 1 : i32
        %parallel_loop3A_189 = vector.broadcast %parallel_loop3A_188 : i32 to vector<16xi32>
        %parallel_loop3A_190 = arith.addi %parallel_loop3A_181, %parallel_loop3A_189 : vector<16xi32>
        %parallel_loop3A_191 = arith.constant 19 : i32
        %parallel_loop3A_192 = vector.broadcast %parallel_loop3A_191 : i32 to vector<16xi32>
        %parallel_loop3A_193 = arith.muli %parallel_loop3A_190, %parallel_loop3A_192 : vector<16xi32>
        %parallel_loop3A_194 = arith.constant 2 : i32
        %parallel_loop3A_195 = vector.broadcast %parallel_loop3A_194 : i32 to vector<16xi32>
        %parallel_loop3A_196 = arith.addi %parallel_loop3A_181, %parallel_loop3A_195 : vector<16xi32>
        %parallel_loop3A_197 = arith.constant 19 : i32
        %parallel_loop3A_198 = vector.broadcast %parallel_loop3A_197 : i32 to vector<16xi32>
        %parallel_loop3A_199 = arith.muli %parallel_loop3A_196, %parallel_loop3A_198 : vector<16xi32>
        %parallel_loop3A_200 = arith.constant 3 : i32
        %parallel_loop3A_201 = vector.broadcast %parallel_loop3A_200 : i32 to vector<16xi32>
        %parallel_loop3A_202 = arith.addi %parallel_loop3A_181, %parallel_loop3A_201 : vector<16xi32>
        %parallel_loop3A_203 = arith.constant 19 : i32
        %parallel_loop3A_204 = vector.broadcast %parallel_loop3A_203 : i32 to vector<16xi32>
        %parallel_loop3A_205 = arith.muli %parallel_loop3A_202, %parallel_loop3A_204 : vector<16xi32>
        %parallel_loop3A_206 = arith.index_cast %parallel_loop3A_25 : i32 to index
        %parallel_loop3A_207 = tpu.vector_load %arg11[%parallel_loop3A_206] {strides = array<i32>} : memref<2048xf32, #tpu.memory_space<vmem>>, vector<16xf32>,
        %parallel_loop3A_208 = arith.constant -1.080000e+02 : f32
        %parallel_loop3A_209 = vector.broadcast %parallel_loop3A_208 : f32 to vector<16xf32>
        %parallel_loop3A_210 = arith.subf %parallel_loop3A_207, %parallel_loop3A_209 : vector<16xf32>
        %parallel_loop3A_211 = arith.constant 0.0833333358 : f32
        %parallel_loop3A_212 = vector.broadcast %parallel_loop3A_211 : f32 to vector<16xf32>
        %parallel_loop3A_213 = arith.mulf %parallel_loop3A_210, %parallel_loop3A_212 : vector<16xf32>
        %parallel_loop3A_214 = arith.fptosi %parallel_loop3A_213 : vector<16xf32> to vector<16xi32>
        %parallel_loop3A_215 = arith.sitofp %parallel_loop3A_214 : vector<16xi32> to vector<16xf32>
        %parallel_loop3A_216 = arith.subf %parallel_loop3A_213, %parallel_loop3A_215 : vector<16xf32>
        %parallel_loop3A_217 = arith.mulf %parallel_loop3A_216, %parallel_loop3A_216 : vector<16xf32>
        %parallel_loop3A_218 = arith.mulf %parallel_loop3A_217, %parallel_loop3A_216 : vector<16xf32>
        %parallel_loop3A_219 = arith.constant 1.000000e+00 : f32
        %parallel_loop3A_220 = vector.broadcast %parallel_loop3A_219 : f32 to vector<16xf32>
        %parallel_loop3A_221 = arith.subf %parallel_loop3A_220, %parallel_loop3A_216 : vector<16xf32>
        %parallel_loop3A_222 = arith.mulf %parallel_loop3A_221, %parallel_loop3A_221 : vector<16xf32>
        %parallel_loop3A_223 = arith.mulf %parallel_loop3A_222, %parallel_loop3A_221 : vector<16xf32>
        %parallel_loop3A_224 = arith.constant 0.166666672 : f32
        %parallel_loop3A_225 = vector.broadcast %parallel_loop3A_224 : f32 to vector<16xf32>
        %parallel_loop3A_226 = arith.mulf %parallel_loop3A_223, %parallel_loop3A_225 : vector<16xf32>
        %parallel_loop3A_227 = arith.constant 3.000000e+00 : f32
        %parallel_loop3A_228 = vector.broadcast %parallel_loop3A_227 : f32 to vector<16xf32>
        %parallel_loop3A_229 = arith.mulf %parallel_loop3A_228, %parallel_loop3A_216 : vector<16xf32>
        %parallel_loop3A_230 = arith.constant 6.000000e+00 : f32
        %parallel_loop3A_231 = vector.broadcast %parallel_loop3A_230 : f32 to vector<16xf32>
        %parallel_loop3A_232 = arith.subf %parallel_loop3A_229, %parallel_loop3A_231 : vector<16xf32>
        %parallel_loop3A_233 = arith.mulf %parallel_loop3A_232, %parallel_loop3A_217 : vector<16xf32>
        %parallel_loop3A_234 = arith.constant 4.000000e+00 : f32
        %parallel_loop3A_235 = vector.broadcast %parallel_loop3A_234 : f32 to vector<16xf32>
        %parallel_loop3A_236 = arith.addf %parallel_loop3A_233, %parallel_loop3A_235 : vector<16xf32>
        %parallel_loop3A_237 = arith.constant 0.166666672 : f32
        %parallel_loop3A_238 = vector.broadcast %parallel_loop3A_237 : f32 to vector<16xf32>
        %parallel_loop3A_239 = arith.mulf %parallel_loop3A_236, %parallel_loop3A_238 : vector<16xf32>
        %parallel_loop3A_240 = arith.constant 0.166666672 : f32
        %parallel_loop3A_241 = vector.broadcast %parallel_loop3A_240 : f32 to vector<16xf32>
        %parallel_loop3A_242 = arith.mulf %parallel_loop3A_218, %parallel_loop3A_241 : vector<16xf32>
        %parallel_loop3A_243 = arith.constant 1.000000e+00 : f32
        %parallel_loop3A_244 = vector.broadcast %parallel_loop3A_243 : f32 to vector<16xf32>
        %parallel_loop3A_245 = arith.subf %parallel_loop3A_244, %parallel_loop3A_226 : vector<16xf32>
        %parallel_loop3A_246 = arith.subf %parallel_loop3A_245, %parallel_loop3A_239 : vector<16xf32>
        %parallel_loop3A_247 = arith.subf %parallel_loop3A_246, %parallel_loop3A_242 : vector<16xf32>
        %parallel_loop3A_248 = arith.constant -0.0416666679 : f32
        %parallel_loop3A_249 = vector.broadcast %parallel_loop3A_248 : f32 to vector<16xf32>
        %parallel_loop3A_250 = arith.mulf %parallel_loop3A_222, %parallel_loop3A_249 : vector<16xf32>
        %parallel_loop3A_251 = arith.constant 1.500000e+00 : f32
        %parallel_loop3A_252 = vector.broadcast %parallel_loop3A_251 : f32 to vector<16xf32>
        %parallel_loop3A_253 = arith.mulf %parallel_loop3A_252, %parallel_loop3A_216 : vector<16xf32>
        %parallel_loop3A_254 = arith.constant 2.000000e+00 : f32
        %parallel_loop3A_255 = vector.broadcast %parallel_loop3A_254 : f32 to vector<16xf32>
        %parallel_loop3A_256 = arith.subf %parallel_loop3A_253, %parallel_loop3A_255 : vector<16xf32>
        %parallel_loop3A_257 = arith.mulf %parallel_loop3A_256, %parallel_loop3A_216 : vector<16xf32>
        %parallel_loop3A_258 = arith.constant 0.0833333358 : f32
        %parallel_loop3A_259 = vector.broadcast %parallel_loop3A_258 : f32 to vector<16xf32>
        %parallel_loop3A_260 = arith.mulf %parallel_loop3A_257, %parallel_loop3A_259 : vector<16xf32>
        %parallel_loop3A_261 = arith.constant 0.0416666679 : f32
        %parallel_loop3A_262 = vector.broadcast %parallel_loop3A_261 : f32 to vector<16xf32>
        %parallel_loop3A_263 = arith.mulf %parallel_loop3A_217, %parallel_loop3A_262 : vector<16xf32>
        %parallel_loop3A_264 = arith.addf %parallel_loop3A_250, %parallel_loop3A_260 : vector<16xf32>
        %parallel_loop3A_265 = arith.addf %parallel_loop3A_264, %parallel_loop3A_263 : vector<16xf32>
        %parallel_loop3A_266 = arith.constant 0.000000e+00 : f32
        %parallel_loop3A_267 = vector.broadcast %parallel_loop3A_266 : f32 to vector<16xf32>
        %parallel_loop3A_268 = arith.subf %parallel_loop3A_267, %parallel_loop3A_265 : vector<16xf32>
        %parallel_loop3A_269 = arith.constant 1 : i32
        %parallel_loop3A_270 = vector.broadcast %parallel_loop3A_269 : i32 to vector<16xi32>
        %parallel_loop3A_271 = arith.subi %parallel_loop3A_214, %parallel_loop3A_270 : vector<16xi32>
        %parallel_loop3A_272 = arith.constant 0 : i32
        %parallel_loop3A_273 = vector.broadcast %parallel_loop3A_272 : i32 to vector<16xi32>
        %parallel_loop3A_274 = arith.addi %parallel_loop3A_271, %parallel_loop3A_273 : vector<16xi32>
        %parallel_loop3A_275 = arith.constant 1 : i32
        %parallel_loop3A_276 = vector.broadcast %parallel_loop3A_275 : i32 to vector<16xi32>
        %parallel_loop3A_277 = arith.addi %parallel_loop3A_271, %parallel_loop3A_276 : vector<16xi32>
        %parallel_loop3A_278 = arith.constant 2 : i32
        %parallel_loop3A_279 = vector.broadcast %parallel_loop3A_278 : i32 to vector<16xi32>
        %parallel_loop3A_280 = arith.addi %parallel_loop3A_271, %parallel_loop3A_279 : vector<16xi32>
        %parallel_loop3A_281 = arith.constant 3 : i32
        %parallel_loop3A_282 = vector.broadcast %parallel_loop3A_281 : i32 to vector<16xi32>
        %parallel_loop3A_283 = arith.addi %parallel_loop3A_271, %parallel_loop3A_282 : vector<16xi32>
        %parallel_loop3A_284 = arith.constant 1.000000e+00 : f32
        %parallel_loop3A_285 = vector.broadcast %parallel_loop3A_284 : f32 to vector<16xf32>
        %parallel_loop3A_286 = arith.addi %parallel_loop3A_97, %parallel_loop3A_187 : vector<16xi32>
        %parallel_loop3A_287 = arith.addi %parallel_loop3A_286, %parallel_loop3A_274 : vector<16xi32>
        %parallel_loop3A_288 = tpu.vector_load_idx %arg6[%parallel_loop3A_287] : memref<6912xf32, #tpu.memory_space<vmem>>[vector<16xi32>], vector<16xf32>,
        %parallel_loop3A_289 = arith.mulf %parallel_loop3A_288, %parallel_loop3A_226 : vector<16xf32>
        %parallel_loop3A_290 = arith.mulf %parallel_loop3A_288, %parallel_loop3A_250 : vector<16xf32>
        %parallel_loop3A_291 = tpu.vector_load_idx %arg7[%parallel_loop3A_287] : memref<6912xf32, #tpu.memory_space<vmem>>[vector<16xi32>], vector<16xf32>,
        %parallel_loop3A_292 = arith.mulf %parallel_loop3A_291, %parallel_loop3A_226 : vector<16xf32>
        %parallel_loop3A_293 = arith.mulf %parallel_loop3A_291, %parallel_loop3A_250 : vector<16xf32>
        %parallel_loop3A_294 = tpu.vector_load_idx %arg8[%parallel_loop3A_287] : memref<6912xf32, #tpu.memory_space<vmem>>[vector<16xi32>], vector<16xf32>,
        %parallel_loop3A_295 = arith.mulf %parallel_loop3A_294, %parallel_loop3A_226 : vector<16xf32>
        %parallel_loop3A_296 = arith.mulf %parallel_loop3A_294, %parallel_loop3A_250 : vector<16xf32>
        %parallel_loop3A_297 = arith.addi %parallel_loop3A_286, %parallel_loop3A_277 : vector<16xi32>
        %parallel_loop3A_298 = tpu.vector_load_idx %arg6[%parallel_loop3A_297] : memref<6912xf32, #tpu.memory_space<vmem>>[vector<16xi32>], vector<16xf32>,
        %parallel_loop3A_299 = arith.mulf %parallel_loop3A_298, %parallel_loop3A_239 : vector<16xf32>
        %parallel_loop3A_300 = arith.addf %parallel_loop3A_289, %parallel_loop3A_299 : vector<16xf32>
        %parallel_loop3A_301 = arith.mulf %parallel_loop3A_298, %parallel_loop3A_260 : vector<16xf32>
        %parallel_loop3A_302 = arith.addf %parallel_loop3A_290, %parallel_loop3A_301 : vector<16xf32>
        %parallel_loop3A_303 = tpu.vector_load_idx %arg7[%parallel_loop3A_297] : memref<6912xf32, #tpu.memory_space<vmem>>[vector<16xi32>], vector<16xf32>,
        %parallel_loop3A_304 = arith.mulf %parallel_loop3A_303, %parallel_loop3A_239 : vector<16xf32>
        %parallel_loop3A_305 = arith.addf %parallel_loop3A_292, %parallel_loop3A_304 : vector<16xf32>
        %parallel_loop3A_306 = arith.mulf %parallel_loop3A_303, %parallel_loop3A_260 : vector<16xf32>
        %parallel_loop3A_307 = arith.addf %parallel_loop3A_293, %parallel_loop3A_306 : vector<16xf32>
        %parallel_loop3A_308 = tpu.vector_load_idx %arg8[%parallel_loop3A_297] : memref<6912xf32, #tpu.memory_space<vmem>>[vector<16xi32>], vector<16xf32>,
        %parallel_loop3A_309 = arith.mulf %parallel_loop3A_308, %parallel_loop3A_239 : vector<16xf32>
        %parallel_loop3A_310 = arith.addf %parallel_loop3A_295, %parallel_loop3A_309 : vector<16xf32>
        %parallel_loop3A_311 = arith.mulf %parallel_loop3A_308, %parallel_loop3A_260 : vector<16xf32>
        %parallel_loop3A_312 = arith.addf %parallel_loop3A_296, %parallel_loop3A_311 : vector<16xf32>
        %parallel_loop3A_313 = arith.addi %parallel_loop3A_286, %parallel_loop3A_280 : vector<16xi32>
        %parallel_loop3A_314 = tpu.vector_load_idx %arg6[%parallel_loop3A_313] : memref<6912xf32, #tpu.memory_space<vmem>>[vector<16xi32>], vector<16xf32>,
        %parallel_loop3A_315 = arith.mulf %parallel_loop3A_314, %parallel_loop3A_247 : vector<16xf32>
        %parallel_loop3A_316 = arith.addf %parallel_loop3A_300, %parallel_loop3A_315 : vector<16xf32>
        %parallel_loop3A_317 = arith.mulf %parallel_loop3A_314, %parallel_loop3A_268 : vector<16xf32>
        %parallel_loop3A_318 = arith.addf %parallel_loop3A_302, %parallel_loop3A_317 : vector<16xf32>
        %parallel_loop3A_319 = tpu.vector_load_idx %arg7[%parallel_loop3A_313] : memref<6912xf32, #tpu.memory_space<vmem>>[vector<16xi32>], vector<16xf32>,
        %parallel_loop3A_320 = arith.mulf %parallel_loop3A_319, %parallel_loop3A_247 : vector<16xf32>
        %parallel_loop3A_321 = arith.addf %parallel_loop3A_305, %parallel_loop3A_320 : vector<16xf32>
        %parallel_loop3A_322 = arith.mulf %parallel_loop3A_319, %parallel_loop3A_268 : vector<16xf32>
        %parallel_loop3A_323 = arith.addf %parallel_loop3A_307, %parallel_loop3A_322 : vector<16xf32>
        %parallel_loop3A_324 = tpu.vector_load_idx %arg8[%parallel_loop3A_313] : memref<6912xf32, #tpu.memory_space<vmem>>[vector<16xi32>], vector<16xf32>,
        %parallel_loop3A_325 = arith.mulf %parallel_loop3A_324, %parallel_loop3A_247 : vector<16xf32>
        %parallel_loop3A_326 = arith.addf %parallel_loop3A_310, %parallel_loop3A_325 : vector<16xf32>
        %parallel_loop3A_327 = arith.mulf %parallel_loop3A_324, %parallel_loop3A_268 : vector<16xf32>
        %parallel_loop3A_328 = arith.addf %parallel_loop3A_312, %parallel_loop3A_327 : vector<16xf32>
        %parallel_loop3A_329 = arith.addi %parallel_loop3A_286, %parallel_loop3A_283 : vector<16xi32>
        %parallel_loop3A_330 = tpu.vector_load_idx %arg6[%parallel_loop3A_329] : memref<6912xf32, #tpu.memory_space<vmem>>[vector<16xi32>], vector<16xf32>,
        %parallel_loop3A_331 = arith.mulf %parallel_loop3A_330, %parallel_loop3A_242 : vector<16xf32>
        %parallel_loop3A_332 = arith.addf %parallel_loop3A_316, %parallel_loop3A_331 : vector<16xf32>
        %parallel_loop3A_333 = arith.mulf %parallel_loop3A_330, %parallel_loop3A_263 : vector<16xf32>
        %parallel_loop3A_334 = arith.addf %parallel_loop3A_318, %parallel_loop3A_333 : vector<16xf32>
        %parallel_loop3A_335 = tpu.vector_load_idx %arg7[%parallel_loop3A_329] : memref<6912xf32, #tpu.memory_space<vmem>>[vector<16xi32>], vector<16xf32>,
        %parallel_loop3A_336 = arith.mulf %parallel_loop3A_335, %parallel_loop3A_242 : vector<16xf32>
        %parallel_loop3A_337 = arith.addf %parallel_loop3A_321, %parallel_loop3A_336 : vector<16xf32>
        %parallel_loop3A_338 = arith.mulf %parallel_loop3A_335, %parallel_loop3A_263 : vector<16xf32>
        %parallel_loop3A_339 = arith.addf %parallel_loop3A_323, %parallel_loop3A_338 : vector<16xf32>
        %parallel_loop3A_340 = tpu.vector_load_idx %arg8[%parallel_loop3A_329] : memref<6912xf32, #tpu.memory_space<vmem>>[vector<16xi32>], vector<16xf32>,
        %parallel_loop3A_341 = arith.mulf %parallel_loop3A_340, %parallel_loop3A_242 : vector<16xf32>
        %parallel_loop3A_342 = arith.addf %parallel_loop3A_326, %parallel_loop3A_341 : vector<16xf32>
        %parallel_loop3A_343 = arith.mulf %parallel_loop3A_340, %parallel_loop3A_263 : vector<16xf32>
        %parallel_loop3A_344 = arith.addf %parallel_loop3A_328, %parallel_loop3A_343 : vector<16xf32>
        %parallel_loop3A_345 = arith.mulf %parallel_loop3A_136, %parallel_loop3A_332 : vector<16xf32>
        %parallel_loop3A_346 = arith.mulf %parallel_loop3A_160, %parallel_loop3A_332 : vector<16xf32>
        %parallel_loop3A_347 = arith.mulf %parallel_loop3A_136, %parallel_loop3A_334 : vector<16xf32>
        %parallel_loop3A_348 = arith.mulf %parallel_loop3A_136, %parallel_loop3A_337 : vector<16xf32>
        %parallel_loop3A_349 = arith.mulf %parallel_loop3A_160, %parallel_loop3A_337 : vector<16xf32>
        %parallel_loop3A_350 = arith.mulf %parallel_loop3A_136, %parallel_loop3A_339 : vector<16xf32>
        %parallel_loop3A_351 = arith.mulf %parallel_loop3A_136, %parallel_loop3A_342 : vector<16xf32>
        %parallel_loop3A_352 = arith.mulf %parallel_loop3A_160, %parallel_loop3A_342 : vector<16xf32>
        %parallel_loop3A_353 = arith.mulf %parallel_loop3A_136, %parallel_loop3A_344 : vector<16xf32>
        %parallel_loop3A_354 = arith.addi %parallel_loop3A_97, %parallel_loop3A_193 : vector<16xi32>
        %parallel_loop3A_355 = arith.addi %parallel_loop3A_354, %parallel_loop3A_274 : vector<16xi32>
        %parallel_loop3A_356 = tpu.vector_load_idx %arg6[%parallel_loop3A_355] : memref<6912xf32, #tpu.memory_space<vmem>>[vector<16xi32>], vector<16xf32>,
        %parallel_loop3A_357 = arith.mulf %parallel_loop3A_356, %parallel_loop3A_226 : vector<16xf32>
        %parallel_loop3A_358 = arith.mulf %parallel_loop3A_356, %parallel_loop3A_250 : vector<16xf32>
        %parallel_loop3A_359 = tpu.vector_load_idx %arg7[%parallel_loop3A_355] : memref<6912xf32, #tpu.memory_space<vmem>>[vector<16xi32>], vector<16xf32>,
        %parallel_loop3A_360 = arith.mulf %parallel_loop3A_359, %parallel_loop3A_226 : vector<16xf32>
        %parallel_loop3A_361 = arith.mulf %parallel_loop3A_359, %parallel_loop3A_250 : vector<16xf32>
        %parallel_loop3A_362 = tpu.vector_load_idx %arg8[%parallel_loop3A_355] : memref<6912xf32, #tpu.memory_space<vmem>>[vector<16xi32>], vector<16xf32>,
        %parallel_loop3A_363 = arith.mulf %parallel_loop3A_362, %parallel_loop3A_226 : vector<16xf32>
        %parallel_loop3A_364 = arith.mulf %parallel_loop3A_362, %parallel_loop3A_250 : vector<16xf32>
        %parallel_loop3A_365 = arith.addi %parallel_loop3A_354, %parallel_loop3A_277 : vector<16xi32>
        %parallel_loop3A_366 = tpu.vector_load_idx %arg6[%parallel_loop3A_365] : memref<6912xf32, #tpu.memory_space<vmem>>[vector<16xi32>], vector<16xf32>,
        %parallel_loop3A_367 = arith.mulf %parallel_loop3A_366, %parallel_loop3A_239 : vector<16xf32>
        %parallel_loop3A_368 = arith.addf %parallel_loop3A_357, %parallel_loop3A_367 : vector<16xf32>
        %parallel_loop3A_369 = arith.mulf %parallel_loop3A_366, %parallel_loop3A_260 : vector<16xf32>
        %parallel_loop3A_370 = arith.addf %parallel_loop3A_358, %parallel_loop3A_369 : vector<16xf32>
        %parallel_loop3A_371 = tpu.vector_load_idx %arg7[%parallel_loop3A_365] : memref<6912xf32, #tpu.memory_space<vmem>>[vector<16xi32>], vector<16xf32>,
        %parallel_loop3A_372 = arith.mulf %parallel_loop3A_371, %parallel_loop3A_239 : vector<16xf32>
        %parallel_loop3A_373 = arith.addf %parallel_loop3A_360, %parallel_loop3A_372 : vector<16xf32>
        %parallel_loop3A_374 = arith.mulf %parallel_loop3A_371, %parallel_loop3A_260 : vector<16xf32>
        %parallel_loop3A_375 = arith.addf %parallel_loop3A_361, %parallel_loop3A_374 : vector<16xf32>
        %parallel_loop3A_376 = tpu.vector_load_idx %arg8[%parallel_loop3A_365] : memref<6912xf32, #tpu.memory_space<vmem>>[vector<16xi32>], vector<16xf32>,
        %parallel_loop3A_377 = arith.mulf %parallel_loop3A_376, %parallel_loop3A_239 : vector<16xf32>
        %parallel_loop3A_378 = arith.addf %parallel_loop3A_363, %parallel_loop3A_377 : vector<16xf32>
        %parallel_loop3A_379 = arith.mulf %parallel_loop3A_376, %parallel_loop3A_260 : vector<16xf32>
        %parallel_loop3A_380 = arith.addf %parallel_loop3A_364, %parallel_loop3A_379 : vector<16xf32>
        %parallel_loop3A_381 = arith.addi %parallel_loop3A_354, %parallel_loop3A_280 : vector<16xi32>
        %parallel_loop3A_382 = tpu.vector_load_idx %arg6[%parallel_loop3A_381] : memref<6912xf32, #tpu.memory_space<vmem>>[vector<16xi32>], vector<16xf32>,
        %parallel_loop3A_383 = arith.mulf %parallel_loop3A_382, %parallel_loop3A_247 : vector<16xf32>
        %parallel_loop3A_384 = arith.addf %parallel_loop3A_368, %parallel_loop3A_383 : vector<16xf32>
        %parallel_loop3A_385 = arith.mulf %parallel_loop3A_382, %parallel_loop3A_268 : vector<16xf32>
        %parallel_loop3A_386 = arith.addf %parallel_loop3A_370, %parallel_loop3A_385 : vector<16xf32>
        %parallel_loop3A_387 = tpu.vector_load_idx %arg7[%parallel_loop3A_381] : memref<6912xf32, #tpu.memory_space<vmem>>[vector<16xi32>], vector<16xf32>,
        %parallel_loop3A_388 = arith.mulf %parallel_loop3A_387, %parallel_loop3A_247 : vector<16xf32>
        %parallel_loop3A_389 = arith.addf %parallel_loop3A_373, %parallel_loop3A_388 : vector<16xf32>
        %parallel_loop3A_390 = arith.mulf %parallel_loop3A_387, %parallel_loop3A_268 : vector<16xf32>
        %parallel_loop3A_391 = arith.addf %parallel_loop3A_375, %parallel_loop3A_390 : vector<16xf32>
        %parallel_loop3A_392 = tpu.vector_load_idx %arg8[%parallel_loop3A_381] : memref<6912xf32, #tpu.memory_space<vmem>>[vector<16xi32>], vector<16xf32>,
        %parallel_loop3A_393 = arith.mulf %parallel_loop3A_392, %parallel_loop3A_247 : vector<16xf32>
        %parallel_loop3A_394 = arith.addf %parallel_loop3A_378, %parallel_loop3A_393 : vector<16xf32>
        %parallel_loop3A_395 = arith.mulf %parallel_loop3A_392, %parallel_loop3A_268 : vector<16xf32>
        %parallel_loop3A_396 = arith.addf %parallel_loop3A_380, %parallel_loop3A_395 : vector<16xf32>
        %parallel_loop3A_397 = arith.addi %parallel_loop3A_354, %parallel_loop3A_283 : vector<16xi32>
        %parallel_loop3A_398 = tpu.vector_load_idx %arg6[%parallel_loop3A_397] : memref<6912xf32, #tpu.memory_space<vmem>>[vector<16xi32>], vector<16xf32>,
        %parallel_loop3A_399 = arith.mulf %parallel_loop3A_398, %parallel_loop3A_242 : vector<16xf32>
        %parallel_loop3A_400 = arith.addf %parallel_loop3A_384, %parallel_loop3A_399 : vector<16xf32>
        %parallel_loop3A_401 = arith.mulf %parallel_loop3A_398, %parallel_loop3A_263 : vector<16xf32>
        %parallel_loop3A_402 = arith.addf %parallel_loop3A_386, %parallel_loop3A_401 : vector<16xf32>
        %parallel_loop3A_403 = tpu.vector_load_idx %arg7[%parallel_loop3A_397] : memref<6912xf32, #tpu.memory_space<vmem>>[vector<16xi32>], vector<16xf32>,
        %parallel_loop3A_404 = arith.mulf %parallel_loop3A_403, %parallel_loop3A_242 : vector<16xf32>
        %parallel_loop3A_405 = arith.addf %parallel_loop3A_389, %parallel_loop3A_404 : vector<16xf32>
        %parallel_loop3A_406 = arith.mulf %parallel_loop3A_403, %parallel_loop3A_263 : vector<16xf32>
        %parallel_loop3A_407 = arith.addf %parallel_loop3A_391, %parallel_loop3A_406 : vector<16xf32>
        %parallel_loop3A_408 = tpu.vector_load_idx %arg8[%parallel_loop3A_397] : memref<6912xf32, #tpu.memory_space<vmem>>[vector<16xi32>], vector<16xf32>,
        %parallel_loop3A_409 = arith.mulf %parallel_loop3A_408, %parallel_loop3A_242 : vector<16xf32>
        %parallel_loop3A_410 = arith.addf %parallel_loop3A_394, %parallel_loop3A_409 : vector<16xf32>
        %parallel_loop3A_411 = arith.mulf %parallel_loop3A_408, %parallel_loop3A_263 : vector<16xf32>
        %parallel_loop3A_412 = arith.addf %parallel_loop3A_396, %parallel_loop3A_411 : vector<16xf32>
        %parallel_loop3A_413 = arith.mulf %parallel_loop3A_149, %parallel_loop3A_400 : vector<16xf32>
        %parallel_loop3A_414 = arith.addf %parallel_loop3A_345, %parallel_loop3A_413 : vector<16xf32>
        %parallel_loop3A_415 = arith.mulf %parallel_loop3A_170, %parallel_loop3A_400 : vector<16xf32>
        %parallel_loop3A_416 = arith.addf %parallel_loop3A_346, %parallel_loop3A_415 : vector<16xf32>
        %parallel_loop3A_417 = arith.mulf %parallel_loop3A_149, %parallel_loop3A_402 : vector<16xf32>
        %parallel_loop3A_418 = arith.addf %parallel_loop3A_347, %parallel_loop3A_417 : vector<16xf32>
        %parallel_loop3A_419 = arith.mulf %parallel_loop3A_149, %parallel_loop3A_405 : vector<16xf32>
        %parallel_loop3A_420 = arith.addf %parallel_loop3A_348, %parallel_loop3A_419 : vector<16xf32>
        %parallel_loop3A_421 = arith.mulf %parallel_loop3A_170, %parallel_loop3A_405 : vector<16xf32>
        %parallel_loop3A_422 = arith.addf %parallel_loop3A_349, %parallel_loop3A_421 : vector<16xf32>
        %parallel_loop3A_423 = arith.mulf %parallel_loop3A_149, %parallel_loop3A_407 : vector<16xf32>
        %parallel_loop3A_424 = arith.addf %parallel_loop3A_350, %parallel_loop3A_423 : vector<16xf32>
        %parallel_loop3A_425 = arith.mulf %parallel_loop3A_149, %parallel_loop3A_410 : vector<16xf32>
        %parallel_loop3A_426 = arith.addf %parallel_loop3A_351, %parallel_loop3A_425 : vector<16xf32>
        %parallel_loop3A_427 = arith.mulf %parallel_loop3A_170, %parallel_loop3A_410 : vector<16xf32>
        %parallel_loop3A_428 = arith.addf %parallel_loop3A_352, %parallel_loop3A_427 : vector<16xf32>
        %parallel_loop3A_429 = arith.mulf %parallel_loop3A_149, %parallel_loop3A_412 : vector<16xf32>
        %parallel_loop3A_430 = arith.addf %parallel_loop3A_353, %parallel_loop3A_429 : vector<16xf32>
        %parallel_loop3A_431 = arith.addi %parallel_loop3A_97, %parallel_loop3A_199 : vector<16xi32>
        %parallel_loop3A_432 = arith.addi %parallel_loop3A_431, %parallel_loop3A_274 : vector<16xi32>
        %parallel_loop3A_433 = tpu.vector_load_idx %arg6[%parallel_loop3A_432] : memref<6912xf32, #tpu.memory_space<vmem>>[vector<16xi32>], vector<16xf32>,
        %parallel_loop3A_434 = arith.mulf %parallel_loop3A_433, %parallel_loop3A_226 : vector<16xf32>
        %parallel_loop3A_435 = arith.mulf %parallel_loop3A_433, %parallel_loop3A_250 : vector<16xf32>
        %parallel_loop3A_436 = tpu.vector_load_idx %arg7[%parallel_loop3A_432] : memref<6912xf32, #tpu.memory_space<vmem>>[vector<16xi32>], vector<16xf32>,
        %parallel_loop3A_437 = arith.mulf %parallel_loop3A_436, %parallel_loop3A_226 : vector<16xf32>
        %parallel_loop3A_438 = arith.mulf %parallel_loop3A_436, %parallel_loop3A_250 : vector<16xf32>
        %parallel_loop3A_439 = tpu.vector_load_idx %arg8[%parallel_loop3A_432] : memref<6912xf32, #tpu.memory_space<vmem>>[vector<16xi32>], vector<16xf32>,
        %parallel_loop3A_440 = arith.mulf %parallel_loop3A_439, %parallel_loop3A_226 : vector<16xf32>
        %parallel_loop3A_441 = arith.mulf %parallel_loop3A_439, %parallel_loop3A_250 : vector<16xf32>
        %parallel_loop3A_442 = arith.addi %parallel_loop3A_431, %parallel_loop3A_277 : vector<16xi32>
        %parallel_loop3A_443 = tpu.vector_load_idx %arg6[%parallel_loop3A_442] : memref<6912xf32, #tpu.memory_space<vmem>>[vector<16xi32>], vector<16xf32>,
        %parallel_loop3A_444 = arith.mulf %parallel_loop3A_443, %parallel_loop3A_239 : vector<16xf32>
        %parallel_loop3A_445 = arith.addf %parallel_loop3A_434, %parallel_loop3A_444 : vector<16xf32>
        %parallel_loop3A_446 = arith.mulf %parallel_loop3A_443, %parallel_loop3A_260 : vector<16xf32>
        %parallel_loop3A_447 = arith.addf %parallel_loop3A_435, %parallel_loop3A_446 : vector<16xf32>
        %parallel_loop3A_448 = tpu.vector_load_idx %arg7[%parallel_loop3A_442] : memref<6912xf32, #tpu.memory_space<vmem>>[vector<16xi32>], vector<16xf32>,
        %parallel_loop3A_449 = arith.mulf %parallel_loop3A_448, %parallel_loop3A_239 : vector<16xf32>
        %parallel_loop3A_450 = arith.addf %parallel_loop3A_437, %parallel_loop3A_449 : vector<16xf32>
        %parallel_loop3A_451 = arith.mulf %parallel_loop3A_448, %parallel_loop3A_260 : vector<16xf32>
        %parallel_loop3A_452 = arith.addf %parallel_loop3A_438, %parallel_loop3A_451 : vector<16xf32>
        %parallel_loop3A_453 = tpu.vector_load_idx %arg8[%parallel_loop3A_442] : memref<6912xf32, #tpu.memory_space<vmem>>[vector<16xi32>], vector<16xf32>,
        %parallel_loop3A_454 = arith.mulf %parallel_loop3A_453, %parallel_loop3A_239 : vector<16xf32>
        %parallel_loop3A_455 = arith.addf %parallel_loop3A_440, %parallel_loop3A_454 : vector<16xf32>
        %parallel_loop3A_456 = arith.mulf %parallel_loop3A_453, %parallel_loop3A_260 : vector<16xf32>
        %parallel_loop3A_457 = arith.addf %parallel_loop3A_441, %parallel_loop3A_456 : vector<16xf32>
        %parallel_loop3A_458 = arith.addi %parallel_loop3A_431, %parallel_loop3A_280 : vector<16xi32>
        %parallel_loop3A_459 = tpu.vector_load_idx %arg6[%parallel_loop3A_458] : memref<6912xf32, #tpu.memory_space<vmem>>[vector<16xi32>], vector<16xf32>,
        %parallel_loop3A_460 = arith.mulf %parallel_loop3A_459, %parallel_loop3A_247 : vector<16xf32>
        %parallel_loop3A_461 = arith.addf %parallel_loop3A_445, %parallel_loop3A_460 : vector<16xf32>
        %parallel_loop3A_462 = arith.mulf %parallel_loop3A_459, %parallel_loop3A_268 : vector<16xf32>
        %parallel_loop3A_463 = arith.addf %parallel_loop3A_447, %parallel_loop3A_462 : vector<16xf32>
        %parallel_loop3A_464 = tpu.vector_load_idx %arg7[%parallel_loop3A_458] : memref<6912xf32, #tpu.memory_space<vmem>>[vector<16xi32>], vector<16xf32>,
        %parallel_loop3A_465 = arith.mulf %parallel_loop3A_464, %parallel_loop3A_247 : vector<16xf32>
        %parallel_loop3A_466 = arith.addf %parallel_loop3A_450, %parallel_loop3A_465 : vector<16xf32>
        %parallel_loop3A_467 = arith.mulf %parallel_loop3A_464, %parallel_loop3A_268 : vector<16xf32>
        %parallel_loop3A_468 = arith.addf %parallel_loop3A_452, %parallel_loop3A_467 : vector<16xf32>
        %parallel_loop3A_469 = tpu.vector_load_idx %arg8[%parallel_loop3A_458] : memref<6912xf32, #tpu.memory_space<vmem>>[vector<16xi32>], vector<16xf32>,
        %parallel_loop3A_470 = arith.mulf %parallel_loop3A_469, %parallel_loop3A_247 : vector<16xf32>
        %parallel_loop3A_471 = arith.addf %parallel_loop3A_455, %parallel_loop3A_470 : vector<16xf32>
        %parallel_loop3A_472 = arith.mulf %parallel_loop3A_469, %parallel_loop3A_268 : vector<16xf32>
        %parallel_loop3A_473 = arith.addf %parallel_loop3A_457, %parallel_loop3A_472 : vector<16xf32>
        %parallel_loop3A_474 = arith.addi %parallel_loop3A_431, %parallel_loop3A_283 : vector<16xi32>
        %parallel_loop3A_475 = tpu.vector_load_idx %arg6[%parallel_loop3A_474] : memref<6912xf32, #tpu.memory_space<vmem>>[vector<16xi32>], vector<16xf32>,
        %parallel_loop3A_476 = arith.mulf %parallel_loop3A_475, %parallel_loop3A_242 : vector<16xf32>
        %parallel_loop3A_477 = arith.addf %parallel_loop3A_461, %parallel_loop3A_476 : vector<16xf32>
        %parallel_loop3A_478 = arith.mulf %parallel_loop3A_475, %parallel_loop3A_263 : vector<16xf32>
        %parallel_loop3A_479 = arith.addf %parallel_loop3A_463, %parallel_loop3A_478 : vector<16xf32>
        %parallel_loop3A_480 = tpu.vector_load_idx %arg7[%parallel_loop3A_474] : memref<6912xf32, #tpu.memory_space<vmem>>[vector<16xi32>], vector<16xf32>,
        %parallel_loop3A_481 = arith.mulf %parallel_loop3A_480, %parallel_loop3A_242 : vector<16xf32>
        %parallel_loop3A_482 = arith.addf %parallel_loop3A_466, %parallel_loop3A_481 : vector<16xf32>
        %parallel_loop3A_483 = arith.mulf %parallel_loop3A_480, %parallel_loop3A_263 : vector<16xf32>
        %parallel_loop3A_484 = arith.addf %parallel_loop3A_468, %parallel_loop3A_483 : vector<16xf32>
        %parallel_loop3A_485 = tpu.vector_load_idx %arg8[%parallel_loop3A_474] : memref<6912xf32, #tpu.memory_space<vmem>>[vector<16xi32>], vector<16xf32>,
        %parallel_loop3A_486 = arith.mulf %parallel_loop3A_485, %parallel_loop3A_242 : vector<16xf32>
        %parallel_loop3A_487 = arith.addf %parallel_loop3A_471, %parallel_loop3A_486 : vector<16xf32>
        %parallel_loop3A_488 = arith.mulf %parallel_loop3A_485, %parallel_loop3A_263 : vector<16xf32>
        %parallel_loop3A_489 = arith.addf %parallel_loop3A_473, %parallel_loop3A_488 : vector<16xf32>
        %parallel_loop3A_490 = arith.mulf %parallel_loop3A_157, %parallel_loop3A_477 : vector<16xf32>
        %parallel_loop3A_491 = arith.addf %parallel_loop3A_414, %parallel_loop3A_490 : vector<16xf32>
        %parallel_loop3A_492 = arith.mulf %parallel_loop3A_178, %parallel_loop3A_477 : vector<16xf32>
        %parallel_loop3A_493 = arith.addf %parallel_loop3A_416, %parallel_loop3A_492 : vector<16xf32>
        %parallel_loop3A_494 = arith.mulf %parallel_loop3A_157, %parallel_loop3A_479 : vector<16xf32>
        %parallel_loop3A_495 = arith.addf %parallel_loop3A_418, %parallel_loop3A_494 : vector<16xf32>
        %parallel_loop3A_496 = arith.mulf %parallel_loop3A_157, %parallel_loop3A_482 : vector<16xf32>
        %parallel_loop3A_497 = arith.addf %parallel_loop3A_420, %parallel_loop3A_496 : vector<16xf32>
        %parallel_loop3A_498 = arith.mulf %parallel_loop3A_178, %parallel_loop3A_482 : vector<16xf32>
        %parallel_loop3A_499 = arith.addf %parallel_loop3A_422, %parallel_loop3A_498 : vector<16xf32>
        %parallel_loop3A_500 = arith.mulf %parallel_loop3A_157, %parallel_loop3A_484 : vector<16xf32>
        %parallel_loop3A_501 = arith.addf %parallel_loop3A_424, %parallel_loop3A_500 : vector<16xf32>
        %parallel_loop3A_502 = arith.mulf %parallel_loop3A_157, %parallel_loop3A_487 : vector<16xf32>
        %parallel_loop3A_503 = arith.addf %parallel_loop3A_426, %parallel_loop3A_502 : vector<16xf32>
        %parallel_loop3A_504 = arith.mulf %parallel_loop3A_178, %parallel_loop3A_487 : vector<16xf32>
        %parallel_loop3A_505 = arith.addf %parallel_loop3A_428, %parallel_loop3A_504 : vector<16xf32>
        %parallel_loop3A_506 = arith.mulf %parallel_loop3A_157, %parallel_loop3A_489 : vector<16xf32>
        %parallel_loop3A_507 = arith.addf %parallel_loop3A_430, %parallel_loop3A_506 : vector<16xf32>
        %parallel_loop3A_508 = arith.addi %parallel_loop3A_97, %parallel_loop3A_205 : vector<16xi32>
        %parallel_loop3A_509 = arith.addi %parallel_loop3A_508, %parallel_loop3A_274 : vector<16xi32>
        %parallel_loop3A_510 = tpu.vector_load_idx %arg6[%parallel_loop3A_509] : memref<6912xf32, #tpu.memory_space<vmem>>[vector<16xi32>], vector<16xf32>,
        %parallel_loop3A_511 = arith.mulf %parallel_loop3A_510, %parallel_loop3A_226 : vector<16xf32>
        %parallel_loop3A_512 = arith.mulf %parallel_loop3A_510, %parallel_loop3A_250 : vector<16xf32>
        %parallel_loop3A_513 = tpu.vector_load_idx %arg7[%parallel_loop3A_509] : memref<6912xf32, #tpu.memory_space<vmem>>[vector<16xi32>], vector<16xf32>,
        %parallel_loop3A_514 = arith.mulf %parallel_loop3A_513, %parallel_loop3A_226 : vector<16xf32>
        %parallel_loop3A_515 = arith.mulf %parallel_loop3A_513, %parallel_loop3A_250 : vector<16xf32>
        %parallel_loop3A_516 = tpu.vector_load_idx %arg8[%parallel_loop3A_509] : memref<6912xf32, #tpu.memory_space<vmem>>[vector<16xi32>], vector<16xf32>,
        %parallel_loop3A_517 = arith.mulf %parallel_loop3A_516, %parallel_loop3A_226 : vector<16xf32>
        %parallel_loop3A_518 = arith.mulf %parallel_loop3A_516, %parallel_loop3A_250 : vector<16xf32>
        %parallel_loop3A_519 = arith.addi %parallel_loop3A_508, %parallel_loop3A_277 : vector<16xi32>
        %parallel_loop3A_520 = tpu.vector_load_idx %arg6[%parallel_loop3A_519] : memref<6912xf32, #tpu.memory_space<vmem>>[vector<16xi32>], vector<16xf32>,
        %parallel_loop3A_521 = arith.mulf %parallel_loop3A_520, %parallel_loop3A_239 : vector<16xf32>
        %parallel_loop3A_522 = arith.addf %parallel_loop3A_511, %parallel_loop3A_521 : vector<16xf32>
        %parallel_loop3A_523 = arith.mulf %parallel_loop3A_520, %parallel_loop3A_260 : vector<16xf32>
        %parallel_loop3A_524 = arith.addf %parallel_loop3A_512, %parallel_loop3A_523 : vector<16xf32>
        %parallel_loop3A_525 = tpu.vector_load_idx %arg7[%parallel_loop3A_519] : memref<6912xf32, #tpu.memory_space<vmem>>[vector<16xi32>], vector<16xf32>,
        %parallel_loop3A_526 = arith.mulf %parallel_loop3A_525, %parallel_loop3A_239 : vector<16xf32>
        %parallel_loop3A_527 = arith.addf %parallel_loop3A_514, %parallel_loop3A_526 : vector<16xf32>
        %parallel_loop3A_528 = arith.mulf %parallel_loop3A_525, %parallel_loop3A_260 : vector<16xf32>
        %parallel_loop3A_529 = arith.addf %parallel_loop3A_515, %parallel_loop3A_528 : vector<16xf32>
        %parallel_loop3A_530 = tpu.vector_load_idx %arg8[%parallel_loop3A_519] : memref<6912xf32, #tpu.memory_space<vmem>>[vector<16xi32>], vector<16xf32>,
        %parallel_loop3A_531 = arith.mulf %parallel_loop3A_530, %parallel_loop3A_239 : vector<16xf32>
        %parallel_loop3A_532 = arith.addf %parallel_loop3A_517, %parallel_loop3A_531 : vector<16xf32>
        %parallel_loop3A_533 = arith.mulf %parallel_loop3A_530, %parallel_loop3A_260 : vector<16xf32>
        %parallel_loop3A_534 = arith.addf %parallel_loop3A_518, %parallel_loop3A_533 : vector<16xf32>
        %parallel_loop3A_535 = arith.addi %parallel_loop3A_508, %parallel_loop3A_280 : vector<16xi32>
        %parallel_loop3A_536 = tpu.vector_load_idx %arg6[%parallel_loop3A_535] : memref<6912xf32, #tpu.memory_space<vmem>>[vector<16xi32>], vector<16xf32>,
        %parallel_loop3A_537 = arith.mulf %parallel_loop3A_536, %parallel_loop3A_247 : vector<16xf32>
        %parallel_loop3A_538 = arith.addf %parallel_loop3A_522, %parallel_loop3A_537 : vector<16xf32>
        %parallel_loop3A_539 = arith.mulf %parallel_loop3A_536, %parallel_loop3A_268 : vector<16xf32>
        %parallel_loop3A_540 = arith.addf %parallel_loop3A_524, %parallel_loop3A_539 : vector<16xf32>
        %parallel_loop3A_541 = tpu.vector_load_idx %arg7[%parallel_loop3A_535] : memref<6912xf32, #tpu.memory_space<vmem>>[vector<16xi32>], vector<16xf32>,
        %parallel_loop3A_542 = arith.mulf %parallel_loop3A_541, %parallel_loop3A_247 : vector<16xf32>
        %parallel_loop3A_543 = arith.addf %parallel_loop3A_527, %parallel_loop3A_542 : vector<16xf32>
        %parallel_loop3A_544 = arith.mulf %parallel_loop3A_541, %parallel_loop3A_268 : vector<16xf32>
        %parallel_loop3A_545 = arith.addf %parallel_loop3A_529, %parallel_loop3A_544 : vector<16xf32>
        %parallel_loop3A_546 = tpu.vector_load_idx %arg8[%parallel_loop3A_535] : memref<6912xf32, #tpu.memory_space<vmem>>[vector<16xi32>], vector<16xf32>,
        %parallel_loop3A_547 = arith.mulf %parallel_loop3A_546, %parallel_loop3A_247 : vector<16xf32>
        %parallel_loop3A_548 = arith.addf %parallel_loop3A_532, %parallel_loop3A_547 : vector<16xf32>
        %parallel_loop3A_549 = arith.mulf %parallel_loop3A_546, %parallel_loop3A_268 : vector<16xf32>
        %parallel_loop3A_550 = arith.addf %parallel_loop3A_534, %parallel_loop3A_549 : vector<16xf32>
        %parallel_loop3A_551 = arith.addi %parallel_loop3A_508, %parallel_loop3A_283 : vector<16xi32>
        %parallel_loop3A_552 = tpu.vector_load_idx %arg6[%parallel_loop3A_551] : memref<6912xf32, #tpu.memory_space<vmem>>[vector<16xi32>], vector<16xf32>,
        %parallel_loop3A_553 = arith.mulf %parallel_loop3A_552, %parallel_loop3A_242 : vector<16xf32>
        %parallel_loop3A_554 = arith.addf %parallel_loop3A_538, %parallel_loop3A_553 : vector<16xf32>
        %parallel_loop3A_555 = arith.mulf %parallel_loop3A_552, %parallel_loop3A_263 : vector<16xf32>
        %parallel_loop3A_556 = arith.addf %parallel_loop3A_540, %parallel_loop3A_555 : vector<16xf32>
        %parallel_loop3A_557 = tpu.vector_load_idx %arg7[%parallel_loop3A_551] : memref<6912xf32, #tpu.memory_space<vmem>>[vector<16xi32>], vector<16xf32>,
        %parallel_loop3A_558 = arith.mulf %parallel_loop3A_557, %parallel_loop3A_242 : vector<16xf32>
        %parallel_loop3A_559 = arith.addf %parallel_loop3A_543, %parallel_loop3A_558 : vector<16xf32>
        %parallel_loop3A_560 = arith.mulf %parallel_loop3A_557, %parallel_loop3A_263 : vector<16xf32>
        %parallel_loop3A_561 = arith.addf %parallel_loop3A_545, %parallel_loop3A_560 : vector<16xf32>
        %parallel_loop3A_562 = tpu.vector_load_idx %arg8[%parallel_loop3A_551] : memref<6912xf32, #tpu.memory_space<vmem>>[vector<16xi32>], vector<16xf32>,
        %parallel_loop3A_563 = arith.mulf %parallel_loop3A_562, %parallel_loop3A_242 : vector<16xf32>
        %parallel_loop3A_564 = arith.addf %parallel_loop3A_548, %parallel_loop3A_563 : vector<16xf32>
        %parallel_loop3A_565 = arith.mulf %parallel_loop3A_562, %parallel_loop3A_263 : vector<16xf32>
        %parallel_loop3A_566 = arith.addf %parallel_loop3A_550, %parallel_loop3A_565 : vector<16xf32>
        %parallel_loop3A_567 = arith.mulf %parallel_loop3A_152, %parallel_loop3A_554 : vector<16xf32>
        %parallel_loop3A_568 = arith.addf %parallel_loop3A_491, %parallel_loop3A_567 : vector<16xf32>
        %parallel_loop3A_569 = arith.mulf %parallel_loop3A_173, %parallel_loop3A_554 : vector<16xf32>
        %parallel_loop3A_570 = arith.addf %parallel_loop3A_493, %parallel_loop3A_569 : vector<16xf32>
        %parallel_loop3A_571 = arith.mulf %parallel_loop3A_152, %parallel_loop3A_556 : vector<16xf32>
        %parallel_loop3A_572 = arith.addf %parallel_loop3A_495, %parallel_loop3A_571 : vector<16xf32>
        %parallel_loop3A_573 = arith.mulf %parallel_loop3A_152, %parallel_loop3A_559 : vector<16xf32>
        %parallel_loop3A_574 = arith.addf %parallel_loop3A_497, %parallel_loop3A_573 : vector<16xf32>
        %parallel_loop3A_575 = arith.mulf %parallel_loop3A_173, %parallel_loop3A_559 : vector<16xf32>
        %parallel_loop3A_576 = arith.addf %parallel_loop3A_499, %parallel_loop3A_575 : vector<16xf32>
        %parallel_loop3A_577 = arith.mulf %parallel_loop3A_152, %parallel_loop3A_561 : vector<16xf32>
        %parallel_loop3A_578 = arith.addf %parallel_loop3A_501, %parallel_loop3A_577 : vector<16xf32>
        %parallel_loop3A_579 = arith.mulf %parallel_loop3A_152, %parallel_loop3A_564 : vector<16xf32>
        %parallel_loop3A_580 = arith.addf %parallel_loop3A_503, %parallel_loop3A_579 : vector<16xf32>
        %parallel_loop3A_581 = arith.mulf %parallel_loop3A_173, %parallel_loop3A_564 : vector<16xf32>
        %parallel_loop3A_582 = arith.addf %parallel_loop3A_505, %parallel_loop3A_581 : vector<16xf32>
        %parallel_loop3A_583 = arith.mulf %parallel_loop3A_152, %parallel_loop3A_566 : vector<16xf32>
        %parallel_loop3A_584 = arith.addf %parallel_loop3A_507, %parallel_loop3A_583 : vector<16xf32>
        %parallel_loop3A_585 = arith.mulf %parallel_loop3A_46, %parallel_loop3A_568 : vector<16xf32>
        %parallel_loop3A_586 = arith.mulf %parallel_loop3A_70, %parallel_loop3A_568 : vector<16xf32>
        %parallel_loop3A_587 = arith.addf %parallel_loop3A_285, %parallel_loop3A_586 : vector<16xf32>
        %parallel_loop3A_588 = arith.mulf %parallel_loop3A_46, %parallel_loop3A_570 : vector<16xf32>
        %parallel_loop3A_589 = arith.mulf %parallel_loop3A_46, %parallel_loop3A_572 : vector<16xf32>
        %parallel_loop3A_590 = arith.mulf %parallel_loop3A_46, %parallel_loop3A_574 : vector<16xf32>
        %parallel_loop3A_591 = arith.mulf %parallel_loop3A_70, %parallel_loop3A_574 : vector<16xf32>
        %parallel_loop3A_592 = arith.mulf %parallel_loop3A_46, %parallel_loop3A_576 : vector<16xf32>
        %parallel_loop3A_593 = arith.addf %parallel_loop3A_285, %parallel_loop3A_592 : vector<16xf32>
        %parallel_loop3A_594 = arith.mulf %parallel_loop3A_46, %parallel_loop3A_578 : vector<16xf32>
        %parallel_loop3A_595 = arith.mulf %parallel_loop3A_46, %parallel_loop3A_580 : vector<16xf32>
        %parallel_loop3A_596 = arith.mulf %parallel_loop3A_70, %parallel_loop3A_580 : vector<16xf32>
        %parallel_loop3A_597 = arith.mulf %parallel_loop3A_46, %parallel_loop3A_582 : vector<16xf32>
        %parallel_loop3A_598 = arith.mulf %parallel_loop3A_46, %parallel_loop3A_584 : vector<16xf32>
        %parallel_loop3A_599 = arith.addf %parallel_loop3A_285, %parallel_loop3A_598 : vector<16xf32>
        %parallel_loop3A_600 = arith.addi %parallel_loop3A_103, %parallel_loop3A_187 : vector<16xi32>
        %parallel_loop3A_601 = arith.addi %parallel_loop3A_600, %parallel_loop3A_274 : vector<16xi32>
        %parallel_loop3A_602 = tpu.vector_load_idx %arg6[%parallel_loop3A_601] : memref<6912xf32, #tpu.memory_space<vmem>>[vector<16xi32>], vector<16xf32>,
        %parallel_loop3A_603 = arith.mulf %parallel_loop3A_602, %parallel_loop3A_226 : vector<16xf32>
        %parallel_loop3A_604 = arith.mulf %parallel_loop3A_602, %parallel_loop3A_250 : vector<16xf32>
        %parallel_loop3A_605 = tpu.vector_load_idx %arg7[%parallel_loop3A_601] : memref<6912xf32, #tpu.memory_space<vmem>>[vector<16xi32>], vector<16xf32>,
        %parallel_loop3A_606 = arith.mulf %parallel_loop3A_605, %parallel_loop3A_226 : vector<16xf32>
        %parallel_loop3A_607 = arith.mulf %parallel_loop3A_605, %parallel_loop3A_250 : vector<16xf32>
        %parallel_loop3A_608 = tpu.vector_load_idx %arg8[%parallel_loop3A_601] : memref<6912xf32, #tpu.memory_space<vmem>>[vector<16xi32>], vector<16xf32>,
        %parallel_loop3A_609 = arith.mulf %parallel_loop3A_608, %parallel_loop3A_226 : vector<16xf32>
        %parallel_loop3A_610 = arith.mulf %parallel_loop3A_608, %parallel_loop3A_250 : vector<16xf32>
        %parallel_loop3A_611 = arith.addi %parallel_loop3A_600, %parallel_loop3A_277 : vector<16xi32>
        %parallel_loop3A_612 = tpu.vector_load_idx %arg6[%parallel_loop3A_611] : memref<6912xf32, #tpu.memory_space<vmem>>[vector<16xi32>], vector<16xf32>,
        %parallel_loop3A_613 = arith.mulf %parallel_loop3A_612, %parallel_loop3A_239 : vector<16xf32>
        %parallel_loop3A_614 = arith.addf %parallel_loop3A_603, %parallel_loop3A_613 : vector<16xf32>
        %parallel_loop3A_615 = arith.mulf %parallel_loop3A_612, %parallel_loop3A_260 : vector<16xf32>
        %parallel_loop3A_616 = arith.addf %parallel_loop3A_604, %parallel_loop3A_615 : vector<16xf32>
        %parallel_loop3A_617 = tpu.vector_load_idx %arg7[%parallel_loop3A_611] : memref<6912xf32, #tpu.memory_space<vmem>>[vector<16xi32>], vector<16xf32>,
        %parallel_loop3A_618 = arith.mulf %parallel_loop3A_617, %parallel_loop3A_239 : vector<16xf32>
        %parallel_loop3A_619 = arith.addf %parallel_loop3A_606, %parallel_loop3A_618 : vector<16xf32>
        %parallel_loop3A_620 = arith.mulf %parallel_loop3A_617, %parallel_loop3A_260 : vector<16xf32>
        %parallel_loop3A_621 = arith.addf %parallel_loop3A_607, %parallel_loop3A_620 : vector<16xf32>
        %parallel_loop3A_622 = tpu.vector_load_idx %arg8[%parallel_loop3A_611] : memref<6912xf32, #tpu.memory_space<vmem>>[vector<16xi32>], vector<16xf32>,
        %parallel_loop3A_623 = arith.mulf %parallel_loop3A_622, %parallel_loop3A_239 : vector<16xf32>
        %parallel_loop3A_624 = arith.addf %parallel_loop3A_609, %parallel_loop3A_623 : vector<16xf32>
        %parallel_loop3A_625 = arith.mulf %parallel_loop3A_622, %parallel_loop3A_260 : vector<16xf32>
        %parallel_loop3A_626 = arith.addf %parallel_loop3A_610, %parallel_loop3A_625 : vector<16xf32>
        %parallel_loop3A_627 = arith.addi %parallel_loop3A_600, %parallel_loop3A_280 : vector<16xi32>
        %parallel_loop3A_628 = tpu.vector_load_idx %arg6[%parallel_loop3A_627] : memref<6912xf32, #tpu.memory_space<vmem>>[vector<16xi32>], vector<16xf32>,
        %parallel_loop3A_629 = arith.mulf %parallel_loop3A_628, %parallel_loop3A_247 : vector<16xf32>
        %parallel_loop3A_630 = arith.addf %parallel_loop3A_614, %parallel_loop3A_629 : vector<16xf32>
        %parallel_loop3A_631 = arith.mulf %parallel_loop3A_628, %parallel_loop3A_268 : vector<16xf32>
        %parallel_loop3A_632 = arith.addf %parallel_loop3A_616, %parallel_loop3A_631 : vector<16xf32>
        %parallel_loop3A_633 = tpu.vector_load_idx %arg7[%parallel_loop3A_627] : memref<6912xf32, #tpu.memory_space<vmem>>[vector<16xi32>], vector<16xf32>,
        %parallel_loop3A_634 = arith.mulf %parallel_loop3A_633, %parallel_loop3A_247 : vector<16xf32>
        %parallel_loop3A_635 = arith.addf %parallel_loop3A_619, %parallel_loop3A_634 : vector<16xf32>
        %parallel_loop3A_636 = arith.mulf %parallel_loop3A_633, %parallel_loop3A_268 : vector<16xf32>
        %parallel_loop3A_637 = arith.addf %parallel_loop3A_621, %parallel_loop3A_636 : vector<16xf32>
        %parallel_loop3A_638 = tpu.vector_load_idx %arg8[%parallel_loop3A_627] : memref<6912xf32, #tpu.memory_space<vmem>>[vector<16xi32>], vector<16xf32>,
        %parallel_loop3A_639 = arith.mulf %parallel_loop3A_638, %parallel_loop3A_247 : vector<16xf32>
        %parallel_loop3A_640 = arith.addf %parallel_loop3A_624, %parallel_loop3A_639 : vector<16xf32>
        %parallel_loop3A_641 = arith.mulf %parallel_loop3A_638, %parallel_loop3A_268 : vector<16xf32>
        %parallel_loop3A_642 = arith.addf %parallel_loop3A_626, %parallel_loop3A_641 : vector<16xf32>
        %parallel_loop3A_643 = arith.addi %parallel_loop3A_600, %parallel_loop3A_283 : vector<16xi32>
        %parallel_loop3A_644 = tpu.vector_load_idx %arg6[%parallel_loop3A_643] : memref<6912xf32, #tpu.memory_space<vmem>>[vector<16xi32>], vector<16xf32>,
        %parallel_loop3A_645 = arith.mulf %parallel_loop3A_644, %parallel_loop3A_242 : vector<16xf32>
        %parallel_loop3A_646 = arith.addf %parallel_loop3A_630, %parallel_loop3A_645 : vector<16xf32>
        %parallel_loop3A_647 = arith.mulf %parallel_loop3A_644, %parallel_loop3A_263 : vector<16xf32>
        %parallel_loop3A_648 = arith.addf %parallel_loop3A_632, %parallel_loop3A_647 : vector<16xf32>
        %parallel_loop3A_649 = tpu.vector_load_idx %arg7[%parallel_loop3A_643] : memref<6912xf32, #tpu.memory_space<vmem>>[vector<16xi32>], vector<16xf32>,
        %parallel_loop3A_650 = arith.mulf %parallel_loop3A_649, %parallel_loop3A_242 : vector<16xf32>
        %parallel_loop3A_651 = arith.addf %parallel_loop3A_635, %parallel_loop3A_650 : vector<16xf32>
        %parallel_loop3A_652 = arith.mulf %parallel_loop3A_649, %parallel_loop3A_263 : vector<16xf32>
        %parallel_loop3A_653 = arith.addf %parallel_loop3A_637, %parallel_loop3A_652 : vector<16xf32>
        %parallel_loop3A_654 = tpu.vector_load_idx %arg8[%parallel_loop3A_643] : memref<6912xf32, #tpu.memory_space<vmem>>[vector<16xi32>], vector<16xf32>,
        %parallel_loop3A_655 = arith.mulf %parallel_loop3A_654, %parallel_loop3A_242 : vector<16xf32>
        %parallel_loop3A_656 = arith.addf %parallel_loop3A_640, %parallel_loop3A_655 : vector<16xf32>
        %parallel_loop3A_657 = arith.mulf %parallel_loop3A_654, %parallel_loop3A_263 : vector<16xf32>
        %parallel_loop3A_658 = arith.addf %parallel_loop3A_642, %parallel_loop3A_657 : vector<16xf32>
        %parallel_loop3A_659 = arith.mulf %parallel_loop3A_136, %parallel_loop3A_646 : vector<16xf32>
        %parallel_loop3A_660 = arith.mulf %parallel_loop3A_160, %parallel_loop3A_646 : vector<16xf32>
        %parallel_loop3A_661 = arith.mulf %parallel_loop3A_136, %parallel_loop3A_648 : vector<16xf32>
        %parallel_loop3A_662 = arith.mulf %parallel_loop3A_136, %parallel_loop3A_651 : vector<16xf32>
        %parallel_loop3A_663 = arith.mulf %parallel_loop3A_160, %parallel_loop3A_651 : vector<16xf32>
        %parallel_loop3A_664 = arith.mulf %parallel_loop3A_136, %parallel_loop3A_653 : vector<16xf32>
        %parallel_loop3A_665 = arith.mulf %parallel_loop3A_136, %parallel_loop3A_656 : vector<16xf32>
        %parallel_loop3A_666 = arith.mulf %parallel_loop3A_160, %parallel_loop3A_656 : vector<16xf32>
        %parallel_loop3A_667 = arith.mulf %parallel_loop3A_136, %parallel_loop3A_658 : vector<16xf32>
        %parallel_loop3A_668 = arith.addi %parallel_loop3A_103, %parallel_loop3A_193 : vector<16xi32>
        %parallel_loop3A_669 = arith.addi %parallel_loop3A_668, %parallel_loop3A_274 : vector<16xi32>
        %parallel_loop3A_670 = tpu.vector_load_idx %arg6[%parallel_loop3A_669] : memref<6912xf32, #tpu.memory_space<vmem>>[vector<16xi32>], vector<16xf32>,
        %parallel_loop3A_671 = arith.mulf %parallel_loop3A_670, %parallel_loop3A_226 : vector<16xf32>
        %parallel_loop3A_672 = arith.mulf %parallel_loop3A_670, %parallel_loop3A_250 : vector<16xf32>
        %parallel_loop3A_673 = tpu.vector_load_idx %arg7[%parallel_loop3A_669] : memref<6912xf32, #tpu.memory_space<vmem>>[vector<16xi32>], vector<16xf32>,
        %parallel_loop3A_674 = arith.mulf %parallel_loop3A_673, %parallel_loop3A_226 : vector<16xf32>
        %parallel_loop3A_675 = arith.mulf %parallel_loop3A_673, %parallel_loop3A_250 : vector<16xf32>
        %parallel_loop3A_676 = tpu.vector_load_idx %arg8[%parallel_loop3A_669] : memref<6912xf32, #tpu.memory_space<vmem>>[vector<16xi32>], vector<16xf32>,
        %parallel_loop3A_677 = arith.mulf %parallel_loop3A_676, %parallel_loop3A_226 : vector<16xf32>
        %parallel_loop3A_678 = arith.mulf %parallel_loop3A_676, %parallel_loop3A_250 : vector<16xf32>
        %parallel_loop3A_679 = arith.addi %parallel_loop3A_668, %parallel_loop3A_277 : vector<16xi32>
        %parallel_loop3A_680 = tpu.vector_load_idx %arg6[%parallel_loop3A_679] : memref<6912xf32, #tpu.memory_space<vmem>>[vector<16xi32>], vector<16xf32>,
        %parallel_loop3A_681 = arith.mulf %parallel_loop3A_680, %parallel_loop3A_239 : vector<16xf32>
        %parallel_loop3A_682 = arith.addf %parallel_loop3A_671, %parallel_loop3A_681 : vector<16xf32>
        %parallel_loop3A_683 = arith.mulf %parallel_loop3A_680, %parallel_loop3A_260 : vector<16xf32>
        %parallel_loop3A_684 = arith.addf %parallel_loop3A_672, %parallel_loop3A_683 : vector<16xf32>
        %parallel_loop3A_685 = tpu.vector_load_idx %arg7[%parallel_loop3A_679] : memref<6912xf32, #tpu.memory_space<vmem>>[vector<16xi32>], vector<16xf32>,
        %parallel_loop3A_686 = arith.mulf %parallel_loop3A_685, %parallel_loop3A_239 : vector<16xf32>
        %parallel_loop3A_687 = arith.addf %parallel_loop3A_674, %parallel_loop3A_686 : vector<16xf32>
        %parallel_loop3A_688 = arith.mulf %parallel_loop3A_685, %parallel_loop3A_260 : vector<16xf32>
        %parallel_loop3A_689 = arith.addf %parallel_loop3A_675, %parallel_loop3A_688 : vector<16xf32>
        %parallel_loop3A_690 = tpu.vector_load_idx %arg8[%parallel_loop3A_679] : memref<6912xf32, #tpu.memory_space<vmem>>[vector<16xi32>], vector<16xf32>,
        %parallel_loop3A_691 = arith.mulf %parallel_loop3A_690, %parallel_loop3A_239 : vector<16xf32>
        %parallel_loop3A_692 = arith.addf %parallel_loop3A_677, %parallel_loop3A_691 : vector<16xf32>
        %parallel_loop3A_693 = arith.mulf %parallel_loop3A_690, %parallel_loop3A_260 : vector<16xf32>
        %parallel_loop3A_694 = arith.addf %parallel_loop3A_678, %parallel_loop3A_693 : vector<16xf32>
        %parallel_loop3A_695 = arith.addi %parallel_loop3A_668, %parallel_loop3A_280 : vector<16xi32>
        %parallel_loop3A_696 = tpu.vector_load_idx %arg6[%parallel_loop3A_695] : memref<6912xf32, #tpu.memory_space<vmem>>[vector<16xi32>], vector<16xf32>,
        %parallel_loop3A_697 = arith.mulf %parallel_loop3A_696, %parallel_loop3A_247 : vector<16xf32>
        %parallel_loop3A_698 = arith.addf %parallel_loop3A_682, %parallel_loop3A_697 : vector<16xf32>
        %parallel_loop3A_699 = arith.mulf %parallel_loop3A_696, %parallel_loop3A_268 : vector<16xf32>
        %parallel_loop3A_700 = arith.addf %parallel_loop3A_684, %parallel_loop3A_699 : vector<16xf32>
        %parallel_loop3A_701 = tpu.vector_load_idx %arg7[%parallel_loop3A_695] : memref<6912xf32, #tpu.memory_space<vmem>>[vector<16xi32>], vector<16xf32>,
        %parallel_loop3A_702 = arith.mulf %parallel_loop3A_701, %parallel_loop3A_247 : vector<16xf32>
        %parallel_loop3A_703 = arith.addf %parallel_loop3A_687, %parallel_loop3A_702 : vector<16xf32>
        %parallel_loop3A_704 = arith.mulf %parallel_loop3A_701, %parallel_loop3A_268 : vector<16xf32>
        %parallel_loop3A_705 = arith.addf %parallel_loop3A_689, %parallel_loop3A_704 : vector<16xf32>
        %parallel_loop3A_706 = tpu.vector_load_idx %arg8[%parallel_loop3A_695] : memref<6912xf32, #tpu.memory_space<vmem>>[vector<16xi32>], vector<16xf32>,
        %parallel_loop3A_707 = arith.mulf %parallel_loop3A_706, %parallel_loop3A_247 : vector<16xf32>
        %parallel_loop3A_708 = arith.addf %parallel_loop3A_692, %parallel_loop3A_707 : vector<16xf32>
        %parallel_loop3A_709 = arith.mulf %parallel_loop3A_706, %parallel_loop3A_268 : vector<16xf32>
        %parallel_loop3A_710 = arith.addf %parallel_loop3A_694, %parallel_loop3A_709 : vector<16xf32>
        %parallel_loop3A_711 = arith.addi %parallel_loop3A_668, %parallel_loop3A_283 : vector<16xi32>
        %parallel_loop3A_712 = tpu.vector_load_idx %arg6[%parallel_loop3A_711] : memref<6912xf32, #tpu.memory_space<vmem>>[vector<16xi32>], vector<16xf32>,
        %parallel_loop3A_713 = arith.mulf %parallel_loop3A_712, %parallel_loop3A_242 : vector<16xf32>
        %parallel_loop3A_714 = arith.addf %parallel_loop3A_698, %parallel_loop3A_713 : vector<16xf32>
        %parallel_loop3A_715 = arith.mulf %parallel_loop3A_712, %parallel_loop3A_263 : vector<16xf32>
        %parallel_loop3A_716 = arith.addf %parallel_loop3A_700, %parallel_loop3A_715 : vector<16xf32>
        %parallel_loop3A_717 = tpu.vector_load_idx %arg7[%parallel_loop3A_711] : memref<6912xf32, #tpu.memory_space<vmem>>[vector<16xi32>], vector<16xf32>,
        %parallel_loop3A_718 = arith.mulf %parallel_loop3A_717, %parallel_loop3A_242 : vector<16xf32>
        %parallel_loop3A_719 = arith.addf %parallel_loop3A_703, %parallel_loop3A_718 : vector<16xf32>
        %parallel_loop3A_720 = arith.mulf %parallel_loop3A_717, %parallel_loop3A_263 : vector<16xf32>
        %parallel_loop3A_721 = arith.addf %parallel_loop3A_705, %parallel_loop3A_720 : vector<16xf32>
        %parallel_loop3A_722 = tpu.vector_load_idx %arg8[%parallel_loop3A_711] : memref<6912xf32, #tpu.memory_space<vmem>>[vector<16xi32>], vector<16xf32>,
        %parallel_loop3A_723 = arith.mulf %parallel_loop3A_722, %parallel_loop3A_242 : vector<16xf32>
        %parallel_loop3A_724 = arith.addf %parallel_loop3A_708, %parallel_loop3A_723 : vector<16xf32>
        %parallel_loop3A_725 = arith.mulf %parallel_loop3A_722, %parallel_loop3A_263 : vector<16xf32>
        %parallel_loop3A_726 = arith.addf %parallel_loop3A_710, %parallel_loop3A_725 : vector<16xf32>
        %parallel_loop3A_727 = arith.mulf %parallel_loop3A_149, %parallel_loop3A_714 : vector<16xf32>
        %parallel_loop3A_728 = arith.addf %parallel_loop3A_659, %parallel_loop3A_727 : vector<16xf32>
        %parallel_loop3A_729 = arith.mulf %parallel_loop3A_170, %parallel_loop3A_714 : vector<16xf32>
        %parallel_loop3A_730 = arith.addf %parallel_loop3A_660, %parallel_loop3A_729 : vector<16xf32>
        %parallel_loop3A_731 = arith.mulf %parallel_loop3A_149, %parallel_loop3A_716 : vector<16xf32>
        %parallel_loop3A_732 = arith.addf %parallel_loop3A_661, %parallel_loop3A_731 : vector<16xf32>
        %parallel_loop3A_733 = arith.mulf %parallel_loop3A_149, %parallel_loop3A_719 : vector<16xf32>
        %parallel_loop3A_734 = arith.addf %parallel_loop3A_662, %parallel_loop3A_733 : vector<16xf32>
        %parallel_loop3A_735 = arith.mulf %parallel_loop3A_170, %parallel_loop3A_719 : vector<16xf32>
        %parallel_loop3A_736 = arith.addf %parallel_loop3A_663, %parallel_loop3A_735 : vector<16xf32>
        %parallel_loop3A_737 = arith.mulf %parallel_loop3A_149, %parallel_loop3A_721 : vector<16xf32>
        %parallel_loop3A_738 = arith.addf %parallel_loop3A_664, %parallel_loop3A_737 : vector<16xf32>
        %parallel_loop3A_739 = arith.mulf %parallel_loop3A_149, %parallel_loop3A_724 : vector<16xf32>
        %parallel_loop3A_740 = arith.addf %parallel_loop3A_665, %parallel_loop3A_739 : vector<16xf32>
        %parallel_loop3A_741 = arith.mulf %parallel_loop3A_170, %parallel_loop3A_724 : vector<16xf32>
        %parallel_loop3A_742 = arith.addf %parallel_loop3A_666, %parallel_loop3A_741 : vector<16xf32>
        %parallel_loop3A_743 = arith.mulf %parallel_loop3A_149, %parallel_loop3A_726 : vector<16xf32>
        %parallel_loop3A_744 = arith.addf %parallel_loop3A_667, %parallel_loop3A_743 : vector<16xf32>
        %parallel_loop3A_745 = arith.addi %parallel_loop3A_103, %parallel_loop3A_199 : vector<16xi32>
        %parallel_loop3A_746 = arith.addi %parallel_loop3A_745, %parallel_loop3A_274 : vector<16xi32>
        %parallel_loop3A_747 = tpu.vector_load_idx %arg6[%parallel_loop3A_746] : memref<6912xf32, #tpu.memory_space<vmem>>[vector<16xi32>], vector<16xf32>,
        %parallel_loop3A_748 = arith.mulf %parallel_loop3A_747, %parallel_loop3A_226 : vector<16xf32>
        %parallel_loop3A_749 = arith.mulf %parallel_loop3A_747, %parallel_loop3A_250 : vector<16xf32>
        %parallel_loop3A_750 = tpu.vector_load_idx %arg7[%parallel_loop3A_746] : memref<6912xf32, #tpu.memory_space<vmem>>[vector<16xi32>], vector<16xf32>,
        %parallel_loop3A_751 = arith.mulf %parallel_loop3A_750, %parallel_loop3A_226 : vector<16xf32>
        %parallel_loop3A_752 = arith.mulf %parallel_loop3A_750, %parallel_loop3A_250 : vector<16xf32>
        %parallel_loop3A_753 = tpu.vector_load_idx %arg8[%parallel_loop3A_746] : memref<6912xf32, #tpu.memory_space<vmem>>[vector<16xi32>], vector<16xf32>,
        %parallel_loop3A_754 = arith.mulf %parallel_loop3A_753, %parallel_loop3A_226 : vector<16xf32>
        %parallel_loop3A_755 = arith.mulf %parallel_loop3A_753, %parallel_loop3A_250 : vector<16xf32>
        %parallel_loop3A_756 = arith.addi %parallel_loop3A_745, %parallel_loop3A_277 : vector<16xi32>
        %parallel_loop3A_757 = tpu.vector_load_idx %arg6[%parallel_loop3A_756] : memref<6912xf32, #tpu.memory_space<vmem>>[vector<16xi32>], vector<16xf32>,
        %parallel_loop3A_758 = arith.mulf %parallel_loop3A_757, %parallel_loop3A_239 : vector<16xf32>
        %parallel_loop3A_759 = arith.addf %parallel_loop3A_748, %parallel_loop3A_758 : vector<16xf32>
        %parallel_loop3A_760 = arith.mulf %parallel_loop3A_757, %parallel_loop3A_260 : vector<16xf32>
        %parallel_loop3A_761 = arith.addf %parallel_loop3A_749, %parallel_loop3A_760 : vector<16xf32>
        %parallel_loop3A_762 = tpu.vector_load_idx %arg7[%parallel_loop3A_756] : memref<6912xf32, #tpu.memory_space<vmem>>[vector<16xi32>], vector<16xf32>,
        %parallel_loop3A_763 = arith.mulf %parallel_loop3A_762, %parallel_loop3A_239 : vector<16xf32>
        %parallel_loop3A_764 = arith.addf %parallel_loop3A_751, %parallel_loop3A_763 : vector<16xf32>
        %parallel_loop3A_765 = arith.mulf %parallel_loop3A_762, %parallel_loop3A_260 : vector<16xf32>
        %parallel_loop3A_766 = arith.addf %parallel_loop3A_752, %parallel_loop3A_765 : vector<16xf32>
        %parallel_loop3A_767 = tpu.vector_load_idx %arg8[%parallel_loop3A_756] : memref<6912xf32, #tpu.memory_space<vmem>>[vector<16xi32>], vector<16xf32>,
        %parallel_loop3A_768 = arith.mulf %parallel_loop3A_767, %parallel_loop3A_239 : vector<16xf32>
        %parallel_loop3A_769 = arith.addf %parallel_loop3A_754, %parallel_loop3A_768 : vector<16xf32>
        %parallel_loop3A_770 = arith.mulf %parallel_loop3A_767, %parallel_loop3A_260 : vector<16xf32>
        %parallel_loop3A_771 = arith.addf %parallel_loop3A_755, %parallel_loop3A_770 : vector<16xf32>
        %parallel_loop3A_772 = arith.addi %parallel_loop3A_745, %parallel_loop3A_280 : vector<16xi32>
        %parallel_loop3A_773 = tpu.vector_load_idx %arg6[%parallel_loop3A_772] : memref<6912xf32, #tpu.memory_space<vmem>>[vector<16xi32>], vector<16xf32>,
        %parallel_loop3A_774 = arith.mulf %parallel_loop3A_773, %parallel_loop3A_247 : vector<16xf32>
        %parallel_loop3A_775 = arith.addf %parallel_loop3A_759, %parallel_loop3A_774 : vector<16xf32>
        %parallel_loop3A_776 = arith.mulf %parallel_loop3A_773, %parallel_loop3A_268 : vector<16xf32>
        %parallel_loop3A_777 = arith.addf %parallel_loop3A_761, %parallel_loop3A_776 : vector<16xf32>
        %parallel_loop3A_778 = tpu.vector_load_idx %arg7[%parallel_loop3A_772] : memref<6912xf32, #tpu.memory_space<vmem>>[vector<16xi32>], vector<16xf32>,
        %parallel_loop3A_779 = arith.mulf %parallel_loop3A_778, %parallel_loop3A_247 : vector<16xf32>
        %parallel_loop3A_780 = arith.addf %parallel_loop3A_764, %parallel_loop3A_779 : vector<16xf32>
        %parallel_loop3A_781 = arith.mulf %parallel_loop3A_778, %parallel_loop3A_268 : vector<16xf32>
        %parallel_loop3A_782 = arith.addf %parallel_loop3A_766, %parallel_loop3A_781 : vector<16xf32>
        %parallel_loop3A_783 = tpu.vector_load_idx %arg8[%parallel_loop3A_772] : memref<6912xf32, #tpu.memory_space<vmem>>[vector<16xi32>], vector<16xf32>,
        %parallel_loop3A_784 = arith.mulf %parallel_loop3A_783, %parallel_loop3A_247 : vector<16xf32>
        %parallel_loop3A_785 = arith.addf %parallel_loop3A_769, %parallel_loop3A_784 : vector<16xf32>
        %parallel_loop3A_786 = arith.mulf %parallel_loop3A_783, %parallel_loop3A_268 : vector<16xf32>
        %parallel_loop3A_787 = arith.addf %parallel_loop3A_771, %parallel_loop3A_786 : vector<16xf32>
        %parallel_loop3A_788 = arith.addi %parallel_loop3A_745, %parallel_loop3A_283 : vector<16xi32>
        %parallel_loop3A_789 = tpu.vector_load_idx %arg6[%parallel_loop3A_788] : memref<6912xf32, #tpu.memory_space<vmem>>[vector<16xi32>], vector<16xf32>,
        %parallel_loop3A_790 = arith.mulf %parallel_loop3A_789, %parallel_loop3A_242 : vector<16xf32>
        %parallel_loop3A_791 = arith.addf %parallel_loop3A_775, %parallel_loop3A_790 : vector<16xf32>
        %parallel_loop3A_792 = arith.mulf %parallel_loop3A_789, %parallel_loop3A_263 : vector<16xf32>
        %parallel_loop3A_793 = arith.addf %parallel_loop3A_777, %parallel_loop3A_792 : vector<16xf32>
        %parallel_loop3A_794 = tpu.vector_load_idx %arg7[%parallel_loop3A_788] : memref<6912xf32, #tpu.memory_space<vmem>>[vector<16xi32>], vector<16xf32>,
        %parallel_loop3A_795 = arith.mulf %parallel_loop3A_794, %parallel_loop3A_242 : vector<16xf32>
        %parallel_loop3A_796 = arith.addf %parallel_loop3A_780, %parallel_loop3A_795 : vector<16xf32>
        %parallel_loop3A_797 = arith.mulf %parallel_loop3A_794, %parallel_loop3A_263 : vector<16xf32>
        %parallel_loop3A_798 = arith.addf %parallel_loop3A_782, %parallel_loop3A_797 : vector<16xf32>
        %parallel_loop3A_799 = tpu.vector_load_idx %arg8[%parallel_loop3A_788] : memref<6912xf32, #tpu.memory_space<vmem>>[vector<16xi32>], vector<16xf32>,
        %parallel_loop3A_800 = arith.mulf %parallel_loop3A_799, %parallel_loop3A_242 : vector<16xf32>
        %parallel_loop3A_801 = arith.addf %parallel_loop3A_785, %parallel_loop3A_800 : vector<16xf32>
        %parallel_loop3A_802 = arith.mulf %parallel_loop3A_799, %parallel_loop3A_263 : vector<16xf32>
        %parallel_loop3A_803 = arith.addf %parallel_loop3A_787, %parallel_loop3A_802 : vector<16xf32>
        %parallel_loop3A_804 = arith.mulf %parallel_loop3A_157, %parallel_loop3A_791 : vector<16xf32>
        %parallel_loop3A_805 = arith.addf %parallel_loop3A_728, %parallel_loop3A_804 : vector<16xf32>
        %parallel_loop3A_806 = arith.mulf %parallel_loop3A_178, %parallel_loop3A_791 : vector<16xf32>
        %parallel_loop3A_807 = arith.addf %parallel_loop3A_730, %parallel_loop3A_806 : vector<16xf32>
        %parallel_loop3A_808 = arith.mulf %parallel_loop3A_157, %parallel_loop3A_793 : vector<16xf32>
        %parallel_loop3A_809 = arith.addf %parallel_loop3A_732, %parallel_loop3A_808 : vector<16xf32>
        %parallel_loop3A_810 = arith.mulf %parallel_loop3A_157, %parallel_loop3A_796 : vector<16xf32>
        %parallel_loop3A_811 = arith.addf %parallel_loop3A_734, %parallel_loop3A_810 : vector<16xf32>
        %parallel_loop3A_812 = arith.mulf %parallel_loop3A_178, %parallel_loop3A_796 : vector<16xf32>
        %parallel_loop3A_813 = arith.addf %parallel_loop3A_736, %parallel_loop3A_812 : vector<16xf32>
        %parallel_loop3A_814 = arith.mulf %parallel_loop3A_157, %parallel_loop3A_798 : vector<16xf32>
        %parallel_loop3A_815 = arith.addf %parallel_loop3A_738, %parallel_loop3A_814 : vector<16xf32>
        %parallel_loop3A_816 = arith.mulf %parallel_loop3A_157, %parallel_loop3A_801 : vector<16xf32>
        %parallel_loop3A_817 = arith.addf %parallel_loop3A_740, %parallel_loop3A_816 : vector<16xf32>
        %parallel_loop3A_818 = arith.mulf %parallel_loop3A_178, %parallel_loop3A_801 : vector<16xf32>
        %parallel_loop3A_819 = arith.addf %parallel_loop3A_742, %parallel_loop3A_818 : vector<16xf32>
        %parallel_loop3A_820 = arith.mulf %parallel_loop3A_157, %parallel_loop3A_803 : vector<16xf32>
        %parallel_loop3A_821 = arith.addf %parallel_loop3A_744, %parallel_loop3A_820 : vector<16xf32>
        %parallel_loop3A_822 = arith.addi %parallel_loop3A_103, %parallel_loop3A_205 : vector<16xi32>
        %parallel_loop3A_823 = arith.addi %parallel_loop3A_822, %parallel_loop3A_274 : vector<16xi32>
        %parallel_loop3A_824 = tpu.vector_load_idx %arg6[%parallel_loop3A_823] : memref<6912xf32, #tpu.memory_space<vmem>>[vector<16xi32>], vector<16xf32>,
        %parallel_loop3A_825 = arith.mulf %parallel_loop3A_824, %parallel_loop3A_226 : vector<16xf32>
        %parallel_loop3A_826 = arith.mulf %parallel_loop3A_824, %parallel_loop3A_250 : vector<16xf32>
        %parallel_loop3A_827 = tpu.vector_load_idx %arg7[%parallel_loop3A_823] : memref<6912xf32, #tpu.memory_space<vmem>>[vector<16xi32>], vector<16xf32>,
        %parallel_loop3A_828 = arith.mulf %parallel_loop3A_827, %parallel_loop3A_226 : vector<16xf32>
        %parallel_loop3A_829 = arith.mulf %parallel_loop3A_827, %parallel_loop3A_250 : vector<16xf32>
        %parallel_loop3A_830 = tpu.vector_load_idx %arg8[%parallel_loop3A_823] : memref<6912xf32, #tpu.memory_space<vmem>>[vector<16xi32>], vector<16xf32>,
        %parallel_loop3A_831 = arith.mulf %parallel_loop3A_830, %parallel_loop3A_226 : vector<16xf32>
        %parallel_loop3A_832 = arith.mulf %parallel_loop3A_830, %parallel_loop3A_250 : vector<16xf32>
        %parallel_loop3A_833 = arith.addi %parallel_loop3A_822, %parallel_loop3A_277 : vector<16xi32>
        %parallel_loop3A_834 = tpu.vector_load_idx %arg6[%parallel_loop3A_833] : memref<6912xf32, #tpu.memory_space<vmem>>[vector<16xi32>], vector<16xf32>,
        %parallel_loop3A_835 = arith.mulf %parallel_loop3A_834, %parallel_loop3A_239 : vector<16xf32>
        %parallel_loop3A_836 = arith.addf %parallel_loop3A_825, %parallel_loop3A_835 : vector<16xf32>
        %parallel_loop3A_837 = arith.mulf %parallel_loop3A_834, %parallel_loop3A_260 : vector<16xf32>
        %parallel_loop3A_838 = arith.addf %parallel_loop3A_826, %parallel_loop3A_837 : vector<16xf32>
        %parallel_loop3A_839 = tpu.vector_load_idx %arg7[%parallel_loop3A_833] : memref<6912xf32, #tpu.memory_space<vmem>>[vector<16xi32>], vector<16xf32>,
        %parallel_loop3A_840 = arith.mulf %parallel_loop3A_839, %parallel_loop3A_239 : vector<16xf32>
        %parallel_loop3A_841 = arith.addf %parallel_loop3A_828, %parallel_loop3A_840 : vector<16xf32>
        %parallel_loop3A_842 = arith.mulf %parallel_loop3A_839, %parallel_loop3A_260 : vector<16xf32>
        %parallel_loop3A_843 = arith.addf %parallel_loop3A_829, %parallel_loop3A_842 : vector<16xf32>
        %parallel_loop3A_844 = tpu.vector_load_idx %arg8[%parallel_loop3A_833] : memref<6912xf32, #tpu.memory_space<vmem>>[vector<16xi32>], vector<16xf32>,
        %parallel_loop3A_845 = arith.mulf %parallel_loop3A_844, %parallel_loop3A_239 : vector<16xf32>
        %parallel_loop3A_846 = arith.addf %parallel_loop3A_831, %parallel_loop3A_845 : vector<16xf32>
        %parallel_loop3A_847 = arith.mulf %parallel_loop3A_844, %parallel_loop3A_260 : vector<16xf32>
        %parallel_loop3A_848 = arith.addf %parallel_loop3A_832, %parallel_loop3A_847 : vector<16xf32>
        %parallel_loop3A_849 = arith.addi %parallel_loop3A_822, %parallel_loop3A_280 : vector<16xi32>
        %parallel_loop3A_850 = tpu.vector_load_idx %arg6[%parallel_loop3A_849] : memref<6912xf32, #tpu.memory_space<vmem>>[vector<16xi32>], vector<16xf32>,
        %parallel_loop3A_851 = arith.mulf %parallel_loop3A_850, %parallel_loop3A_247 : vector<16xf32>
        %parallel_loop3A_852 = arith.addf %parallel_loop3A_836, %parallel_loop3A_851 : vector<16xf32>
        %parallel_loop3A_853 = arith.mulf %parallel_loop3A_850, %parallel_loop3A_268 : vector<16xf32>
        %parallel_loop3A_854 = arith.addf %parallel_loop3A_838, %parallel_loop3A_853 : vector<16xf32>
        %parallel_loop3A_855 = tpu.vector_load_idx %arg7[%parallel_loop3A_849] : memref<6912xf32, #tpu.memory_space<vmem>>[vector<16xi32>], vector<16xf32>,
        %parallel_loop3A_856 = arith.mulf %parallel_loop3A_855, %parallel_loop3A_247 : vector<16xf32>
        %parallel_loop3A_857 = arith.addf %parallel_loop3A_841, %parallel_loop3A_856 : vector<16xf32>
        %parallel_loop3A_858 = arith.mulf %parallel_loop3A_855, %parallel_loop3A_268 : vector<16xf32>
        %parallel_loop3A_859 = arith.addf %parallel_loop3A_843, %parallel_loop3A_858 : vector<16xf32>
        %parallel_loop3A_860 = tpu.vector_load_idx %arg8[%parallel_loop3A_849] : memref<6912xf32, #tpu.memory_space<vmem>>[vector<16xi32>], vector<16xf32>,
        %parallel_loop3A_861 = arith.mulf %parallel_loop3A_860, %parallel_loop3A_247 : vector<16xf32>
        %parallel_loop3A_862 = arith.addf %parallel_loop3A_846, %parallel_loop3A_861 : vector<16xf32>
        %parallel_loop3A_863 = arith.mulf %parallel_loop3A_860, %parallel_loop3A_268 : vector<16xf32>
        %parallel_loop3A_864 = arith.addf %parallel_loop3A_848, %parallel_loop3A_863 : vector<16xf32>
        %parallel_loop3A_865 = arith.addi %parallel_loop3A_822, %parallel_loop3A_283 : vector<16xi32>
        %parallel_loop3A_866 = tpu.vector_load_idx %arg6[%parallel_loop3A_865] : memref<6912xf32, #tpu.memory_space<vmem>>[vector<16xi32>], vector<16xf32>,
        %parallel_loop3A_867 = arith.mulf %parallel_loop3A_866, %parallel_loop3A_242 : vector<16xf32>
        %parallel_loop3A_868 = arith.addf %parallel_loop3A_852, %parallel_loop3A_867 : vector<16xf32>
        %parallel_loop3A_869 = arith.mulf %parallel_loop3A_866, %parallel_loop3A_263 : vector<16xf32>
        %parallel_loop3A_870 = arith.addf %parallel_loop3A_854, %parallel_loop3A_869 : vector<16xf32>
        %parallel_loop3A_871 = tpu.vector_load_idx %arg7[%parallel_loop3A_865] : memref<6912xf32, #tpu.memory_space<vmem>>[vector<16xi32>], vector<16xf32>,
        %parallel_loop3A_872 = arith.mulf %parallel_loop3A_871, %parallel_loop3A_242 : vector<16xf32>
        %parallel_loop3A_873 = arith.addf %parallel_loop3A_857, %parallel_loop3A_872 : vector<16xf32>
        %parallel_loop3A_874 = arith.mulf %parallel_loop3A_871, %parallel_loop3A_263 : vector<16xf32>
        %parallel_loop3A_875 = arith.addf %parallel_loop3A_859, %parallel_loop3A_874 : vector<16xf32>
        %parallel_loop3A_876 = tpu.vector_load_idx %arg8[%parallel_loop3A_865] : memref<6912xf32, #tpu.memory_space<vmem>>[vector<16xi32>], vector<16xf32>,
        %parallel_loop3A_877 = arith.mulf %parallel_loop3A_876, %parallel_loop3A_242 : vector<16xf32>
        %parallel_loop3A_878 = arith.addf %parallel_loop3A_862, %parallel_loop3A_877 : vector<16xf32>
        %parallel_loop3A_879 = arith.mulf %parallel_loop3A_876, %parallel_loop3A_263 : vector<16xf32>
        %parallel_loop3A_880 = arith.addf %parallel_loop3A_864, %parallel_loop3A_879 : vector<16xf32>
        %parallel_loop3A_881 = arith.mulf %parallel_loop3A_152, %parallel_loop3A_868 : vector<16xf32>
        %parallel_loop3A_882 = arith.addf %parallel_loop3A_805, %parallel_loop3A_881 : vector<16xf32>
        %parallel_loop3A_883 = arith.mulf %parallel_loop3A_173, %parallel_loop3A_868 : vector<16xf32>
        %parallel_loop3A_884 = arith.addf %parallel_loop3A_807, %parallel_loop3A_883 : vector<16xf32>
        %parallel_loop3A_885 = arith.mulf %parallel_loop3A_152, %parallel_loop3A_870 : vector<16xf32>
        %parallel_loop3A_886 = arith.addf %parallel_loop3A_809, %parallel_loop3A_885 : vector<16xf32>
        %parallel_loop3A_887 = arith.mulf %parallel_loop3A_152, %parallel_loop3A_873 : vector<16xf32>
        %parallel_loop3A_888 = arith.addf %parallel_loop3A_811, %parallel_loop3A_887 : vector<16xf32>
        %parallel_loop3A_889 = arith.mulf %parallel_loop3A_173, %parallel_loop3A_873 : vector<16xf32>
        %parallel_loop3A_890 = arith.addf %parallel_loop3A_813, %parallel_loop3A_889 : vector<16xf32>
        %parallel_loop3A_891 = arith.mulf %parallel_loop3A_152, %parallel_loop3A_875 : vector<16xf32>
        %parallel_loop3A_892 = arith.addf %parallel_loop3A_815, %parallel_loop3A_891 : vector<16xf32>
        %parallel_loop3A_893 = arith.mulf %parallel_loop3A_152, %parallel_loop3A_878 : vector<16xf32>
        %parallel_loop3A_894 = arith.addf %parallel_loop3A_817, %parallel_loop3A_893 : vector<16xf32>
        %parallel_loop3A_895 = arith.mulf %parallel_loop3A_173, %parallel_loop3A_878 : vector<16xf32>
        %parallel_loop3A_896 = arith.addf %parallel_loop3A_819, %parallel_loop3A_895 : vector<16xf32>
        %parallel_loop3A_897 = arith.mulf %parallel_loop3A_152, %parallel_loop3A_880 : vector<16xf32>
        %parallel_loop3A_898 = arith.addf %parallel_loop3A_821, %parallel_loop3A_897 : vector<16xf32>
        %parallel_loop3A_899 = arith.mulf %parallel_loop3A_59, %parallel_loop3A_882 : vector<16xf32>
        %parallel_loop3A_900 = arith.addf %parallel_loop3A_585, %parallel_loop3A_899 : vector<16xf32>
        %parallel_loop3A_901 = arith.mulf %parallel_loop3A_80, %parallel_loop3A_882 : vector<16xf32>
        %parallel_loop3A_902 = arith.addf %parallel_loop3A_587, %parallel_loop3A_901 : vector<16xf32>
        %parallel_loop3A_903 = arith.mulf %parallel_loop3A_59, %parallel_loop3A_884 : vector<16xf32>
        %parallel_loop3A_904 = arith.addf %parallel_loop3A_588, %parallel_loop3A_903 : vector<16xf32>
        %parallel_loop3A_905 = arith.mulf %parallel_loop3A_59, %parallel_loop3A_886 : vector<16xf32>
        %parallel_loop3A_906 = arith.addf %parallel_loop3A_589, %parallel_loop3A_905 : vector<16xf32>
        %parallel_loop3A_907 = arith.mulf %parallel_loop3A_59, %parallel_loop3A_888 : vector<16xf32>
        %parallel_loop3A_908 = arith.addf %parallel_loop3A_590, %parallel_loop3A_907 : vector<16xf32>
        %parallel_loop3A_909 = arith.mulf %parallel_loop3A_80, %parallel_loop3A_888 : vector<16xf32>
        %parallel_loop3A_910 = arith.addf %parallel_loop3A_591, %parallel_loop3A_909 : vector<16xf32>
        %parallel_loop3A_911 = arith.mulf %parallel_loop3A_59, %parallel_loop3A_890 : vector<16xf32>
        %parallel_loop3A_912 = arith.addf %parallel_loop3A_593, %parallel_loop3A_911 : vector<16xf32>
        %parallel_loop3A_913 = arith.mulf %parallel_loop3A_59, %parallel_loop3A_892 : vector<16xf32>
        %parallel_loop3A_914 = arith.addf %parallel_loop3A_594, %parallel_loop3A_913 : vector<16xf32>
        %parallel_loop3A_915 = arith.mulf %parallel_loop3A_59, %parallel_loop3A_894 : vector<16xf32>
        %parallel_loop3A_916 = arith.addf %parallel_loop3A_595, %parallel_loop3A_915 : vector<16xf32>
        %parallel_loop3A_917 = arith.mulf %parallel_loop3A_80, %parallel_loop3A_894 : vector<16xf32>
        %parallel_loop3A_918 = arith.addf %parallel_loop3A_596, %parallel_loop3A_917 : vector<16xf32>
        %parallel_loop3A_919 = arith.mulf %parallel_loop3A_59, %parallel_loop3A_896 : vector<16xf32>
        %parallel_loop3A_920 = arith.addf %parallel_loop3A_597, %parallel_loop3A_919 : vector<16xf32>
        %parallel_loop3A_921 = arith.mulf %parallel_loop3A_59, %parallel_loop3A_898 : vector<16xf32>
        %parallel_loop3A_922 = arith.addf %parallel_loop3A_599, %parallel_loop3A_921 : vector<16xf32>
        %parallel_loop3A_923 = arith.addi %parallel_loop3A_109, %parallel_loop3A_187 : vector<16xi32>
        %parallel_loop3A_924 = arith.addi %parallel_loop3A_923, %parallel_loop3A_274 : vector<16xi32>
        %parallel_loop3A_925 = tpu.vector_load_idx %arg6[%parallel_loop3A_924] : memref<6912xf32, #tpu.memory_space<vmem>>[vector<16xi32>], vector<16xf32>,
        %parallel_loop3A_926 = arith.mulf %parallel_loop3A_925, %parallel_loop3A_226 : vector<16xf32>
        %parallel_loop3A_927 = arith.mulf %parallel_loop3A_925, %parallel_loop3A_250 : vector<16xf32>
        %parallel_loop3A_928 = tpu.vector_load_idx %arg7[%parallel_loop3A_924] : memref<6912xf32, #tpu.memory_space<vmem>>[vector<16xi32>], vector<16xf32>,
        %parallel_loop3A_929 = arith.mulf %parallel_loop3A_928, %parallel_loop3A_226 : vector<16xf32>
        %parallel_loop3A_930 = arith.mulf %parallel_loop3A_928, %parallel_loop3A_250 : vector<16xf32>
        %parallel_loop3A_931 = tpu.vector_load_idx %arg8[%parallel_loop3A_924] : memref<6912xf32, #tpu.memory_space<vmem>>[vector<16xi32>], vector<16xf32>,
        %parallel_loop3A_932 = arith.mulf %parallel_loop3A_931, %parallel_loop3A_226 : vector<16xf32>
        %parallel_loop3A_933 = arith.mulf %parallel_loop3A_931, %parallel_loop3A_250 : vector<16xf32>
        %parallel_loop3A_934 = arith.addi %parallel_loop3A_923, %parallel_loop3A_277 : vector<16xi32>
        %parallel_loop3A_935 = tpu.vector_load_idx %arg6[%parallel_loop3A_934] : memref<6912xf32, #tpu.memory_space<vmem>>[vector<16xi32>], vector<16xf32>,
        %parallel_loop3A_936 = arith.mulf %parallel_loop3A_935, %parallel_loop3A_239 : vector<16xf32>
        %parallel_loop3A_937 = arith.addf %parallel_loop3A_926, %parallel_loop3A_936 : vector<16xf32>
        %parallel_loop3A_938 = arith.mulf %parallel_loop3A_935, %parallel_loop3A_260 : vector<16xf32>
        %parallel_loop3A_939 = arith.addf %parallel_loop3A_927, %parallel_loop3A_938 : vector<16xf32>
        %parallel_loop3A_940 = tpu.vector_load_idx %arg7[%parallel_loop3A_934] : memref<6912xf32, #tpu.memory_space<vmem>>[vector<16xi32>], vector<16xf32>,
        %parallel_loop3A_941 = arith.mulf %parallel_loop3A_940, %parallel_loop3A_239 : vector<16xf32>
        %parallel_loop3A_942 = arith.addf %parallel_loop3A_929, %parallel_loop3A_941 : vector<16xf32>
        %parallel_loop3A_943 = arith.mulf %parallel_loop3A_940, %parallel_loop3A_260 : vector<16xf32>
        %parallel_loop3A_944 = arith.addf %parallel_loop3A_930, %parallel_loop3A_943 : vector<16xf32>
        %parallel_loop3A_945 = tpu.vector_load_idx %arg8[%parallel_loop3A_934] : memref<6912xf32, #tpu.memory_space<vmem>>[vector<16xi32>], vector<16xf32>,
        %parallel_loop3A_946 = arith.mulf %parallel_loop3A_945, %parallel_loop3A_239 : vector<16xf32>
        %parallel_loop3A_947 = arith.addf %parallel_loop3A_932, %parallel_loop3A_946 : vector<16xf32>
        %parallel_loop3A_948 = arith.mulf %parallel_loop3A_945, %parallel_loop3A_260 : vector<16xf32>
        %parallel_loop3A_949 = arith.addf %parallel_loop3A_933, %parallel_loop3A_948 : vector<16xf32>
        %parallel_loop3A_950 = arith.addi %parallel_loop3A_923, %parallel_loop3A_280 : vector<16xi32>
        %parallel_loop3A_951 = tpu.vector_load_idx %arg6[%parallel_loop3A_950] : memref<6912xf32, #tpu.memory_space<vmem>>[vector<16xi32>], vector<16xf32>,
        %parallel_loop3A_952 = arith.mulf %parallel_loop3A_951, %parallel_loop3A_247 : vector<16xf32>
        %parallel_loop3A_953 = arith.addf %parallel_loop3A_937, %parallel_loop3A_952 : vector<16xf32>
        %parallel_loop3A_954 = arith.mulf %parallel_loop3A_951, %parallel_loop3A_268 : vector<16xf32>
        %parallel_loop3A_955 = arith.addf %parallel_loop3A_939, %parallel_loop3A_954 : vector<16xf32>
        %parallel_loop3A_956 = tpu.vector_load_idx %arg7[%parallel_loop3A_950] : memref<6912xf32, #tpu.memory_space<vmem>>[vector<16xi32>], vector<16xf32>,
        %parallel_loop3A_957 = arith.mulf %parallel_loop3A_956, %parallel_loop3A_247 : vector<16xf32>
        %parallel_loop3A_958 = arith.addf %parallel_loop3A_942, %parallel_loop3A_957 : vector<16xf32>
        %parallel_loop3A_959 = arith.mulf %parallel_loop3A_956, %parallel_loop3A_268 : vector<16xf32>
        %parallel_loop3A_960 = arith.addf %parallel_loop3A_944, %parallel_loop3A_959 : vector<16xf32>
        %parallel_loop3A_961 = tpu.vector_load_idx %arg8[%parallel_loop3A_950] : memref<6912xf32, #tpu.memory_space<vmem>>[vector<16xi32>], vector<16xf32>,
        %parallel_loop3A_962 = arith.mulf %parallel_loop3A_961, %parallel_loop3A_247 : vector<16xf32>
        %parallel_loop3A_963 = arith.addf %parallel_loop3A_947, %parallel_loop3A_962 : vector<16xf32>
        %parallel_loop3A_964 = arith.mulf %parallel_loop3A_961, %parallel_loop3A_268 : vector<16xf32>
        %parallel_loop3A_965 = arith.addf %parallel_loop3A_949, %parallel_loop3A_964 : vector<16xf32>
        %parallel_loop3A_966 = arith.addi %parallel_loop3A_923, %parallel_loop3A_283 : vector<16xi32>
        %parallel_loop3A_967 = tpu.vector_load_idx %arg6[%parallel_loop3A_966] : memref<6912xf32, #tpu.memory_space<vmem>>[vector<16xi32>], vector<16xf32>,
        %parallel_loop3A_968 = arith.mulf %parallel_loop3A_967, %parallel_loop3A_242 : vector<16xf32>
        %parallel_loop3A_969 = arith.addf %parallel_loop3A_953, %parallel_loop3A_968 : vector<16xf32>
        %parallel_loop3A_970 = arith.mulf %parallel_loop3A_967, %parallel_loop3A_263 : vector<16xf32>
        %parallel_loop3A_971 = arith.addf %parallel_loop3A_955, %parallel_loop3A_970 : vector<16xf32>
        %parallel_loop3A_972 = tpu.vector_load_idx %arg7[%parallel_loop3A_966] : memref<6912xf32, #tpu.memory_space<vmem>>[vector<16xi32>], vector<16xf32>,
        %parallel_loop3A_973 = arith.mulf %parallel_loop3A_972, %parallel_loop3A_242 : vector<16xf32>
        %parallel_loop3A_974 = arith.addf %parallel_loop3A_958, %parallel_loop3A_973 : vector<16xf32>
        %parallel_loop3A_975 = arith.mulf %parallel_loop3A_972, %parallel_loop3A_263 : vector<16xf32>
        %parallel_loop3A_976 = arith.addf %parallel_loop3A_960, %parallel_loop3A_975 : vector<16xf32>
        %parallel_loop3A_977 = tpu.vector_load_idx %arg8[%parallel_loop3A_966] : memref<6912xf32, #tpu.memory_space<vmem>>[vector<16xi32>], vector<16xf32>,
        %parallel_loop3A_978 = arith.mulf %parallel_loop3A_977, %parallel_loop3A_242 : vector<16xf32>
        %parallel_loop3A_979 = arith.addf %parallel_loop3A_963, %parallel_loop3A_978 : vector<16xf32>
        %parallel_loop3A_980 = arith.mulf %parallel_loop3A_977, %parallel_loop3A_263 : vector<16xf32>
        %parallel_loop3A_981 = arith.addf %parallel_loop3A_965, %parallel_loop3A_980 : vector<16xf32>
        %parallel_loop3A_982 = arith.mulf %parallel_loop3A_136, %parallel_loop3A_969 : vector<16xf32>
        %parallel_loop3A_983 = arith.mulf %parallel_loop3A_160, %parallel_loop3A_969 : vector<16xf32>
        %parallel_loop3A_984 = arith.mulf %parallel_loop3A_136, %parallel_loop3A_971 : vector<16xf32>
        %parallel_loop3A_985 = arith.mulf %parallel_loop3A_136, %parallel_loop3A_974 : vector<16xf32>
        %parallel_loop3A_986 = arith.mulf %parallel_loop3A_160, %parallel_loop3A_974 : vector<16xf32>
        %parallel_loop3A_987 = arith.mulf %parallel_loop3A_136, %parallel_loop3A_976 : vector<16xf32>
        %parallel_loop3A_988 = arith.mulf %parallel_loop3A_136, %parallel_loop3A_979 : vector<16xf32>
        %parallel_loop3A_989 = arith.mulf %parallel_loop3A_160, %parallel_loop3A_979 : vector<16xf32>
        %parallel_loop3A_990 = arith.mulf %parallel_loop3A_136, %parallel_loop3A_981 : vector<16xf32>
        %parallel_loop3A_991 = arith.addi %parallel_loop3A_109, %parallel_loop3A_193 : vector<16xi32>
        %parallel_loop3A_992 = arith.addi %parallel_loop3A_991, %parallel_loop3A_274 : vector<16xi32>
        %parallel_loop3A_993 = tpu.vector_load_idx %arg6[%parallel_loop3A_992] : memref<6912xf32, #tpu.memory_space<vmem>>[vector<16xi32>], vector<16xf32>,
        %parallel_loop3A_994 = arith.mulf %parallel_loop3A_993, %parallel_loop3A_226 : vector<16xf32>
        %parallel_loop3A_995 = arith.mulf %parallel_loop3A_993, %parallel_loop3A_250 : vector<16xf32>
        %parallel_loop3A_996 = tpu.vector_load_idx %arg7[%parallel_loop3A_992] : memref<6912xf32, #tpu.memory_space<vmem>>[vector<16xi32>], vector<16xf32>,
        %parallel_loop3A_997 = arith.mulf %parallel_loop3A_996, %parallel_loop3A_226 : vector<16xf32>
        %parallel_loop3A_998 = arith.mulf %parallel_loop3A_996, %parallel_loop3A_250 : vector<16xf32>
        %parallel_loop3A_999 = tpu.vector_load_idx %arg8[%parallel_loop3A_992] : memref<6912xf32, #tpu.memory_space<vmem>>[vector<16xi32>], vector<16xf32>,
        %parallel_loop3A_1000 = arith.mulf %parallel_loop3A_999, %parallel_loop3A_226 : vector<16xf32>
        %parallel_loop3A_1001 = arith.mulf %parallel_loop3A_999, %parallel_loop3A_250 : vector<16xf32>
        %parallel_loop3A_1002 = arith.addi %parallel_loop3A_991, %parallel_loop3A_277 : vector<16xi32>
        %parallel_loop3A_1003 = tpu.vector_load_idx %arg6[%parallel_loop3A_1002] : memref<6912xf32, #tpu.memory_space<vmem>>[vector<16xi32>], vector<16xf32>,
        %parallel_loop3A_1004 = arith.mulf %parallel_loop3A_1003, %parallel_loop3A_239 : vector<16xf32>
        %parallel_loop3A_1005 = arith.addf %parallel_loop3A_994, %parallel_loop3A_1004 : vector<16xf32>
        %parallel_loop3A_1006 = arith.mulf %parallel_loop3A_1003, %parallel_loop3A_260 : vector<16xf32>
        %parallel_loop3A_1007 = arith.addf %parallel_loop3A_995, %parallel_loop3A_1006 : vector<16xf32>
        %parallel_loop3A_1008 = tpu.vector_load_idx %arg7[%parallel_loop3A_1002] : memref<6912xf32, #tpu.memory_space<vmem>>[vector<16xi32>], vector<16xf32>,
        %parallel_loop3A_1009 = arith.mulf %parallel_loop3A_1008, %parallel_loop3A_239 : vector<16xf32>
        %parallel_loop3A_1010 = arith.addf %parallel_loop3A_997, %parallel_loop3A_1009 : vector<16xf32>
        %parallel_loop3A_1011 = arith.mulf %parallel_loop3A_1008, %parallel_loop3A_260 : vector<16xf32>
        %parallel_loop3A_1012 = arith.addf %parallel_loop3A_998, %parallel_loop3A_1011 : vector<16xf32>
        %parallel_loop3A_1013 = tpu.vector_load_idx %arg8[%parallel_loop3A_1002] : memref<6912xf32, #tpu.memory_space<vmem>>[vector<16xi32>], vector<16xf32>,
        %parallel_loop3A_1014 = arith.mulf %parallel_loop3A_1013, %parallel_loop3A_239 : vector<16xf32>
        %parallel_loop3A_1015 = arith.addf %parallel_loop3A_1000, %parallel_loop3A_1014 : vector<16xf32>
        %parallel_loop3A_1016 = arith.mulf %parallel_loop3A_1013, %parallel_loop3A_260 : vector<16xf32>
        %parallel_loop3A_1017 = arith.addf %parallel_loop3A_1001, %parallel_loop3A_1016 : vector<16xf32>
        %parallel_loop3A_1018 = arith.addi %parallel_loop3A_991, %parallel_loop3A_280 : vector<16xi32>
        %parallel_loop3A_1019 = tpu.vector_load_idx %arg6[%parallel_loop3A_1018] : memref<6912xf32, #tpu.memory_space<vmem>>[vector<16xi32>], vector<16xf32>,
        %parallel_loop3A_1020 = arith.mulf %parallel_loop3A_1019, %parallel_loop3A_247 : vector<16xf32>
        %parallel_loop3A_1021 = arith.addf %parallel_loop3A_1005, %parallel_loop3A_1020 : vector<16xf32>
        %parallel_loop3A_1022 = arith.mulf %parallel_loop3A_1019, %parallel_loop3A_268 : vector<16xf32>
        %parallel_loop3A_1023 = arith.addf %parallel_loop3A_1007, %parallel_loop3A_1022 : vector<16xf32>
        %parallel_loop3A_1024 = tpu.vector_load_idx %arg7[%parallel_loop3A_1018] : memref<6912xf32, #tpu.memory_space<vmem>>[vector<16xi32>], vector<16xf32>,
        %parallel_loop3A_1025 = arith.mulf %parallel_loop3A_1024, %parallel_loop3A_247 : vector<16xf32>
        %parallel_loop3A_1026 = arith.addf %parallel_loop3A_1010, %parallel_loop3A_1025 : vector<16xf32>
        %parallel_loop3A_1027 = arith.mulf %parallel_loop3A_1024, %parallel_loop3A_268 : vector<16xf32>
        %parallel_loop3A_1028 = arith.addf %parallel_loop3A_1012, %parallel_loop3A_1027 : vector<16xf32>
        %parallel_loop3A_1029 = tpu.vector_load_idx %arg8[%parallel_loop3A_1018] : memref<6912xf32, #tpu.memory_space<vmem>>[vector<16xi32>], vector<16xf32>,
        %parallel_loop3A_1030 = arith.mulf %parallel_loop3A_1029, %parallel_loop3A_247 : vector<16xf32>
        %parallel_loop3A_1031 = arith.addf %parallel_loop3A_1015, %parallel_loop3A_1030 : vector<16xf32>
        %parallel_loop3A_1032 = arith.mulf %parallel_loop3A_1029, %parallel_loop3A_268 : vector<16xf32>
        %parallel_loop3A_1033 = arith.addf %parallel_loop3A_1017, %parallel_loop3A_1032 : vector<16xf32>
        %parallel_loop3A_1034 = arith.addi %parallel_loop3A_991, %parallel_loop3A_283 : vector<16xi32>
        %parallel_loop3A_1035 = tpu.vector_load_idx %arg6[%parallel_loop3A_1034] : memref<6912xf32, #tpu.memory_space<vmem>>[vector<16xi32>], vector<16xf32>,
        %parallel_loop3A_1036 = arith.mulf %parallel_loop3A_1035, %parallel_loop3A_242 : vector<16xf32>
        %parallel_loop3A_1037 = arith.addf %parallel_loop3A_1021, %parallel_loop3A_1036 : vector<16xf32>
        %parallel_loop3A_1038 = arith.mulf %parallel_loop3A_1035, %parallel_loop3A_263 : vector<16xf32>
        %parallel_loop3A_1039 = arith.addf %parallel_loop3A_1023, %parallel_loop3A_1038 : vector<16xf32>
        %parallel_loop3A_1040 = tpu.vector_load_idx %arg7[%parallel_loop3A_1034] : memref<6912xf32, #tpu.memory_space<vmem>>[vector<16xi32>], vector<16xf32>,
        %parallel_loop3A_1041 = arith.mulf %parallel_loop3A_1040, %parallel_loop3A_242 : vector<16xf32>
        %parallel_loop3A_1042 = arith.addf %parallel_loop3A_1026, %parallel_loop3A_1041 : vector<16xf32>
        %parallel_loop3A_1043 = arith.mulf %parallel_loop3A_1040, %parallel_loop3A_263 : vector<16xf32>
        %parallel_loop3A_1044 = arith.addf %parallel_loop3A_1028, %parallel_loop3A_1043 : vector<16xf32>
        %parallel_loop3A_1045 = tpu.vector_load_idx %arg8[%parallel_loop3A_1034] : memref<6912xf32, #tpu.memory_space<vmem>>[vector<16xi32>], vector<16xf32>,
        %parallel_loop3A_1046 = arith.mulf %parallel_loop3A_1045, %parallel_loop3A_242 : vector<16xf32>
        %parallel_loop3A_1047 = arith.addf %parallel_loop3A_1031, %parallel_loop3A_1046 : vector<16xf32>
        %parallel_loop3A_1048 = arith.mulf %parallel_loop3A_1045, %parallel_loop3A_263 : vector<16xf32>
        %parallel_loop3A_1049 = arith.addf %parallel_loop3A_1033, %parallel_loop3A_1048 : vector<16xf32>
        %parallel_loop3A_1050 = arith.mulf %parallel_loop3A_149, %parallel_loop3A_1037 : vector<16xf32>
        %parallel_loop3A_1051 = arith.addf %parallel_loop3A_982, %parallel_loop3A_1050 : vector<16xf32>
        %parallel_loop3A_1052 = arith.mulf %parallel_loop3A_170, %parallel_loop3A_1037 : vector<16xf32>
        %parallel_loop3A_1053 = arith.addf %parallel_loop3A_983, %parallel_loop3A_1052 : vector<16xf32>
        %parallel_loop3A_1054 = arith.mulf %parallel_loop3A_149, %parallel_loop3A_1039 : vector<16xf32>
        %parallel_loop3A_1055 = arith.addf %parallel_loop3A_984, %parallel_loop3A_1054 : vector<16xf32>
        %parallel_loop3A_1056 = arith.mulf %parallel_loop3A_149, %parallel_loop3A_1042 : vector<16xf32>
        %parallel_loop3A_1057 = arith.addf %parallel_loop3A_985, %parallel_loop3A_1056 : vector<16xf32>
        %parallel_loop3A_1058 = arith.mulf %parallel_loop3A_170, %parallel_loop3A_1042 : vector<16xf32>
        %parallel_loop3A_1059 = arith.addf %parallel_loop3A_986, %parallel_loop3A_1058 : vector<16xf32>
        %parallel_loop3A_1060 = arith.mulf %parallel_loop3A_149, %parallel_loop3A_1044 : vector<16xf32>
        %parallel_loop3A_1061 = arith.addf %parallel_loop3A_987, %parallel_loop3A_1060 : vector<16xf32>
        %parallel_loop3A_1062 = arith.mulf %parallel_loop3A_149, %parallel_loop3A_1047 : vector<16xf32>
        %parallel_loop3A_1063 = arith.addf %parallel_loop3A_988, %parallel_loop3A_1062 : vector<16xf32>
        %parallel_loop3A_1064 = arith.mulf %parallel_loop3A_170, %parallel_loop3A_1047 : vector<16xf32>
        %parallel_loop3A_1065 = arith.addf %parallel_loop3A_989, %parallel_loop3A_1064 : vector<16xf32>
        %parallel_loop3A_1066 = arith.mulf %parallel_loop3A_149, %parallel_loop3A_1049 : vector<16xf32>
        %parallel_loop3A_1067 = arith.addf %parallel_loop3A_990, %parallel_loop3A_1066 : vector<16xf32>
        %parallel_loop3A_1068 = arith.addi %parallel_loop3A_109, %parallel_loop3A_199 : vector<16xi32>
        %parallel_loop3A_1069 = arith.addi %parallel_loop3A_1068, %parallel_loop3A_274 : vector<16xi32>
        %parallel_loop3A_1070 = tpu.vector_load_idx %arg6[%parallel_loop3A_1069] : memref<6912xf32, #tpu.memory_space<vmem>>[vector<16xi32>], vector<16xf32>,
        %parallel_loop3A_1071 = arith.mulf %parallel_loop3A_1070, %parallel_loop3A_226 : vector<16xf32>
        %parallel_loop3A_1072 = arith.mulf %parallel_loop3A_1070, %parallel_loop3A_250 : vector<16xf32>
        %parallel_loop3A_1073 = tpu.vector_load_idx %arg7[%parallel_loop3A_1069] : memref<6912xf32, #tpu.memory_space<vmem>>[vector<16xi32>], vector<16xf32>,
        %parallel_loop3A_1074 = arith.mulf %parallel_loop3A_1073, %parallel_loop3A_226 : vector<16xf32>
        %parallel_loop3A_1075 = arith.mulf %parallel_loop3A_1073, %parallel_loop3A_250 : vector<16xf32>
        %parallel_loop3A_1076 = tpu.vector_load_idx %arg8[%parallel_loop3A_1069] : memref<6912xf32, #tpu.memory_space<vmem>>[vector<16xi32>], vector<16xf32>,
        %parallel_loop3A_1077 = arith.mulf %parallel_loop3A_1076, %parallel_loop3A_226 : vector<16xf32>
        %parallel_loop3A_1078 = arith.mulf %parallel_loop3A_1076, %parallel_loop3A_250 : vector<16xf32>
        %parallel_loop3A_1079 = arith.addi %parallel_loop3A_1068, %parallel_loop3A_277 : vector<16xi32>
        %parallel_loop3A_1080 = tpu.vector_load_idx %arg6[%parallel_loop3A_1079] : memref<6912xf32, #tpu.memory_space<vmem>>[vector<16xi32>], vector<16xf32>,
        %parallel_loop3A_1081 = arith.mulf %parallel_loop3A_1080, %parallel_loop3A_239 : vector<16xf32>
        %parallel_loop3A_1082 = arith.addf %parallel_loop3A_1071, %parallel_loop3A_1081 : vector<16xf32>
        %parallel_loop3A_1083 = arith.mulf %parallel_loop3A_1080, %parallel_loop3A_260 : vector<16xf32>
        %parallel_loop3A_1084 = arith.addf %parallel_loop3A_1072, %parallel_loop3A_1083 : vector<16xf32>
        %parallel_loop3A_1085 = tpu.vector_load_idx %arg7[%parallel_loop3A_1079] : memref<6912xf32, #tpu.memory_space<vmem>>[vector<16xi32>], vector<16xf32>,
        %parallel_loop3A_1086 = arith.mulf %parallel_loop3A_1085, %parallel_loop3A_239 : vector<16xf32>
        %parallel_loop3A_1087 = arith.addf %parallel_loop3A_1074, %parallel_loop3A_1086 : vector<16xf32>
        %parallel_loop3A_1088 = arith.mulf %parallel_loop3A_1085, %parallel_loop3A_260 : vector<16xf32>
        %parallel_loop3A_1089 = arith.addf %parallel_loop3A_1075, %parallel_loop3A_1088 : vector<16xf32>
        %parallel_loop3A_1090 = tpu.vector_load_idx %arg8[%parallel_loop3A_1079] : memref<6912xf32, #tpu.memory_space<vmem>>[vector<16xi32>], vector<16xf32>,
        %parallel_loop3A_1091 = arith.mulf %parallel_loop3A_1090, %parallel_loop3A_239 : vector<16xf32>
        %parallel_loop3A_1092 = arith.addf %parallel_loop3A_1077, %parallel_loop3A_1091 : vector<16xf32>
        %parallel_loop3A_1093 = arith.mulf %parallel_loop3A_1090, %parallel_loop3A_260 : vector<16xf32>
        %parallel_loop3A_1094 = arith.addf %parallel_loop3A_1078, %parallel_loop3A_1093 : vector<16xf32>
        %parallel_loop3A_1095 = arith.addi %parallel_loop3A_1068, %parallel_loop3A_280 : vector<16xi32>
        %parallel_loop3A_1096 = tpu.vector_load_idx %arg6[%parallel_loop3A_1095] : memref<6912xf32, #tpu.memory_space<vmem>>[vector<16xi32>], vector<16xf32>,
        %parallel_loop3A_1097 = arith.mulf %parallel_loop3A_1096, %parallel_loop3A_247 : vector<16xf32>
        %parallel_loop3A_1098 = arith.addf %parallel_loop3A_1082, %parallel_loop3A_1097 : vector<16xf32>
        %parallel_loop3A_1099 = arith.mulf %parallel_loop3A_1096, %parallel_loop3A_268 : vector<16xf32>
        %parallel_loop3A_1100 = arith.addf %parallel_loop3A_1084, %parallel_loop3A_1099 : vector<16xf32>
        %parallel_loop3A_1101 = tpu.vector_load_idx %arg7[%parallel_loop3A_1095] : memref<6912xf32, #tpu.memory_space<vmem>>[vector<16xi32>], vector<16xf32>,
        %parallel_loop3A_1102 = arith.mulf %parallel_loop3A_1101, %parallel_loop3A_247 : vector<16xf32>
        %parallel_loop3A_1103 = arith.addf %parallel_loop3A_1087, %parallel_loop3A_1102 : vector<16xf32>
        %parallel_loop3A_1104 = arith.mulf %parallel_loop3A_1101, %parallel_loop3A_268 : vector<16xf32>
        %parallel_loop3A_1105 = arith.addf %parallel_loop3A_1089, %parallel_loop3A_1104 : vector<16xf32>
        %parallel_loop3A_1106 = tpu.vector_load_idx %arg8[%parallel_loop3A_1095] : memref<6912xf32, #tpu.memory_space<vmem>>[vector<16xi32>], vector<16xf32>,
        %parallel_loop3A_1107 = arith.mulf %parallel_loop3A_1106, %parallel_loop3A_247 : vector<16xf32>
        %parallel_loop3A_1108 = arith.addf %parallel_loop3A_1092, %parallel_loop3A_1107 : vector<16xf32>
        %parallel_loop3A_1109 = arith.mulf %parallel_loop3A_1106, %parallel_loop3A_268 : vector<16xf32>
        %parallel_loop3A_1110 = arith.addf %parallel_loop3A_1094, %parallel_loop3A_1109 : vector<16xf32>
        %parallel_loop3A_1111 = arith.addi %parallel_loop3A_1068, %parallel_loop3A_283 : vector<16xi32>
        %parallel_loop3A_1112 = tpu.vector_load_idx %arg6[%parallel_loop3A_1111] : memref<6912xf32, #tpu.memory_space<vmem>>[vector<16xi32>], vector<16xf32>,
        %parallel_loop3A_1113 = arith.mulf %parallel_loop3A_1112, %parallel_loop3A_242 : vector<16xf32>
        %parallel_loop3A_1114 = arith.addf %parallel_loop3A_1098, %parallel_loop3A_1113 : vector<16xf32>
        %parallel_loop3A_1115 = arith.mulf %parallel_loop3A_1112, %parallel_loop3A_263 : vector<16xf32>
        %parallel_loop3A_1116 = arith.addf %parallel_loop3A_1100, %parallel_loop3A_1115 : vector<16xf32>
        %parallel_loop3A_1117 = tpu.vector_load_idx %arg7[%parallel_loop3A_1111] : memref<6912xf32, #tpu.memory_space<vmem>>[vector<16xi32>], vector<16xf32>,
        %parallel_loop3A_1118 = arith.mulf %parallel_loop3A_1117, %parallel_loop3A_242 : vector<16xf32>
        %parallel_loop3A_1119 = arith.addf %parallel_loop3A_1103, %parallel_loop3A_1118 : vector<16xf32>
        %parallel_loop3A_1120 = arith.mulf %parallel_loop3A_1117, %parallel_loop3A_263 : vector<16xf32>
        %parallel_loop3A_1121 = arith.addf %parallel_loop3A_1105, %parallel_loop3A_1120 : vector<16xf32>
        %parallel_loop3A_1122 = tpu.vector_load_idx %arg8[%parallel_loop3A_1111] : memref<6912xf32, #tpu.memory_space<vmem>>[vector<16xi32>], vector<16xf32>,
        %parallel_loop3A_1123 = arith.mulf %parallel_loop3A_1122, %parallel_loop3A_242 : vector<16xf32>
        %parallel_loop3A_1124 = arith.addf %parallel_loop3A_1108, %parallel_loop3A_1123 : vector<16xf32>
        %parallel_loop3A_1125 = arith.mulf %parallel_loop3A_1122, %parallel_loop3A_263 : vector<16xf32>
        %parallel_loop3A_1126 = arith.addf %parallel_loop3A_1110, %parallel_loop3A_1125 : vector<16xf32>
        %parallel_loop3A_1127 = arith.mulf %parallel_loop3A_157, %parallel_loop3A_1114 : vector<16xf32>
        %parallel_loop3A_1128 = arith.addf %parallel_loop3A_1051, %parallel_loop3A_1127 : vector<16xf32>
        %parallel_loop3A_1129 = arith.mulf %parallel_loop3A_178, %parallel_loop3A_1114 : vector<16xf32>
        %parallel_loop3A_1130 = arith.addf %parallel_loop3A_1053, %parallel_loop3A_1129 : vector<16xf32>
        %parallel_loop3A_1131 = arith.mulf %parallel_loop3A_157, %parallel_loop3A_1116 : vector<16xf32>
        %parallel_loop3A_1132 = arith.addf %parallel_loop3A_1055, %parallel_loop3A_1131 : vector<16xf32>
        %parallel_loop3A_1133 = arith.mulf %parallel_loop3A_157, %parallel_loop3A_1119 : vector<16xf32>
        %parallel_loop3A_1134 = arith.addf %parallel_loop3A_1057, %parallel_loop3A_1133 : vector<16xf32>
        %parallel_loop3A_1135 = arith.mulf %parallel_loop3A_178, %parallel_loop3A_1119 : vector<16xf32>
        %parallel_loop3A_1136 = arith.addf %parallel_loop3A_1059, %parallel_loop3A_1135 : vector<16xf32>
        %parallel_loop3A_1137 = arith.mulf %parallel_loop3A_157, %parallel_loop3A_1121 : vector<16xf32>
        %parallel_loop3A_1138 = arith.addf %parallel_loop3A_1061, %parallel_loop3A_1137 : vector<16xf32>
        %parallel_loop3A_1139 = arith.mulf %parallel_loop3A_157, %parallel_loop3A_1124 : vector<16xf32>
        %parallel_loop3A_1140 = arith.addf %parallel_loop3A_1063, %parallel_loop3A_1139 : vector<16xf32>
        %parallel_loop3A_1141 = arith.mulf %parallel_loop3A_178, %parallel_loop3A_1124 : vector<16xf32>
        %parallel_loop3A_1142 = arith.addf %parallel_loop3A_1065, %parallel_loop3A_1141 : vector<16xf32>
        %parallel_loop3A_1143 = arith.mulf %parallel_loop3A_157, %parallel_loop3A_1126 : vector<16xf32>
        %parallel_loop3A_1144 = arith.addf %parallel_loop3A_1067, %parallel_loop3A_1143 : vector<16xf32>
        %parallel_loop3A_1145 = arith.addi %parallel_loop3A_109, %parallel_loop3A_205 : vector<16xi32>
        %parallel_loop3A_1146 = arith.addi %parallel_loop3A_1145, %parallel_loop3A_274 : vector<16xi32>
        %parallel_loop3A_1147 = tpu.vector_load_idx %arg6[%parallel_loop3A_1146] : memref<6912xf32, #tpu.memory_space<vmem>>[vector<16xi32>], vector<16xf32>,
        %parallel_loop3A_1148 = arith.mulf %parallel_loop3A_1147, %parallel_loop3A_226 : vector<16xf32>
        %parallel_loop3A_1149 = arith.mulf %parallel_loop3A_1147, %parallel_loop3A_250 : vector<16xf32>
        %parallel_loop3A_1150 = tpu.vector_load_idx %arg7[%parallel_loop3A_1146] : memref<6912xf32, #tpu.memory_space<vmem>>[vector<16xi32>], vector<16xf32>,
        %parallel_loop3A_1151 = arith.mulf %parallel_loop3A_1150, %parallel_loop3A_226 : vector<16xf32>
        %parallel_loop3A_1152 = arith.mulf %parallel_loop3A_1150, %parallel_loop3A_250 : vector<16xf32>
        %parallel_loop3A_1153 = tpu.vector_load_idx %arg8[%parallel_loop3A_1146] : memref<6912xf32, #tpu.memory_space<vmem>>[vector<16xi32>], vector<16xf32>,
        %parallel_loop3A_1154 = arith.mulf %parallel_loop3A_1153, %parallel_loop3A_226 : vector<16xf32>
        %parallel_loop3A_1155 = arith.mulf %parallel_loop3A_1153, %parallel_loop3A_250 : vector<16xf32>
        %parallel_loop3A_1156 = arith.addi %parallel_loop3A_1145, %parallel_loop3A_277 : vector<16xi32>
        %parallel_loop3A_1157 = tpu.vector_load_idx %arg6[%parallel_loop3A_1156] : memref<6912xf32, #tpu.memory_space<vmem>>[vector<16xi32>], vector<16xf32>,
        %parallel_loop3A_1158 = arith.mulf %parallel_loop3A_1157, %parallel_loop3A_239 : vector<16xf32>
        %parallel_loop3A_1159 = arith.addf %parallel_loop3A_1148, %parallel_loop3A_1158 : vector<16xf32>
        %parallel_loop3A_1160 = arith.mulf %parallel_loop3A_1157, %parallel_loop3A_260 : vector<16xf32>
        %parallel_loop3A_1161 = arith.addf %parallel_loop3A_1149, %parallel_loop3A_1160 : vector<16xf32>
        %parallel_loop3A_1162 = tpu.vector_load_idx %arg7[%parallel_loop3A_1156] : memref<6912xf32, #tpu.memory_space<vmem>>[vector<16xi32>], vector<16xf32>,
        %parallel_loop3A_1163 = arith.mulf %parallel_loop3A_1162, %parallel_loop3A_239 : vector<16xf32>
        %parallel_loop3A_1164 = arith.addf %parallel_loop3A_1151, %parallel_loop3A_1163 : vector<16xf32>
        %parallel_loop3A_1165 = arith.mulf %parallel_loop3A_1162, %parallel_loop3A_260 : vector<16xf32>
        %parallel_loop3A_1166 = arith.addf %parallel_loop3A_1152, %parallel_loop3A_1165 : vector<16xf32>
        %parallel_loop3A_1167 = tpu.vector_load_idx %arg8[%parallel_loop3A_1156] : memref<6912xf32, #tpu.memory_space<vmem>>[vector<16xi32>], vector<16xf32>,
        %parallel_loop3A_1168 = arith.mulf %parallel_loop3A_1167, %parallel_loop3A_239 : vector<16xf32>
        %parallel_loop3A_1169 = arith.addf %parallel_loop3A_1154, %parallel_loop3A_1168 : vector<16xf32>
        %parallel_loop3A_1170 = arith.mulf %parallel_loop3A_1167, %parallel_loop3A_260 : vector<16xf32>
        %parallel_loop3A_1171 = arith.addf %parallel_loop3A_1155, %parallel_loop3A_1170 : vector<16xf32>
        %parallel_loop3A_1172 = arith.addi %parallel_loop3A_1145, %parallel_loop3A_280 : vector<16xi32>
        %parallel_loop3A_1173 = tpu.vector_load_idx %arg6[%parallel_loop3A_1172] : memref<6912xf32, #tpu.memory_space<vmem>>[vector<16xi32>], vector<16xf32>,
        %parallel_loop3A_1174 = arith.mulf %parallel_loop3A_1173, %parallel_loop3A_247 : vector<16xf32>
        %parallel_loop3A_1175 = arith.addf %parallel_loop3A_1159, %parallel_loop3A_1174 : vector<16xf32>
        %parallel_loop3A_1176 = arith.mulf %parallel_loop3A_1173, %parallel_loop3A_268 : vector<16xf32>
        %parallel_loop3A_1177 = arith.addf %parallel_loop3A_1161, %parallel_loop3A_1176 : vector<16xf32>
        %parallel_loop3A_1178 = tpu.vector_load_idx %arg7[%parallel_loop3A_1172] : memref<6912xf32, #tpu.memory_space<vmem>>[vector<16xi32>], vector<16xf32>,
        %parallel_loop3A_1179 = arith.mulf %parallel_loop3A_1178, %parallel_loop3A_247 : vector<16xf32>
        %parallel_loop3A_1180 = arith.addf %parallel_loop3A_1164, %parallel_loop3A_1179 : vector<16xf32>
        %parallel_loop3A_1181 = arith.mulf %parallel_loop3A_1178, %parallel_loop3A_268 : vector<16xf32>
        %parallel_loop3A_1182 = arith.addf %parallel_loop3A_1166, %parallel_loop3A_1181 : vector<16xf32>
        %parallel_loop3A_1183 = tpu.vector_load_idx %arg8[%parallel_loop3A_1172] : memref<6912xf32, #tpu.memory_space<vmem>>[vector<16xi32>], vector<16xf32>,
        %parallel_loop3A_1184 = arith.mulf %parallel_loop3A_1183, %parallel_loop3A_247 : vector<16xf32>
        %parallel_loop3A_1185 = arith.addf %parallel_loop3A_1169, %parallel_loop3A_1184 : vector<16xf32>
        %parallel_loop3A_1186 = arith.mulf %parallel_loop3A_1183, %parallel_loop3A_268 : vector<16xf32>
        %parallel_loop3A_1187 = arith.addf %parallel_loop3A_1171, %parallel_loop3A_1186 : vector<16xf32>
        %parallel_loop3A_1188 = arith.addi %parallel_loop3A_1145, %parallel_loop3A_283 : vector<16xi32>
        %parallel_loop3A_1189 = tpu.vector_load_idx %arg6[%parallel_loop3A_1188] : memref<6912xf32, #tpu.memory_space<vmem>>[vector<16xi32>], vector<16xf32>,
        %parallel_loop3A_1190 = arith.mulf %parallel_loop3A_1189, %parallel_loop3A_242 : vector<16xf32>
        %parallel_loop3A_1191 = arith.addf %parallel_loop3A_1175, %parallel_loop3A_1190 : vector<16xf32>
        %parallel_loop3A_1192 = arith.mulf %parallel_loop3A_1189, %parallel_loop3A_263 : vector<16xf32>
        %parallel_loop3A_1193 = arith.addf %parallel_loop3A_1177, %parallel_loop3A_1192 : vector<16xf32>
        %parallel_loop3A_1194 = tpu.vector_load_idx %arg7[%parallel_loop3A_1188] : memref<6912xf32, #tpu.memory_space<vmem>>[vector<16xi32>], vector<16xf32>,
        %parallel_loop3A_1195 = arith.mulf %parallel_loop3A_1194, %parallel_loop3A_242 : vector<16xf32>
        %parallel_loop3A_1196 = arith.addf %parallel_loop3A_1180, %parallel_loop3A_1195 : vector<16xf32>
        %parallel_loop3A_1197 = arith.mulf %parallel_loop3A_1194, %parallel_loop3A_263 : vector<16xf32>
        %parallel_loop3A_1198 = arith.addf %parallel_loop3A_1182, %parallel_loop3A_1197 : vector<16xf32>
        %parallel_loop3A_1199 = tpu.vector_load_idx %arg8[%parallel_loop3A_1188] : memref<6912xf32, #tpu.memory_space<vmem>>[vector<16xi32>], vector<16xf32>,
        %parallel_loop3A_1200 = arith.mulf %parallel_loop3A_1199, %parallel_loop3A_242 : vector<16xf32>
        %parallel_loop3A_1201 = arith.addf %parallel_loop3A_1185, %parallel_loop3A_1200 : vector<16xf32>
        %parallel_loop3A_1202 = arith.mulf %parallel_loop3A_1199, %parallel_loop3A_263 : vector<16xf32>
        %parallel_loop3A_1203 = arith.addf %parallel_loop3A_1187, %parallel_loop3A_1202 : vector<16xf32>
        %parallel_loop3A_1204 = arith.mulf %parallel_loop3A_152, %parallel_loop3A_1191 : vector<16xf32>
        %parallel_loop3A_1205 = arith.addf %parallel_loop3A_1128, %parallel_loop3A_1204 : vector<16xf32>
        %parallel_loop3A_1206 = arith.mulf %parallel_loop3A_173, %parallel_loop3A_1191 : vector<16xf32>
        %parallel_loop3A_1207 = arith.addf %parallel_loop3A_1130, %parallel_loop3A_1206 : vector<16xf32>
        %parallel_loop3A_1208 = arith.mulf %parallel_loop3A_152, %parallel_loop3A_1193 : vector<16xf32>
        %parallel_loop3A_1209 = arith.addf %parallel_loop3A_1132, %parallel_loop3A_1208 : vector<16xf32>
        %parallel_loop3A_1210 = arith.mulf %parallel_loop3A_152, %parallel_loop3A_1196 : vector<16xf32>
        %parallel_loop3A_1211 = arith.addf %parallel_loop3A_1134, %parallel_loop3A_1210 : vector<16xf32>
        %parallel_loop3A_1212 = arith.mulf %parallel_loop3A_173, %parallel_loop3A_1196 : vector<16xf32>
        %parallel_loop3A_1213 = arith.addf %parallel_loop3A_1136, %parallel_loop3A_1212 : vector<16xf32>
        %parallel_loop3A_1214 = arith.mulf %parallel_loop3A_152, %parallel_loop3A_1198 : vector<16xf32>
        %parallel_loop3A_1215 = arith.addf %parallel_loop3A_1138, %parallel_loop3A_1214 : vector<16xf32>
        %parallel_loop3A_1216 = arith.mulf %parallel_loop3A_152, %parallel_loop3A_1201 : vector<16xf32>
        %parallel_loop3A_1217 = arith.addf %parallel_loop3A_1140, %parallel_loop3A_1216 : vector<16xf32>
        %parallel_loop3A_1218 = arith.mulf %parallel_loop3A_173, %parallel_loop3A_1201 : vector<16xf32>
        %parallel_loop3A_1219 = arith.addf %parallel_loop3A_1142, %parallel_loop3A_1218 : vector<16xf32>
        %parallel_loop3A_1220 = arith.mulf %parallel_loop3A_152, %parallel_loop3A_1203 : vector<16xf32>
        %parallel_loop3A_1221 = arith.addf %parallel_loop3A_1144, %parallel_loop3A_1220 : vector<16xf32>
        %parallel_loop3A_1222 = arith.mulf %parallel_loop3A_67, %parallel_loop3A_1205 : vector<16xf32>
        %parallel_loop3A_1223 = arith.addf %parallel_loop3A_900, %parallel_loop3A_1222 : vector<16xf32>
        %parallel_loop3A_1224 = arith.mulf %parallel_loop3A_88, %parallel_loop3A_1205 : vector<16xf32>
        %parallel_loop3A_1225 = arith.addf %parallel_loop3A_902, %parallel_loop3A_1224 : vector<16xf32>
        %parallel_loop3A_1226 = arith.mulf %parallel_loop3A_67, %parallel_loop3A_1207 : vector<16xf32>
        %parallel_loop3A_1227 = arith.addf %parallel_loop3A_904, %parallel_loop3A_1226 : vector<16xf32>
        %parallel_loop3A_1228 = arith.mulf %parallel_loop3A_67, %parallel_loop3A_1209 : vector<16xf32>
        %parallel_loop3A_1229 = arith.addf %parallel_loop3A_906, %parallel_loop3A_1228 : vector<16xf32>
        %parallel_loop3A_1230 = arith.mulf %parallel_loop3A_67, %parallel_loop3A_1211 : vector<16xf32>
        %parallel_loop3A_1231 = arith.addf %parallel_loop3A_908, %parallel_loop3A_1230 : vector<16xf32>
        %parallel_loop3A_1232 = arith.mulf %parallel_loop3A_88, %parallel_loop3A_1211 : vector<16xf32>
        %parallel_loop3A_1233 = arith.addf %parallel_loop3A_910, %parallel_loop3A_1232 : vector<16xf32>
        %parallel_loop3A_1234 = arith.mulf %parallel_loop3A_67, %parallel_loop3A_1213 : vector<16xf32>
        %parallel_loop3A_1235 = arith.addf %parallel_loop3A_912, %parallel_loop3A_1234 : vector<16xf32>
        %parallel_loop3A_1236 = arith.mulf %parallel_loop3A_67, %parallel_loop3A_1215 : vector<16xf32>
        %parallel_loop3A_1237 = arith.addf %parallel_loop3A_914, %parallel_loop3A_1236 : vector<16xf32>
        %parallel_loop3A_1238 = arith.mulf %parallel_loop3A_67, %parallel_loop3A_1217 : vector<16xf32>
        %parallel_loop3A_1239 = arith.addf %parallel_loop3A_916, %parallel_loop3A_1238 : vector<16xf32>
        %parallel_loop3A_1240 = arith.mulf %parallel_loop3A_88, %parallel_loop3A_1217 : vector<16xf32>
        %parallel_loop3A_1241 = arith.addf %parallel_loop3A_918, %parallel_loop3A_1240 : vector<16xf32>
        %parallel_loop3A_1242 = arith.mulf %parallel_loop3A_67, %parallel_loop3A_1219 : vector<16xf32>
        %parallel_loop3A_1243 = arith.addf %parallel_loop3A_920, %parallel_loop3A_1242 : vector<16xf32>
        %parallel_loop3A_1244 = arith.mulf %parallel_loop3A_67, %parallel_loop3A_1221 : vector<16xf32>
        %parallel_loop3A_1245 = arith.addf %parallel_loop3A_922, %parallel_loop3A_1244 : vector<16xf32>
        %parallel_loop3A_1246 = arith.addi %parallel_loop3A_115, %parallel_loop3A_187 : vector<16xi32>
        %parallel_loop3A_1247 = arith.addi %parallel_loop3A_1246, %parallel_loop3A_274 : vector<16xi32>
        %parallel_loop3A_1248 = tpu.vector_load_idx %arg6[%parallel_loop3A_1247] : memref<6912xf32, #tpu.memory_space<vmem>>[vector<16xi32>], vector<16xf32>,
        %parallel_loop3A_1249 = arith.mulf %parallel_loop3A_1248, %parallel_loop3A_226 : vector<16xf32>
        %parallel_loop3A_1250 = arith.mulf %parallel_loop3A_1248, %parallel_loop3A_250 : vector<16xf32>
        %parallel_loop3A_1251 = tpu.vector_load_idx %arg7[%parallel_loop3A_1247] : memref<6912xf32, #tpu.memory_space<vmem>>[vector<16xi32>], vector<16xf32>,
        %parallel_loop3A_1252 = arith.mulf %parallel_loop3A_1251, %parallel_loop3A_226 : vector<16xf32>
        %parallel_loop3A_1253 = arith.mulf %parallel_loop3A_1251, %parallel_loop3A_250 : vector<16xf32>
        %parallel_loop3A_1254 = tpu.vector_load_idx %arg8[%parallel_loop3A_1247] : memref<6912xf32, #tpu.memory_space<vmem>>[vector<16xi32>], vector<16xf32>,
        %parallel_loop3A_1255 = arith.mulf %parallel_loop3A_1254, %parallel_loop3A_226 : vector<16xf32>
        %parallel_loop3A_1256 = arith.mulf %parallel_loop3A_1254, %parallel_loop3A_250 : vector<16xf32>
        %parallel_loop3A_1257 = arith.addi %parallel_loop3A_1246, %parallel_loop3A_277 : vector<16xi32>
        %parallel_loop3A_1258 = tpu.vector_load_idx %arg6[%parallel_loop3A_1257] : memref<6912xf32, #tpu.memory_space<vmem>>[vector<16xi32>], vector<16xf32>,
        %parallel_loop3A_1259 = arith.mulf %parallel_loop3A_1258, %parallel_loop3A_239 : vector<16xf32>
        %parallel_loop3A_1260 = arith.addf %parallel_loop3A_1249, %parallel_loop3A_1259 : vector<16xf32>
        %parallel_loop3A_1261 = arith.mulf %parallel_loop3A_1258, %parallel_loop3A_260 : vector<16xf32>
        %parallel_loop3A_1262 = arith.addf %parallel_loop3A_1250, %parallel_loop3A_1261 : vector<16xf32>
        %parallel_loop3A_1263 = tpu.vector_load_idx %arg7[%parallel_loop3A_1257] : memref<6912xf32, #tpu.memory_space<vmem>>[vector<16xi32>], vector<16xf32>,
        %parallel_loop3A_1264 = arith.mulf %parallel_loop3A_1263, %parallel_loop3A_239 : vector<16xf32>
        %parallel_loop3A_1265 = arith.addf %parallel_loop3A_1252, %parallel_loop3A_1264 : vector<16xf32>
        %parallel_loop3A_1266 = arith.mulf %parallel_loop3A_1263, %parallel_loop3A_260 : vector<16xf32>
        %parallel_loop3A_1267 = arith.addf %parallel_loop3A_1253, %parallel_loop3A_1266 : vector<16xf32>
        %parallel_loop3A_1268 = tpu.vector_load_idx %arg8[%parallel_loop3A_1257] : memref<6912xf32, #tpu.memory_space<vmem>>[vector<16xi32>], vector<16xf32>,
        %parallel_loop3A_1269 = arith.mulf %parallel_loop3A_1268, %parallel_loop3A_239 : vector<16xf32>
        %parallel_loop3A_1270 = arith.addf %parallel_loop3A_1255, %parallel_loop3A_1269 : vector<16xf32>
        %parallel_loop3A_1271 = arith.mulf %parallel_loop3A_1268, %parallel_loop3A_260 : vector<16xf32>
        %parallel_loop3A_1272 = arith.addf %parallel_loop3A_1256, %parallel_loop3A_1271 : vector<16xf32>
        %parallel_loop3A_1273 = arith.addi %parallel_loop3A_1246, %parallel_loop3A_280 : vector<16xi32>
        %parallel_loop3A_1274 = tpu.vector_load_idx %arg6[%parallel_loop3A_1273] : memref<6912xf32, #tpu.memory_space<vmem>>[vector<16xi32>], vector<16xf32>,
        %parallel_loop3A_1275 = arith.mulf %parallel_loop3A_1274, %parallel_loop3A_247 : vector<16xf32>
        %parallel_loop3A_1276 = arith.addf %parallel_loop3A_1260, %parallel_loop3A_1275 : vector<16xf32>
        %parallel_loop3A_1277 = arith.mulf %parallel_loop3A_1274, %parallel_loop3A_268 : vector<16xf32>
        %parallel_loop3A_1278 = arith.addf %parallel_loop3A_1262, %parallel_loop3A_1277 : vector<16xf32>
        %parallel_loop3A_1279 = tpu.vector_load_idx %arg7[%parallel_loop3A_1273] : memref<6912xf32, #tpu.memory_space<vmem>>[vector<16xi32>], vector<16xf32>,
        %parallel_loop3A_1280 = arith.mulf %parallel_loop3A_1279, %parallel_loop3A_247 : vector<16xf32>
        %parallel_loop3A_1281 = arith.addf %parallel_loop3A_1265, %parallel_loop3A_1280 : vector<16xf32>
        %parallel_loop3A_1282 = arith.mulf %parallel_loop3A_1279, %parallel_loop3A_268 : vector<16xf32>
        %parallel_loop3A_1283 = arith.addf %parallel_loop3A_1267, %parallel_loop3A_1282 : vector<16xf32>
        %parallel_loop3A_1284 = tpu.vector_load_idx %arg8[%parallel_loop3A_1273] : memref<6912xf32, #tpu.memory_space<vmem>>[vector<16xi32>], vector<16xf32>,
        %parallel_loop3A_1285 = arith.mulf %parallel_loop3A_1284, %parallel_loop3A_247 : vector<16xf32>
        %parallel_loop3A_1286 = arith.addf %parallel_loop3A_1270, %parallel_loop3A_1285 : vector<16xf32>
        %parallel_loop3A_1287 = arith.mulf %parallel_loop3A_1284, %parallel_loop3A_268 : vector<16xf32>
        %parallel_loop3A_1288 = arith.addf %parallel_loop3A_1272, %parallel_loop3A_1287 : vector<16xf32>
        %parallel_loop3A_1289 = arith.addi %parallel_loop3A_1246, %parallel_loop3A_283 : vector<16xi32>
        %parallel_loop3A_1290 = tpu.vector_load_idx %arg6[%parallel_loop3A_1289] : memref<6912xf32, #tpu.memory_space<vmem>>[vector<16xi32>], vector<16xf32>,
        %parallel_loop3A_1291 = arith.mulf %parallel_loop3A_1290, %parallel_loop3A_242 : vector<16xf32>
        %parallel_loop3A_1292 = arith.addf %parallel_loop3A_1276, %parallel_loop3A_1291 : vector<16xf32>
        %parallel_loop3A_1293 = arith.mulf %parallel_loop3A_1290, %parallel_loop3A_263 : vector<16xf32>
        %parallel_loop3A_1294 = arith.addf %parallel_loop3A_1278, %parallel_loop3A_1293 : vector<16xf32>
        %parallel_loop3A_1295 = tpu.vector_load_idx %arg7[%parallel_loop3A_1289] : memref<6912xf32, #tpu.memory_space<vmem>>[vector<16xi32>], vector<16xf32>,
        %parallel_loop3A_1296 = arith.mulf %parallel_loop3A_1295, %parallel_loop3A_242 : vector<16xf32>
        %parallel_loop3A_1297 = arith.addf %parallel_loop3A_1281, %parallel_loop3A_1296 : vector<16xf32>
        %parallel_loop3A_1298 = arith.mulf %parallel_loop3A_1295, %parallel_loop3A_263 : vector<16xf32>
        %parallel_loop3A_1299 = arith.addf %parallel_loop3A_1283, %parallel_loop3A_1298 : vector<16xf32>
        %parallel_loop3A_1300 = tpu.vector_load_idx %arg8[%parallel_loop3A_1289] : memref<6912xf32, #tpu.memory_space<vmem>>[vector<16xi32>], vector<16xf32>,
        %parallel_loop3A_1301 = arith.mulf %parallel_loop3A_1300, %parallel_loop3A_242 : vector<16xf32>
        %parallel_loop3A_1302 = arith.addf %parallel_loop3A_1286, %parallel_loop3A_1301 : vector<16xf32>
        %parallel_loop3A_1303 = arith.mulf %parallel_loop3A_1300, %parallel_loop3A_263 : vector<16xf32>
        %parallel_loop3A_1304 = arith.addf %parallel_loop3A_1288, %parallel_loop3A_1303 : vector<16xf32>
        %parallel_loop3A_1305 = arith.mulf %parallel_loop3A_136, %parallel_loop3A_1292 : vector<16xf32>
        %parallel_loop3A_1306 = arith.mulf %parallel_loop3A_160, %parallel_loop3A_1292 : vector<16xf32>
        %parallel_loop3A_1307 = arith.mulf %parallel_loop3A_136, %parallel_loop3A_1294 : vector<16xf32>
        %parallel_loop3A_1308 = arith.mulf %parallel_loop3A_136, %parallel_loop3A_1297 : vector<16xf32>
        %parallel_loop3A_1309 = arith.mulf %parallel_loop3A_160, %parallel_loop3A_1297 : vector<16xf32>
        %parallel_loop3A_1310 = arith.mulf %parallel_loop3A_136, %parallel_loop3A_1299 : vector<16xf32>
        %parallel_loop3A_1311 = arith.mulf %parallel_loop3A_136, %parallel_loop3A_1302 : vector<16xf32>
        %parallel_loop3A_1312 = arith.mulf %parallel_loop3A_160, %parallel_loop3A_1302 : vector<16xf32>
        %parallel_loop3A_1313 = arith.mulf %parallel_loop3A_136, %parallel_loop3A_1304 : vector<16xf32>
        %parallel_loop3A_1314 = arith.addi %parallel_loop3A_115, %parallel_loop3A_193 : vector<16xi32>
        %parallel_loop3A_1315 = arith.addi %parallel_loop3A_1314, %parallel_loop3A_274 : vector<16xi32>
        %parallel_loop3A_1316 = tpu.vector_load_idx %arg6[%parallel_loop3A_1315] : memref<6912xf32, #tpu.memory_space<vmem>>[vector<16xi32>], vector<16xf32>,
        %parallel_loop3A_1317 = arith.mulf %parallel_loop3A_1316, %parallel_loop3A_226 : vector<16xf32>
        %parallel_loop3A_1318 = arith.mulf %parallel_loop3A_1316, %parallel_loop3A_250 : vector<16xf32>
        %parallel_loop3A_1319 = tpu.vector_load_idx %arg7[%parallel_loop3A_1315] : memref<6912xf32, #tpu.memory_space<vmem>>[vector<16xi32>], vector<16xf32>,
        %parallel_loop3A_1320 = arith.mulf %parallel_loop3A_1319, %parallel_loop3A_226 : vector<16xf32>
        %parallel_loop3A_1321 = arith.mulf %parallel_loop3A_1319, %parallel_loop3A_250 : vector<16xf32>
        %parallel_loop3A_1322 = tpu.vector_load_idx %arg8[%parallel_loop3A_1315] : memref<6912xf32, #tpu.memory_space<vmem>>[vector<16xi32>], vector<16xf32>,
        %parallel_loop3A_1323 = arith.mulf %parallel_loop3A_1322, %parallel_loop3A_226 : vector<16xf32>
        %parallel_loop3A_1324 = arith.mulf %parallel_loop3A_1322, %parallel_loop3A_250 : vector<16xf32>
        %parallel_loop3A_1325 = arith.addi %parallel_loop3A_1314, %parallel_loop3A_277 : vector<16xi32>
        %parallel_loop3A_1326 = tpu.vector_load_idx %arg6[%parallel_loop3A_1325] : memref<6912xf32, #tpu.memory_space<vmem>>[vector<16xi32>], vector<16xf32>,
        %parallel_loop3A_1327 = arith.mulf %parallel_loop3A_1326, %parallel_loop3A_239 : vector<16xf32>
        %parallel_loop3A_1328 = arith.addf %parallel_loop3A_1317, %parallel_loop3A_1327 : vector<16xf32>
        %parallel_loop3A_1329 = arith.mulf %parallel_loop3A_1326, %parallel_loop3A_260 : vector<16xf32>
        %parallel_loop3A_1330 = arith.addf %parallel_loop3A_1318, %parallel_loop3A_1329 : vector<16xf32>
        %parallel_loop3A_1331 = tpu.vector_load_idx %arg7[%parallel_loop3A_1325] : memref<6912xf32, #tpu.memory_space<vmem>>[vector<16xi32>], vector<16xf32>,
        %parallel_loop3A_1332 = arith.mulf %parallel_loop3A_1331, %parallel_loop3A_239 : vector<16xf32>
        %parallel_loop3A_1333 = arith.addf %parallel_loop3A_1320, %parallel_loop3A_1332 : vector<16xf32>
        %parallel_loop3A_1334 = arith.mulf %parallel_loop3A_1331, %parallel_loop3A_260 : vector<16xf32>
        %parallel_loop3A_1335 = arith.addf %parallel_loop3A_1321, %parallel_loop3A_1334 : vector<16xf32>
        %parallel_loop3A_1336 = tpu.vector_load_idx %arg8[%parallel_loop3A_1325] : memref<6912xf32, #tpu.memory_space<vmem>>[vector<16xi32>], vector<16xf32>,
        %parallel_loop3A_1337 = arith.mulf %parallel_loop3A_1336, %parallel_loop3A_239 : vector<16xf32>
        %parallel_loop3A_1338 = arith.addf %parallel_loop3A_1323, %parallel_loop3A_1337 : vector<16xf32>
        %parallel_loop3A_1339 = arith.mulf %parallel_loop3A_1336, %parallel_loop3A_260 : vector<16xf32>
        %parallel_loop3A_1340 = arith.addf %parallel_loop3A_1324, %parallel_loop3A_1339 : vector<16xf32>
        %parallel_loop3A_1341 = arith.addi %parallel_loop3A_1314, %parallel_loop3A_280 : vector<16xi32>
        %parallel_loop3A_1342 = tpu.vector_load_idx %arg6[%parallel_loop3A_1341] : memref<6912xf32, #tpu.memory_space<vmem>>[vector<16xi32>], vector<16xf32>,
        %parallel_loop3A_1343 = arith.mulf %parallel_loop3A_1342, %parallel_loop3A_247 : vector<16xf32>
        %parallel_loop3A_1344 = arith.addf %parallel_loop3A_1328, %parallel_loop3A_1343 : vector<16xf32>
        %parallel_loop3A_1345 = arith.mulf %parallel_loop3A_1342, %parallel_loop3A_268 : vector<16xf32>
        %parallel_loop3A_1346 = arith.addf %parallel_loop3A_1330, %parallel_loop3A_1345 : vector<16xf32>
        %parallel_loop3A_1347 = tpu.vector_load_idx %arg7[%parallel_loop3A_1341] : memref<6912xf32, #tpu.memory_space<vmem>>[vector<16xi32>], vector<16xf32>,
        %parallel_loop3A_1348 = arith.mulf %parallel_loop3A_1347, %parallel_loop3A_247 : vector<16xf32>
        %parallel_loop3A_1349 = arith.addf %parallel_loop3A_1333, %parallel_loop3A_1348 : vector<16xf32>
        %parallel_loop3A_1350 = arith.mulf %parallel_loop3A_1347, %parallel_loop3A_268 : vector<16xf32>
        %parallel_loop3A_1351 = arith.addf %parallel_loop3A_1335, %parallel_loop3A_1350 : vector<16xf32>
        %parallel_loop3A_1352 = tpu.vector_load_idx %arg8[%parallel_loop3A_1341] : memref<6912xf32, #tpu.memory_space<vmem>>[vector<16xi32>], vector<16xf32>,
        %parallel_loop3A_1353 = arith.mulf %parallel_loop3A_1352, %parallel_loop3A_247 : vector<16xf32>
        %parallel_loop3A_1354 = arith.addf %parallel_loop3A_1338, %parallel_loop3A_1353 : vector<16xf32>
        %parallel_loop3A_1355 = arith.mulf %parallel_loop3A_1352, %parallel_loop3A_268 : vector<16xf32>
        %parallel_loop3A_1356 = arith.addf %parallel_loop3A_1340, %parallel_loop3A_1355 : vector<16xf32>
        %parallel_loop3A_1357 = arith.addi %parallel_loop3A_1314, %parallel_loop3A_283 : vector<16xi32>
        %parallel_loop3A_1358 = tpu.vector_load_idx %arg6[%parallel_loop3A_1357] : memref<6912xf32, #tpu.memory_space<vmem>>[vector<16xi32>], vector<16xf32>,
        %parallel_loop3A_1359 = arith.mulf %parallel_loop3A_1358, %parallel_loop3A_242 : vector<16xf32>
        %parallel_loop3A_1360 = arith.addf %parallel_loop3A_1344, %parallel_loop3A_1359 : vector<16xf32>
        %parallel_loop3A_1361 = arith.mulf %parallel_loop3A_1358, %parallel_loop3A_263 : vector<16xf32>
        %parallel_loop3A_1362 = arith.addf %parallel_loop3A_1346, %parallel_loop3A_1361 : vector<16xf32>
        %parallel_loop3A_1363 = tpu.vector_load_idx %arg7[%parallel_loop3A_1357] : memref<6912xf32, #tpu.memory_space<vmem>>[vector<16xi32>], vector<16xf32>,
        %parallel_loop3A_1364 = arith.mulf %parallel_loop3A_1363, %parallel_loop3A_242 : vector<16xf32>
        %parallel_loop3A_1365 = arith.addf %parallel_loop3A_1349, %parallel_loop3A_1364 : vector<16xf32>
        %parallel_loop3A_1366 = arith.mulf %parallel_loop3A_1363, %parallel_loop3A_263 : vector<16xf32>
        %parallel_loop3A_1367 = arith.addf %parallel_loop3A_1351, %parallel_loop3A_1366 : vector<16xf32>
        %parallel_loop3A_1368 = tpu.vector_load_idx %arg8[%parallel_loop3A_1357] : memref<6912xf32, #tpu.memory_space<vmem>>[vector<16xi32>], vector<16xf32>,
        %parallel_loop3A_1369 = arith.mulf %parallel_loop3A_1368, %parallel_loop3A_242 : vector<16xf32>
        %parallel_loop3A_1370 = arith.addf %parallel_loop3A_1354, %parallel_loop3A_1369 : vector<16xf32>
        %parallel_loop3A_1371 = arith.mulf %parallel_loop3A_1368, %parallel_loop3A_263 : vector<16xf32>
        %parallel_loop3A_1372 = arith.addf %parallel_loop3A_1356, %parallel_loop3A_1371 : vector<16xf32>
        %parallel_loop3A_1373 = arith.mulf %parallel_loop3A_149, %parallel_loop3A_1360 : vector<16xf32>
        %parallel_loop3A_1374 = arith.addf %parallel_loop3A_1305, %parallel_loop3A_1373 : vector<16xf32>
        %parallel_loop3A_1375 = arith.mulf %parallel_loop3A_170, %parallel_loop3A_1360 : vector<16xf32>
        %parallel_loop3A_1376 = arith.addf %parallel_loop3A_1306, %parallel_loop3A_1375 : vector<16xf32>
        %parallel_loop3A_1377 = arith.mulf %parallel_loop3A_149, %parallel_loop3A_1362 : vector<16xf32>
        %parallel_loop3A_1378 = arith.addf %parallel_loop3A_1307, %parallel_loop3A_1377 : vector<16xf32>
        %parallel_loop3A_1379 = arith.mulf %parallel_loop3A_149, %parallel_loop3A_1365 : vector<16xf32>
        %parallel_loop3A_1380 = arith.addf %parallel_loop3A_1308, %parallel_loop3A_1379 : vector<16xf32>
        %parallel_loop3A_1381 = arith.mulf %parallel_loop3A_170, %parallel_loop3A_1365 : vector<16xf32>
        %parallel_loop3A_1382 = arith.addf %parallel_loop3A_1309, %parallel_loop3A_1381 : vector<16xf32>
        %parallel_loop3A_1383 = arith.mulf %parallel_loop3A_149, %parallel_loop3A_1367 : vector<16xf32>
        %parallel_loop3A_1384 = arith.addf %parallel_loop3A_1310, %parallel_loop3A_1383 : vector<16xf32>
        %parallel_loop3A_1385 = arith.mulf %parallel_loop3A_149, %parallel_loop3A_1370 : vector<16xf32>
        %parallel_loop3A_1386 = arith.addf %parallel_loop3A_1311, %parallel_loop3A_1385 : vector<16xf32>
        %parallel_loop3A_1387 = arith.mulf %parallel_loop3A_170, %parallel_loop3A_1370 : vector<16xf32>
        %parallel_loop3A_1388 = arith.addf %parallel_loop3A_1312, %parallel_loop3A_1387 : vector<16xf32>
        %parallel_loop3A_1389 = arith.mulf %parallel_loop3A_149, %parallel_loop3A_1372 : vector<16xf32>
        %parallel_loop3A_1390 = arith.addf %parallel_loop3A_1313, %parallel_loop3A_1389 : vector<16xf32>
        %parallel_loop3A_1391 = arith.addi %parallel_loop3A_115, %parallel_loop3A_199 : vector<16xi32>
        %parallel_loop3A_1392 = arith.addi %parallel_loop3A_1391, %parallel_loop3A_274 : vector<16xi32>
        %parallel_loop3A_1393 = tpu.vector_load_idx %arg6[%parallel_loop3A_1392] : memref<6912xf32, #tpu.memory_space<vmem>>[vector<16xi32>], vector<16xf32>,
        %parallel_loop3A_1394 = arith.mulf %parallel_loop3A_1393, %parallel_loop3A_226 : vector<16xf32>
        %parallel_loop3A_1395 = arith.mulf %parallel_loop3A_1393, %parallel_loop3A_250 : vector<16xf32>
        %parallel_loop3A_1396 = tpu.vector_load_idx %arg7[%parallel_loop3A_1392] : memref<6912xf32, #tpu.memory_space<vmem>>[vector<16xi32>], vector<16xf32>,
        %parallel_loop3A_1397 = arith.mulf %parallel_loop3A_1396, %parallel_loop3A_226 : vector<16xf32>
        %parallel_loop3A_1398 = arith.mulf %parallel_loop3A_1396, %parallel_loop3A_250 : vector<16xf32>
        %parallel_loop3A_1399 = tpu.vector_load_idx %arg8[%parallel_loop3A_1392] : memref<6912xf32, #tpu.memory_space<vmem>>[vector<16xi32>], vector<16xf32>,
        %parallel_loop3A_1400 = arith.mulf %parallel_loop3A_1399, %parallel_loop3A_226 : vector<16xf32>
        %parallel_loop3A_1401 = arith.mulf %parallel_loop3A_1399, %parallel_loop3A_250 : vector<16xf32>
        %parallel_loop3A_1402 = arith.addi %parallel_loop3A_1391, %parallel_loop3A_277 : vector<16xi32>
        %parallel_loop3A_1403 = tpu.vector_load_idx %arg6[%parallel_loop3A_1402] : memref<6912xf32, #tpu.memory_space<vmem>>[vector<16xi32>], vector<16xf32>,
        %parallel_loop3A_1404 = arith.mulf %parallel_loop3A_1403, %parallel_loop3A_239 : vector<16xf32>
        %parallel_loop3A_1405 = arith.addf %parallel_loop3A_1394, %parallel_loop3A_1404 : vector<16xf32>
        %parallel_loop3A_1406 = arith.mulf %parallel_loop3A_1403, %parallel_loop3A_260 : vector<16xf32>
        %parallel_loop3A_1407 = arith.addf %parallel_loop3A_1395, %parallel_loop3A_1406 : vector<16xf32>
        %parallel_loop3A_1408 = tpu.vector_load_idx %arg7[%parallel_loop3A_1402] : memref<6912xf32, #tpu.memory_space<vmem>>[vector<16xi32>], vector<16xf32>,
        %parallel_loop3A_1409 = arith.mulf %parallel_loop3A_1408, %parallel_loop3A_239 : vector<16xf32>
        %parallel_loop3A_1410 = arith.addf %parallel_loop3A_1397, %parallel_loop3A_1409 : vector<16xf32>
        %parallel_loop3A_1411 = arith.mulf %parallel_loop3A_1408, %parallel_loop3A_260 : vector<16xf32>
        %parallel_loop3A_1412 = arith.addf %parallel_loop3A_1398, %parallel_loop3A_1411 : vector<16xf32>
        %parallel_loop3A_1413 = tpu.vector_load_idx %arg8[%parallel_loop3A_1402] : memref<6912xf32, #tpu.memory_space<vmem>>[vector<16xi32>], vector<16xf32>,
        %parallel_loop3A_1414 = arith.mulf %parallel_loop3A_1413, %parallel_loop3A_239 : vector<16xf32>
        %parallel_loop3A_1415 = arith.addf %parallel_loop3A_1400, %parallel_loop3A_1414 : vector<16xf32>
        %parallel_loop3A_1416 = arith.mulf %parallel_loop3A_1413, %parallel_loop3A_260 : vector<16xf32>
        %parallel_loop3A_1417 = arith.addf %parallel_loop3A_1401, %parallel_loop3A_1416 : vector<16xf32>
        %parallel_loop3A_1418 = arith.addi %parallel_loop3A_1391, %parallel_loop3A_280 : vector<16xi32>
        %parallel_loop3A_1419 = tpu.vector_load_idx %arg6[%parallel_loop3A_1418] : memref<6912xf32, #tpu.memory_space<vmem>>[vector<16xi32>], vector<16xf32>,
        %parallel_loop3A_1420 = arith.mulf %parallel_loop3A_1419, %parallel_loop3A_247 : vector<16xf32>
        %parallel_loop3A_1421 = arith.addf %parallel_loop3A_1405, %parallel_loop3A_1420 : vector<16xf32>
        %parallel_loop3A_1422 = arith.mulf %parallel_loop3A_1419, %parallel_loop3A_268 : vector<16xf32>
        %parallel_loop3A_1423 = arith.addf %parallel_loop3A_1407, %parallel_loop3A_1422 : vector<16xf32>
        %parallel_loop3A_1424 = tpu.vector_load_idx %arg7[%parallel_loop3A_1418] : memref<6912xf32, #tpu.memory_space<vmem>>[vector<16xi32>], vector<16xf32>,
        %parallel_loop3A_1425 = arith.mulf %parallel_loop3A_1424, %parallel_loop3A_247 : vector<16xf32>
        %parallel_loop3A_1426 = arith.addf %parallel_loop3A_1410, %parallel_loop3A_1425 : vector<16xf32>
        %parallel_loop3A_1427 = arith.mulf %parallel_loop3A_1424, %parallel_loop3A_268 : vector<16xf32>
        %parallel_loop3A_1428 = arith.addf %parallel_loop3A_1412, %parallel_loop3A_1427 : vector<16xf32>
        %parallel_loop3A_1429 = tpu.vector_load_idx %arg8[%parallel_loop3A_1418] : memref<6912xf32, #tpu.memory_space<vmem>>[vector<16xi32>], vector<16xf32>,
        %parallel_loop3A_1430 = arith.mulf %parallel_loop3A_1429, %parallel_loop3A_247 : vector<16xf32>
        %parallel_loop3A_1431 = arith.addf %parallel_loop3A_1415, %parallel_loop3A_1430 : vector<16xf32>
        %parallel_loop3A_1432 = arith.mulf %parallel_loop3A_1429, %parallel_loop3A_268 : vector<16xf32>
        %parallel_loop3A_1433 = arith.addf %parallel_loop3A_1417, %parallel_loop3A_1432 : vector<16xf32>
        %parallel_loop3A_1434 = arith.addi %parallel_loop3A_1391, %parallel_loop3A_283 : vector<16xi32>
        %parallel_loop3A_1435 = tpu.vector_load_idx %arg6[%parallel_loop3A_1434] : memref<6912xf32, #tpu.memory_space<vmem>>[vector<16xi32>], vector<16xf32>,
        %parallel_loop3A_1436 = arith.mulf %parallel_loop3A_1435, %parallel_loop3A_242 : vector<16xf32>
        %parallel_loop3A_1437 = arith.addf %parallel_loop3A_1421, %parallel_loop3A_1436 : vector<16xf32>
        %parallel_loop3A_1438 = arith.mulf %parallel_loop3A_1435, %parallel_loop3A_263 : vector<16xf32>
        %parallel_loop3A_1439 = arith.addf %parallel_loop3A_1423, %parallel_loop3A_1438 : vector<16xf32>
        %parallel_loop3A_1440 = tpu.vector_load_idx %arg7[%parallel_loop3A_1434] : memref<6912xf32, #tpu.memory_space<vmem>>[vector<16xi32>], vector<16xf32>,
        %parallel_loop3A_1441 = arith.mulf %parallel_loop3A_1440, %parallel_loop3A_242 : vector<16xf32>
        %parallel_loop3A_1442 = arith.addf %parallel_loop3A_1426, %parallel_loop3A_1441 : vector<16xf32>
        %parallel_loop3A_1443 = arith.mulf %parallel_loop3A_1440, %parallel_loop3A_263 : vector<16xf32>
        %parallel_loop3A_1444 = arith.addf %parallel_loop3A_1428, %parallel_loop3A_1443 : vector<16xf32>
        %parallel_loop3A_1445 = tpu.vector_load_idx %arg8[%parallel_loop3A_1434] : memref<6912xf32, #tpu.memory_space<vmem>>[vector<16xi32>], vector<16xf32>,
        %parallel_loop3A_1446 = arith.mulf %parallel_loop3A_1445, %parallel_loop3A_242 : vector<16xf32>
        %parallel_loop3A_1447 = arith.addf %parallel_loop3A_1431, %parallel_loop3A_1446 : vector<16xf32>
        %parallel_loop3A_1448 = arith.mulf %parallel_loop3A_1445, %parallel_loop3A_263 : vector<16xf32>
        %parallel_loop3A_1449 = arith.addf %parallel_loop3A_1433, %parallel_loop3A_1448 : vector<16xf32>
        %parallel_loop3A_1450 = arith.mulf %parallel_loop3A_157, %parallel_loop3A_1437 : vector<16xf32>
        %parallel_loop3A_1451 = arith.addf %parallel_loop3A_1374, %parallel_loop3A_1450 : vector<16xf32>
        %parallel_loop3A_1452 = arith.mulf %parallel_loop3A_178, %parallel_loop3A_1437 : vector<16xf32>
        %parallel_loop3A_1453 = arith.addf %parallel_loop3A_1376, %parallel_loop3A_1452 : vector<16xf32>
        %parallel_loop3A_1454 = arith.mulf %parallel_loop3A_157, %parallel_loop3A_1439 : vector<16xf32>
        %parallel_loop3A_1455 = arith.addf %parallel_loop3A_1378, %parallel_loop3A_1454 : vector<16xf32>
        %parallel_loop3A_1456 = arith.mulf %parallel_loop3A_157, %parallel_loop3A_1442 : vector<16xf32>
        %parallel_loop3A_1457 = arith.addf %parallel_loop3A_1380, %parallel_loop3A_1456 : vector<16xf32>
        %parallel_loop3A_1458 = arith.mulf %parallel_loop3A_178, %parallel_loop3A_1442 : vector<16xf32>
        %parallel_loop3A_1459 = arith.addf %parallel_loop3A_1382, %parallel_loop3A_1458 : vector<16xf32>
        %parallel_loop3A_1460 = arith.mulf %parallel_loop3A_157, %parallel_loop3A_1444 : vector<16xf32>
        %parallel_loop3A_1461 = arith.addf %parallel_loop3A_1384, %parallel_loop3A_1460 : vector<16xf32>
        %parallel_loop3A_1462 = arith.mulf %parallel_loop3A_157, %parallel_loop3A_1447 : vector<16xf32>
        %parallel_loop3A_1463 = arith.addf %parallel_loop3A_1386, %parallel_loop3A_1462 : vector<16xf32>
        %parallel_loop3A_1464 = arith.mulf %parallel_loop3A_178, %parallel_loop3A_1447 : vector<16xf32>
        %parallel_loop3A_1465 = arith.addf %parallel_loop3A_1388, %parallel_loop3A_1464 : vector<16xf32>
        %parallel_loop3A_1466 = arith.mulf %parallel_loop3A_157, %parallel_loop3A_1449 : vector<16xf32>
        %parallel_loop3A_1467 = arith.addf %parallel_loop3A_1390, %parallel_loop3A_1466 : vector<16xf32>
        %parallel_loop3A_1468 = arith.addi %parallel_loop3A_115, %parallel_loop3A_205 : vector<16xi32>
        %parallel_loop3A_1469 = arith.addi %parallel_loop3A_1468, %parallel_loop3A_274 : vector<16xi32>
        %parallel_loop3A_1470 = tpu.vector_load_idx %arg6[%parallel_loop3A_1469] : memref<6912xf32, #tpu.memory_space<vmem>>[vector<16xi32>], vector<16xf32>,
        %parallel_loop3A_1471 = arith.mulf %parallel_loop3A_1470, %parallel_loop3A_226 : vector<16xf32>
        %parallel_loop3A_1472 = arith.mulf %parallel_loop3A_1470, %parallel_loop3A_250 : vector<16xf32>
        %parallel_loop3A_1473 = tpu.vector_load_idx %arg7[%parallel_loop3A_1469] : memref<6912xf32, #tpu.memory_space<vmem>>[vector<16xi32>], vector<16xf32>,
        %parallel_loop3A_1474 = arith.mulf %parallel_loop3A_1473, %parallel_loop3A_226 : vector<16xf32>
        %parallel_loop3A_1475 = arith.mulf %parallel_loop3A_1473, %parallel_loop3A_250 : vector<16xf32>
        %parallel_loop3A_1476 = tpu.vector_load_idx %arg8[%parallel_loop3A_1469] : memref<6912xf32, #tpu.memory_space<vmem>>[vector<16xi32>], vector<16xf32>,
        %parallel_loop3A_1477 = arith.mulf %parallel_loop3A_1476, %parallel_loop3A_226 : vector<16xf32>
        %parallel_loop3A_1478 = arith.mulf %parallel_loop3A_1476, %parallel_loop3A_250 : vector<16xf32>
        %parallel_loop3A_1479 = arith.addi %parallel_loop3A_1468, %parallel_loop3A_277 : vector<16xi32>
        %parallel_loop3A_1480 = tpu.vector_load_idx %arg6[%parallel_loop3A_1479] : memref<6912xf32, #tpu.memory_space<vmem>>[vector<16xi32>], vector<16xf32>,
        %parallel_loop3A_1481 = arith.mulf %parallel_loop3A_1480, %parallel_loop3A_239 : vector<16xf32>
        %parallel_loop3A_1482 = arith.addf %parallel_loop3A_1471, %parallel_loop3A_1481 : vector<16xf32>
        %parallel_loop3A_1483 = arith.mulf %parallel_loop3A_1480, %parallel_loop3A_260 : vector<16xf32>
        %parallel_loop3A_1484 = arith.addf %parallel_loop3A_1472, %parallel_loop3A_1483 : vector<16xf32>
        %parallel_loop3A_1485 = tpu.vector_load_idx %arg7[%parallel_loop3A_1479] : memref<6912xf32, #tpu.memory_space<vmem>>[vector<16xi32>], vector<16xf32>,
        %parallel_loop3A_1486 = arith.mulf %parallel_loop3A_1485, %parallel_loop3A_239 : vector<16xf32>
        %parallel_loop3A_1487 = arith.addf %parallel_loop3A_1474, %parallel_loop3A_1486 : vector<16xf32>
        %parallel_loop3A_1488 = arith.mulf %parallel_loop3A_1485, %parallel_loop3A_260 : vector<16xf32>
        %parallel_loop3A_1489 = arith.addf %parallel_loop3A_1475, %parallel_loop3A_1488 : vector<16xf32>
        %parallel_loop3A_1490 = tpu.vector_load_idx %arg8[%parallel_loop3A_1479] : memref<6912xf32, #tpu.memory_space<vmem>>[vector<16xi32>], vector<16xf32>,
        %parallel_loop3A_1491 = arith.mulf %parallel_loop3A_1490, %parallel_loop3A_239 : vector<16xf32>
        %parallel_loop3A_1492 = arith.addf %parallel_loop3A_1477, %parallel_loop3A_1491 : vector<16xf32>
        %parallel_loop3A_1493 = arith.mulf %parallel_loop3A_1490, %parallel_loop3A_260 : vector<16xf32>
        %parallel_loop3A_1494 = arith.addf %parallel_loop3A_1478, %parallel_loop3A_1493 : vector<16xf32>
        %parallel_loop3A_1495 = arith.addi %parallel_loop3A_1468, %parallel_loop3A_280 : vector<16xi32>
        %parallel_loop3A_1496 = tpu.vector_load_idx %arg6[%parallel_loop3A_1495] : memref<6912xf32, #tpu.memory_space<vmem>>[vector<16xi32>], vector<16xf32>,
        %parallel_loop3A_1497 = arith.mulf %parallel_loop3A_1496, %parallel_loop3A_247 : vector<16xf32>
        %parallel_loop3A_1498 = arith.addf %parallel_loop3A_1482, %parallel_loop3A_1497 : vector<16xf32>
        %parallel_loop3A_1499 = arith.mulf %parallel_loop3A_1496, %parallel_loop3A_268 : vector<16xf32>
        %parallel_loop3A_1500 = arith.addf %parallel_loop3A_1484, %parallel_loop3A_1499 : vector<16xf32>
        %parallel_loop3A_1501 = tpu.vector_load_idx %arg7[%parallel_loop3A_1495] : memref<6912xf32, #tpu.memory_space<vmem>>[vector<16xi32>], vector<16xf32>,
        %parallel_loop3A_1502 = arith.mulf %parallel_loop3A_1501, %parallel_loop3A_247 : vector<16xf32>
        %parallel_loop3A_1503 = arith.addf %parallel_loop3A_1487, %parallel_loop3A_1502 : vector<16xf32>
        %parallel_loop3A_1504 = arith.mulf %parallel_loop3A_1501, %parallel_loop3A_268 : vector<16xf32>
        %parallel_loop3A_1505 = arith.addf %parallel_loop3A_1489, %parallel_loop3A_1504 : vector<16xf32>
        %parallel_loop3A_1506 = tpu.vector_load_idx %arg8[%parallel_loop3A_1495] : memref<6912xf32, #tpu.memory_space<vmem>>[vector<16xi32>], vector<16xf32>,
        %parallel_loop3A_1507 = arith.mulf %parallel_loop3A_1506, %parallel_loop3A_247 : vector<16xf32>
        %parallel_loop3A_1508 = arith.addf %parallel_loop3A_1492, %parallel_loop3A_1507 : vector<16xf32>
        %parallel_loop3A_1509 = arith.mulf %parallel_loop3A_1506, %parallel_loop3A_268 : vector<16xf32>
        %parallel_loop3A_1510 = arith.addf %parallel_loop3A_1494, %parallel_loop3A_1509 : vector<16xf32>
        %parallel_loop3A_1511 = arith.addi %parallel_loop3A_1468, %parallel_loop3A_283 : vector<16xi32>
        %parallel_loop3A_1512 = tpu.vector_load_idx %arg6[%parallel_loop3A_1511] : memref<6912xf32, #tpu.memory_space<vmem>>[vector<16xi32>], vector<16xf32>,
        %parallel_loop3A_1513 = arith.mulf %parallel_loop3A_1512, %parallel_loop3A_242 : vector<16xf32>
        %parallel_loop3A_1514 = arith.addf %parallel_loop3A_1498, %parallel_loop3A_1513 : vector<16xf32>
        %parallel_loop3A_1515 = arith.mulf %parallel_loop3A_1512, %parallel_loop3A_263 : vector<16xf32>
        %parallel_loop3A_1516 = arith.addf %parallel_loop3A_1500, %parallel_loop3A_1515 : vector<16xf32>
        %parallel_loop3A_1517 = tpu.vector_load_idx %arg7[%parallel_loop3A_1511] : memref<6912xf32, #tpu.memory_space<vmem>>[vector<16xi32>], vector<16xf32>,
        %parallel_loop3A_1518 = arith.mulf %parallel_loop3A_1517, %parallel_loop3A_242 : vector<16xf32>
        %parallel_loop3A_1519 = arith.addf %parallel_loop3A_1503, %parallel_loop3A_1518 : vector<16xf32>
        %parallel_loop3A_1520 = arith.mulf %parallel_loop3A_1517, %parallel_loop3A_263 : vector<16xf32>
        %parallel_loop3A_1521 = arith.addf %parallel_loop3A_1505, %parallel_loop3A_1520 : vector<16xf32>
        %parallel_loop3A_1522 = tpu.vector_load_idx %arg8[%parallel_loop3A_1511] : memref<6912xf32, #tpu.memory_space<vmem>>[vector<16xi32>], vector<16xf32>,
        %parallel_loop3A_1523 = arith.mulf %parallel_loop3A_1522, %parallel_loop3A_242 : vector<16xf32>
        %parallel_loop3A_1524 = arith.addf %parallel_loop3A_1508, %parallel_loop3A_1523 : vector<16xf32>
        %parallel_loop3A_1525 = arith.mulf %parallel_loop3A_1522, %parallel_loop3A_263 : vector<16xf32>
        %parallel_loop3A_1526 = arith.addf %parallel_loop3A_1510, %parallel_loop3A_1525 : vector<16xf32>
        %parallel_loop3A_1527 = arith.mulf %parallel_loop3A_152, %parallel_loop3A_1514 : vector<16xf32>
        %parallel_loop3A_1528 = arith.addf %parallel_loop3A_1451, %parallel_loop3A_1527 : vector<16xf32>
        %parallel_loop3A_1529 = arith.mulf %parallel_loop3A_173, %parallel_loop3A_1514 : vector<16xf32>
        %parallel_loop3A_1530 = arith.addf %parallel_loop3A_1453, %parallel_loop3A_1529 : vector<16xf32>
        %parallel_loop3A_1531 = arith.mulf %parallel_loop3A_152, %parallel_loop3A_1516 : vector<16xf32>
        %parallel_loop3A_1532 = arith.addf %parallel_loop3A_1455, %parallel_loop3A_1531 : vector<16xf32>
        %parallel_loop3A_1533 = arith.mulf %parallel_loop3A_152, %parallel_loop3A_1519 : vector<16xf32>
        %parallel_loop3A_1534 = arith.addf %parallel_loop3A_1457, %parallel_loop3A_1533 : vector<16xf32>
        %parallel_loop3A_1535 = arith.mulf %parallel_loop3A_173, %parallel_loop3A_1519 : vector<16xf32>
        %parallel_loop3A_1536 = arith.addf %parallel_loop3A_1459, %parallel_loop3A_1535 : vector<16xf32>
        %parallel_loop3A_1537 = arith.mulf %parallel_loop3A_152, %parallel_loop3A_1521 : vector<16xf32>
        %parallel_loop3A_1538 = arith.addf %parallel_loop3A_1461, %parallel_loop3A_1537 : vector<16xf32>
        %parallel_loop3A_1539 = arith.mulf %parallel_loop3A_152, %parallel_loop3A_1524 : vector<16xf32>
        %parallel_loop3A_1540 = arith.addf %parallel_loop3A_1463, %parallel_loop3A_1539 : vector<16xf32>
        %parallel_loop3A_1541 = arith.mulf %parallel_loop3A_173, %parallel_loop3A_1524 : vector<16xf32>
        %parallel_loop3A_1542 = arith.addf %parallel_loop3A_1465, %parallel_loop3A_1541 : vector<16xf32>
        %parallel_loop3A_1543 = arith.mulf %parallel_loop3A_152, %parallel_loop3A_1526 : vector<16xf32>
        %parallel_loop3A_1544 = arith.addf %parallel_loop3A_1467, %parallel_loop3A_1543 : vector<16xf32>
        %parallel_loop3A_1545 = arith.mulf %parallel_loop3A_62, %parallel_loop3A_1528 : vector<16xf32>
        %parallel_loop3A_1546 = arith.addf %parallel_loop3A_1223, %parallel_loop3A_1545 : vector<16xf32>
        %parallel_loop3A_1547 = arith.mulf %parallel_loop3A_83, %parallel_loop3A_1528 : vector<16xf32>
        %parallel_loop3A_1548 = arith.addf %parallel_loop3A_1225, %parallel_loop3A_1547 : vector<16xf32>
        %parallel_loop3A_1549 = arith.mulf %parallel_loop3A_62, %parallel_loop3A_1530 : vector<16xf32>
        %parallel_loop3A_1550 = arith.addf %parallel_loop3A_1227, %parallel_loop3A_1549 : vector<16xf32>
        %parallel_loop3A_1551 = arith.mulf %parallel_loop3A_62, %parallel_loop3A_1532 : vector<16xf32>
        %parallel_loop3A_1552 = arith.addf %parallel_loop3A_1229, %parallel_loop3A_1551 : vector<16xf32>
        %parallel_loop3A_1553 = arith.mulf %parallel_loop3A_62, %parallel_loop3A_1534 : vector<16xf32>
        %parallel_loop3A_1554 = arith.addf %parallel_loop3A_1231, %parallel_loop3A_1553 : vector<16xf32>
        %parallel_loop3A_1555 = arith.mulf %parallel_loop3A_83, %parallel_loop3A_1534 : vector<16xf32>
        %parallel_loop3A_1556 = arith.addf %parallel_loop3A_1233, %parallel_loop3A_1555 : vector<16xf32>
        %parallel_loop3A_1557 = arith.mulf %parallel_loop3A_62, %parallel_loop3A_1536 : vector<16xf32>
        %parallel_loop3A_1558 = arith.addf %parallel_loop3A_1235, %parallel_loop3A_1557 : vector<16xf32>
        %parallel_loop3A_1559 = arith.mulf %parallel_loop3A_62, %parallel_loop3A_1538 : vector<16xf32>
        %parallel_loop3A_1560 = arith.addf %parallel_loop3A_1237, %parallel_loop3A_1559 : vector<16xf32>
        %parallel_loop3A_1561 = arith.mulf %parallel_loop3A_62, %parallel_loop3A_1540 : vector<16xf32>
        %parallel_loop3A_1562 = arith.addf %parallel_loop3A_1239, %parallel_loop3A_1561 : vector<16xf32>
        %parallel_loop3A_1563 = arith.mulf %parallel_loop3A_83, %parallel_loop3A_1540 : vector<16xf32>
        %parallel_loop3A_1564 = arith.addf %parallel_loop3A_1241, %parallel_loop3A_1563 : vector<16xf32>
        %parallel_loop3A_1565 = arith.mulf %parallel_loop3A_62, %parallel_loop3A_1542 : vector<16xf32>
        %parallel_loop3A_1566 = arith.addf %parallel_loop3A_1243, %parallel_loop3A_1565 : vector<16xf32>
        %parallel_loop3A_1567 = arith.mulf %parallel_loop3A_62, %parallel_loop3A_1544 : vector<16xf32>
        %parallel_loop3A_1568 = arith.addf %parallel_loop3A_1245, %parallel_loop3A_1567 : vector<16xf32>
        %parallel_loop3A_1569 = arith.constant 0 : i32
        %parallel_loop3A_1570 = arith.index_cast %parallel_loop3A_1569 : i32 to index
        %parallel_loop3A_1571 = arith.index_cast %parallel_loop3A_25 : i32 to index
        %parallel_loop3A_1572 = tpu.vector_load %arg12[%parallel_loop3A_1570, %parallel_loop3A_1571] {strides = array<i32>} : memref<3x2048xf32, #tpu.memory_space<vmem>>, vector<16xf32>,
        tpu.vector_store %arg12[%parallel_loop3A_1570, %parallel_loop3A_1571], %parallel_loop3A_1546 {strides = array<i32>} : memref<3x2048xf32, #tpu.memory_space<vmem>>, vector<16xf32>,
        %parallel_loop3A_1573 = arith.constant 0 : i32
        %parallel_loop3A_1574 = arith.index_cast %parallel_loop3A_1573 : i32 to index
        %parallel_loop3A_1575 = arith.index_cast %parallel_loop3A_25 : i32 to index
        %parallel_loop3A_1576 = tpu.vector_load %arg13[%parallel_loop3A_1574, %parallel_loop3A_1575] {strides = array<i32>} : memref<9x2048xf32, #tpu.memory_space<vmem>>, vector<16xf32>,
        tpu.vector_store %arg13[%parallel_loop3A_1574, %parallel_loop3A_1575], %parallel_loop3A_1548 {strides = array<i32>} : memref<9x2048xf32, #tpu.memory_space<vmem>>, vector<16xf32>,
        %parallel_loop3A_1577 = arith.constant 1 : i32
        %parallel_loop3A_1578 = arith.index_cast %parallel_loop3A_1577 : i32 to index
        %parallel_loop3A_1579 = arith.index_cast %parallel_loop3A_25 : i32 to index
        %parallel_loop3A_1580 = tpu.vector_load %arg13[%parallel_loop3A_1578, %parallel_loop3A_1579] {strides = array<i32>} : memref<9x2048xf32, #tpu.memory_space<vmem>>, vector<16xf32>,
        tpu.vector_store %arg13[%parallel_loop3A_1578, %parallel_loop3A_1579], %parallel_loop3A_1550 {strides = array<i32>} : memref<9x2048xf32, #tpu.memory_space<vmem>>, vector<16xf32>,
        %parallel_loop3A_1581 = arith.constant 2 : i32
        %parallel_loop3A_1582 = arith.index_cast %parallel_loop3A_1581 : i32 to index
        %parallel_loop3A_1583 = arith.index_cast %parallel_loop3A_25 : i32 to index
        %parallel_loop3A_1584 = tpu.vector_load %arg13[%parallel_loop3A_1582, %parallel_loop3A_1583] {strides = array<i32>} : memref<9x2048xf32, #tpu.memory_space<vmem>>, vector<16xf32>,
        tpu.vector_store %arg13[%parallel_loop3A_1582, %parallel_loop3A_1583], %parallel_loop3A_1552 {strides = array<i32>} : memref<9x2048xf32, #tpu.memory_space<vmem>>, vector<16xf32>,
        %parallel_loop3A_1585 = arith.constant 1 : i32
        %parallel_loop3A_1586 = arith.index_cast %parallel_loop3A_1585 : i32 to index
        %parallel_loop3A_1587 = arith.index_cast %parallel_loop3A_25 : i32 to index
        %parallel_loop3A_1588 = tpu.vector_load %arg12[%parallel_loop3A_1586, %parallel_loop3A_1587] {strides = array<i32>} : memref<3x2048xf32, #tpu.memory_space<vmem>>, vector<16xf32>,
        tpu.vector_store %arg12[%parallel_loop3A_1586, %parallel_loop3A_1587], %parallel_loop3A_1554 {strides = array<i32>} : memref<3x2048xf32, #tpu.memory_space<vmem>>, vector<16xf32>,
        %parallel_loop3A_1589 = arith.constant 3 : i32
        %parallel_loop3A_1590 = arith.index_cast %parallel_loop3A_1589 : i32 to index
        %parallel_loop3A_1591 = arith.index_cast %parallel_loop3A_25 : i32 to index
        %parallel_loop3A_1592 = tpu.vector_load %arg13[%parallel_loop3A_1590, %parallel_loop3A_1591] {strides = array<i32>} : memref<9x2048xf32, #tpu.memory_space<vmem>>, vector<16xf32>,
        tpu.vector_store %arg13[%parallel_loop3A_1590, %parallel_loop3A_1591], %parallel_loop3A_1556 {strides = array<i32>} : memref<9x2048xf32, #tpu.memory_space<vmem>>, vector<16xf32>,
        %parallel_loop3A_1593 = arith.constant 4 : i32
        %parallel_loop3A_1594 = arith.index_cast %parallel_loop3A_1593 : i32 to index
        %parallel_loop3A_1595 = arith.index_cast %parallel_loop3A_25 : i32 to index
        %parallel_loop3A_1596 = tpu.vector_load %arg13[%parallel_loop3A_1594, %parallel_loop3A_1595] {strides = array<i32>} : memref<9x2048xf32, #tpu.memory_space<vmem>>, vector<16xf32>,
        tpu.vector_store %arg13[%parallel_loop3A_1594, %parallel_loop3A_1595], %parallel_loop3A_1558 {strides = array<i32>} : memref<9x2048xf32, #tpu.memory_space<vmem>>, vector<16xf32>,
        %parallel_loop3A_1597 = arith.constant 5 : i32
        %parallel_loop3A_1598 = arith.index_cast %parallel_loop3A_1597 : i32 to index
        %parallel_loop3A_1599 = arith.index_cast %parallel_loop3A_25 : i32 to index
        %parallel_loop3A_1600 = tpu.vector_load %arg13[%parallel_loop3A_1598, %parallel_loop3A_1599] {strides = array<i32>} : memref<9x2048xf32, #tpu.memory_space<vmem>>, vector<16xf32>,
        tpu.vector_store %arg13[%parallel_loop3A_1598, %parallel_loop3A_1599], %parallel_loop3A_1560 {strides = array<i32>} : memref<9x2048xf32, #tpu.memory_space<vmem>>, vector<16xf32>,
        %parallel_loop3A_1601 = arith.constant 2 : i32
        %parallel_loop3A_1602 = arith.index_cast %parallel_loop3A_1601 : i32 to index
        %parallel_loop3A_1603 = arith.index_cast %parallel_loop3A_25 : i32 to index
        %parallel_loop3A_1604 = tpu.vector_load %arg12[%parallel_loop3A_1602, %parallel_loop3A_1603] {strides = array<i32>} : memref<3x2048xf32, #tpu.memory_space<vmem>>, vector<16xf32>,
        tpu.vector_store %arg12[%parallel_loop3A_1602, %parallel_loop3A_1603], %parallel_loop3A_1562 {strides = array<i32>} : memref<3x2048xf32, #tpu.memory_space<vmem>>, vector<16xf32>,
        %parallel_loop3A_1605 = arith.constant 6 : i32
        %parallel_loop3A_1606 = arith.index_cast %parallel_loop3A_1605 : i32 to index
        %parallel_loop3A_1607 = arith.index_cast %parallel_loop3A_25 : i32 to index
        %parallel_loop3A_1608 = tpu.vector_load %arg13[%parallel_loop3A_1606, %parallel_loop3A_1607] {strides = array<i32>} : memref<9x2048xf32, #tpu.memory_space<vmem>>, vector<16xf32>,
        tpu.vector_store %arg13[%parallel_loop3A_1606, %parallel_loop3A_1607], %parallel_loop3A_1564 {strides = array<i32>} : memref<9x2048xf32, #tpu.memory_space<vmem>>, vector<16xf32>,
        %parallel_loop3A_1609 = arith.constant 7 : i32
        %parallel_loop3A_1610 = arith.index_cast %parallel_loop3A_1609 : i32 to index
        %parallel_loop3A_1611 = arith.index_cast %parallel_loop3A_25 : i32 to index
        %parallel_loop3A_1612 = tpu.vector_load %arg13[%parallel_loop3A_1610, %parallel_loop3A_1611] {strides = array<i32>} : memref<9x2048xf32, #tpu.memory_space<vmem>>, vector<16xf32>,
        tpu.vector_store %arg13[%parallel_loop3A_1610, %parallel_loop3A_1611], %parallel_loop3A_1566 {strides = array<i32>} : memref<9x2048xf32, #tpu.memory_space<vmem>>, vector<16xf32>,
        %parallel_loop3A_1613 = arith.constant 8 : i32
        %parallel_loop3A_1614 = arith.index_cast %parallel_loop3A_1613 : i32 to index
        %parallel_loop3A_1615 = arith.index_cast %parallel_loop3A_25 : i32 to index
        %parallel_loop3A_1616 = tpu.vector_load %arg13[%parallel_loop3A_1614, %parallel_loop3A_1615] {strides = array<i32>} : memref<9x2048xf32, #tpu.memory_space<vmem>>, vector<16xf32>,
        tpu.vector_store %arg13[%parallel_loop3A_1614, %parallel_loop3A_1615], %parallel_loop3A_1568 {strides = array<i32>} : memref<9x2048xf32, #tpu.memory_space<vmem>>, vector<16xf32>,
      } {sc.loop_unroll_factor = 2 : i64, sc.parallel_access}
      "tpu.region"() ({
        %run_scoped3A = tpu.sem_alloc : memref<!tpu.dma_semaphore, #tpu.memory_space<semaphore_mem>>
        %dma_start3A = arith.constant 0 : i32
        %dma_start3A_23 = tpu.memref_slice %arg4[%dma_start3A, %add3A_13] : memref<3x262144xf32, #tpu.memory_space<hbm>> -> memref<3x2048xf32, #tpu.memory_space<hbm>>
        %dma_start3A_24 = arith.constant 0 : i32
        %dma_start3A_25 = tpu.memref_slice %arg4[%dma_start3A_24, %add3A_13] : memref<3x262144xf32, #tpu.memory_space<hbm>> -> memref<3x2048xf32, #tpu.memory_space<hbm>>
        tpu.enqueue_dma source(%arg12 : memref<3x2048xf32, #tpu.memory_space<vmem>>) target(%dma_start3A_25 : memref<3x2048xf32, #tpu.memory_space<hbm>>) target_semaphore(%run_scoped3A : memref<!tpu.dma_semaphore, #tpu.memory_space<semaphore_mem>>)
        %dma_wait3A = arith.constant 0 : i32
        %dma_wait3A_26 = tpu.memref_slice %arg4[%dma_wait3A, %add3A_13] : memref<3x262144xf32, #tpu.memory_space<hbm>> -> memref<3x2048xf32, #tpu.memory_space<hbm>>
        %dma_wait3A_27 = arith.constant 0 : i32
        %dma_wait3A_28 = tpu.memref_slice %arg4[%dma_wait3A_27, %add3A_13] : memref<3x262144xf32, #tpu.memory_space<hbm>> -> memref<3x2048xf32, #tpu.memory_space<hbm>>
        tpu.wait_dma2 semaphore(%run_scoped3A : memref<!tpu.dma_semaphore, #tpu.memory_space<semaphore_mem>>) src(%arg12 : memref<3x2048xf32, #tpu.memory_space<vmem>>) dst(%dma_wait3A_28 : memref<3x2048xf32, #tpu.memory_space<hbm>>)
        tpu.yield
      }) : () -> ()
      "tpu.region"() ({
        %run_scoped3A = tpu.sem_alloc : memref<!tpu.dma_semaphore, #tpu.memory_space<semaphore_mem>>
        %dma_start3A = arith.constant 0 : i32
        %dma_start3A_23 = tpu.memref_slice %arg5[%dma_start3A, %add3A_13] : memref<9x262144xf32, #tpu.memory_space<hbm>> -> memref<9x2048xf32, #tpu.memory_space<hbm>>
        %dma_start3A_24 = arith.constant 0 : i32
        %dma_start3A_25 = tpu.memref_slice %arg5[%dma_start3A_24, %add3A_13] : memref<9x262144xf32, #tpu.memory_space<hbm>> -> memref<9x2048xf32, #tpu.memory_space<hbm>>
        tpu.enqueue_dma source(%arg13 : memref<9x2048xf32, #tpu.memory_space<vmem>>) target(%dma_start3A_25 : memref<9x2048xf32, #tpu.memory_space<hbm>>) target_semaphore(%run_scoped3A : memref<!tpu.dma_semaphore, #tpu.memory_space<semaphore_mem>>)
        %dma_wait3A = arith.constant 0 : i32
        %dma_wait3A_26 = tpu.memref_slice %arg5[%dma_wait3A, %add3A_13] : memref<9x262144xf32, #tpu.memory_space<hbm>> -> memref<9x2048xf32, #tpu.memory_space<hbm>>
        %dma_wait3A_27 = arith.constant 0 : i32
        %dma_wait3A_28 = tpu.memref_slice %arg5[%dma_wait3A_27, %add3A_13] : memref<9x262144xf32, #tpu.memory_space<hbm>> -> memref<9x2048xf32, #tpu.memory_space<hbm>>
        tpu.wait_dma2 semaphore(%run_scoped3A : memref<!tpu.dma_semaphore, #tpu.memory_space<semaphore_mem>>) src(%arg13 : memref<9x2048xf32, #tpu.memory_space<vmem>>) dst(%dma_wait3A_28 : memref<9x2048xf32, #tpu.memory_space<hbm>>)
        tpu.yield
      }) : () -> ()
      %scan3A_22 = arith.constant 0 : i32
      scf.yield %scan3A_22 : i32
    }
    %scan3A_8 = arith.constant 4 : i32
    return
  }
}

</mosaic_0001>

<sc_bundles>
// kernel: kernel.3.cloned.1.call-start
scs
__scs_entry_jumppad:
0x0: {  	(pc) =	sbr.rel $0x88, $3  }
0x1: {  	(tag) =	ssettag $0x0;
	lr =	simm.s32 $0x1  }
0x2: {  	[smem:$0x3F9F] =	sst lr;
	_ =	strace $0xD0000000  }
0x3: {  	_ = 	snop  }
0x4: {  	_ = 	snop  }
0x5: {  	_ = 	snop  }
0x6: {  	_ = 	snop  }
0x7: {  	_ = 	snop  }
__scs_overlays_trampoline_lowered:
0x8: {  	[smem:$0x3FAE] =	sst s0  }
0x9: {  	[smem:$0x3FAF] =	sst s1  }
0xa: {  	[smem:$0x3FB0] =	sst s2  }
0xb: {  	[smem:$0x3FB1] =	sst s3  }
0xc: {  	[smem:$0x3FB2] =	sst s4  }
0xd: {  	[smem:$0x3FB3] =	sst s5  }
0xe: {  	[smem:$0x3FB4] =	sst s6  }
0xf: {  	[smem:$0x3FB5] =	sst s7  }
0x10: {  	[smem:$0x3FB6] =	sst s8  }
0x11: {  	[smem:$0x3FB7] =	sst s9;
	s0 =	simm.s32 @!p0 $0x0  }
0x12: {  	s1 =	sld [smem:$0x3F9D];
	s0 =	simm.s32 @p0 $0x1  }
0x13: {  	[smem:$0x3FB8] =	sst s0;
	s0 =	simm.s32 @!p1 $0x0  }
0x14: {  	s2 =	sld [smem:$0x3F9C];
	s0 =	simm.s32 @p1 $0x1  }
0x15: {  	[smem:$0x3FB9] =	sst s0;
	s0 =	simm.s32 @!p2 $0x0  }
0x16: {  	s3 =	sld [smem:$0x3FDB];
	s0 =	simm.s32 @p2 $0x1  }
0x17: {  	s4 =	simm.s32 $0x1BF5;
	[smem:$0x3FBB] =	sst s0  }
0x18: {  	s0 =	sld [smem:$0x3F9E];
	_ =	swait.ge [sflag:s4], $0x0  }
0x19: {  	s7 =	sld [smem:$0x3F9F]  }
0x1a: {  	s8 =	sadd.s32 $0xFFFFE003, lr  }
0x1b: {  	s9 =	sadd.s32 $0xFFFFFEF7, lr;
	s5 =	simm.s32 $0xFFFFFFFF;
	p2 =	slt.u32 s8, $0xFFFFF086  }
0x1c: {  	p1 =	slt.u32 s9, $0xF7A;
	s5 =	simm.s32 @!p2 $0x0  }
0x1d: {  	s5 =	simm.s32 @p1 $0x1;
	p0 =	seq.s32 s7, s2  }
0x1e: {  	s7 =	smul.u32 @!p0 $0xF7A, s2;
	p2 =	seq.s32 @!p0 s5, $0x0  }
0x1f: {  	s9 =	smul.u32 $0xF7A, s1;
	s8 =	simm.s32 @!p0 $0x1BF5;
	p2 =	por !p2, p0  }
0x20: {  	[sflag:s8] =	ssyncset.s32 @!p0 $0xFFFFF086;
	s6 =	sadd.s32 @!p0 s3, s7;
	s7 =	simm.s32 @!p0 $0x108  }
0x21: {  	s3 =	sadd.s32 s3, s9;
	s6 =	sadd.s32 @!p0 $0x88, s6;
	s7 =	simm.s32 @p2 $0x1082  }
0x22: {  	[simem:s7], [sflag:s8] =	dma.local @!p0 [hbm:s6], $0xF7A  }
0x23: {  	s9 =	sor.u32 $0xD0000000, s2;
	s6 =	simm.s32 $0x108;
	_ =	swait.ge @!p0 [sflag:s8], $0x0  }
0x24: {  	s3 =	sadd.s32 $0x88, s3;
	s6 =	simm.s32 @!p1 $0x1082;
	[sflag:s4] =	ssyncset.s32 $0xFFFFF086  }
0x25: {  	[simem:s6], [sflag:s4] =	dma.local [hbm:s3], $0xF7A  }
0x26: {  	[smem:$0x3F9F] =	sst s1;
	(tag) =	ssettag s2;
	_ =	strace s9  }
0x27: {  	s1 =	sld [smem:$0x3FAF]  }
0x28: {  	s2 =	sld [smem:$0x3FB0]  }
0x29: {  	s4 =	sld [smem:$0x3FB2]  }
0x2a: {  	p0 =	seq.s32 s5, $0x0;
	s5 =	sld [smem:$0x3FB3]  }
0x2b: {  	s6 =	sld [smem:$0x3FB4]  }
0x2c: {  	s7 =	sld [smem:$0x3FB5]  }
0x2d: {  	s3 =	simm.s32 $0x108;
	s8 =	sld [smem:$0x3FB6]  }
0x2e: {  	s3 =	simm.s32 @!p0 $0x1082;
	s9 =	sld [smem:$0x3FB7]  }
0x2f: {  	lr =	sadd.s32 s0, s3;
	s0 =	sld [smem:$0x3FAE]  }
0x30: {  	s3 =	sld [smem:$0x3FB1]  }
0x31: {  	[smem:$0x3FBA] =	sst s10  }
0x32: {  	s10 =	sld [smem:$0x3FB8];
	_ =	sdelay $0x3  }
0x33: {  	p0 =	seq.s32 s10, $0x1;
	s10 =	sld [smem:$0x3FBA];
	_ =	sdelay $0x3  }
0x34: {  	[smem:$0x3FBA] =	sst s10  }
0x35: {  	s10 =	sld [smem:$0x3FB9];
	_ =	sdelay $0x3  }
0x36: {  	p1 =	seq.s32 s10, $0x1;
	s10 =	sld [smem:$0x3FBA];
	_ =	sdelay $0x3  }
0x37: {  	[smem:$0x3FBA] =	sst s10  }
0x38: {  	s10 =	sld [smem:$0x3FBB]  }
0x39: {  	_ = 	snop;
	(pc) =	sbr.ind lr, $3  }
0x3a: {  	_ = 	snop  }
0x3b: {  	_ = 	snop  }
0x3c: {  	p2 =	seq.s32 s10, $0x1;
	s10 =	sld [smem:$0x3FBA]  }
0x3d: {  	_ =	shalt  }
0x3e: {  	_ =	shalt  }
0x3f: {  	_ =	shalt  }
0x40: {  	_ =	shalt  }
0x41: {  	_ =	shalt  }
0x42: {  	_ =	shalt  }
0x43: {  	_ =	shalt  }
0x44: {  	_ =	shalt  }
0x45: {  	_ =	shalt  }
0x46: {  	_ =	shalt  }
0x47: {  	_ =	shalt  }
0x48: {  	_ =	shalt  }
0x49: {  	_ =	shalt  }
0x4a: {  	_ =	shalt  }
0x4b: {  	_ =	shalt  }
0x4c: {  	_ =	shalt  }
0x4d: {  	_ =	shalt  }
0x4e: {  	_ =	shalt  }
0x4f: {  	_ =	shalt  }
0x50: {  	_ =	shalt  }
0x51: {  	_ =	shalt  }
0x52: {  	_ =	shalt  }
0x53: {  	_ =	shalt  }
0x54: {  	_ =	shalt  }
0x55: {  	_ =	shalt  }
0x56: {  	_ =	shalt  }
0x57: {  	_ =	shalt  }
0x58: {  	_ =	shalt  }
0x59: {  	_ =	shalt  }
0x5a: {  	_ =	shalt  }
0x5b: {  	_ =	shalt  }
0x5c: {  	_ =	shalt  }
0x5d: {  	_ =	shalt  }
0x5e: {  	_ =	shalt  }
0x5f: {  	_ =	shalt  }
0x60: {  	_ =	shalt  }
0x61: {  	_ =	shalt  }
0x62: {  	_ =	shalt  }
0x63: {  	_ =	shalt  }
0x64: {  	_ =	shalt  }
0x65: {  	_ =	shalt  }
0x66: {  	_ =	shalt  }
0x67: {  	_ =	shalt  }
0x68: {  	_ =	shalt  }
0x69: {  	_ =	shalt  }
0x6a: {  	_ =	shalt  }
0x6b: {  	_ =	shalt  }
0x6c: {  	_ =	shalt  }
0x6d: {  	_ =	shalt  }
0x6e: {  	_ =	shalt  }
0x6f: {  	_ =	shalt  }
0x70: {  	_ =	shalt  }
0x71: {  	_ =	shalt  }
0x72: {  	_ =	shalt  }
0x73: {  	_ =	shalt  }
0x74: {  	_ =	shalt  }
0x75: {  	_ =	shalt  }
0x76: {  	_ =	shalt  }
0x77: {  	_ =	shalt  }
0x78: {  	_ =	shalt  }
0x79: {  	_ =	shalt  }
0x7a: {  	_ =	shalt  }
0x7b: {  	_ =	shalt  }
0x7c: {  	_ =	shalt  }
0x7d: {  	_ =	shalt  }
0x7e: {  	_ =	shalt  }
0x7f: {  	_ =	shalt  }
0x80: {  	_ =	shalt  }
0x81: {  	_ =	shalt  }
0x82: {  	_ =	shalt  }
0x83: {  	_ =	shalt  }
0x84: {  	_ =	shalt  }
0x85: {  	_ =	shalt  }
0x86: {  	_ =	shalt  }
0x87: {  	_ =	shalt  }
.Lfunc_end0:
.L_simem_size_0:
called_computation_lowered:
.L_overlay_start_0:
0x88: {  	s2 =	sld [smem:$0x3FD9]  }
0x89: {  	s3 =	sld [smem:$0x3FFE];
	_ =	sdelay $0x1  }
0x8a: {  	s1 =	srdreg.scid  }
0x8b: {  	s0 =	sand.u32 $0x1, s1  }
0x8c: {  	s14 =	sshll.u32 s0, $0xA;
	s2 =	sadd.s32 s3, s2  }
0x8d: {  	s2 =	sadd.s32 s2, s14  }
0x8e: {  	[smem:$0x3FC6] =	sst s2  }
0x8f: {  	_ = 	snop  }
0x90: {  	s2 =	sld [smem:$0x3FD0];
	_ =	sdelay $0x2  }
0x91: {  	s15 =	simm.s32 $0xA;
	s4 =	simm.s32 $0x10  }
0x92: {  	[smem:s4], [sflag:s15] =	dma.local [hbm:s2], $0x1  }
0x93: {  	_ =	swait.eq [sflag:s15], $0x1  }
0x94: {  	[sflag:s15] =	ssyncset.done $0x0  }
0x95: {  	s16 =	sld [smem:$0x10];
	[sflag:s15] =	ssyncadd.s32 $0xFFFFFFFF  }
0x96: {  	s17 =	sld [smem:$0x11];
	(tm) =	ssettm $0x1  }
0x97: {  	s18 =	sld [smem:$0x3FFB];
	_ =	sdelay $0x3  }
0x98: {  	_ =	strace s18  }
0x99: {  	s4 =	sld [smem:$0x3FFC];
	_ =	sdelay $0x3  }
0x9a: {  	_ =	strace s4  }
0x9b: {  	s4 =	sld [smem:$0x3FFD];
	_ =	sdelay $0x3  }
0x9c: {  	_ =	strace s4  }
0x9d: {  	_ =	strace $0x8FFFFFFF  }
0x9e: {  	s19 =	sld [smem:$0x3FDB];
	_ =	sdelay $0x1  }
0x9f: {  	s5 =	simm.s32 $_scs_section_size  }
0xa0: {  	s6 =	simm.s32 $_size__tile_overlayer_lowered;
	s7 =	simm.s32 $_tile_overlayer_lowered  }
0xa1: {  	s22 =	simm.s32 $0x1BFF;
	s21 =	sshll.u32 s7, $0x1;
	s4 =	sadd.s32 s5, s19  }
0xa2: {  	s8 =	simm.s32 $0x0;
	s20 =	sshll.u32 s6, $0x1;
	s6 =	sadd.s32 s21, s4  }
0xa3: {  	[timem:s8], [sflag:s22] =	dma.local [hbm:s6], s20  }
0xa4: {  	_ =	swait.ge [sflag:s22], s20  }
0xa5: {  	s5 =	ssub.s32 $0x0, s20;
	[sflag:s22] =	ssyncset.done $0x0  }
0xa6: {  	[sflag:s22] =	ssyncadd.s32 s5;
	_ =	sdelay $0x1  }
0xa7: {  	s23 =	simm.s32 $0x1B8B  }
0xa8: {  	_ =	swait.ge [sflag:s23], $0x1  }
0xa9: {  	[sflag:s23] =	ssyncset.done $0x0  }
0xaa: {  	s25 =	simm.s32 $0x1B8E;
	s24 =	sld [smem:$0x3FFE];
	[sflag:s23] =	ssyncadd.s32 $0xFFFFFFFF  }
0xab: {  	s26 =	simm.s32 $execute0_lowered;
	[smem:$0x3FD2] =	sst s25  }
0xac: {  	s6 =	sshll.u32 s26, $0x1;
	_ =	strace $0x80000046;
	[dreg:$0x1] =	wrdreg $0xFFFFFFFF  }
0xad: {  	s28 =	simm.s32 $_size_execute0_lowered;
	s4 =	sadd.s32 s4, s6;
	[dreg:$0x0] =	wrdreg $0x0  }
0xae: {  	s6 =	sshll.u32 s28, $0x1;
	[dreg:$0x2] =	wrdreg s4  }
0xaf: {  	[dreg:$0x3] =	wrdreg s6  }
0xb0: {  	[dreg:$0x4] =	wrdreg $0xC0  }
0xb1: {  	_ =	task [dreg:s8], $0x5FFFF  }
0xb2: {  	[dreg:$0x1] =	wrdreg $0xFFFFFFFF  }
0xb3: {  	[dreg:$0x0] =	wrdreg $0x60  }
0xb4: {  	[dreg:$0x2] =	wrdreg s24  }
0xb5: {  	[dreg:$0x3] =	wrdreg s16  }
0xb6: {  	[dreg:$0x4] =	wrdreg s17  }
0xb7: {  	[dreg:$0x5] =	wrdreg $0x9  }
0xb8: {  	_ =	task.clear_ibuf [dreg:s8], $0x6FFFF;
	_ =	strace $0x90000046  }
0xb9: {  	s29 =	simm.s32 $0x9;
	_ =	strace $0x80000048  }
0xba: {  	_ =	swait.ge [sflag:s29], $0x1  }
0xbb: {  	[sflag:s29] =	ssyncadd.s32 $0xFFFFFFFF  }
0xbc: {  	_ =	strace $0x90000048  }
0xbd: {  	_ =	sfence  }
0xbe: {  	s30 =	sld [smem:$0x0];
	_ =	sdelay $0x2  }
0xbf: {  	s31 =	sshll.u32 s1, $0xD;
	s1 =	sshrl.u32 s1, $0x2  }
0xc0: {  	s3 =	sand.u32 $0x4000, s31;
	s1 =	sadd.s32 s1, s30  }
0xc1: {  	s0 =	sor.u32 s3, s0;
	s1 =	sshll.u32 s1, $0x11  }
0xc2: {  	s0 =	sor.u32 s1, s0  }
0xc3: {  	s0 =	sadd.s32 $0x8F2B, s0  }
0xc4: {  	[sflag:s0] =	ssyncadd.remote.s32 $0x1  }
0xc5: {  	_ =	sfence.sel $0xFFFF  }
0xc6: {  	[dreg:$0x0] =	wrdreg $0xFFFFFFFF;
	(pc) =	sbr.abs _section_cstart, $3  }
0xc7: {  	[dreg:$0x1] =	wrdreg $0xFFFFFFFF  }
0xc8: {  	_ =	task.clear_ibuf [dreg:s8], $0x2FFFF;
	_ =	strace $0x9FFFFFFF  }
0xc9: {  	(tm) =	ssettm $0x7FFFFFFF  }
tec
execute0_lowered:
.L_overlay_start_1:
0x0: {  	(tag) =	ssettag $0x1  }
0x1: {  	s11 =	rddreg [dreg:$0x0]  }
0x2: {  	s1 =	rddreg [dreg:$0x1]  }
0x3: {  	s2 =	rddreg [dreg:$0x2];
	s3 =	simm.s32 $0x0;
	s4 =	srdreg.scid  }
0x4: {  	s30 =	stileid.u32;
	s13 =	simm.s32 $0x1;
	s14 =	simm.s32 $0x1B00  }
0x5: {  	s15 =	simm.s32 $0x3600;
	s16 =	simm.s32 $0x6900;
	s17 =	simm.s32 $0x4000  }
0x6: {  	s18 =	simm.s32 $0x200000;
	s19 =	simm.s32 $0x8900;
	s20 =	simm.s32 $0x0  }
0x7: {  	[smem:$0x7FF] =	sst s3;
	s9 =	sand.u32 $0x1, s4;
	s5 =	sadd.s32 $0x1200, s11  }
0x8: {  	s0 =	sadd.s32 $0x600, s11;
	s31 =	sadd.s32 $0x960, s11;
	s10 =	sshll.u32 s30, $0xE  }
0x9: {  	_ =	strace $0x80000047;
	s7 =	ssub.s32 $0x2, s9;
	[dreg:$0x4] =	wrdreg s0  }
0xa: {  	[dreg:$0x5] =	wrdreg s31;
	s9 =	sshll.u32 s9, $0xD;
	s8 =	sshrl.u32 s7, $0x1  }
0xb: {  	s9 =	sor.u32 s9, s10;
	s10 =	sadd.s32 $0x9200, s11;
	s12 =	ssub.s32 s7, s8  }
0xc: {  	s8 =	sadd.s32 $0xCC0, s11;
	s11 =	sadd.s32 $0x11200, s11;
	s12 =	smax.u32 s12, $0x1  }
.LBB2_1:
0xd: {  	s0 =	rddreg [dreg:$0x4]  }
0xe: {  	[tilespmem:s3], [sflag:$0x1] =	stream.linear.gather [hbm4b:s0+s3], $0x1B00, $0x38;
	[tilespmem:$0x10900] =	vst v63  }
0xf: {  	_ =	swait.ge [sflag:s13], $0x1B00  }
0x10: {  	[sflag:s13] =	ssyncset.done $0x0  }
0x11: {  	s31 =	rddreg [dreg:$0x5];
	[sflag:s13] =	ssyncadd.s32 $0xFFFFE500  }
0x12: {  	[tilespmem:s14], [sflag:$0x1] =	stream.linear.gather [hbm4b:s31+s3], $0x1B00, $0x38;
	[tilespmem:$0x10900] =	vst v63  }
0x13: {  	_ =	swait.ge [sflag:s13], $0x1B00  }
0x14: {  	[sflag:s13] =	ssyncset.done $0x0  }
0x15: {  	[sflag:s13] =	ssyncadd.s32 $0xFFFFE500  }
0x16: {  	[tilespmem:s15], [sflag:$0x1] =	stream.linear.gather [hbm4b:s8+s3], $0x1B00, $0x38;
	[tilespmem:$0x10900] =	vst v63  }
0x17: {  	_ =	swait.ge [sflag:s13], $0x1B00  }
0x18: {  	[sflag:s13] =	ssyncset.done $0x0  }
0x19: {  	s21 =	simm.s32 $0x0;
	[sflag:s13] =	ssyncadd.s32 $0xFFFFE500  }
.LBB2_2:
0x1a: {  	s22 =	sshll.u32 s21, $0xB  }
0x1b: {  	s22 =	sadd.s32 s9, s22  }
0x1c: {  	s26 =	sshrl.u32 s22, $0x3  }
0x1d: {  	s23 =	simm.s32 $0x0;
	s24 =	simm.s32 $0x5100;
	s25 =	sadd.s32 s5, s26  }
0x1e: {  	[tilespmem:s24], [sflag:$0x1] =	stream.linear.gather [hbm4b:s25+s23], $0x800, $0x38;
	[tilespmem:$0x10900] =	vst v63  }
0x1f: {  	_ =	swait.ge [sflag:s13], $0x800  }
0x20: {  	[sflag:s13] =	ssyncset.done $0x0  }
0x21: {  	s28 =	sadd.s32 s26, s10;
	s25 =	simm.s32 $0x5900;
	[sflag:s13] =	ssyncadd.s32 $0xFFFFF800  }
0x22: {  	[tilespmem:s25], [sflag:$0x1] =	stream.linear.gather [hbm4b:s28+s23], $0x800, $0x38;
	[tilespmem:$0x10900] =	vst v63  }
0x23: {  	_ =	swait.ge [sflag:s13], $0x800  }
0x24: {  	[sflag:s13] =	ssyncset.done $0x0  }
0x25: {  	s28 =	sadd.s32 s26, s11;
	s26 =	simm.s32 $0x6100;
	[sflag:s13] =	ssyncadd.s32 $0xFFFFF800  }
0x26: {  	[tilespmem:s26], [sflag:$0x1] =	stream.linear.gather [hbm4b:s28+s23], $0x800, $0x38;
	[tilespmem:$0x10900] =	vst v63  }
0x27: {  	_ =	swait.ge [sflag:s13], $0x800  }
0x28: {  	[sflag:s13] =	ssyncset.done $0x0  }
0x29: {  	s28 =	simm.s32 $0xFFFFFFFE;
	[sflag:s13] =	ssyncadd.s32 $0xFFFFF800  }
.LBB2_3:
0x2a: {  	v0 =	vld [tilespmem:s24+$0x0]  }
0x2b: {  	v1 =	vld [tilespmem:s25+$0x0];
	_ =	sdelay $0x3  }
0x2c: {  	v0 =	vadd.f32 $1.080000000e+02, v0  }
0x2d: {  	v6 =	vld [tilespmem:s26+$0x0];
	v1 =	vadd.f32 $1.080000000e+02, v1  }
0x2e: {  	v0 =	vmul.f32 $8.333333580e-02, v0  }
0x2f: {  	v12 =	vmul.f32 $8.333333580e-02, v1  }
0x30: {  	v2 =	vtrunc.f32 v0  }
0x31: {  	v4 =	vtrunc.f32 v12;
	v2 =	vcvt.f32.s32 v2  }
0x32: {  	v6 =	vadd.f32 $1.080000000e+02, v6;
	v4 =	vcvt.f32.s32 v4  }
0x33: {  	v3 =	vcvt.s32.f32 v2  }
0x34: {  	v6 =	vmul.f32 $8.333333580e-02, v6;
	v5 =	vcvt.s32.f32 v4  }
0x35: {  	v30 =	vsub.f32 v0, v3  }
0x36: {  	v19 =	vtrunc.f32 v6;
	v5 =	vsub.f32 v12, v5  }
0x37: {  	v13 =	vsub.f32 $1.000000000e+00, v30;
	v3 =	vmul.f32 $3.000000000e+00, v30;
	v27 =	vmul.f32 v30, v30  }
0x38: {  	v16 =	vsub.f32 $1.000000000e+00, v5;
	v7 =	vmul.f32 $3.000000000e+00, v5;
	v9 =	vmul.f32 v5, v5  }
0x39: {  	v11 =	vmul.f32 $1.500000000e+00, v5;
	v31 =	vmul.f32 v13, v13;
	v3 =	vadd.f32 $-6.000000000e+00, v3  }
0x3a: {  	v15 =	vmul.f32 v27, v30;
	v10 =	vmul.f32 v16, v16  }
0x3b: {  	v26 =	vmul.u32 $0x169, v2;
	v1 =	vmul.f32 v31, v13;
	v3 =	vmul.f32 v3, v27  }
0x3c: {  	v7 =	vadd.f32 $-6.000000000e+00, v7;
	v25 =	vadd.f32 $-2.000000000e+00, v11;
	v35 =	vmul.f32 v9, v5  }
0x3d: {  	v17 =	vmul.f32 $1.666666720e-01, v15;
	v29 =	vmul.f32 $1.666666720e-01, v1;
	v14 =	vadd.f32 $4.000000000e+00, v3  }
0x3e: {  	v22 =	vmul.u32 $0x13, v4;
	v7 =	vmul.f32 v7, v9;
	v2 =	vmul.f32 v25, v5  }
0x3f: {  	v20 =	vmul.f32 $-4.166666790e-02, v10;
	v28 =	vmul.f32 $1.666666720e-01, v14;
	v8 =	vsub.f32 $1.000000000e+00, v29  }
0x40: {  	v32 =	vadd.s32 $0xFFFFFE97, v26;
	v31 =	vmul.f32 $-4.166666790e-02, v31;
	v3 =	vmul.f32 v10, v16  }
0x41: {  	v24 =	vadd.f32 $4.000000000e+00, v7;
	v18 =	vsub.f32 v8, v28;
	v8 =	vcvt.f32.s32 v19  }
0x42: {  	v25 =	vadd.s32 $0xFFFFFFED, v22;
	v1 =	vmul.f32 $1.666666720e-01, v35;
	v19 =	vmul.f32 $1.666666720e-01, v3  }
0x43: {  	[tilespmem:$0x1FF20] =	vst v17;
	v23 =	vsub.f32 v18, v17;
	v36 =	vcvt.s32.f32 v8;
	v17 =	vmul.f32 $1.666666720e-01, v24  }
0x44: {  	v37 =	vsub.f32 $1.000000000e+00, v19;
	v18 =	vmul.f32 $8.333333580e-02, v2;
	v16 =	vadd.s32 $0xFFFFFFFF, v8  }
0x45: {  	v24 =	vadd.s32 v32, v25;
	v2 =	vmul.f32 $4.166666790e-02, v9;
	v38 =	vsub.f32 v6, v36  }
0x46: {  	v14 =	vadd.s32 $0x1, v8;
	v33 =	vadd.s32 v16, v24;
	v34 =	vadd.s32 v8, v24  }
0x47: {  	v39 =	vsub.f32 v37, v17;
	v40 =	vsub.f32 $1.000000000e+00, v38;
	v41 =	vmul.f32 $3.000000000e+00, v38  }
0x48: {  	v45 =	vadd.f32 v18, v20;
	v42 =	vmul.f32 v38, v38;
	v46 =	vmul.f32 $1.500000000e+00, v38  }
0x49: {  	v37 =	vadd.s32 v14, v24;
	v43 =	vmul.f32 v40, v40;
	v44 =	vadd.f32 $-6.000000000e+00, v41  }
0x4a: {  	v47 =	vadd.f32 $-2.000000000e+00, v46;
	v15 =	vmul.f32 v42, v38;
	v4 =	vmul.f32 $4.166666790e-02, v42  }
0x4b: {  	v12 =	vsub.f32 v39, v1;
	v35 =	vld.idx.msk [tilespmem:v33+s3+$0x0], $0xffff;
	v5 =	vmul.f32 v43, v40;
	v13 =	vmul.f32 v44, v42  }
0x4c: {  	v9 =	vadd.f32 v45, v2;
	v36 =	vld.idx.msk [tilespmem:v33+s14+$0x0], $0xffff;
	v3 =	vmul.f32 v47, v38;
	v10 =	vmul.f32 $-4.166666790e-02, v43  }
0x4d: {  	v33 =	vld.idx.msk [tilespmem:v33+s15+$0x0], $0xffff;
	v47 =	vadd.s32 v22, v32;
	v7 =	vmul.f32 $1.666666720e-01, v5;
	v48 =	vadd.f32 $4.000000000e+00, v13  }
0x4e: {  	v38 =	vld.idx.msk [tilespmem:v34+s3+$0x0], $0xffff;
	v6 =	vmul.f32 $8.333333580e-02, v3;
	v3 =	vmul.f32 $1.666666720e-01, v15;
	v15 =	vadd.s32 $0x2, v8  }
0x4f: {  	v39 =	vld.idx.msk [tilespmem:v34+s14+$0x0], $0xffff;
	v59 =	vadd.s32 v8, v47;
	v24 =	vadd.s32 v15, v24;
	v5 =	vmul.f32 $1.666666720e-01, v48  }
0x50: {  	v34 =	vld.idx.msk [tilespmem:v34+s15+$0x0], $0xffff;
	v49 =	vsub.f32 $1.000000000e+00, v7;
	v40 =	vmul.f32 v7, v35;
	v35 =	vmul.f32 v10, v35  }
0x51: {  	v51 =	vadd.f32 v6, v10;
	v41 =	vmul.f32 v7, v36;
	v36 =	vmul.f32 v10, v36  }
0x52: {  	v46 =	vmul.f32 v7, v33;
	v33 =	vmul.f32 v10, v33;
	v50 =	vsub.f32 v49, v5  }
0x53: {  	v42 =	vld.idx.msk [tilespmem:v37+s3+$0x0], $0xffff;
	v11 =	vadd.f32 v51, v4;
	v43 =	vmul.f32 v5, v38;
	v38 =	vmul.f32 v6, v38  }
0x54: {  	v44 =	vld.idx.msk [tilespmem:v37+s14+$0x0], $0xffff;
	v13 =	vsub.f32 $0.0e+00, v9;
	v45 =	vmul.f32 v5, v39;
	v39 =	vmul.f32 v6, v39  }
0x55: {  	v37 =	vld.idx.msk [tilespmem:v37+s15+$0x0], $0xffff;
	v54 =	vmul.f32 v5, v34;
	v9 =	vsub.f32 v50, v3;
	v11 =	vsub.f32 $0.0e+00, v11  }
0x56: {  	v49 =	vadd.s32 v16, v47;
	v51 =	vld.idx.msk [tilespmem:v59+s14+$0x0], $0xffff;
	v40 =	vadd.f32 v43, v40;
	v35 =	vadd.f32 v38, v35  }
0x57: {  	v34 =	vmul.f32 v6, v34;
	v52 =	vadd.f32 v45, v41;
	v36 =	vadd.f32 v39, v36;
	v53 =	vld.idx.msk [tilespmem:v24+s3+$0x0], $0xffff  }
0x58: {  	v56 =	vld.idx.msk [tilespmem:v24+s14+$0x0], $0xffff;
	v41 =	vadd.f32 v54, v46;
	v50 =	vadd.s32 v14, v47;
	v55 =	vmul.f32 v9, v42  }
0x59: {  	v24 =	vld.idx.msk [tilespmem:v24+s15+$0x0], $0xffff;
	v33 =	vadd.f32 v34, v33;
	v42 =	vmul.f32 v11, v42;
	v48 =	vmul.f32 v9, v44  }
0x5a: {  	v57 =	vmul.f32 v11, v44;
	v60 =	vmul.f32 v9, v37;
	v40 =	vadd.f32 v55, v40  }
0x5b: {  	v37 =	vmul.f32 v11, v37;
	v62 =	vld.idx.msk [tilespmem:v49+s3+$0x0], $0xffff;
	v35 =	vadd.f32 v42, v35;
	v38 =	vadd.f32 v48, v52  }
0x5c: {  	v36 =	vadd.f32 v57, v36;
	v55 =	vmul.f32 v51, v6;
	v58 =	vmul.f32 v53, v3  }
0x5d: {  	v41 =	vadd.f32 v60, v41;
	v39 =	vmul.f32 v53, v4;
	v61 =	vmul.f32 v56, v3  }
0x5e: {  	v33 =	vadd.f32 v37, v33;
	v63 =	vmul.f32 v56, v4;
	v0 =	vmul.f32 v24, v3  }
0x5f: {  	v57 =	vld.idx.msk [tilespmem:v59+s3+$0x0], $0xffff;
	v24 =	vmul.f32 v24, v4;
	v40 =	vadd.f32 v40, v58;
	v35 =	vadd.f32 v35, v39  }
0x60: {  	v44 =	vld.idx.msk [tilespmem:v59+s15+$0x0], $0xffff;
	v41 =	vadd.f32 v41, v0;
	v0 =	vmul.f32 v51, v5;
	v58 =	vmul.f32 v62, v7  }
0x61: {  	v56 =	vld.idx.msk [tilespmem:v49+s14+$0x0], $0xffff;
	v38 =	vadd.f32 v38, v61;
	v59 =	vmul.f32 v62, v10;
	v48 =	vmul.f32 v40, v19  }
0x62: {  	v49 =	vld.idx.msk [tilespmem:v49+s15+$0x0], $0xffff;
	v36 =	vadd.f32 v36, v63;
	v40 =	vmul.f32 v40, v20;
	v35 =	vmul.f32 v35, v19  }
0x63: {  	v34 =	vmul.f32 v38, v19;
	v38 =	vmul.f32 v38, v20  }
0x64: {  	v54 =	vld.idx.msk [tilespmem:v50+s14+$0x0], $0xffff;
	v24 =	vadd.f32 v33, v24;
	v36 =	vmul.f32 v36, v19;
	v62 =	vmul.f32 v57, v5  }
0x65: {  	v47 =	vadd.s32 v15, v47;
	v53 =	vld.idx.msk [tilespmem:v50+s3+$0x0], $0xffff;
	v63 =	vmul.f32 v57, v6;
	v57 =	vmul.f32 v44, v6  }
0x66: {  	v24 =	vmul.f32 v24, v19;
	v60 =	vmul.f32 v56, v7  }
0x67: {  	v21 =	vadd.s32 $0x13, v22;
	v50 =	vld.idx.msk [tilespmem:v50+s15+$0x0], $0xffff;
	v46 =	vmul.f32 v56, v10;
	v52 =	vmul.f32 v49, v7  }
0x68: {  	v61 =	vmul.f32 v49, v10;
	v56 =	vmul.f32 v44, v5;
	v42 =	vadd.f32 v62, v58  }
0x69: {  	v33 =	vadd.f32 v63, v59;
	v62 =	vmul.f32 v54, v9;
	v37 =	vadd.f32 v0, v60  }
0x6a: {  	v49 =	vld.idx.msk [tilespmem:v47+s3+$0x0], $0xffff;
	v58 =	vadd.f32 v55, v46;
	v59 =	vadd.f32 v56, v52;
	v60 =	vmul.f32 v53, v9  }
0x6b: {  	v63 =	vld.idx.msk [tilespmem:v47+s14+$0x0], $0xffff;
	v39 =	vadd.f32 v57, v61;
	v61 =	vmul.f32 v53, v11;
	v0 =	vmul.f32 v54, v11  }
0x6c: {  	v57 =	vmul.f32 v50, v9;
	v54 =	vmul.f32 v41, v19;
	v42 =	vadd.f32 v60, v42  }
0x6d: {  	v41 =	vmul.f32 v41, v20;
	v33 =	vadd.f32 v61, v33;
	v43 =	vadd.f32 v0, v58;
	v58 =	vld.idx.msk [tilespmem:v47+s15+$0x0], $0xffff  }
0x6e: {  	v37 =	vadd.f32 v62, v37;
	v44 =	vadd.f32 v57, v59;
	v59 =	vmul.f32 v50, v11  }
0x6f: {  	v50 =	vadd.s32 v32, v21;
	v60 =	vmul.f32 v49, v3;
	v49 =	vmul.f32 v49, v4  }
0x70: {  	v62 =	vadd.s32 v16, v50;
	v61 =	vmul.f32 v63, v3;
	v39 =	vadd.f32 v59, v39  }
0x71: {  	v63 =	vmul.f32 v63, v4;
	v42 =	vadd.f32 v60, v42;
	v33 =	vadd.f32 v49, v33  }
0x72: {  	v37 =	vadd.f32 v61, v37;
	v0 =	vmul.f32 v58, v3;
	v45 =	vmul.f32 v58, v4  }
0x73: {  	v49 =	vadd.s32 v8, v50;
	v52 =	vmul.f32 v42, v17;
	v42 =	vmul.f32 v42, v18  }
0x74: {  	v43 =	vadd.f32 v63, v43;
	v33 =	vmul.f32 v33, v17;
	v55 =	vmul.f32 v37, v17  }
0x75: {  	v56 =	vld.idx.msk [tilespmem:v62+s14+$0x0], $0xffff;
	v57 =	vmul.f32 v37, v18;
	v44 =	vadd.f32 v0, v44;
	v39 =	vadd.f32 v45, v39  }
0x76: {  	v58 =	vld.idx.msk [tilespmem:v62+s15+$0x0], $0xffff;
	v59 =	vmul.f32 v43, v17;
	v46 =	vadd.f32 v52, v48;
	v40 =	vadd.f32 v42, v40  }
0x77: {  	v45 =	vld.idx.msk [tilespmem:v62+s3+$0x0], $0xffff;
	v33 =	vadd.f32 v33, v35;
	v48 =	vadd.s32 v14, v50;
	v50 =	vadd.s32 v15, v50  }
0x78: {  	v34 =	vadd.f32 v55, v34;
	v61 =	vld.idx.msk [tilespmem:v49+s3+$0x0], $0xffff;
	v35 =	vadd.f32 v57, v38;
	v60 =	vmul.f32 v44, v17  }
0x79: {  	v63 =	vld.idx.msk [tilespmem:v49+s14+$0x0], $0xffff;
	v36 =	vadd.f32 v59, v36;
	v62 =	vmul.f32 v44, v18;
	v39 =	vmul.f32 v39, v17  }
0x7a: {  	v49 =	vld.idx.msk [tilespmem:v49+s15+$0x0], $0xffff;
	v57 =	vmul.f32 v56, v7;
	v47 =	vmul.f32 v56, v10;
	v43 =	vadd.f32 v60, v54  }
0x7b: {  	v53 =	vmul.f32 v58, v7;
	v37 =	vmul.f32 v58, v10;
	v38 =	vadd.f32 v62, v41  }
0x7c: {  	v39 =	vadd.f32 v39, v24;
	v0 =	vmul.f32 v45, v7;
	v45 =	vmul.f32 v45, v10;
	v58 =	vld.idx.msk [tilespmem:v48+s3+$0x0], $0xffff  }
0x7d: {  	v24 =	vadd.s32 $0x26, v22;
	v55 =	vld.idx.msk [tilespmem:v48+s14+$0x0], $0xffff;
	v59 =	vmul.f32 v61, v5;
	v51 =	vmul.f32 v61, v6  }
0x7e: {  	v32 =	vadd.s32 v32, v24;
	v60 =	vmul.f32 v63, v5;
	v44 =	vmul.f32 v63, v6  }
0x7f: {  	v48 =	vld.idx.msk [tilespmem:v48+s15+$0x0], $0xffff;
	v61 =	vmul.f32 v49, v5;
	v63 =	vmul.f32 v49, v6;
	v41 =	vadd.f32 v59, v0  }
0x80: {  	v52 =	vadd.s32 v14, v32;
	v42 =	vadd.f32 v51, v45;
	v62 =	vadd.f32 v60, v57;
	v0 =	vld.idx.msk [tilespmem:v50+s3+$0x0], $0xffff  }
0x81: {  	v45 =	vadd.f32 v61, v53;
	v61 =	vld.idx.msk [tilespmem:v50+s14+$0x0], $0xffff;
	v57 =	vmul.f32 v58, v9;
	v58 =	vmul.f32 v58, v11  }
0x82: {  	v44 =	vadd.f32 v44, v47;
	v37 =	vadd.f32 v63, v37;
	v50 =	vld.idx.msk [tilespmem:v50+s15+$0x0], $0xffff;
	v59 =	vmul.f32 v55, v9  }
0x83: {  	v60 =	vmul.f32 v55, v11;
	v41 =	vadd.f32 v57, v41;
	v42 =	vadd.f32 v58, v42  }
0x84: {  	v51 =	vadd.f32 v59, v62;
	v62 =	vmul.f32 v48, v9;
	v48 =	vmul.f32 v48, v11  }
0x85: {  	v63 =	vmul.f32 v0, v3;
	v47 =	vmul.f32 v0, v4;
	v0 =	vadd.s32 v16, v32  }
0x86: {  	v44 =	vadd.f32 v60, v44;
	v58 =	vmul.f32 v61, v3;
	v59 =	vmul.f32 v61, v4  }
0x87: {  	v60 =	vmul.f32 v50, v3;
	v50 =	vmul.f32 v50, v4;
	v45 =	vadd.f32 v62, v45  }
0x88: {  	v61 =	vadd.s32 v8, v32;
	v37 =	vadd.f32 v48, v37;
	v41 =	vadd.f32 v63, v41  }
0x89: {  	v32 =	vadd.s32 v15, v32;
	v42 =	vadd.f32 v47, v42;
	v47 =	vadd.f32 v58, v51  }
0x8a: {  	v44 =	vadd.f32 v59, v44;
	v55 =	vmul.f32 v41, v12;
	v41 =	vmul.f32 v41, v13;
	v56 =	vld.idx.msk [tilespmem:v0+s3+$0x0], $0xffff  }
0x8b: {  	v45 =	vadd.f32 v60, v45;
	v42 =	vmul.f32 v42, v12;
	v62 =	vmul.f32 v47, v12;
	v57 =	vld.idx.msk [tilespmem:v0+s14+$0x0], $0xffff  }
0x8c: {  	v37 =	vadd.f32 v50, v37;
	v47 =	vmul.f32 v47, v13;
	v63 =	vmul.f32 v44, v12;
	v51 =	vld.idx.msk [tilespmem:v0+s15+$0x0], $0xffff  }
0x8d: {  	v0 =	vld.idx.msk [tilespmem:v61+s3+$0x0], $0xffff;
	v58 =	vmul.f32 v45, v12;
	v59 =	vmul.f32 v45, v13;
	v46 =	vadd.f32 v55, v46  }
0x8e: {  	v37 =	vmul.f32 v37, v12;
	v41 =	vadd.f32 v41, v40;
	v44 =	vadd.f32 v47, v35;
	v47 =	vld.idx.msk [tilespmem:v61+s14+$0x0], $0xffff  }
0x8f: {  	v33 =	vadd.f32 v42, v33;
	v34 =	vadd.f32 v62, v34;
	v61 =	vld.idx.msk [tilespmem:v61+s15+$0x0], $0xffff;
	v35 =	vmul.f32 v56, v7  }
0x90: {  	v36 =	vadd.f32 v63, v36;
	v60 =	vmul.f32 v56, v10;
	v62 =	vmul.f32 v57, v7  }
0x91: {  	v53 =	vld.idx.msk [tilespmem:v52+s3+$0x0], $0xffff;
	v54 =	vadd.f32 v59, v38;
	v48 =	vmul.f32 v57, v10;
	v38 =	vmul.f32 v51, v7  }
0x92: {  	v43 =	vadd.f32 v58, v43;
	v63 =	vmul.f32 v0, v5;
	v0 =	vmul.f32 v0, v6  }
0x93: {  	v50 =	vld.idx.msk [tilespmem:v52+s15+$0x0], $0xffff;
	v40 =	vadd.f32 v37, v39;
	v58 =	vmul.f32 v51, v10;
	v57 =	vmul.f32 v47, v5  }
0x94: {  	v56 =	vld.idx.msk [tilespmem:v52+s14+$0x0], $0xffff;
	v52 =	vadd.s32 v26, v25;
	v47 =	vmul.f32 v47, v6;
	v59 =	vmul.f32 v61, v5  }
0x95: {  	v55 =	vadd.s32 v16, v52;
	v35 =	vadd.f32 v63, v35;
	v37 =	vadd.f32 v0, v60  }
0x96: {  	v60 =	vmul.f32 v61, v6;
	v61 =	vmul.f32 v53, v9;
	v39 =	vadd.f32 v57, v62;
	v62 =	vld.idx.msk [tilespmem:v32+s3+$0x0], $0xffff  }
0x97: {  	v63 =	vmul.f32 v53, v11;
	v47 =	vadd.f32 v47, v48;
	v38 =	vadd.f32 v59, v38;
	v57 =	vld.idx.msk [tilespmem:v32+s14+$0x0], $0xffff  }
0x98: {  	v59 =	vmul.f32 v50, v9;
	v32 =	vld.idx.msk [tilespmem:v32+s15+$0x0], $0xffff;
	v50 =	vmul.f32 v50, v11;
	v42 =	vadd.f32 v60, v58  }
0x99: {  	v35 =	vadd.f32 v61, v35;
	v37 =	vadd.f32 v63, v37;
	v0 =	vmul.f32 v56, v9  }
0x9a: {  	v58 =	vmul.f32 v56, v11;
	v38 =	vadd.f32 v59, v38;
	v42 =	vadd.f32 v50, v42  }
0x9b: {  	v50 =	vadd.s32 v8, v52;
	v39 =	vadd.f32 v0, v39;
	v60 =	vmul.f32 v62, v3  }
0x9c: {  	v47 =	vadd.f32 v58, v47;
	v61 =	vmul.f32 v62, v4;
	v62 =	vmul.f32 v57, v3  }
0x9d: {  	v58 =	vld.idx.msk [tilespmem:v55+s14+$0x0], $0xffff;
	v45 =	vmul.f32 v57, v4;
	v63 =	vmul.f32 v32, v3;
	v35 =	vadd.f32 v60, v35  }
0x9e: {  	v32 =	vmul.f32 v32, v4;
	v48 =	vadd.f32 v61, v37;
	v39 =	vadd.f32 v62, v39  }
0x9f: {  	v45 =	vadd.f32 v45, v47;
	v0 =	vmul.f32 v35, v1;
	v57 =	vmul.f32 v35, v2  }
0xa0: {  	v56 =	vadd.f32 v63, v38;
	v59 =	vmul.f32 v48, v1;
	v60 =	vmul.f32 v39, v1  }
0xa1: {  	v49 =	vld.idx.msk [tilespmem:v55+s3+$0x0], $0xffff;
	v42 =	vadd.f32 v32, v42;
	v61 =	vmul.f32 v39, v2;
	v62 =	vmul.f32 v45, v1  }
0xa2: {  	v47 =	vld.idx.msk [tilespmem:v55+s15+$0x0], $0xffff;
	v48 =	vadd.s32 v14, v52;
	v63 =	vmul.f32 v56, v1;
	v51 =	vmul.f32 v58, v7  }
0xa3: {  	v45 =	vld.idx.msk [tilespmem:v50+s14+$0x0], $0xffff;
	v53 =	vmul.f32 v58, v10;
	v52 =	vadd.s32 v15, v52;
	v37 =	vadd.f32 v0, v46  }
0xa4: {  	v42 =	vmul.f32 v42, v1;
	v35 =	vadd.f32 v57, v41;
	v41 =	vld.idx.msk [tilespmem:v50+s3+$0x0], $0xffff;
	v38 =	vadd.f32 v59, v33  }
0xa5: {  	v34 =	vadd.f32 v60, v34;
	v39 =	vadd.f32 v61, v44;
	v0 =	vmul.f32 v56, v2  }
0xa6: {  	v46 =	vld.idx.msk [tilespmem:v50+s15+$0x0], $0xffff;
	v36 =	vadd.f32 v62, v36;
	v60 =	vmul.f32 v49, v7;
	v49 =	vmul.f32 v49, v10  }
0xa7: {  	v33 =	vadd.f32 v63, v43;
	v56 =	vadd.s32 v26, v22;
	v40 =	vadd.f32 v42, v40;
	v62 =	vld.idx.msk [tilespmem:v48+s3+$0x0], $0xffff  }
0xa8: {  	v43 =	vmul.f32 v47, v7;
	v47 =	vmul.f32 v47, v10;
	v32 =	vadd.f32 v0, v54;
	v0 =	vld.idx.msk [tilespmem:v48+s14+$0x0], $0xffff  }
0xa9: {  	v58 =	vadd.s32 v16, v56;
	v63 =	vmul.f32 v45, v5;
	v48 =	vld.idx.msk [tilespmem:v48+s15+$0x0], $0xffff;
	v61 =	vmul.f32 v41, v5  }
0xaa: {  	v54 =	vadd.s32 v8, v56;
	v45 =	vmul.f32 v45, v6;
	v41 =	vmul.f32 v41, v6  }
0xab: {  	v44 =	vadd.f32 v63, v51;
	v63 =	vld.idx.msk [tilespmem:v52+s14+$0x0], $0xffff;
	v50 =	vadd.f32 v61, v60;
	v60 =	vmul.f32 v46, v5  }
0xac: {  	v45 =	vadd.f32 v45, v53;
	v46 =	vmul.f32 v46, v6;
	v61 =	vmul.f32 v62, v9  }
0xad: {  	v41 =	vadd.f32 v41, v49;
	v49 =	vld.idx.msk [tilespmem:v52+s3+$0x0], $0xffff;
	v62 =	vmul.f32 v62, v11;
	v57 =	vmul.f32 v0, v9  }
0xae: {  	v52 =	vld.idx.msk [tilespmem:v52+s15+$0x0], $0xffff;
	v0 =	vmul.f32 v0, v11;
	v59 =	vmul.f32 v48, v9;
	v43 =	vadd.f32 v60, v43  }
0xaf: {  	v48 =	vmul.f32 v48, v11;
	v46 =	vadd.f32 v46, v47;
	v50 =	vadd.f32 v61, v50  }
0xb0: {  	v41 =	vadd.f32 v62, v41;
	v44 =	vadd.f32 v57, v44;
	v61 =	vmul.f32 v63, v3  }
0xb1: {  	v53 =	vld.idx.msk [tilespmem:v58+s14+$0x0], $0xffff;
	v45 =	vadd.f32 v0, v45;
	v55 =	vmul.f32 v63, v4;
	v43 =	vadd.f32 v59, v43  }
0xb2: {  	v51 =	vld.idx.msk [tilespmem:v58+s15+$0x0], $0xffff;
	v59 =	vadd.s32 v14, v56;
	v60 =	vmul.f32 v49, v3;
	v44 =	vadd.f32 v61, v44  }
0xb3: {  	v62 =	vld.idx.msk [tilespmem:v58+s3+$0x0], $0xffff;
	v49 =	vmul.f32 v49, v4;
	v45 =	vadd.f32 v55, v45;
	v63 =	vmul.f32 v52, v3  }
0xb4: {  	v0 =	vld.idx.msk [tilespmem:v54+s3+$0x0], $0xffff;
	v46 =	vadd.f32 v48, v46;
	v52 =	vmul.f32 v52, v4;
	v47 =	vmul.f32 v44, v19  }
0xb5: {  	v58 =	vld.idx.msk [tilespmem:v54+s14+$0x0], $0xffff;
	v50 =	vadd.f32 v60, v50;
	v44 =	vmul.f32 v44, v20;
	v42 =	vmul.f32 v45, v19  }
0xb6: {  	v60 =	vmul.f32 v53, v7;
	v46 =	vadd.f32 v52, v46;
	v52 =	vmul.f32 v53, v10  }
0xb7: {  	v54 =	vld.idx.msk [tilespmem:v54+s15+$0x0], $0xffff;
	v43 =	vadd.f32 v63, v43;
	v63 =	vmul.f32 v51, v7;
	v51 =	vmul.f32 v51, v10  }
0xb8: {  	v41 =	vadd.f32 v49, v41;
	v48 =	vmul.f32 v62, v7;
	v49 =	vmul.f32 v62, v10  }
0xb9: {  	v56 =	vadd.s32 v15, v56;
	v61 =	vmul.f32 v0, v5;
	v0 =	vmul.f32 v0, v6;
	v62 =	vld.idx.msk [tilespmem:v59+s3+$0x0], $0xffff  }
0xba: {  	v53 =	vmul.f32 v58, v6;
	v55 =	vmul.f32 v50, v19  }
0xbb: {  	v50 =	vmul.f32 v50, v20;
	v41 =	vmul.f32 v41, v19;
	v57 =	vld.idx.msk [tilespmem:v59+s14+$0x0], $0xffff;
	v48 =	vadd.f32 v61, v48  }
0xbc: {  	v59 =	vld.idx.msk [tilespmem:v59+s15+$0x0], $0xffff;
	v61 =	vmul.f32 v58, v5;
	v49 =	vadd.f32 v0, v49;
	v0 =	vmul.f32 v54, v5  }
0xbd: {  	v45 =	vmul.f32 v43, v19;
	v54 =	vmul.f32 v54, v6;
	v52 =	vadd.f32 v53, v52  }
0xbe: {  	v60 =	vadd.f32 v61, v60;
	v53 =	vadd.f32 v0, v63;
	v61 =	vld.idx.msk [tilespmem:v56+s3+$0x0], $0xffff;
	v0 =	vmul.f32 v62, v9  }
0xbf: {  	v43 =	vmul.f32 v43, v20;
	v51 =	vadd.f32 v54, v51;
	v63 =	vld.idx.msk [tilespmem:v56+s14+$0x0], $0xffff;
	v54 =	vmul.f32 v62, v11  }
0xc0: {  	v62 =	vmul.f32 v57, v9;
	v57 =	vmul.f32 v57, v11;
	v48 =	vadd.f32 v0, v48  }
0xc1: {  	v0 =	vmul.f32 v59, v9;
	v49 =	vadd.f32 v54, v49;
	v59 =	vmul.f32 v59, v11  }
0xc2: {  	v58 =	vadd.s32 v26, v21;
	v56 =	vld.idx.msk [tilespmem:v56+s15+$0x0], $0xffff;
	v54 =	vadd.f32 v62, v60;
	v52 =	vadd.f32 v57, v52  }
0xc3: {  	v57 =	vmul.f32 v61, v3;
	v53 =	vadd.f32 v0, v53;
	v51 =	vadd.f32 v59, v51  }
0xc4: {  	v59 =	vmul.f32 v61, v4;
	v0 =	vmul.f32 v63, v3;
	v61 =	vadd.s32 v16, v58  }
0xc5: {  	v46 =	vmul.f32 v46, v19;
	v62 =	vadd.s32 v8, v58;
	v48 =	vadd.f32 v57, v48  }
0xc6: {  	v57 =	vmul.f32 v63, v4;
	v49 =	vadd.f32 v59, v49;
	v54 =	vadd.f32 v0, v54  }
0xc7: {  	v0 =	vmul.f32 v56, v3;
	v56 =	vmul.f32 v56, v4;
	v59 =	vadd.s32 v14, v58  }
0xc8: {  	v52 =	vadd.f32 v57, v52;
	v60 =	vmul.f32 v48, v17;
	v48 =	vmul.f32 v48, v18  }
0xc9: {  	v58 =	vadd.s32 v15, v58;
	v53 =	vadd.f32 v0, v53;
	v51 =	vadd.f32 v56, v51;
	v56 =	vld.idx.msk [tilespmem:v61+s3+$0x0], $0xffff  }
0xca: {  	v49 =	vmul.f32 v49, v17;
	v63 =	vmul.f32 v54, v17;
	v48 =	vadd.f32 v48, v50;
	v50 =	vld.idx.msk [tilespmem:v62+s3+$0x0], $0xffff  }
0xcb: {  	v54 =	vmul.f32 v54, v18;
	v55 =	vadd.f32 v60, v55;
	v52 =	vmul.f32 v52, v17;
	v57 =	vld.idx.msk [tilespmem:v61+s14+$0x0], $0xffff  }
0xcc: {  	v60 =	vld.idx.msk [tilespmem:v62+s14+$0x0], $0xffff;
	v49 =	vadd.f32 v49, v41;
	v47 =	vadd.f32 v63, v47;
	v0 =	vmul.f32 v53, v17  }
0xcd: {  	v53 =	vmul.f32 v53, v18;
	v44 =	vadd.f32 v54, v44;
	v51 =	vmul.f32 v51, v17;
	v41 =	vld.idx.msk [tilespmem:v62+s15+$0x0], $0xffff  }
0xce: {  	v54 =	vmul.f32 $1.500000000e+00, v30;
	v42 =	vadd.f32 v52, v42;
	v52 =	vld.idx.msk [tilespmem:v61+s15+$0x0], $0xffff;
	v45 =	vadd.f32 v0, v45  }
0xcf: {  	v46 =	vadd.f32 v51, v46;
	v51 =	vmul.f32 v56, v7;
	v0 =	vmul.f32 v50, v5  }
0xd0: {  	v43 =	vadd.f32 v53, v43;
	v56 =	vmul.f32 v56, v10;
	v50 =	vmul.f32 v50, v6  }
0xd1: {  	v61 =	vld.idx.msk [tilespmem:v59+s3+$0x0], $0xffff;
	v62 =	vmul.f32 v57, v7;
	v51 =	vadd.f32 v0, v51;
	v0 =	vmul.f32 v60, v5  }
0xd2: {  	v63 =	vld.idx.msk [tilespmem:v59+s14+$0x0], $0xffff;
	v54 =	vadd.f32 $-2.000000000e+00, v54;
	v57 =	vmul.f32 v57, v10;
	v50 =	vadd.f32 v50, v56  }
0xd3: {  	v56 =	vmul.f32 v52, v7;
	v53 =	vadd.f32 v0, v62;
	v0 =	vmul.f32 v41, v5  }
0xd4: {  	v52 =	vmul.f32 v52, v10;
	v41 =	vmul.f32 v41, v6;
	v62 =	vld.idx.msk [tilespmem:v58+s3+$0x0], $0xffff  }
0xd5: {  	v59 =	vld.idx.msk [tilespmem:v59+s15+$0x0], $0xffff;
	v30 =	vmul.f32 v54, v30;
	v60 =	vmul.f32 v60, v6;
	v56 =	vadd.f32 v0, v56  }
0xd6: {  	v0 =	vmul.f32 v61, v9;
	v52 =	vadd.f32 v41, v52;
	v41 =	vmul.f32 v61, v11  }
0xd7: {  	v57 =	vadd.f32 v60, v57;
	v60 =	vadd.s32 v26, v24;
	v61 =	vmul.f32 v63, v9  }
0xd8: {  	v51 =	vadd.f32 v0, v51;
	v0 =	vmul.f32 v63, v11;
	v63 =	vld.idx.msk [tilespmem:v58+s14+$0x0], $0xffff;
	v50 =	vadd.f32 v41, v50  }
0xd9: {  	v53 =	vadd.f32 v61, v53;
	v58 =	vld.idx.msk [tilespmem:v58+s15+$0x0], $0xffff;
	v61 =	vmul.f32 v62, v3;
	v62 =	vmul.f32 v62, v4  }
0xda: {  	v54 =	vadd.f32 v0, v57;
	v57 =	vmul.f32 v59, v9;
	v59 =	vmul.f32 v59, v11  }
0xdb: {  	v35 =	vmul.f32 v35, v29;
	v0 =	vadd.s32 v16, v60;
	v51 =	vadd.f32 v61, v51  }
0xdc: {  	v41 =	vmul.f32 $8.333333580e-02, v30;
	v50 =	vadd.f32 v62, v50;
	v52 =	vadd.f32 v59, v52  }
0xdd: {  	v59 =	vadd.s32 v8, v60;
	v61 =	vmul.f32 v63, v3;
	v62 =	vmul.f32 v63, v4  }
0xde: {  	v30 =	vadd.f32 v57, v56;
	v57 =	vmul.f32 v58, v3;
	v58 =	vmul.f32 v58, v4  }
0xdf: {  	v56 =	vmul.f32 v51, v12;
	v51 =	vmul.f32 v51, v13;
	v53 =	vadd.f32 v61, v53  }
0xe0: {  	v50 =	vmul.f32 v50, v12;
	v54 =	vadd.f32 v62, v54;
	v61 =	vld.idx.msk [tilespmem:v0+s3+$0x0], $0xffff;
	v30 =	vadd.f32 v57, v30  }
0xe1: {  	v52 =	vadd.f32 v58, v52;
	v57 =	vld.idx.msk [tilespmem:v0+s14+$0x0], $0xffff;
	v55 =	vadd.f32 v56, v55;
	v63 =	vmul.f32 v53, v12  }
0xe2: {  	v49 =	vadd.f32 v50, v49;
	v56 =	vadd.s32 v14, v60;
	v50 =	vmul.f32 v53, v13;
	v53 =	vld.idx.msk [tilespmem:v59+s3+$0x0], $0xffff  }
0xe3: {  	v48 =	vadd.f32 v51, v48;
	v62 =	vmul.f32 v54, v12;
	v58 =	vld.idx.msk [tilespmem:v59+s14+$0x0], $0xffff;
	v47 =	vadd.f32 v63, v47  }
0xe4: {  	v0 =	vld.idx.msk [tilespmem:v0+s15+$0x0], $0xffff;
	v63 =	vmul.f32 v30, v12;
	v44 =	vadd.f32 v50, v44;
	v30 =	vmul.f32 v30, v13  }
0xe5: {  	v59 =	vld.idx.msk [tilespmem:v59+s15+$0x0], $0xffff;
	v50 =	vmul.f32 v52, v12;
	v51 =	vadd.f32 v62, v42;
	v42 =	vmul.f32 v61, v7  }
0xe6: {  	v60 =	vadd.s32 v15, v60;
	v52 =	vmul.f32 v61, v10;
	v54 =	vmul.f32 v57, v7  }
0xe7: {  	v61 =	vld.idx.msk [tilespmem:v56+s3+$0x0], $0xffff;
	v30 =	vadd.f32 v30, v43;
	v43 =	vmul.f32 v53, v5;
	v53 =	vmul.f32 v53, v6  }
0xe8: {  	v57 =	vmul.f32 v57, v10;
	v45 =	vadd.f32 v63, v45;
	v62 =	vmul.f32 v58, v5  }
0xe9: {  	v46 =	vadd.f32 v50, v46;
	v50 =	vmul.f32 v0, v7;
	v52 =	vadd.f32 v53, v52;
	v53 =	vld.idx.msk [tilespmem:v56+s14+$0x0], $0xffff  }
0xea: {  	v0 =	vmul.f32 v0, v10;
	v54 =	vadd.f32 v62, v54;
	v62 =	vmul.f32 v59, v5  }
0xeb: {  	v63 =	vadd.f32 v43, v42;
	v42 =	vmul.f32 v58, v6;
	v59 =	vmul.f32 v59, v6;
	v56 =	vld.idx.msk [tilespmem:v56+s15+$0x0], $0xffff  }
0xec: {  	v39 =	vmul.f32 v39, v29;
	v50 =	vadd.f32 v62, v50;
	v62 =	vmul.f32 v61, v9  }
0xed: {  	v57 =	vadd.f32 v42, v57;
	v0 =	vadd.f32 v59, v0;
	v59 =	vmul.f32 v61, v11  }
0xee: {  	v58 =	vadd.f32 v62, v63;
	v62 =	vld.idx.msk [tilespmem:v60+s3+$0x0], $0xffff;
	v61 =	vmul.f32 v53, v9;
	v53 =	vmul.f32 v53, v11  }
0xef: {  	v38 =	vmul.f32 v38, v29;
	v40 =	vmul.f32 v40, v29;
	v39 =	vadd.f32 $1.000000000e+00, v39  }
0xf0: {  	v54 =	vadd.f32 v61, v54;
	v53 =	vadd.f32 v53, v57;
	v57 =	vmul.f32 v56, v9;
	v61 =	vld.idx.msk [tilespmem:v60+s14+$0x0], $0xffff  }
0xf1: {  	v43 =	vadd.f32 v41, v31;
	v52 =	vadd.f32 v59, v52;
	v56 =	vmul.f32 v56, v11  }
0xf2: {  	v59 =	vmul.f32 v37, v29;
	v37 =	vmul.f32 v37, v31;
	v50 =	vadd.f32 v57, v50;
	v57 =	vld.idx.msk [tilespmem:v60+s15+$0x0], $0xffff  }
0xf3: {  	v42 =	vadd.s32 $0x169, v26;
	v0 =	vadd.f32 v56, v0;
	v56 =	vmul.f32 v62, v3  }
0xf4: {  	v63 =	vmul.f32 v36, v29;
	v37 =	vadd.f32 $1.000000000e+00, v37;
	v62 =	vmul.f32 v62, v4  }
0xf5: {  	v60 =	vmul.f32 v34, v29;
	v36 =	vadd.f32 v56, v58;
	v56 =	vmul.f32 v61, v3  }
0xf6: {  	v34 =	vmul.f32 v34, v31;
	v52 =	vadd.f32 v62, v52;
	v58 =	vmul.f32 v61, v4  }
0xf7: {  	v62 =	vadd.f32 $1.000000000e+00, v40;
	v54 =	vadd.f32 v56, v54;
	v56 =	vmul.f32 v57, v3  }
0xf8: {  	v61 =	vmul.f32 v33, v29;
	v40 =	vadd.f32 v58, v53;
	v53 =	vmul.f32 v57, v4  }
0xf9: {  	v52 =	vmul.f32 v52, v1;
	v50 =	vadd.f32 v56, v50;
	v56 =	vmul.f32 v36, v1  }
0xfa: {  	v57 =	vmul.f32 v33, v31;
	v36 =	vmul.f32 v36, v2;
	v0 =	vadd.f32 v53, v0  }
0xfb: {  	v53 =	vmul.f32 v54, v1;
	v58 =	vmul.f32 v54, v2;
	v31 =	vadd.f32 v56, v55  }
0xfc: {  	v40 =	vmul.f32 v40, v1;
	v33 =	vadd.f32 v36, v48;
	v36 =	vadd.f32 v52, v49  }
0xfd: {  	v47 =	vadd.f32 v53, v47;
	v56 =	vmul.f32 v50, v1;
	v52 =	vadd.s32 v42, v25  }
0xfe: {  	v44 =	vadd.f32 v58, v44;
	v58 =	vmul.f32 v50, v2;
	v53 =	vmul.f32 v32, v29  }
0xff: {  	v51 =	vadd.f32 v40, v51;
	v0 =	vmul.f32 v0, v1;
	v50 =	vadd.s32 v16, v52  }
0x100: {  	v49 =	vadd.s32 v8, v52;
	v45 =	vadd.f32 v56, v45;
	v54 =	vmul.f32 v31, v28  }
0x101: {  	v48 =	vadd.f32 v58, v30;
	v55 =	vmul.f32 v31, v41;
	v33 =	vmul.f32 v33, v28  }
0x102: {  	v0 =	vadd.f32 v0, v46;
	v56 =	vmul.f32 v36, v28;
	v31 =	vadd.f32 v54, v59  }
0x103: {  	v58 =	vmul.f32 v47, v28;
	v32 =	vadd.f32 v55, v37;
	v33 =	vadd.f32 v33, v35  }
0x104: {  	v40 =	vadd.f32 v56, v38;
	v59 =	vmul.f32 v47, v41;
	v54 =	vmul.f32 v44, v28;
	v35 =	vld.idx.msk [tilespmem:v50+s3+$0x0], $0xffff  }
0x105: {  	v29 =	vadd.f32 v58, v60;
	v56 =	vmul.f32 v51, v28;
	v58 =	vmul.f32 v45, v28;
	v55 =	vld.idx.msk [tilespmem:v50+s14+$0x0], $0xffff  }
0x106: {  	v47 =	vadd.s32 v14, v52;
	v60 =	vmul.f32 v48, v28;
	v0 =	vmul.f32 v0, v28;
	v46 =	vld.idx.msk [tilespmem:v50+s15+$0x0], $0xffff  }
0x107: {  	v51 =	vadd.s32 v15, v52;
	v36 =	vadd.f32 v59, v34;
	v30 =	vadd.f32 v54, v39;
	v50 =	vld.idx.msk [tilespmem:v49+s3+$0x0], $0xffff  }
0x108: {  	v37 =	vadd.f32 v56, v63;
	v59 =	vmul.f32 v45, v41;
	v45 =	vld.idx.msk [tilespmem:v49+s14+$0x0], $0xffff;
	v41 =	vadd.f32 v58, v61  }
0x109: {  	v39 =	vadd.f32 v60, v53;
	v34 =	vadd.f32 v0, v62;
	v61 =	vmul.f32 v35, v7  }
0x10a: {  	v49 =	vld.idx.msk [tilespmem:v49+s15+$0x0], $0xffff;
	v53 =	vadd.s32 v22, v42;
	v35 =	vmul.f32 v35, v10;
	v63 =	vmul.f32 v55, v7  }
0x10b: {  	v38 =	vadd.f32 v59, v57;
	v58 =	vld.idx.msk [tilespmem:v47+s3+$0x0], $0xffff;
	v44 =	vmul.f32 v55, v10;
	v57 =	vmul.f32 v46, v7  }
0x10c: {  	v56 =	vadd.s32 v16, v53;
	v59 =	vmul.f32 v50, v5;
	v50 =	vmul.f32 v50, v6  }
0x10d: {  	v52 =	vadd.s32 v8, v53;
	v60 =	vmul.f32 v45, v5;
	v45 =	vmul.f32 v45, v6;
	v55 =	vld.idx.msk [tilespmem:v47+s14+$0x0], $0xffff  }
0x10e: {  	v48 =	vld.idx.msk [tilespmem:v51+s3+$0x0], $0xffff;
	v46 =	vmul.f32 v46, v10;
	v28 =	vadd.f32 v59, v61;
	v35 =	vadd.f32 v50, v35  }
0x10f: {  	v47 =	vld.idx.msk [tilespmem:v47+s15+$0x0], $0xffff;
	v0 =	vadd.f32 v60, v63;
	v61 =	vmul.f32 v49, v5;
	v49 =	vmul.f32 v49, v6  }
0x110: {  	v54 =	vld.idx.msk [tilespmem:v51+s14+$0x0], $0xffff;
	v44 =	vadd.f32 v45, v44;
	v62 =	vmul.f32 v58, v9;
	v63 =	vmul.f32 v58, v11  }
0x111: {  	v50 =	vld.idx.msk [tilespmem:v51+s15+$0x0], $0xffff;
	v58 =	vadd.s32 v14, v53;
	v45 =	vadd.f32 v61, v57;
	v46 =	vadd.f32 v49, v46  }
0x112: {  	v28 =	vadd.f32 v62, v28;
	v60 =	vmul.f32 v55, v9;
	v61 =	vmul.f32 v55, v11  }
0x113: {  	v35 =	vadd.f32 v63, v35;
	v62 =	vmul.f32 v48, v3;
	v48 =	vmul.f32 v48, v4  }
0x114: {  	v57 =	vld.idx.msk [tilespmem:v56+s14+$0x0], $0xffff;
	v63 =	vmul.f32 v47, v9;
	v47 =	vmul.f32 v47, v11;
	v0 =	vadd.f32 v60, v0  }
0x115: {  	v44 =	vadd.f32 v61, v44;
	v28 =	vadd.f32 v62, v28;
	v60 =	vmul.f32 v54, v3  }
0x116: {  	v35 =	vadd.f32 v48, v35;
	v61 =	vld.idx.msk [tilespmem:v56+s3+$0x0], $0xffff;
	v54 =	vmul.f32 v54, v4;
	v62 =	vmul.f32 v50, v3  }
0x117: {  	v59 =	vld.idx.msk [tilespmem:v52+s3+$0x0], $0xffff;
	v48 =	vmul.f32 v50, v4;
	v0 =	vadd.f32 v60, v0;
	v50 =	vmul.f32 v28, v19  }
0x118: {  	v44 =	vadd.f32 v54, v44;
	v28 =	vmul.f32 v28, v20;
	v35 =	vmul.f32 v35, v19;
	v54 =	vld.idx.msk [tilespmem:v56+s15+$0x0], $0xffff  }
0x119: {  	v46 =	vadd.f32 v47, v46;
	v56 =	vld.idx.msk [tilespmem:v52+s14+$0x0], $0xffff;
	v55 =	vmul.f32 v57, v7;
	v57 =	vmul.f32 v57, v10  }
0x11a: {  	v45 =	vadd.f32 v63, v45;
	v52 =	vld.idx.msk [tilespmem:v52+s15+$0x0], $0xffff;
	v51 =	vmul.f32 v0, v19;
	v0 =	vmul.f32 v0, v20  }
0x11b: {  	v46 =	vadd.f32 v48, v46;
	v44 =	vmul.f32 v44, v19;
	v47 =	vmul.f32 v61, v7  }
0x11c: {  	v53 =	vadd.s32 v15, v53;
	v60 =	vld.idx.msk [tilespmem:v58+s3+$0x0], $0xffff;
	v49 =	vmul.f32 v61, v10;
	v61 =	vmul.f32 v59, v5  }
0x11d: {  	v45 =	vadd.f32 v62, v45;
	v46 =	vmul.f32 v46, v19;
	v59 =	vmul.f32 v59, v6  }
0x11e: {  	v62 =	vld.idx.msk [tilespmem:v58+s14+$0x0], $0xffff;
	v48 =	vmul.f32 v54, v7;
	v47 =	vadd.f32 v61, v47;
	v61 =	vmul.f32 v56, v5  }
0x11f: {  	v58 =	vld.idx.msk [tilespmem:v58+s15+$0x0], $0xffff;
	v49 =	vadd.f32 v59, v49;
	v56 =	vmul.f32 v56, v6;
	v59 =	vmul.f32 v52, v5  }
0x120: {  	v54 =	vmul.f32 v54, v10;
	v52 =	vmul.f32 v52, v6  }
0x121: {  	v56 =	vadd.f32 v56, v57;
	v48 =	vadd.f32 v59, v48;
	v57 =	vmul.f32 v60, v11;
	v59 =	vld.idx.msk [tilespmem:v53+s3+$0x0], $0xffff  }
0x122: {  	v55 =	vadd.f32 v61, v55;
	v61 =	vmul.f32 v60, v9;
	v52 =	vadd.f32 v52, v54;
	v60 =	vld.idx.msk [tilespmem:v53+s14+$0x0], $0xffff  }
0x123: {  	v54 =	vmul.f32 v62, v9;
	v49 =	vadd.f32 v57, v49;
	v57 =	vmul.f32 v62, v11  }
0x124: {  	v63 =	vmul.f32 v58, v11;
	v47 =	vadd.f32 v61, v47;
	v61 =	vmul.f32 v58, v9  }
0x125: {  	v53 =	vld.idx.msk [tilespmem:v53+s15+$0x0], $0xffff;
	v62 =	vmul.f32 v45, v19;
	v54 =	vadd.f32 v54, v55;
	v56 =	vadd.f32 v57, v56  }
0x126: {  	v48 =	vadd.f32 v61, v48;
	v57 =	vadd.s32 v42, v21;
	v55 =	vmul.f32 v59, v3  }
0x127: {  	v58 =	vmul.f32 v59, v4;
	v59 =	vmul.f32 v60, v3;
	v61 =	vadd.s32 v16, v57  }
0x128: {  	v47 =	vadd.f32 v55, v47;
	v55 =	vmul.f32 v60, v4;
	v60 =	vadd.s32 v8, v57  }
0x129: {  	v45 =	vmul.f32 v45, v20;
	v52 =	vadd.f32 v63, v52;
	v49 =	vadd.f32 v58, v49  }
0x12a: {  	v54 =	vadd.f32 v59, v54;
	v58 =	vmul.f32 v53, v3;
	v53 =	vmul.f32 v53, v4  }
0x12b: {  	v55 =	vadd.f32 v55, v56;
	v63 =	vmul.f32 v47, v17;
	v49 =	vmul.f32 v49, v17  }
0x12c: {  	v48 =	vadd.f32 v58, v48;
	v47 =	vmul.f32 v47, v18;
	v52 =	vadd.f32 v53, v52;
	v53 =	vld.idx.msk [tilespmem:v61+s3+$0x0], $0xffff  }
0x12d: {  	v50 =	vadd.f32 v63, v50;
	v35 =	vadd.f32 v49, v35;
	v63 =	vmul.f32 v54, v17;
	v49 =	vld.idx.msk [tilespmem:v60+s3+$0x0], $0xffff  }
0x12e: {  	v58 =	vadd.s32 v14, v57;
	v56 =	vld.idx.msk [tilespmem:v61+s14+$0x0], $0xffff;
	v28 =	vadd.f32 v47, v28;
	v54 =	vmul.f32 v54, v18  }
0x12f: {  	v55 =	vmul.f32 v55, v17;
	v52 =	vmul.f32 v52, v17;
	v59 =	vld.idx.msk [tilespmem:v60+s14+$0x0], $0xffff;
	v47 =	vadd.f32 v63, v51  }
0x130: {  	v63 =	vmul.f32 v48, v17;
	v48 =	vmul.f32 v48, v18;
	v0 =	vadd.f32 v54, v0;
	v54 =	vld.idx.msk [tilespmem:v61+s15+$0x0], $0xffff  }
0x131: {  	v57 =	vadd.s32 v15, v57;
	v44 =	vadd.f32 v55, v44;
	v46 =	vadd.f32 v52, v46  }
0x132: {  	v45 =	vadd.f32 v48, v45;
	v48 =	vld.idx.msk [tilespmem:v60+s15+$0x0], $0xffff;
	v52 =	vmul.f32 v53, v7;
	v55 =	vmul.f32 v49, v5  }
0x133: {  	v51 =	vadd.f32 v63, v62;
	v53 =	vmul.f32 v53, v10;
	v60 =	vld.idx.msk [tilespmem:v58+s3+$0x0], $0xffff;
	v49 =	vmul.f32 v49, v6  }
0x134: {  	v61 =	vmul.f32 v56, v7;
	v56 =	vmul.f32 v56, v10;
	v52 =	vadd.f32 v55, v52  }
0x135: {  	v62 =	vld.idx.msk [tilespmem:v58+s14+$0x0], $0xffff;
	v55 =	vmul.f32 v59, v5;
	v49 =	vadd.f32 v49, v53;
	v53 =	vmul.f32 v54, v7  }
0x136: {  	v59 =	vmul.f32 v59, v6;
	v54 =	vmul.f32 v54, v10  }
0x137: {  	v58 =	vld.idx.msk [tilespmem:v58+s15+$0x0], $0xffff;
	v55 =	vadd.f32 v55, v61;
	v61 =	vmul.f32 v48, v5;
	v48 =	vmul.f32 v48, v6  }
0x138: {  	v56 =	vadd.f32 v59, v56;
	v59 =	vmul.f32 v60, v9  }
0x139: {  	v53 =	vadd.f32 v61, v53;
	v61 =	vld.idx.msk [tilespmem:v57+s3+$0x0], $0xffff;
	v48 =	vadd.f32 v48, v54;
	v54 =	vmul.f32 v60, v11  }
0x13a: {  	v60 =	vmul.f32 v62, v9;
	v52 =	vadd.f32 v59, v52;
	v59 =	vmul.f32 v62, v11;
	v62 =	vld.idx.msk [tilespmem:v57+s14+$0x0], $0xffff;
	_ =	sdelay $0x1  }
0x13b: {  	v49 =	vadd.f32 v54, v49;
	v54 =	vadd.f32 v60, v55;
	v55 =	vld.idx.msk [tilespmem:v57+s15+$0x0], $0xffff;
	v57 =	vmul.f32 v58, v9  }
0x13c: {  	v42 =	vadd.s32 v42, v24;
	v56 =	vadd.f32 v59, v56;
	v58 =	vmul.f32 v58, v11  }
0x13d: {  	v53 =	vadd.f32 v57, v53;
	v57 =	vadd.s32 v16, v42;
	v59 =	vmul.f32 v61, v3  }
0x13e: {  	v48 =	vadd.f32 v58, v48;
	v60 =	vmul.f32 v61, v4;
	v58 =	vmul.f32 v62, v3  }
0x13f: {  	v61 =	vadd.s32 v8, v42;
	v52 =	vadd.f32 v59, v52;
	v59 =	vmul.f32 v62, v4  }
0x140: {  	v49 =	vadd.f32 v60, v49;
	v60 =	vmul.f32 v55, v3;
	v55 =	vmul.f32 v55, v4  }
0x141: {  	v27 =	vmul.f32 $4.166666790e-02, v27;
	v54 =	vadd.f32 v58, v54;
	v62 =	vmul.f32 v52, v12  }
0x142: {  	v56 =	vadd.f32 v59, v56;
	v52 =	vmul.f32 v52, v13;
	v48 =	vadd.f32 v55, v48;
	v55 =	vld.idx.msk [tilespmem:v57+s3+$0x0], $0xffff  }
0x143: {  	v53 =	vadd.f32 v60, v53;
	v49 =	vmul.f32 v49, v12;
	v58 =	vld.idx.msk [tilespmem:v57+s14+$0x0], $0xffff;
	v60 =	vadd.s32 v14, v42  }
0x144: {  	v59 =	vld.idx.msk [tilespmem:v61+s3+$0x0], $0xffff;
	v50 =	vadd.f32 v62, v50;
	v28 =	vadd.f32 v52, v28;
	v52 =	vmul.f32 v54, v12  }
0x145: {  	v54 =	vmul.f32 v54, v13;
	v56 =	vmul.f32 v56, v12;
	v35 =	vadd.f32 v49, v35  }
0x146: {  	v63 =	vmul.f32 v53, v12;
	v62 =	vmul.f32 v53, v13;
	v53 =	vld.idx.msk [tilespmem:v61+s15+$0x0], $0xffff;
	v47 =	vadd.f32 v52, v47  }
0x147: {  	v48 =	vmul.f32 v48, v12;
	v0 =	vadd.f32 v54, v0;
	v44 =	vadd.f32 v56, v44;
	v54 =	vld.idx.msk [tilespmem:v61+s14+$0x0], $0xffff  }
0x148: {  	v52 =	vld.idx.msk [tilespmem:v57+s15+$0x0], $0xffff;
	v49 =	vadd.f32 v63, v51;
	v56 =	vmul.f32 v55, v7;
	v55 =	vmul.f32 v55, v10  }
0x149: {  	v57 =	vadd.s32 v15, v42;
	v42 =	vmul.f32 v58, v7;
	v51 =	vmul.f32 v59, v5  }
0x14a: {  	v46 =	vadd.f32 v48, v46;
	v61 =	vld.idx.msk [tilespmem:v60+s3+$0x0], $0xffff;
	v48 =	vmul.f32 v58, v10;
	v58 =	vmul.f32 v59, v6  }
0x14b: {  	v43 =	vadd.f32 v43, v27;
	v59 =	vld.idx.msk [tilespmem:v60+s14+$0x0], $0xffff;
	v51 =	vadd.f32 v51, v56  }
0x14c: {  	v55 =	vadd.f32 v58, v55;
	v58 =	vmul.f32 v53, v5;
	v56 =	vmul.f32 v54, v5  }
0x14d: {  	v45 =	vadd.f32 v62, v45;
	v60 =	vld.idx.msk [tilespmem:v60+s15+$0x0], $0xffff;
	v62 =	vmul.f32 v52, v7;
	v54 =	vmul.f32 v54, v6  }
0x14e: {  	v52 =	vmul.f32 v52, v10;
	v56 =	vadd.f32 v56, v42;
	v42 =	vmul.f32 v53, v6  }
0x14f: {  	v53 =	vld.idx.msk [tilespmem:v57+s3+$0x0], $0xffff;
	v48 =	vadd.f32 v54, v48;
	v54 =	vadd.f32 v58, v62;
	v58 =	vmul.f32 v61, v9  }
0x150: {  	v62 =	vld.idx.msk [tilespmem:v57+s14+$0x0], $0xffff;
	v61 =	vmul.f32 v61, v11;
	v63 =	vmul.f32 v59, v9;
	v52 =	vadd.f32 v42, v52  }
0x151: {  	v57 =	vld.idx.msk [tilespmem:v57+s15+$0x0], $0xffff;
	v42 =	vadd.s32 $0x2D2, v26;
	v26 =	vadd.f32 v58, v51;
	v51 =	vmul.f32 v59, v11  }
0x152: {  	v43 =	vsub.f32 $0.0e+00, v43;
	v56 =	vadd.f32 v63, v56;
	v63 =	vmul.f32 v60, v9  }
0x153: {  	v55 =	vadd.f32 v61, v55;
	v60 =	vmul.f32 v60, v11;
	v48 =	vadd.f32 v51, v48  }
0x154: {  	v54 =	vadd.f32 v63, v54;
	v61 =	vmul.f32 v53, v3;
	v53 =	vmul.f32 v53, v4  }
0x155: {  	v51 =	vadd.f32 v60, v52;
	v63 =	vmul.f32 v62, v3;
	v60 =	vmul.f32 v62, v4  }
0x156: {  	v62 =	vmul.f32 v57, v4;
	v26 =	vadd.f32 v61, v26;
	v53 =	vadd.f32 v53, v55  }
0x157: {  	v55 =	vadd.f32 v63, v56;
	v61 =	vmul.f32 v57, v3;
	v48 =	vadd.f32 v60, v48  }
0x158: {  	v51 =	vadd.f32 v62, v51;
	v63 =	vmul.f32 v26, v1;
	v26 =	vmul.f32 v26, v2  }
0x159: {  	v54 =	vadd.f32 v61, v54;
	v53 =	vmul.f32 v53, v1;
	v59 =	vmul.f32 v55, v1  }
0x15a: {  	v61 =	vmul.f32 v55, v2;
	v48 =	vmul.f32 v48, v1;
	v50 =	vadd.f32 v63, v50  }
0x15b: {  	v58 =	vmul.f32 v51, v1;
	v26 =	vadd.f32 v26, v28;
	v60 =	vadd.f32 v53, v35  }
0x15c: {  	v47 =	vadd.f32 v59, v47;
	v62 =	vmul.f32 v54, v1;
	v53 =	vadd.s32 v42, v25  }
0x15d: {  	v0 =	vadd.f32 v61, v0;
	v63 =	vmul.f32 v54, v2;
	v51 =	vadd.s32 v8, v53  }
0x15e: {  	v44 =	vadd.f32 v48, v44;
	v52 =	vadd.s32 v14, v53;
	v59 =	vmul.f32 v50, v23  }
0x15f: {  	v56 =	vadd.f32 v62, v49;
	v50 =	vmul.f32 v50, v43;
	v26 =	vmul.f32 v26, v23  }
0x160: {  	v49 =	vadd.s32 v16, v53;
	v60 =	vmul.f32 v60, v23;
	v61 =	vmul.f32 v47, v23  }
0x161: {  	v46 =	vadd.f32 v58, v46;
	v62 =	vmul.f32 v47, v43;
	v0 =	vmul.f32 v0, v23  }
0x162: {  	v45 =	vadd.f32 v63, v45;
	v44 =	vmul.f32 v44, v23;
	v55 =	vmul.f32 v56, v43;
	v58 =	vld.idx.msk [tilespmem:v51+s3+$0x0], $0xffff  }
0x163: {  	v35 =	vadd.f32 v59, v31;
	v25 =	vadd.f32 v60, v40;
	v57 =	vmul.f32 v56, v23;
	v56 =	vld.idx.msk [tilespmem:v51+s14+$0x0], $0xffff  }
0x164: {  	v59 =	vmul.f32 v45, v23;
	v60 =	vmul.f32 v46, v23;
	v23 =	vadd.f32 v55, v38;
	v55 =	vld.idx.msk [tilespmem:v52+s3+$0x0], $0xffff  }
0x165: {  	v31 =	vadd.f32 v50, v32;
	v26 =	vadd.f32 v26, v33;
	v63 =	vld.idx.msk [tilespmem:v49+s3+$0x0], $0xffff  }
0x166: {  	v47 =	vadd.s32 v15, v53;
	v40 =	vadd.f32 v61, v29;
	v33 =	vadd.f32 v62, v36;
	v50 =	vld.idx.msk [tilespmem:v49+s14+$0x0], $0xffff  }
0x167: {  	v36 =	vadd.f32 v0, v30;
	v29 =	vadd.f32 v57, v41;
	v61 =	vld.idx.msk [tilespmem:v49+s15+$0x0], $0xffff;
	v57 =	vmul.f32 v58, v5  }
0x168: {  	v46 =	vld.idx.msk [tilespmem:v51+s15+$0x0], $0xffff;
	v30 =	vadd.f32 v59, v39;
	v58 =	vmul.f32 v58, v6;
	v59 =	vmul.f32 v56, v5  }
0x169: {  	v28 =	vadd.f32 v44, v37;
	v37 =	vmul.f32 v56, v6;
	v48 =	vmul.f32 v55, v11  }
0x16a: {  	v22 =	vadd.s32 v22, v42;
	v62 =	vmul.f32 v63, v7;
	v63 =	vmul.f32 v63, v10  }
0x16b: {  	v32 =	vadd.f32 v60, v34;
	v53 =	vmul.f32 v50, v7;
	v54 =	vmul.f32 v50, v10;
	v50 =	vld.idx.msk [tilespmem:v52+s14+$0x0], $0xffff  }
0x16c: {  	v49 =	vadd.s32 v8, v22;
	v60 =	vmul.f32 v61, v7;
	v43 =	vmul.f32 v61, v10;
	v61 =	vld.idx.msk [tilespmem:v47+s14+$0x0], $0xffff  }
0x16d: {  	v39 =	vadd.f32 v57, v62;
	v56 =	vadd.f32 v58, v63;
	v57 =	vld.idx.msk [tilespmem:v47+s3+$0x0], $0xffff;
	v58 =	vmul.f32 v46, v5  }
0x16e: {  	v45 =	vld.idx.msk [tilespmem:v52+s15+$0x0], $0xffff;
	v0 =	vadd.f32 v59, v53;
	v34 =	vadd.f32 v37, v54;
	v59 =	vmul.f32 v55, v9  }
0x16f: {  	v63 =	vadd.s32 v16, v22;
	v54 =	vld.idx.msk [tilespmem:v47+s15+$0x0], $0xffff;
	v38 =	vadd.f32 v58, v60;
	v60 =	vmul.f32 v46, v6  }
0x170: {  	v39 =	vadd.f32 v59, v39;
	v62 =	vmul.f32 v50, v9;
	v55 =	vmul.f32 v50, v11  }
0x171: {  	v44 =	vadd.f32 v48, v56;
	v58 =	vmul.f32 v61, v3;
	v61 =	vmul.f32 v61, v4  }
0x172: {  	v0 =	vadd.f32 v62, v0;
	v56 =	vmul.f32 v57, v3;
	v37 =	vmul.f32 v57, v4  }
0x173: {  	v34 =	vadd.f32 v55, v34;
	v57 =	vmul.f32 v45, v9;
	v45 =	vmul.f32 v45, v11  }
0x174: {  	v59 =	vld.idx.msk [tilespmem:v63+s3+$0x0], $0xffff;
	v50 =	vmul.f32 v54, v3;
	v46 =	vmul.f32 v54, v4;
	v39 =	vadd.f32 v56, v39  }
0x175: {  	v62 =	vld.idx.msk [tilespmem:v63+s14+$0x0], $0xffff;
	v54 =	vadd.s32 v14, v22;
	v37 =	vadd.f32 v37, v44;
	v0 =	vadd.f32 v58, v0  }
0x176: {  	v53 =	vld.idx.msk [tilespmem:v63+s15+$0x0], $0xffff;
	v34 =	vadd.f32 v61, v34;
	v52 =	vmul.f32 v39, v19;
	v39 =	vmul.f32 v39, v20  }
0x177: {  	v41 =	vadd.f32 v60, v43;
	v63 =	vld.idx.msk [tilespmem:v49+s3+$0x0], $0xffff;
	v37 =	vmul.f32 v37, v19;
	v43 =	vmul.f32 v0, v19  }
0x178: {  	v60 =	vld.idx.msk [tilespmem:v49+s14+$0x0], $0xffff;
	v22 =	vadd.s32 v15, v22;
	v0 =	vmul.f32 v0, v20;
	v34 =	vmul.f32 v34, v19  }
0x179: {  	v49 =	vld.idx.msk [tilespmem:v49+s15+$0x0], $0xffff;
	v38 =	vadd.f32 v57, v38;
	v61 =	vmul.f32 v59, v7;
	v44 =	vmul.f32 v59, v10  }
0x17a: {  	v41 =	vadd.f32 v45, v41;
	v45 =	vmul.f32 v62, v7;
	v51 =	vmul.f32 v62, v10  }
0x17b: {  	v38 =	vadd.f32 v50, v38;
	v56 =	vmul.f32 v53, v7;
	v57 =	vld.idx.msk [tilespmem:v54+s3+$0x0], $0xffff;
	v50 =	vmul.f32 v53, v10  }
0x17c: {  	v24 =	vadd.s32 v42, v24;
	v62 =	vmul.f32 v63, v5;
	v58 =	vld.idx.msk [tilespmem:v54+s14+$0x0], $0xffff;
	v63 =	vmul.f32 v63, v6  }
0x17d: {  	v41 =	vadd.f32 v46, v41;
	v59 =	vmul.f32 v60, v5;
	v54 =	vld.idx.msk [tilespmem:v54+s15+$0x0], $0xffff;
	v60 =	vmul.f32 v60, v6  }
0x17e: {  	v53 =	vld.idx.msk [tilespmem:v22+s3+$0x0], $0xffff;
	v20 =	vmul.f32 v38, v20;
	v47 =	vadd.f32 v62, v61;
	v61 =	vmul.f32 v49, v5  }
0x17f: {  	v44 =	vadd.f32 v63, v44;
	v45 =	vadd.f32 v59, v45;
	v62 =	vmul.f32 v49, v6  }
0x180: {  	v48 =	vadd.f32 v60, v51;
	v51 =	vadd.s32 v42, v21;
	v63 =	vmul.f32 v57, v9  }
0x181: {  	v49 =	vadd.f32 v61, v56;
	v60 =	vmul.f32 v57, v11;
	v61 =	vmul.f32 v58, v9  }
0x182: {  	v46 =	vadd.f32 v62, v50;
	v56 =	vld.idx.msk [tilespmem:v22+s14+$0x0], $0xffff;
	v62 =	vmul.f32 v58, v11;
	v58 =	vmul.f32 v38, v19  }
0x183: {  	v50 =	vadd.s32 v8, v51;
	v57 =	vmul.f32 v54, v11;
	v59 =	vmul.f32 v53, v3  }
0x184: {  	v22 =	vld.idx.msk [tilespmem:v22+s15+$0x0], $0xffff;
	v8 =	vadd.s32 v8, v24;
	v53 =	vmul.f32 v53, v4;
	v19 =	vmul.f32 v41, v19  }
0x185: {  	v47 =	vadd.f32 v63, v47;
	v63 =	vmul.f32 v54, v9;
	v44 =	vadd.f32 v60, v44  }
0x186: {  	v45 =	vadd.f32 v61, v45;
	v38 =	vadd.f32 v62, v48;
	v61 =	vadd.s32 v16, v51  }
0x187: {  	v62 =	vadd.f32 v57, v46;
	v48 =	vadd.f32 v63, v49;
	v60 =	vmul.f32 v56, v3  }
0x188: {  	v63 =	vadd.f32 v59, v47;
	v44 =	vadd.f32 v53, v44;
	v53 =	vmul.f32 v56, v4  }
0x189: {  	v54 =	vmul.f32 v22, v3;
	v22 =	vmul.f32 v22, v4;
	v45 =	vadd.f32 v60, v45  }
0x18a: {  	v38 =	vadd.f32 v53, v38;
	v56 =	vmul.f32 v63, v17;
	v46 =	vmul.f32 v63, v18;
	v63 =	vld.idx.msk [tilespmem:v50+s3+$0x0], $0xffff  }
0x18b: {  	v16 =	vadd.s32 v16, v24;
	v48 =	vadd.f32 v54, v48;
	v22 =	vadd.f32 v22, v62;
	v59 =	vld.idx.msk [tilespmem:v61+s3+$0x0], $0xffff  }
0x18c: {  	v57 =	vmul.f32 v44, v17;
	v47 =	vadd.f32 v56, v52;
	v39 =	vadd.f32 v46, v39;
	v56 =	vld.idx.msk [tilespmem:v61+s14+$0x0], $0xffff  }
0x18d: {  	v21 =	vmul.f32 v45, v17;
	v60 =	vmul.f32 v45, v18;
	v61 =	vld.idx.msk [tilespmem:v61+s15+$0x0], $0xffff;
	v52 =	vadd.s32 v14, v51  }
0x18e: {  	v44 =	vld.idx.msk [tilespmem:v50+s15+$0x0], $0xffff;
	v37 =	vadd.f32 v57, v37;
	v38 =	vmul.f32 v38, v17;
	v62 =	vmul.f32 v48, v17  }
0x18f: {  	v18 =	vmul.f32 v48, v18;
	v17 =	vmul.f32 v22, v17;
	v22 =	vld.idx.msk [tilespmem:v50+s14+$0x0], $0xffff;
	v50 =	vadd.s32 v15, v51  }
0x190: {  	v14 =	vadd.s32 v14, v24;
	v46 =	vadd.f32 v62, v58;
	v62 =	vmul.f32 v63, v5  }
0x191: {  	v34 =	vadd.f32 v38, v34;
	v53 =	vmul.f32 v63, v6;
	v38 =	vmul.f32 v59, v7  }
0x192: {  	v0 =	vadd.f32 v60, v0;
	v60 =	vmul.f32 v61, v7;
	v45 =	vmul.f32 v61, v10;
	v61 =	vld.idx.msk [tilespmem:v52+s3+$0x0], $0xffff  }
0x193: {  	v43 =	vadd.f32 v21, v43;
	v57 =	vmul.f32 v59, v10;
	v59 =	vmul.f32 v56, v7;
	v63 =	vld.idx.msk [tilespmem:v52+s14+$0x0], $0xffff  }
0x194: {  	v18 =	vadd.f32 v18, v20;
	v49 =	vmul.f32 v56, v10;
	v56 =	vmul.f32 v22, v5;
	v52 =	vld.idx.msk [tilespmem:v52+s15+$0x0], $0xffff  }
0x195: {  	v17 =	vadd.f32 v17, v19;
	v58 =	vmul.f32 v44, v5;
	v44 =	vmul.f32 v44, v6;
	v48 =	vld.idx.msk [tilespmem:v50+s3+$0x0], $0xffff  }
0x196: {  	v22 =	vmul.f32 v22, v6;
	v20 =	vadd.f32 v62, v38;
	v19 =	vadd.f32 v56, v59  }
0x197: {  	v41 =	vadd.f32 v58, v60;
	v59 =	vmul.f32 v61, v9;
	v60 =	vmul.f32 v61, v11  }
0x198: {  	v57 =	vadd.f32 v53, v57;
	v61 =	vmul.f32 v63, v9;
	v62 =	vmul.f32 v63, v11;
	v63 =	vld.idx.msk [tilespmem:v50+s14+$0x0], $0xffff  }
0x199: {  	v15 =	vadd.s32 v15, v24;
	v22 =	vadd.f32 v22, v49;
	v44 =	vadd.f32 v44, v45;
	v50 =	vld.idx.msk [tilespmem:v50+s15+$0x0], $0xffff  }
0x19a: {  	v56 =	vmul.f32 v52, v9;
	v58 =	vmul.f32 v48, v3;
	v20 =	vadd.f32 v59, v20  }
0x19b: {  	v38 =	vadd.f32 v60, v57;
	v19 =	vadd.f32 v61, v19;
	v57 =	vmul.f32 v52, v11;
	v52 =	vld.idx.msk [tilespmem:v16+s3+$0x0], $0xffff  }
0x19c: {  	v53 =	vld.idx.msk [tilespmem:v16+s14+$0x0], $0xffff;
	v22 =	vadd.f32 v62, v22;
	v41 =	vadd.f32 v56, v41;
	v59 =	vmul.f32 v48, v4  }
0x19d: {  	v16 =	vld.idx.msk [tilespmem:v16+s15+$0x0], $0xffff;
	v20 =	vadd.f32 v58, v20;
	v60 =	vmul.f32 v63, v3;
	v61 =	vmul.f32 v63, v4  }
0x19e: {  	v55 =	vld.idx.msk [tilespmem:v8+s3+$0x0], $0xffff;
	v38 =	vadd.f32 v59, v38;
	v62 =	vmul.f32 v50, v3;
	v63 =	vmul.f32 v50, v4  }
0x19f: {  	v21 =	vld.idx.msk [tilespmem:v14+s14+$0x0], $0xffff;
	v44 =	vadd.f32 v57, v44;
	v51 =	vmul.f32 v20, v12;
	v20 =	vmul.f32 v20, v13  }
0x1a0: {  	v38 =	vmul.f32 v38, v12;
	v19 =	vadd.f32 v60, v19;
	v58 =	vmul.f32 v52, v7  }
0x1a1: {  	v22 =	vadd.f32 v61, v22;
	v59 =	vmul.f32 v52, v10;
	v60 =	vmul.f32 v53, v7  }
0x1a2: {  	v41 =	vadd.f32 v62, v41;
	v61 =	vmul.f32 v53, v10;
	v7 =	vmul.f32 v16, v7  }
0x1a3: {  	v57 =	vld.idx.msk [tilespmem:v8+s14+$0x0], $0xffff;
	v44 =	vadd.f32 v63, v44;
	v63 =	vmul.f32 v55, v5;
	v10 =	vmul.f32 v16, v10  }
0x1a4: {  	v42 =	vadd.f32 v51, v47;
	v47 =	vmul.f32 v55, v6;
	v55 =	vmul.f32 v21, v9  }
0x1a5: {  	v8 =	vld.idx.msk [tilespmem:v8+s15+$0x0], $0xffff;
	v54 =	vmul.f32 v19, v12;
	v19 =	vmul.f32 v19, v13  }
0x1a6: {  	v20 =	vadd.f32 v20, v39;
	v22 =	vmul.f32 v22, v12;
	v56 =	vmul.f32 v41, v12  }
0x1a7: {  	s30 =	sand.u32 $0x60, s23;
	v62 =	vld.idx.msk [tilespmem:v14+s3+$0x0], $0xffff;
	v37 =	vadd.f32 v38, v37;
	v13 =	vmul.f32 v41, v13;
	v12 =	vmul.f32 v44, v12  }
0x1a8: {  	s31 =	sand.u32 $0x780, s23;
	s29 =	sor.u32 $0x10, s30;
	v14 =	vld.idx.msk [tilespmem:v14+s15+$0x0], $0xffff;
	v48 =	vmul.f32 v57, v5;
	v49 =	vadd.f32 v63, v58;
	v39 =	vadd.f32 v54, v43  }
0x1a9: {  	s31 =	sor.u32 s31, s29;
	v53 =	vld.idx.msk [tilespmem:v15+s14+$0x0], $0xffff;
	v50 =	vmul.f32 v57, v6;
	v0 =	vadd.f32 v19, v0;
	v22 =	vadd.f32 v22, v34  }
0x1aa: {  	v16 =	vld [tilespmem:s31+$0x5900];
	v5 =	vmul.f32 v8, v5;
	v19 =	vadd.f32 v56, v46;
	v13 =	vadd.f32 v13, v18  }
0x1ab: {  	v51 =	vld.idx.msk [tilespmem:v15+s3+$0x0], $0xffff;
	v6 =	vmul.f32 v8, v6;
	v12 =	vadd.f32 v12, v17;
	v17 =	vadd.f32 v47, v59  }
0x1ac: {  	v24 =	vadd.f32 v48, v60;
	v18 =	vadd.f32 v50, v61;
	v56 =	vmul.f32 v21, v11  }
0x1ad: {  	v15 =	vld.idx.msk [tilespmem:v15+s15+$0x0], $0xffff;
	v5 =	vadd.f32 v5, v7;
	v52 =	vmul.f32 v62, v9;
	v54 =	vmul.f32 v62, v11  }
0x1ae: {  	v6 =	vadd.f32 v6, v10;
	v9 =	vmul.f32 v14, v9;
	v11 =	vmul.f32 v14, v11  }
0x1af: {  	v60 =	vmul.f32 v53, v3;
	v61 =	vmul.f32 v53, v4;
	v34 =	vadd.f32 $1.080000000e+02, v16  }
0x1b0: {  	v57 =	vadd.f32 v55, v24;
	v10 =	vadd.f32 v56, v18;
	v58 =	vmul.f32 v51, v3  }
0x1b1: {  	v59 =	vmul.f32 v51, v4;
	v8 =	vadd.f32 v52, v49;
	v7 =	vadd.f32 v54, v17  }
0x1b2: {  	v45 =	vld [tilespmem:s31+$0x5100];
	v3 =	vmul.f32 v15, v3;
	v5 =	vadd.f32 v9, v5;
	v62 =	vadd.f32 v60, v57  }
0x1b3: {  	v4 =	vmul.f32 v15, v4;
	v6 =	vadd.f32 v11, v6;
	v10 =	vadd.f32 v61, v10  }
0x1b4: {  	v8 =	vadd.f32 v58, v8;
	v7 =	vadd.f32 v59, v7;
	v21 =	vmul.f32 v62, v1  }
0x1b5: {  	v3 =	vadd.f32 v3, v5;
	v9 =	vmul.f32 v62, v2;
	v10 =	vmul.f32 v10, v1  }
0x1b6: {  	v4 =	vadd.f32 v4, v6;
	v63 =	vmul.f32 v8, v1;
	v17 =	vmul.f32 v8, v2  }
0x1b7: {  	v6 =	vadd.f32 $1.080000000e+02, v45;
	v7 =	vmul.f32 v7, v1;
	v24 =	vmul.f32 v3, v1  }
0x1b8: {  	v51 =	vld [tilespmem:s31+$0x6100];
	v2 =	vmul.f32 v3, v2;
	v1 =	vmul.f32 v4, v1;
	v8 =	vadd.f32 v21, v39  }
0x1b9: {  	v3 =	vmul.f32 $8.333333580e-02, v34;
	v0 =	vadd.f32 v9, v0;
	v39 =	vld [tilespmem:$0x1FF20];
	v18 =	vadd.f32 v63, v42  }
0x1ba: {  	v59 =	vmul.f32 $8.333333580e-02, v6;
	v5 =	vadd.f32 v17, v20;
	v7 =	vadd.f32 v7, v37  }
0x1bb: {  	v37 =	vadd.f32 v10, v22;
	v38 =	vadd.f32 v24, v19;
	v46 =	vtrunc.f32 v3  }
0x1bc: {  	v2 =	vadd.f32 v2, v13;
	v48 =	vcvt.f32.s32 v46;
	v49 =	vmul.f32 v8, v27  }
0x1bd: {  	v42 =	vadd.f32 v1, v12;
	v43 =	vmul.f32 v18, v27;
	v56 =	vmul.f32 v38, v27  }
0x1be: {  	v63 =	vadd.f32 $1.080000000e+02, v51;
	v50 =	vcvt.s32.f32 v48;
	v41 =	vmul.f32 v18, v39  }
0x1bf: {  	v52 =	vadd.f32 v49, v33;
	v5 =	vmul.f32 v5, v39;
	v44 =	vmul.f32 v7, v39  }
0x1c0: {  	v1 =	vadd.f32 v43, v31;
	v47 =	vmul.f32 v8, v39;
	v0 =	vmul.f32 v0, v39  }
0x1c1: {  	v53 =	vmul.f32 v37, v39;
	v54 =	vmul.f32 v38, v39;
	v55 =	vsub.f32 v3, v50  }
0x1c2: {  	v57 =	vmul.f32 v2, v39;
	v4 =	vadd.f32 v41, v35;
	v5 =	vadd.f32 v5, v26  }
0x1c3: {  	v13 =	vmul.f32 v42, v39;
	[tilespmem:$0x1FF40] =	vst v1;
	v1 =	vadd.f32 v47, v40;
	v0 =	vadd.f32 v0, v36  }
0x1c4: {  	v18 =	vmul.f32 $8.333333580e-02, v63;
	v58 =	vadd.f32 v54, v29;
	v39 =	vadd.f32 v57, v30  }
0x1c5: {  	v42 =	vadd.f32 v13, v32;
	v35 =	vmul.u32 $0x13, v48;
	v61 =	vmul.f32 $3.000000000e+00, v55  }
0x1c6: {  	v62 =	vsub.f32 $1.000000000e+00, v55;
	v7 =	vmul.f32 v55, v55;
	v48 =	vmul.f32 $1.500000000e+00, v55;
	[tilespmem:$0x1FF30] =	vst v4  }
0x1c7: {  	[tilespmem:$0x1FF50] =	vst v5;
	v4 =	vadd.f32 v44, v25;
	v5 =	vtrunc.f32 v59;
	v44 =	vtrunc.f32 v18  }
0x1c8: {  	v29 =	vadd.f32 $-6.000000000e+00, v61;
	v31 =	vmul.f32 v62, v62;
	v40 =	vcvt.f32.s32 v5  }
0x1c9: {  	[tilespmem:$0x1FF90] =	vst v0;
	v0 =	vadd.f32 v53, v28;
	v20 =	vcvt.f32.s32 v44;
	v46 =	vmul.f32 v7, v55  }
0x1ca: {  	v50 =	vadd.f32 $-2.000000000e+00, v48;
	v32 =	vmul.f32 $4.166666790e-02, v7;
	v41 =	vmul.f32 v29, v7  }
0x1cb: {  	[tilespmem:$0x1FFA0] =	vst v0;
	v0 =	vadd.f32 v56, v23;
	v43 =	vmul.f32 v31, v62;
	v45 =	vcvt.s32.f32 v40  }
0x1cc: {  	v34 =	vmul.u32 $0x169, v40;
	v47 =	vcvt.s32.f32 v20;
	v11 =	vmul.f32 $1.666666720e-01, v46  }
0x1cd: {  	v30 =	vmul.f32 $-4.166666790e-02, v31;
	v24 =	vadd.s32 $0xFFFFFFFF, v20;
	v13 =	vmul.f32 v50, v55  }
0x1ce: {  	v23 =	vadd.s32 $0x1, v20;
	[tilespmem:$0x1FFC0] =	vst v0;
	v0 =	vadd.s32 $0xFFFFFFED, v35;
	v38 =	vadd.s32 $0xFFFFFE97, v34  }
0x1cf: {  	v25 =	vadd.s32 $0x2, v20;
	v19 =	vadd.f32 $4.000000000e+00, v41;
	v51 =	vadd.s32 v38, v0  }
0x1d0: {  	v27 =	vmul.f32 $1.666666720e-01, v43;
	v49 =	vsub.f32 v18, v47;
	v62 =	vadd.s32 v24, v51  }
0x1d1: {  	v37 =	vsub.f32 v59, v45;
	v28 =	vmul.f32 $8.333333580e-02, v13;
	v26 =	vmul.f32 $1.666666720e-01, v19  }
0x1d2: {  	[tilespmem:$0x1FF70] =	vst v1;
	v60 =	vsub.f32 $1.000000000e+00, v49;
	v61 =	vmul.f32 $3.000000000e+00, v49;
	v63 =	vmul.f32 $1.500000000e+00, v49  }
0x1d3: {  	[tilespmem:$0x1FF60] =	vst v4;
	v1 =	vmul.f32 v49, v49;
	v3 =	vadd.s32 v20, v51;
	v4 =	vsub.f32 $1.000000000e+00, v27  }
0x1d4: {  	v8 =	vadd.s32 v23, v51;
	v2 =	vmul.f32 v60, v60;
	v19 =	vadd.f32 $-6.000000000e+00, v61  }
0x1d5: {  	v9 =	vadd.f32 v28, v30;
	v14 =	vadd.f32 $-2.000000000e+00, v63;
	v16 =	vmul.f32 v1, v49;
	v5 =	vld.idx.msk [tilespmem:v62+s3+$0x0], $0xffff  }
0x1d6: {  	v33 =	vsub.f32 v4, v26;
	v15 =	vmul.f32 v2, v60;
	v19 =	vmul.f32 v19, v1;
	v7 =	vld.idx.msk [tilespmem:v62+s14+$0x0], $0xffff  }
0x1d7: {  	v41 =	vadd.f32 v9, v32;
	v9 =	vadd.s32 v35, v38;
	v14 =	vmul.f32 v14, v49;
	v10 =	vld.idx.msk [tilespmem:v62+s15+$0x0], $0xffff  }
0x1d8: {  	v22 =	vmul.f32 $-4.166666790e-02, v2;
	v53 =	vld.idx.msk [tilespmem:v3+s3+$0x0], $0xffff;
	v21 =	vmul.f32 $1.666666720e-01, v15;
	v6 =	vadd.f32 $4.000000000e+00, v19  }
0x1d9: {  	[tilespmem:$0x1FF80] =	vst v52;
	v12 =	vadd.s32 v24, v9;
	v55 =	vld.idx.msk [tilespmem:v3+s14+$0x0], $0xffff;
	v17 =	vmul.f32 $8.333333580e-02, v14;
	v14 =	vmul.f32 $4.166666790e-02, v1  }
0x1da: {  	[tilespmem:$0x1FFB0] =	vst v58;
	v60 =	vadd.s32 v25, v51;
	v31 =	vld.idx.msk [tilespmem:v3+s15+$0x0], $0xffff;
	v15 =	vmul.f32 $1.666666720e-01, v16;
	v19 =	vmul.f32 $1.666666720e-01, v6  }
0x1db: {  	[tilespmem:$0x1FFD0] =	vst v39;
	v51 =	vadd.s32 v25, v9;
	v57 =	vmul.f32 v21, v5;
	v36 =	vmul.f32 v22, v5  }
0x1dc: {  	[tilespmem:$0x1FFE0] =	vst v42;
	v52 =	vsub.f32 $1.000000000e+00, v21;
	v59 =	vmul.f32 v21, v7;
	v39 =	vmul.f32 v22, v7  }
0x1dd: {  	v58 =	vld.idx.msk [tilespmem:v8+s3+$0x0], $0xffff;
	v54 =	vadd.f32 v17, v22;
	v61 =	vmul.f32 v19, v53;
	v62 =	vmul.f32 v21, v10  }
0x1de: {  	v63 =	vld.idx.msk [tilespmem:v8+s14+$0x0], $0xffff;
	v56 =	vsub.f32 v52, v19;
	v43 =	vmul.f32 v17, v53;
	v1 =	vmul.f32 v19, v55  }
0x1df: {  	v40 =	vld.idx.msk [tilespmem:v8+s15+$0x0], $0xffff;
	v29 =	vadd.f32 v54, v14;
	v44 =	vmul.f32 v17, v55;
	v2 =	vmul.f32 v19, v31  }
0x1e0: {  	v4 =	vld.idx.msk [tilespmem:v60+s3+$0x0], $0xffff;
	v42 =	vmul.f32 v22, v10;
	v13 =	vmul.f32 v17, v31;
	v18 =	vsub.f32 v56, v15  }
0x1e1: {  	v48 =	vld.idx.msk [tilespmem:v60+s15+$0x0], $0xffff;
	v52 =	vadd.s32 v23, v9;
	v16 =	vsub.f32 $0.0e+00, v29;
	v45 =	vadd.f32 v61, v57  }
0x1e2: {  	v7 =	vld.idx.msk [tilespmem:v60+s14+$0x0], $0xffff;
	v36 =	vadd.f32 v43, v36;
	v47 =	vadd.f32 v1, v59;
	v3 =	vmul.f32 v18, v58  }
0x1e3: {  	v39 =	vadd.f32 v44, v39;
	v6 =	vmul.f32 v16, v58;
	v8 =	vmul.f32 v18, v63  }
0x1e4: {  	v29 =	vadd.f32 v2, v62;
	v1 =	vld.idx.msk [tilespmem:v12+s3+$0x0], $0xffff;
	v50 =	vmul.f32 v16, v63;
	v10 =	vmul.f32 v18, v40  }
0x1e5: {  	v62 =	vadd.s32 v20, v9;
	v2 =	vld.idx.msk [tilespmem:v12+s14+$0x0], $0xffff;
	v60 =	vmul.f32 v4, v15;
	v44 =	vmul.f32 v4, v14  }
0x1e6: {  	v63 =	vmul.f32 v48, v15;
	v40 =	vmul.f32 v16, v40;
	v5 =	vadd.f32 v3, v45  }
0x1e7: {  	v61 =	vmul.f32 v7, v15;
	v36 =	vadd.f32 v6, v36;
	v59 =	vadd.f32 v8, v47  }
0x1e8: {  	v46 =	vmul.f32 v7, v14;
	v39 =	vadd.f32 v50, v39;
	v29 =	vadd.f32 v10, v29  }
0x1e9: {  	v7 =	vmul.f32 v1, v21;
	v45 =	vmul.f32 v1, v22;
	v43 =	vadd.f32 v5, v60  }
0x1ea: {  	v3 =	vld.idx.msk [tilespmem:v12+s15+$0x0], $0xffff;
	v8 =	vmul.f32 v2, v21;
	v36 =	vadd.f32 v36, v44;
	v31 =	vadd.f32 v59, v61  }
0x1eb: {  	v10 =	vld.idx.msk [tilespmem:v52+s3+$0x0], $0xffff;
	v39 =	vadd.f32 v39, v46;
	v46 =	vmul.f32 v48, v14;
	v48 =	vmul.f32 v2, v22  }
0x1ec: {  	v6 =	vadd.f32 v13, v42;
	v4 =	vld.idx.msk [tilespmem:v62+s3+$0x0], $0xffff;
	v47 =	vmul.f32 v43, v27;
	v43 =	vmul.f32 v43, v30  }
0x1ed: {  	v49 =	vld.idx.msk [tilespmem:v62+s15+$0x0], $0xffff;
	v44 =	vadd.f32 v29, v63;
	v36 =	vmul.f32 v36, v27;
	v54 =	vmul.f32 v31, v27  }
0x1ee: {  	v1 =	vld.idx.msk [tilespmem:v52+s14+$0x0], $0xffff;
	v40 =	vadd.f32 v40, v6;
	v55 =	vmul.f32 v31, v30;
	v39 =	vmul.f32 v39, v27  }
0x1ef: {  	v5 =	vld.idx.msk [tilespmem:v62+s14+$0x0], $0xffff;
	v31 =	vsub.f32 $0.0e+00, v41;
	v41 =	vmul.f32 v44, v27;
	v44 =	vmul.f32 v44, v30  }
0x1f0: {  	v52 =	vld.idx.msk [tilespmem:v52+s15+$0x0], $0xffff;
	v29 =	vsub.f32 v33, v11;
	v9 =	vmul.f32 v3, v21;
	v50 =	vmul.f32 v3, v22  }
0x1f1: {  	v40 =	vadd.f32 v40, v46;
	v6 =	vmul.f32 v10, v16;
	v33 =	vmul.f32 v4, v19  }
0x1f2: {  	v12 =	vadd.s32 $0x13, v35;
	v56 =	vmul.f32 v4, v17;
	v3 =	vmul.f32 v49, v19  }
0x1f3: {  	v59 =	vadd.s32 v38, v12;
	v49 =	vmul.f32 v49, v17;
	v40 =	vmul.f32 v40, v27  }
0x1f4: {  	v63 =	vadd.s32 v20, v59;
	v2 =	vmul.f32 v5, v19;
	v57 =	vmul.f32 v5, v17  }
0x1f5: {  	v4 =	vld.idx.msk [tilespmem:v51+s3+$0x0], $0xffff;
	v5 =	vmul.f32 v10, v18;
	v10 =	vmul.f32 v52, v18;
	v42 =	vadd.f32 v33, v7  }
0x1f6: {  	v52 =	vmul.f32 v52, v16;
	v45 =	vadd.f32 v56, v45;
	v56 =	vadd.f32 v3, v9  }
0x1f7: {  	v49 =	vadd.f32 v49, v50;
	v7 =	vmul.f32 v1, v18;
	v9 =	vld.idx.msk [tilespmem:v51+s14+$0x0], $0xffff;
	v46 =	vadd.f32 v2, v8  }
0x1f8: {  	v51 =	vld.idx.msk [tilespmem:v51+s15+$0x0], $0xffff;
	v33 =	vadd.s32 v24, v59;
	v48 =	vadd.f32 v57, v48;
	v42 =	vadd.f32 v5, v42  }
0x1f9: {  	v8 =	vmul.f32 v1, v16;
	v45 =	vadd.f32 v6, v45;
	v50 =	vadd.f32 v10, v56  }
0x1fa: {  	v49 =	vadd.f32 v52, v49;
	v56 =	vadd.s32 v23, v59;
	v13 =	vmul.f32 v4, v15  }
0x1fb: {  	v2 =	vld.idx.msk [tilespmem:v63+s14+$0x0], $0xffff;
	v59 =	vadd.s32 v25, v59;
	v46 =	vadd.f32 v7, v46;
	v53 =	vmul.f32 v4, v14  }
0x1fc: {  	v48 =	vadd.f32 v8, v48;
	v42 =	vadd.f32 v13, v42;
	v60 =	vmul.f32 v9, v15  }
0x1fd: {  	v45 =	vadd.f32 v53, v45;
	v61 =	vmul.f32 v9, v14;
	v62 =	vmul.f32 v51, v15  }
0x1fe: {  	v51 =	vmul.f32 v51, v14;
	v6 =	vld.idx.msk [tilespmem:v33+s3+$0x0], $0xffff;
	v46 =	vadd.f32 v60, v46;
	v5 =	vmul.f32 v42, v26  }
0x1ff: {  	v8 =	vld.idx.msk [tilespmem:v33+s14+$0x0], $0xffff;
	v48 =	vadd.f32 v61, v48;
	v42 =	vmul.f32 v42, v28;
	v45 =	vmul.f32 v45, v26  }
0x200: {  	v50 =	vadd.f32 v62, v50;
	v62 =	vmul.f32 v2, v17;
	v7 =	vmul.f32 v46, v26  }
0x201: {  	v10 =	vld.idx.msk [tilespmem:v33+s15+$0x0], $0xffff;
	v49 =	vadd.f32 v51, v49;
	v9 =	vmul.f32 v46, v28;
	v13 =	vmul.f32 v48, v26  }
0x202: {  	v33 =	vld.idx.msk [tilespmem:v63+s3+$0x0], $0xffff;
	v47 =	vadd.f32 v5, v47;
	v1 =	vmul.f32 v50, v26;
	v50 =	vmul.f32 v50, v28  }
0x203: {  	v42 =	vadd.f32 v42, v43;
	v3 =	vmul.f32 v49, v26;
	v4 =	vmul.f32 v6, v21  }
0x204: {  	v45 =	vadd.f32 v45, v36;
	v5 =	vld.idx.msk [tilespmem:v63+s15+$0x0], $0xffff;
	v51 =	vmul.f32 v6, v22;
	v6 =	vmul.f32 v8, v21  }
0x205: {  	v53 =	vmul.f32 v8, v22;
	v52 =	vadd.f32 v7, v54;
	v43 =	vadd.f32 v9, v55  }
0x206: {  	v8 =	vld.idx.msk [tilespmem:v56+s3+$0x0], $0xffff;
	v46 =	vmul.f32 v10, v22;
	v39 =	vadd.f32 v13, v39;
	v41 =	vadd.f32 v1, v41  }
0x207: {  	v7 =	vmul.f32 v10, v21;
	v44 =	vadd.f32 v50, v44;
	v9 =	vmul.f32 v33, v19;
	v10 =	vld.idx.msk [tilespmem:v56+s14+$0x0], $0xffff  }
0x208: {  	v40 =	vadd.f32 v3, v40;
	v13 =	vmul.f32 v33, v17;
	v33 =	vmul.f32 v2, v19;
	v56 =	vld.idx.msk [tilespmem:v56+s15+$0x0], $0xffff  }
0x209: {  	v50 =	vadd.f32 v62, v53;
	v49 =	vadd.f32 v9, v4;
	v63 =	vmul.f32 v5, v19  }
0x20a: {  	v36 =	vadd.f32 v13, v51;
	v48 =	vadd.f32 v33, v6;
	v1 =	vmul.f32 v5, v17  }
0x20b: {  	v4 =	vld.idx.msk [tilespmem:v59+s3+$0x0], $0xffff;
	v3 =	vmul.f32 v8, v18;
	v5 =	vmul.f32 v8, v16;
	v2 =	vadd.f32 v63, v7  }
0x20c: {  	v46 =	vadd.f32 v1, v46;
	v6 =	vmul.f32 v10, v18;
	v8 =	vmul.f32 v10, v16  }
0x20d: {  	v7 =	vld.idx.msk [tilespmem:v59+s14+$0x0], $0xffff;
	v9 =	vmul.f32 v56, v18;
	v51 =	vadd.f32 v5, v36;
	v36 =	vadd.s32 $0x26, v35  }
0x20e: {  	v10 =	vld.idx.msk [tilespmem:v59+s15+$0x0], $0xffff;
	v56 =	vmul.f32 v56, v16;
	v49 =	vadd.f32 v3, v49;
	v38 =	vadd.s32 v38, v36  }
0x20f: {  	v48 =	vadd.f32 v6, v48;
	v50 =	vadd.f32 v8, v50;
	v1 =	vadd.s32 v24, v38  }
0x210: {  	v53 =	vadd.f32 v9, v2;
	v13 =	vmul.f32 v4, v15;
	v55 =	vmul.f32 v4, v14  }
0x211: {  	v46 =	vadd.f32 v56, v46;
	v4 =	vadd.s32 v20, v38;
	v56 =	vadd.s32 v23, v38  }
0x212: {  	v38 =	vadd.s32 v25, v38;
	v49 =	vadd.f32 v13, v49;
	v33 =	vmul.f32 v7, v15  }
0x213: {  	v51 =	vadd.f32 v55, v51;
	v2 =	vmul.f32 v7, v14;
	v3 =	vmul.f32 v10, v15  }
0x214: {  	v54 =	vmul.f32 v10, v14;
	v5 =	vmul.f32 v49, v29;
	v48 =	vadd.f32 v33, v48;
	v6 =	vld.idx.msk [tilespmem:v1+s3+$0x0], $0xffff  }
0x215: {  	v49 =	vmul.f32 v49, v31;
	v51 =	vmul.f32 v51, v29;
	v50 =	vadd.f32 v2, v50;
	v8 =	vld.idx.msk [tilespmem:v1+s14+$0x0], $0xffff  }
0x216: {  	v53 =	vadd.f32 v3, v53;
	v46 =	vadd.f32 v54, v46;
	v9 =	vld.idx.msk [tilespmem:v1+s15+$0x0], $0xffff;
	v7 =	vmul.f32 v48, v29  }
0x217: {  	v47 =	vadd.f32 v5, v47;
	v13 =	vld.idx.msk [tilespmem:v4+s3+$0x0], $0xffff;
	v48 =	vmul.f32 v48, v31;
	v50 =	vmul.f32 v50, v29  }
0x218: {  	v42 =	vadd.f32 v49, v42;
	v1 =	vld.idx.msk [tilespmem:v4+s14+$0x0], $0xffff;
	v10 =	vmul.f32 v53, v29;
	v33 =	vmul.f32 v53, v31  }
0x219: {  	v45 =	vadd.f32 v51, v45;
	v57 =	vld.idx.msk [tilespmem:v4+s15+$0x0], $0xffff;
	v46 =	vmul.f32 v46, v29;
	v2 =	vmul.f32 v6, v21  }
0x21a: {  	v5 =	vld.idx.msk [tilespmem:v56+s3+$0x0], $0xffff;
	v49 =	vadd.f32 v7, v52;
	v54 =	vmul.f32 v6, v22;
	v3 =	vmul.f32 v8, v21  }
0x21b: {  	v62 =	vld.idx.msk [tilespmem:v56+s15+$0x0], $0xffff;
	v48 =	vadd.f32 v48, v43;
	v55 =	vmul.f32 v8, v22;
	v4 =	vmul.f32 v9, v21  }
0x21c: {  	v39 =	vadd.f32 v50, v39;
	v51 =	vmul.f32 v9, v22;
	v6 =	vmul.f32 v13, v19  }
0x21d: {  	v52 =	vadd.f32 v10, v41;
	v7 =	vmul.f32 v13, v17;
	v9 =	vmul.f32 v1, v19  }
0x21e: {  	v61 =	vadd.f32 v33, v44;
	v53 =	vmul.f32 v1, v17;
	v10 =	vmul.f32 v57, v19  }
0x21f: {  	v40 =	vadd.f32 v46, v40;
	v8 =	vld.idx.msk [tilespmem:v56+s14+$0x0], $0xffff;
	v33 =	vmul.f32 v57, v17;
	v63 =	vmul.f32 v5, v18  }
0x220: {  	v1 =	vmul.f32 v5, v16;
	v5 =	vmul.f32 v62, v18;
	v43 =	vadd.f32 v6, v2  }
0x221: {  	v56 =	vadd.s32 v34, v0;
	v44 =	vadd.f32 v7, v54;
	v41 =	vadd.f32 v9, v3;
	v2 =	vld.idx.msk [tilespmem:v38+s3+$0x0], $0xffff  }
0x222: {  	v59 =	vadd.s32 v23, v56;
	v13 =	vadd.f32 v53, v55;
	v50 =	vadd.f32 v10, v4;
	v4 =	vld.idx.msk [tilespmem:v38+s14+$0x0], $0xffff  }
0x223: {  	v51 =	vadd.f32 v33, v51;
	v38 =	vld.idx.msk [tilespmem:v38+s15+$0x0], $0xffff;
	v54 =	vmul.f32 v62, v16;
	v7 =	vadd.s32 v24, v56  }
0x224: {  	v43 =	vadd.f32 v63, v43;
	v44 =	vadd.f32 v1, v44;
	v3 =	vmul.f32 v8, v18  }
0x225: {  	v50 =	vadd.f32 v5, v50;
	v51 =	vadd.f32 v54, v51;
	v58 =	vmul.f32 v8, v16  }
0x226: {  	v41 =	vadd.f32 v3, v41;
	v6 =	vmul.f32 v2, v15;
	v57 =	vmul.f32 v2, v14  }
0x227: {  	v46 =	vadd.f32 v58, v13;
	v8 =	vmul.f32 v4, v15;
	v9 =	vmul.f32 v4, v14  }
0x228: {  	v10 =	vmul.f32 v38, v15;
	v13 =	vadd.s32 v20, v56;
	v43 =	vadd.f32 v6, v43  }
0x229: {  	v38 =	vmul.f32 v38, v14;
	v60 =	vld.idx.msk [tilespmem:v7+s3+$0x0], $0xffff;
	v44 =	vadd.f32 v57, v44;
	v53 =	vadd.f32 v8, v41  }
0x22a: {  	v62 =	vld.idx.msk [tilespmem:v7+s14+$0x0], $0xffff;
	v46 =	vadd.f32 v9, v46;
	v58 =	vmul.f32 v43, v11;
	v43 =	vmul.f32 v43, v32  }
0x22b: {  	v33 =	vmovc v0;
	v50 =	vadd.f32 v10, v50;
	v44 =	vmul.f32 v44, v11;
	v63 =	vmul.f32 v53, v11  }
0x22c: {  	v55 =	vld.idx.msk [tilespmem:v7+s15+$0x0], $0xffff;
	v38 =	vadd.f32 v38, v51;
	v53 =	vmul.f32 v53, v32;
	v0 =	vmul.f32 v46, v11  }
0x22d: {  	v2 =	vmul.f32 v50, v11;
	v4 =	vmul.f32 v50, v32;
	v1 =	vld.idx.msk [tilespmem:v13+s3+$0x0], $0xffff  }
0x22e: {  	v56 =	vadd.s32 v25, v56;
	v5 =	vmul.f32 v38, v11;
	v3 =	vld.idx.msk [tilespmem:v13+s14+$0x0], $0xffff;
	v6 =	vmul.f32 v60, v21  }
0x22f: {  	v7 =	vmul.f32 v60, v22;
	v8 =	vmul.f32 v62, v21;
	v9 =	vld.idx.msk [tilespmem:v13+s15+$0x0], $0xffff;
	v41 =	vadd.f32 v58, v47  }
0x230: {  	v51 =	vmul.f32 v62, v22;
	v13 =	vld.idx.msk [tilespmem:v59+s3+$0x0], $0xffff;
	v42 =	vadd.f32 v43, v42;
	v43 =	vadd.f32 v44, v45  }
0x231: {  	v44 =	vadd.f32 v63, v49;
	v47 =	vadd.f32 v0, v39;
	v0 =	vmul.f32 v55, v21  }
0x232: {  	v38 =	vadd.f32 v2, v52;
	v55 =	vmul.f32 v55, v22;
	v2 =	vld.idx.msk [tilespmem:v59+s14+$0x0], $0xffff;
	v10 =	vmul.f32 v1, v19  }
0x233: {  	v46 =	vadd.f32 v53, v48;
	v58 =	vmul.f32 v1, v17;
	v1 =	vmul.f32 v3, v19  }
0x234: {  	v39 =	vadd.f32 v4, v61;
	v49 =	vmul.f32 v3, v17;
	v4 =	vmul.f32 v9, v19  }
0x235: {  	v50 =	vadd.f32 v5, v40;
	v3 =	vld.idx.msk [tilespmem:v59+s15+$0x0], $0xffff;
	v54 =	vmul.f32 v9, v17;
	v5 =	vmul.f32 v13, v18  }
0x236: {  	v48 =	vadd.f32 v10, v6;
	v52 =	vadd.f32 v58, v7;
	v58 =	vadd.s32 v34, v35;
	v6 =	vld.idx.msk [tilespmem:v56+s3+$0x0], $0xffff  }
0x237: {  	v9 =	vmul.f32 v2, v18;
	v45 =	vadd.f32 v1, v8;
	v8 =	vld.idx.msk [tilespmem:v56+s14+$0x0], $0xffff;
	v61 =	vadd.s32 v24, v58  }
0x238: {  	v49 =	vadd.f32 v49, v51;
	v7 =	vmul.f32 v13, v16;
	v56 =	vld.idx.msk [tilespmem:v56+s15+$0x0], $0xffff;
	v63 =	vadd.s32 v20, v58  }
0x239: {  	v57 =	vmul.f32 v2, v16;
	v40 =	vadd.f32 v4, v0;
	v54 =	vadd.f32 v54, v55  }
0x23a: {  	v0 =	vadd.s32 v23, v58;
	v48 =	vadd.f32 v5, v48;
	v52 =	vadd.f32 v7, v52  }
0x23b: {  	v45 =	vadd.f32 v9, v45;
	v10 =	vmul.f32 v3, v18;
	v53 =	vmul.f32 v3, v16  }
0x23c: {  	v49 =	vadd.f32 v57, v49;
	v5 =	vmul.f32 v6, v14;
	v7 =	vmul.f32 v8, v14;
	v51 =	vld.idx.msk [tilespmem:v61+s3+$0x0], $0xffff  }
0x23d: {  	v40 =	vadd.f32 v10, v40;
	v53 =	vadd.f32 v53, v54;
	v10 =	vmul.f32 v56, v14;
	v4 =	vld.idx.msk [tilespmem:v63+s3+$0x0], $0xffff  }
0x23e: {  	v13 =	vmul.f32 v6, v15;
	v62 =	vld.idx.msk [tilespmem:v61+s14+$0x0], $0xffff;
	v52 =	vadd.f32 v5, v52;
	v49 =	vadd.f32 v7, v49  }
0x23f: {  	v6 =	vmul.f32 v8, v15;
	v8 =	vmul.f32 v56, v15;
	v9 =	vld.idx.msk [tilespmem:v63+s14+$0x0], $0xffff;
	v53 =	vadd.f32 v10, v53  }
0x240: {  	v58 =	vadd.s32 v25, v58;
	v57 =	vld.idx.msk [tilespmem:v61+s15+$0x0], $0xffff;
	v52 =	vmul.f32 v52, v27;
	v49 =	vmul.f32 v49, v27  }
0x241: {  	v48 =	vadd.f32 v13, v48;
	v13 =	vld.idx.msk [tilespmem:v63+s15+$0x0], $0xffff;
	v53 =	vmul.f32 v53, v27;
	v2 =	vmul.f32 v51, v21  }
0x242: {  	v55 =	vld.idx.msk [tilespmem:v0+s3+$0x0], $0xffff;
	v3 =	vmul.f32 v4, v19;
	v51 =	vmul.f32 v51, v22  }
0x243: {  	v63 =	vld.idx.msk [tilespmem:v0+s14+$0x0], $0xffff;
	v4 =	vmul.f32 v4, v17;
	v5 =	vmul.f32 v62, v21  }
0x244: {  	v45 =	vadd.f32 v6, v45;
	v6 =	vmul.f32 v9, v19;
	v7 =	vmul.f32 v62, v22  }
0x245: {  	v40 =	vadd.f32 v8, v40;
	v1 =	vmul.f32 v9, v17;
	v8 =	vmul.f32 v57, v21  }
0x246: {  	v9 =	vmul.f32 v13, v19;
	v56 =	vmul.f32 v13, v17;
	v13 =	vld.idx.msk [tilespmem:v58+s3+$0x0], $0xffff  }
0x247: {  	v10 =	vmul.f32 v57, v22;
	v59 =	vadd.f32 v3, v2;
	v51 =	vadd.f32 v4, v51;
	v2 =	vld.idx.msk [tilespmem:v0+s15+$0x0], $0xffff  }
0x248: {  	v60 =	vadd.f32 v6, v5;
	v4 =	vmul.f32 v55, v18;
	v5 =	vld.idx.msk [tilespmem:v58+s14+$0x0], $0xffff;
	v6 =	vmul.f32 v63, v18  }
0x249: {  	v1 =	vadd.f32 v1, v7;
	v55 =	vmul.f32 v55, v16;
	v63 =	vmul.f32 v63, v16;
	v58 =	vld.idx.msk [tilespmem:v58+s15+$0x0], $0xffff  }
0x24a: {  	v54 =	vadd.f32 v56, v10;
	v56 =	vadd.f32 v6, v60;
	v60 =	vmul.f32 v48, v27  }
0x24b: {  	v61 =	vadd.f32 v9, v8;
	v48 =	vmul.f32 v48, v30;
	v8 =	vmul.f32 v13, v15  }
0x24c: {  	v59 =	vadd.f32 v4, v59;
	v9 =	vmul.f32 v13, v14;
	v7 =	vmul.f32 v2, v18  }
0x24d: {  	v51 =	vadd.f32 v55, v51;
	v2 =	vmul.f32 v2, v16;
	v10 =	vmul.f32 v5, v15  }
0x24e: {  	v1 =	vadd.f32 v63, v1;
	v0 =	vmul.f32 v5, v14;
	v6 =	vmul.f32 v58, v15  }
0x24f: {  	v58 =	vmul.f32 v58, v14;
	v13 =	vadd.f32 v10, v56;
	v56 =	vadd.s32 v34, v12  }
0x250: {  	v59 =	vadd.f32 v8, v59;
	v51 =	vadd.f32 v9, v51;
	v57 =	vadd.s32 v24, v56  }
0x251: {  	v8 =	vmul.f32 v45, v27;
	v55 =	vadd.f32 v7, v61;
	v61 =	vadd.s32 v20, v56  }
0x252: {  	v45 =	vmul.f32 v45, v30;
	v2 =	vadd.f32 v2, v54;
	v7 =	vmul.f32 v59, v26  }
0x253: {  	v0 =	vadd.f32 v0, v1;
	v59 =	vmul.f32 v59, v28;
	v51 =	vmul.f32 v51, v26  }
0x254: {  	v62 =	vadd.s32 v23, v56;
	v56 =	vadd.s32 v25, v56;
	v1 =	vadd.f32 v6, v55  }
0x255: {  	v3 =	vadd.f32 v58, v2;
	v9 =	vmul.f32 v13, v26;
	v54 =	vmul.f32 v13, v28;
	v10 =	vld.idx.msk [tilespmem:v57+s3+$0x0], $0xffff  }
0x256: {  	v0 =	vmul.f32 v0, v26;
	v13 =	vmul.f32 v40, v27;
	v55 =	vadd.f32 v7, v60;
	v60 =	vld.idx.msk [tilespmem:v61+s3+$0x0], $0xffff  }
0x257: {  	v40 =	vmul.f32 v40, v30;
	v51 =	vadd.f32 v51, v52;
	v52 =	vadd.f32 v9, v8;
	v2 =	vld.idx.msk [tilespmem:v57+s14+$0x0], $0xffff  }
0x258: {  	v8 =	vmul.f32 v1, v26;
	v45 =	vadd.f32 v54, v45;
	v1 =	vmul.f32 v1, v28;
	v54 =	vld.idx.msk [tilespmem:v61+s14+$0x0], $0xffff  }
0x259: {  	v48 =	vadd.f32 v59, v48;
	v4 =	vadd.f32 v0, v49;
	v3 =	vmul.f32 v3, v26;
	v57 =	vld.idx.msk [tilespmem:v57+s15+$0x0], $0xffff  }
0x25a: {  	v6 =	vadd.f32 v1, v40;
	v40 =	vld.idx.msk [tilespmem:v61+s15+$0x0], $0xffff;
	v9 =	vmul.f32 v10, v21;
	v59 =	vmul.f32 v10, v22  }
0x25b: {  	v49 =	vadd.f32 v8, v13;
	v63 =	vld.idx.msk [tilespmem:v62+s3+$0x0], $0xffff;
	v10 =	vmul.f32 v60, v19;
	v13 =	vmul.f32 v60, v17  }
0x25c: {  	v3 =	vadd.f32 v3, v53;
	v1 =	vld.idx.msk [tilespmem:v62+s14+$0x0], $0xffff;
	v5 =	vmul.f32 v2, v21;
	v2 =	vmul.f32 v2, v22  }
0x25d: {  	v61 =	vld.idx.msk [tilespmem:v62+s15+$0x0], $0xffff;
	v62 =	vadd.s32 v34, v36;
	v7 =	vmul.f32 v54, v19;
	v54 =	vmul.f32 v54, v17  }
0x25e: {  	v8 =	vmul.f32 v57, v21;
	v57 =	vmul.f32 v57, v22;
	v58 =	vadd.f32 v10, v9  }
0x25f: {  	v0 =	vld.idx.msk [tilespmem:v56+s3+$0x0], $0xffff;
	v53 =	vadd.f32 v13, v59;
	v60 =	vadd.f32 v7, v5;
	v9 =	vmul.f32 v40, v19  }
0x260: {  	v2 =	vadd.f32 v54, v2;
	v40 =	vmul.f32 v40, v17;
	v10 =	vmul.f32 v63, v18  }
0x261: {  	v13 =	vmul.f32 v63, v16;
	v5 =	vmul.f32 v1, v18;
	v59 =	vadd.f32 v9, v8  }
0x262: {  	v1 =	vmul.f32 v1, v16;
	v7 =	vld.idx.msk [tilespmem:v56+s14+$0x0], $0xffff;
	v40 =	vadd.f32 v40, v57;
	v54 =	vadd.f32 v10, v58  }
0x263: {  	v56 =	vld.idx.msk [tilespmem:v56+s15+$0x0], $0xffff;
	v53 =	vadd.f32 v13, v53;
	v8 =	vadd.f32 v5, v60;
	v9 =	vmul.f32 v61, v18  }
0x264: {  	v1 =	vadd.f32 v1, v2;
	v10 =	vmul.f32 v61, v16;
	v13 =	vmul.f32 v0, v15  }
0x265: {  	v0 =	vmul.f32 v0, v14;
	v5 =	vadd.s32 v24, v62;
	v2 =	vadd.f32 v9, v59  }
0x266: {  	v60 =	vadd.s32 v23, v62;
	v40 =	vadd.f32 v10, v40;
	v54 =	vadd.f32 v13, v54  }
0x267: {  	v13 =	vadd.s32 v20, v62;
	v9 =	vmul.f32 v7, v15;
	v57 =	vmul.f32 v7, v14  }
0x268: {  	v0 =	vadd.f32 v0, v53;
	v10 =	vmul.f32 v56, v15;
	v56 =	vmul.f32 v56, v14  }
0x269: {  	v59 =	vadd.s32 v25, v62;
	v7 =	vmul.f32 v54, v29;
	v53 =	vadd.f32 v9, v8  }
0x26a: {  	v54 =	vmul.f32 v54, v31;
	v1 =	vadd.f32 v57, v1;
	v40 =	vadd.f32 v56, v40;
	v56 =	vld.idx.msk [tilespmem:v5+s3+$0x0], $0xffff  }
0x26b: {  	v0 =	vmul.f32 v0, v29;
	v2 =	vadd.f32 v10, v2;
	v57 =	vld.idx.msk [tilespmem:v5+s14+$0x0], $0xffff;
	v55 =	vadd.f32 v7, v55  }
0x26c: {  	v48 =	vadd.f32 v54, v48;
	v8 =	vmul.f32 v53, v29;
	v53 =	vmul.f32 v53, v31;
	v58 =	vld.idx.msk [tilespmem:v13+s3+$0x0], $0xffff  }
0x26d: {  	v0 =	vadd.f32 v0, v51;
	v1 =	vmul.f32 v1, v29;
	v9 =	vmul.f32 v2, v29;
	v10 =	vld.idx.msk [tilespmem:v13+s14+$0x0], $0xffff  }
0x26e: {  	v2 =	vmul.f32 v2, v31;
	v40 =	vmul.f32 v40, v29;
	v51 =	vadd.f32 v8, v52;
	v52 =	vld.idx.msk [tilespmem:v5+s15+$0x0], $0xffff  }
0x26f: {  	v45 =	vadd.f32 v53, v45;
	v1 =	vadd.f32 v1, v4;
	v53 =	vld.idx.msk [tilespmem:v13+s15+$0x0], $0xffff;
	v13 =	vmul.f32 v56, v21  }
0x270: {  	v62 =	vld.idx.msk [tilespmem:v60+s3+$0x0], $0xffff;
	v2 =	vadd.f32 v2, v6;
	v56 =	vmul.f32 v56, v22;
	v6 =	vmul.f32 v57, v21  }
0x271: {  	v3 =	vadd.f32 v40, v3;
	v40 =	vmul.f32 v57, v22;
	v7 =	vmul.f32 v58, v19  }
0x272: {  	v61 =	vld.idx.msk [tilespmem:v59+s3+$0x0], $0xffff;
	v49 =	vadd.f32 v9, v49;
	v8 =	vmul.f32 v58, v17;
	v9 =	vmul.f32 v10, v19  }
0x273: {  	v58 =	vld.idx.msk [tilespmem:v60+s14+$0x0], $0xffff;
	v4 =	vmul.f32 v10, v17;
	v54 =	vadd.f32 v7, v13;
	v10 =	vmul.f32 v52, v21  }
0x274: {  	v60 =	vld.idx.msk [tilespmem:v60+s15+$0x0], $0xffff;
	v56 =	vadd.f32 v8, v56;
	v13 =	vmul.f32 v53, v19;
	v52 =	vmul.f32 v52, v22  }
0x275: {  	v6 =	vadd.f32 v9, v6;
	v53 =	vmul.f32 v53, v17;
	v7 =	vmul.f32 v62, v18  }
0x276: {  	v63 =	vld.idx.msk [tilespmem:v59+s14+$0x0], $0xffff;
	v4 =	vadd.f32 v4, v40;
	v8 =	vmul.f32 v62, v16;
	v40 =	vadd.f32 v13, v10  }
0x277: {  	v59 =	vld.idx.msk [tilespmem:v59+s15+$0x0], $0xffff;
	v52 =	vadd.f32 v53, v52;
	v54 =	vadd.f32 v7, v54;
	v7 =	vmul.f32 v61, v15  }
0x278: {  	v53 =	vadd.f32 v8, v56;
	v8 =	vmul.f32 v61, v14;
	v9 =	vmul.f32 v58, v18  }
0x279: {  	v10 =	vmul.f32 v58, v16;
	v13 =	vmul.f32 v60, v18;
	v54 =	vadd.f32 v7, v54  }
0x27a: {  	v62 =	vmul.f32 v60, v16;
	v53 =	vadd.f32 v8, v53;
	v8 =	vsub.f32 $1.000000000e+00, v37  }
0x27b: {  	v6 =	vadd.f32 v9, v6;
	v4 =	vadd.f32 v10, v4;
	v9 =	vmul.f32 v63, v15  }
0x27c: {  	v40 =	vadd.f32 v13, v40;
	v10 =	vmul.f32 v63, v14;
	v13 =	vmul.f32 v59, v15  }
0x27d: {  	v52 =	vadd.f32 v62, v52;
	v63 =	vmul.f32 v59, v14;
	v7 =	vmul.f32 v54, v11  }
0x27e: {  	v54 =	vmul.f32 v54, v32;
	v53 =	vmul.f32 v53, v11;
	v6 =	vadd.f32 v9, v6  }
0x27f: {  	v59 =	vmul.f32 v8, v8;
	v4 =	vadd.f32 v10, v4;
	v57 =	vadd.f32 v13, v40  }
0x280: {  	v52 =	vadd.f32 v63, v52;
	v9 =	vmul.f32 $3.000000000e+00, v37;
	v40 =	vmul.f32 v37, v37  }
0x281: {  	v10 =	vmul.f32 $1.500000000e+00, v37;
	v55 =	vadd.f32 v7, v55;
	v48 =	vadd.f32 v54, v48  }
0x282: {  	v0 =	vadd.f32 v53, v0;
	v61 =	vmul.f32 v59, v8;
	v56 =	vmul.f32 $-4.166666790e-02, v59  }
0x283: {  	v53 =	vadd.s32 $0x169, v34;
	v58 =	vadd.f32 $-6.000000000e+00, v9;
	v13 =	vmul.f32 v6, v11  }
0x284: {  	v54 =	vadd.f32 $-2.000000000e+00, v10;
	v6 =	vmul.f32 v6, v32;
	v4 =	vmul.f32 v4, v11  }
0x285: {  	v10 =	vmul.f32 v57, v11;
	v62 =	vmul.f32 v58, v40;
	v51 =	vadd.f32 v13, v51  }
0x286: {  	v58 =	vmul.f32 $1.666666720e-01, v61;
	v6 =	vadd.f32 v6, v45;
	v9 =	vmul.f32 v54, v37  }
0x287: {  	v1 =	vadd.f32 v4, v1;
	v13 =	vmul.f32 v57, v32;
	v61 =	vmul.f32 v52, v11  }
0x288: {  	v54 =	vadd.f32 v10, v49;
	v57 =	vmul.f32 $8.333333580e-02, v9;
	v60 =	vmul.f32 v41, v58  }
0x289: {  	v63 =	vadd.f32 $4.000000000e+00, v62;
	v41 =	vmul.f32 v41, v56;
	v62 =	vmul.f32 v42, v58  }
0x28a: {  	v2 =	vadd.f32 v13, v2;
	v9 =	vmul.f32 v44, v58;
	v13 =	vmul.f32 v44, v56  }
0x28b: {  	v3 =	vadd.f32 v61, v3;
	v46 =	vmul.f32 v46, v58;
	v4 =	vmul.f32 $1.666666720e-01, v63  }
0x28c: {  	v63 =	vmul.f32 v43, v58;
	v41 =	vadd.f32 $1.000000000e+00, v41;
	v8 =	vmul.f32 v55, v57  }
0x28d: {  	v61 =	vmul.f32 v51, v57;
	v46 =	vadd.f32 $1.000000000e+00, v46;
	v7 =	vmul.f32 v55, v4  }
0x28e: {  	v48 =	vmul.f32 v48, v4;
	v0 =	vmul.f32 v0, v4;
	v55 =	vadd.s32 v53, v33  }
0x28f: {  	v45 =	vadd.f32 v8, v41;
	v10 =	vmul.f32 v51, v4;
	v52 =	vadd.s32 v24, v55  }
0x290: {  	v6 =	vmul.f32 v6, v4;
	v1 =	vmul.f32 v1, v4;
	v59 =	vadd.s32 v20, v55  }
0x291: {  	v2 =	vmul.f32 v2, v4;
	v42 =	vadd.f32 v7, v60;
	v43 =	vadd.f32 v48, v62  }
0x292: {  	v3 =	vmul.f32 v3, v4;
	v41 =	vadd.f32 v0, v63;
	v44 =	vadd.f32 v10, v9  }
0x293: {  	v60 =	vmul.f32 v47, v58;
	v48 =	vadd.f32 v61, v13;
	v62 =	vmul.f32 v38, v58  }
0x294: {  	v63 =	vmul.f32 v54, v4;
	v49 =	vadd.f32 v6, v46;
	v9 =	vmul.f32 v50, v58;
	v0 =	vld.idx.msk [tilespmem:v52+s3+$0x0], $0xffff  }
0x295: {  	v13 =	vsub.f32 $1.000000000e+00, v58;
	v38 =	vmul.f32 v38, v56;
	v61 =	vadd.s32 v23, v55;
	v10 =	vld.idx.msk [tilespmem:v59+s3+$0x0], $0xffff  }
0x296: {  	v50 =	vadd.f32 v57, v56;
	v54 =	vmul.f32 v54, v57;
	v46 =	vadd.f32 v1, v60;
	v56 =	vld.idx.msk [tilespmem:v52+s14+$0x0], $0xffff  }
0x297: {  	v1 =	vmul.f32 v39, v58;
	v47 =	vadd.f32 v63, v62;
	v62 =	vadd.f32 $1.000000000e+00, v9;
	v63 =	vld.idx.msk [tilespmem:v59+s14+$0x0], $0xffff  }
0x298: {  	v51 =	vsub.f32 v13, v4;
	v57 =	vld.idx.msk [tilespmem:v52+s15+$0x0], $0xffff;
	v52 =	vadd.f32 v54, v38  }
0x299: {  	v39 =	vadd.f32 v2, v1;
	v1 =	vld.idx.msk [tilespmem:v59+s15+$0x0], $0xffff;
	v7 =	vadd.f32 v3, v62;
	v8 =	vmul.f32 v0, v21  }
0x29a: {  	v54 =	vadd.s32 v25, v55;
	v59 =	vld.idx.msk [tilespmem:v61+s14+$0x0], $0xffff;
	v9 =	vmul.f32 v10, v19;
	v0 =	vmul.f32 v0, v22  }
0x29b: {  	v62 =	vadd.s32 v35, v53;
	v58 =	vld.idx.msk [tilespmem:v61+s15+$0x0], $0xffff;
	v10 =	vmul.f32 v10, v17;
	v13 =	vmul.f32 v56, v21  }
0x29c: {  	v38 =	vmul.f32 v56, v22;
	v56 =	vld.idx.msk [tilespmem:v61+s3+$0x0], $0xffff;
	v6 =	vmul.f32 v63, v17;
	v5 =	vadd.f32 v9, v8  }
0x29d: {  	v2 =	vadd.f32 v10, v0;
	v0 =	vmul.f32 v63, v19;
	v9 =	vmul.f32 v57, v21  }
0x29e: {  	v10 =	vmul.f32 v1, v19;
	v4 =	vadd.f32 v6, v38;
	v6 =	vadd.s32 v24, v62  }
0x29f: {  	v60 =	vld.idx.msk [tilespmem:v54+s3+$0x0], $0xffff;
	v57 =	vmul.f32 v57, v22;
	v3 =	vadd.f32 v0, v13;
	v13 =	vmul.f32 v1, v17  }
0x2a0: {  	v63 =	vld.idx.msk [tilespmem:v54+s14+$0x0], $0xffff;
	v55 =	vadd.f32 v10, v9;
	v0 =	vmul.f32 v59, v18;
	v59 =	vmul.f32 v59, v16  }
0x2a1: {  	[tilespmem:$0x1FFF0] =	vst v7;
	v1 =	vadd.s32 v20, v62;
	v9 =	vmul.f32 v58, v18;
	v38 =	vmul.f32 v56, v18  }
0x2a2: {  	v54 =	vld.idx.msk [tilespmem:v54+s15+$0x0], $0xffff;
	v56 =	vmul.f32 v56, v16;
	v7 =	vadd.f32 v13, v57;
	v3 =	vadd.f32 v0, v3  }
0x2a3: {  	v10 =	vmul.f32 v58, v16;
	v4 =	vadd.f32 v59, v4;
	v55 =	vadd.f32 v9, v55  }
0x2a4: {  	v13 =	vmul.f32 v60, v15;
	v60 =	vmul.f32 v60, v14;
	v8 =	vadd.f32 v56, v2;
	v57 =	vld.idx.msk [tilespmem:v6+s3+$0x0], $0xffff  }
0x2a5: {  	v5 =	vadd.f32 v38, v5;
	v59 =	vld.idx.msk [tilespmem:v6+s14+$0x0], $0xffff;
	v38 =	vmul.f32 v63, v15;
	v63 =	vmul.f32 v63, v14  }
0x2a6: {  	v0 =	vadd.s32 v23, v62;
	v7 =	vadd.f32 v10, v7;
	v2 =	vld.idx.msk [tilespmem:v1+s3+$0x0], $0xffff;
	v9 =	vadd.f32 v60, v8  }
0x2a7: {  	v6 =	vld.idx.msk [tilespmem:v6+s15+$0x0], $0xffff;
	v5 =	vadd.f32 v13, v5;
	v10 =	vadd.f32 v63, v4;
	v13 =	vmul.f32 v54, v15  }
0x2a8: {  	v61 =	vadd.s32 v25, v62;
	v58 =	vld.idx.msk [tilespmem:v1+s14+$0x0], $0xffff;
	v54 =	vmul.f32 v54, v14;
	v9 =	vmul.f32 v9, v27  }
0x2a9: {  	v8 =	vadd.f32 v38, v3;
	v10 =	vmul.f32 v10, v27;
	v38 =	vmul.f32 v57, v21  }
0x2aa: {  	v1 =	vld.idx.msk [tilespmem:v1+s15+$0x0], $0xffff;
	v55 =	vadd.f32 v13, v55;
	v57 =	vmul.f32 v57, v22;
	v56 =	vmul.f32 v59, v21  }
0x2ab: {  	v63 =	vld.idx.msk [tilespmem:v0+s3+$0x0], $0xffff;
	v7 =	vadd.f32 v54, v7;
	v54 =	vmul.f32 v59, v22;
	v13 =	vmul.f32 v2, v19  }
0x2ac: {  	v59 =	vld.idx.msk [tilespmem:v0+s14+$0x0], $0xffff;
	v62 =	vmul.f32 v6, v21;
	v2 =	vmul.f32 v2, v17  }
0x2ad: {  	v6 =	vmul.f32 v6, v22;
	v60 =	vadd.f32 v13, v38;
	v38 =	vmul.f32 v58, v19  }
0x2ae: {  	v7 =	vmul.f32 v7, v27;
	v4 =	vadd.f32 v2, v57;
	v13 =	vmul.f32 v58, v17;
	v58 =	vld.idx.msk [tilespmem:v61+s3+$0x0], $0xffff  }
0x2af: {  	v0 =	vld.idx.msk [tilespmem:v0+s15+$0x0], $0xffff;
	v3 =	vadd.f32 v38, v56;
	v56 =	vmul.f32 v1, v19;
	v38 =	vmul.f32 v1, v17  }
0x2b0: {  	v54 =	vadd.f32 v13, v54;
	v13 =	vmul.f32 v63, v18;
	v63 =	vmul.f32 v63, v16;
	v1 =	vld.idx.msk [tilespmem:v61+s14+$0x0], $0xffff  }
0x2b1: {  	v56 =	vadd.f32 v56, v62;
	v2 =	vadd.f32 v38, v6;
	v38 =	vmul.f32 v59, v18  }
0x2b2: {  	v57 =	vadd.f32 v13, v60;
	v4 =	vadd.f32 v63, v4;
	v59 =	vmul.f32 v59, v16;
	v13 =	vld.idx.msk [tilespmem:v61+s15+$0x0], $0xffff  }
0x2b3: {  	v61 =	vmul.f32 v58, v15;
	v58 =	vmul.f32 v58, v14;
	v3 =	vadd.f32 v38, v3  }
0x2b4: {  	v38 =	vmul.f32 v0, v18;
	v0 =	vmul.f32 v0, v16;
	v54 =	vadd.f32 v59, v54  }
0x2b5: {  	v62 =	vmul.f32 v1, v15;
	v4 =	vadd.f32 v58, v4;
	v1 =	vmul.f32 v1, v14  }
0x2b6: {  	v6 =	vadd.f32 v38, v56;
	v56 =	vadd.f32 v61, v57;
	v57 =	vadd.s32 v53, v12  }
0x2b7: {  	v0 =	vadd.f32 v0, v2;
	v63 =	vmul.f32 v13, v15;
	v58 =	vadd.s32 v24, v57  }
0x2b8: {  	v2 =	vadd.f32 v62, v3;
	v13 =	vmul.f32 v13, v14;
	v4 =	vmul.f32 v4, v26  }
0x2b9: {  	v60 =	vadd.s32 v20, v57;
	v62 =	vmul.f32 v8, v27;
	v8 =	vmul.f32 v8, v30  }
0x2ba: {  	v1 =	vadd.f32 v1, v54;
	v38 =	vmovc v12;
	v12 =	vmul.f32 v5, v27;
	v5 =	vmul.f32 v5, v30  }
0x2bb: {  	v59 =	vmul.f32 v56, v26;
	v61 =	vmul.f32 v56, v28;
	v3 =	vadd.f32 v63, v6  }
0x2bc: {  	v0 =	vadd.f32 v13, v0;
	v63 =	vmul.f32 v2, v26;
	v2 =	vmul.f32 v2, v28;
	v6 =	vld.idx.msk [tilespmem:v58+s3+$0x0], $0xffff  }
0x2bd: {  	v1 =	vmul.f32 v1, v26;
	v54 =	vadd.f32 v59, v12;
	v5 =	vadd.f32 v61, v5;
	v56 =	vld.idx.msk [tilespmem:v58+s14+$0x0], $0xffff  }
0x2be: {  	v12 =	vadd.f32 v4, v9;
	v61 =	vadd.s32 v23, v57;
	v9 =	vadd.f32 v2, v8;
	v59 =	vld.idx.msk [tilespmem:v60+s3+$0x0], $0xffff  }
0x2bf: {  	v2 =	vmul.f32 v3, v26;
	v4 =	vadd.f32 v1, v10;
	v10 =	vmul.f32 v55, v30;
	v8 =	vld.idx.msk [tilespmem:v58+s15+$0x0], $0xffff  }
0x2c0: {  	v3 =	vmul.f32 v3, v28;
	v58 =	vmul.f32 v55, v27;
	v55 =	vld.idx.msk [tilespmem:v60+s14+$0x0], $0xffff  }
0x2c1: {  	v57 =	vadd.s32 v25, v57;
	v13 =	vadd.f32 v63, v62;
	v1 =	vmul.f32 v0, v26;
	v60 =	vld.idx.msk [tilespmem:v60+s15+$0x0], $0xffff  }
0x2c2: {  	v3 =	vadd.f32 v3, v10;
	v62 =	vmul.f32 v6, v21;
	v6 =	vmul.f32 v6, v22  }
0x2c3: {  	v58 =	vadd.f32 v2, v58;
	v0 =	vld.idx.msk [tilespmem:v61+s3+$0x0], $0xffff;
	v10 =	vmul.f32 v56, v21;
	v63 =	vmul.f32 v59, v19  }
0x2c4: {  	v2 =	vadd.f32 v1, v7;
	v7 =	vmul.f32 v56, v22;
	v1 =	vmul.f32 v59, v17;
	v59 =	vld.idx.msk [tilespmem:v61+s14+$0x0], $0xffff  }
0x2c5: {  	v56 =	vmul.f32 v8, v21;
	v62 =	vadd.f32 v63, v62;
	v63 =	vmul.f32 v55, v19  }
0x2c6: {  	v61 =	vld.idx.msk [tilespmem:v61+s15+$0x0], $0xffff;
	v55 =	vmul.f32 v55, v17;
	v6 =	vadd.f32 v1, v6;
	v1 =	vmul.f32 v60, v19  }
0x2c7: {  	v8 =	vmul.f32 v8, v22;
	v60 =	vmul.f32 v60, v17;
	v10 =	vadd.f32 v63, v10  }
0x2c8: {  	v63 =	vld.idx.msk [tilespmem:v57+s3+$0x0], $0xffff;
	v7 =	vadd.f32 v55, v7;
	v1 =	vadd.f32 v1, v56;
	v55 =	vmul.f32 v0, v18  }
0x2c9: {  	v8 =	vadd.f32 v60, v8;
	v0 =	vmul.f32 v0, v16;
	v60 =	vld.idx.msk [tilespmem:v57+s14+$0x0], $0xffff;
	v56 =	vmul.f32 v59, v18  }
0x2ca: {  	v59 =	vmul.f32 v59, v16;
	v55 =	vadd.f32 v55, v62  }
0x2cb: {  	v62 =	vmul.f32 v61, v18;
	v0 =	vadd.f32 v0, v6;
	v6 =	vadd.f32 v56, v10;
	v56 =	vld.idx.msk [tilespmem:v57+s15+$0x0], $0xffff  }
0x2cc: {  	v53 =	vadd.s32 v53, v36;
	v61 =	vmul.f32 v61, v16;
	v7 =	vadd.f32 v59, v7  }
0x2cd: {  	v59 =	vadd.s32 v24, v53;
	v1 =	vadd.f32 v62, v1;
	v62 =	vmul.f32 v63, v15  }
0x2ce: {  	v8 =	vadd.f32 v61, v8;
	v61 =	vmul.f32 v63, v14;
	v57 =	vmul.f32 v60, v15  }
0x2cf: {  	v10 =	vmul.f32 v60, v14;
	v60 =	vadd.s32 v20, v53;
	v55 =	vadd.f32 v62, v55  }
0x2d0: {  	v0 =	vadd.f32 v61, v0;
	v6 =	vadd.f32 v57, v6;
	v62 =	vmul.f32 v56, v15  }
0x2d1: {  	v7 =	vadd.f32 v10, v7;
	v56 =	vmul.f32 v56, v14;
	v63 =	vmul.f32 v55, v29  }
0x2d2: {  	v57 =	vadd.s32 v23, v53;
	v55 =	vmul.f32 v55, v31;
	v1 =	vadd.f32 v62, v1  }
0x2d3: {  	v0 =	vmul.f32 v0, v29;
	v8 =	vadd.f32 v56, v8;
	v10 =	vadd.f32 v63, v54;
	v54 =	vld.idx.msk [tilespmem:v59+s3+$0x0], $0xffff  }
0x2d4: {  	v56 =	vld.idx.msk [tilespmem:v60+s3+$0x0], $0xffff;
	v5 =	vadd.f32 v55, v5;
	v55 =	vmul.f32 v6, v29;
	v6 =	vmul.f32 v6, v31  }
0x2d5: {  	v53 =	vadd.s32 v25, v53;
	v61 =	vld.idx.msk [tilespmem:v59+s14+$0x0], $0xffff;
	v7 =	vmul.f32 v7, v29  }
0x2d6: {  	v0 =	vadd.f32 v0, v12;
	v12 =	vmul.f32 v1, v29;
	v6 =	vadd.f32 v6, v9;
	v9 =	vld.idx.msk [tilespmem:v60+s14+$0x0], $0xffff  }
0x2d7: {  	v4 =	vadd.f32 v7, v4;
	v1 =	vmul.f32 v1, v31;
	v13 =	vadd.f32 v55, v13;
	v55 =	vld.idx.msk [tilespmem:v60+s15+$0x0], $0xffff  }
0x2d8: {  	v8 =	vmul.f32 v8, v29;
	v7 =	vadd.f32 v12, v58;
	v12 =	vld.idx.msk [tilespmem:v59+s15+$0x0], $0xffff;
	v58 =	vmul.f32 v54, v21  }
0x2d9: {  	v60 =	vld.idx.msk [tilespmem:v57+s14+$0x0], $0xffff;
	v1 =	vadd.f32 v1, v3;
	v3 =	vmul.f32 v54, v22;
	v54 =	vmul.f32 v56, v19  }
0x2da: {  	v59 =	vld.idx.msk [tilespmem:v57+s3+$0x0], $0xffff;
	v2 =	vadd.f32 v8, v2;
	v8 =	vmul.f32 v56, v17;
	v56 =	vmul.f32 v61, v21  }
0x2db: {  	v54 =	vadd.f32 v54, v58;
	v58 =	vmul.f32 v61, v22;
	v61 =	vmul.f32 v9, v19  }
0x2dc: {  	v62 =	vld.idx.msk [tilespmem:v53+s3+$0x0], $0xffff;
	v3 =	vadd.f32 v8, v3;
	v8 =	vmul.f32 v9, v17  }
0x2dd: {  	v9 =	vld.idx.msk [tilespmem:v57+s15+$0x0], $0xffff;
	v57 =	vmul.f32 v12, v21;
	v56 =	vadd.f32 v61, v56;
	v61 =	vmul.f32 v55, v19  }
0x2de: {  	v12 =	vmul.f32 v12, v22;
	v8 =	vadd.f32 v8, v58;
	v55 =	vmul.f32 v55, v17  }
0x2df: {  	v58 =	vmul.f32 v59, v18;
	v57 =	vadd.f32 v61, v57;
	v61 =	vmul.f32 v60, v18  }
0x2e0: {  	v63 =	vld.idx.msk [tilespmem:v53+s14+$0x0], $0xffff;
	v59 =	vmul.f32 v59, v16;
	v12 =	vadd.f32 v55, v12;
	v60 =	vmul.f32 v60, v16  }
0x2e1: {  	v53 =	vld.idx.msk [tilespmem:v53+s15+$0x0], $0xffff;
	v54 =	vadd.f32 v58, v54;
	v55 =	vmul.f32 v62, v15;
	v56 =	vadd.f32 v61, v56  }
0x2e2: {  	v61 =	vmul.f32 v9, v18;
	v8 =	vadd.f32 v60, v8;
	v9 =	vmul.f32 v9, v16  }
0x2e3: {  	v60 =	vmul.f32 v62, v14;
	v62 =	vadd.f32 v55, v54;
	v54 =	vadd.s32 $0x2D2, v34  }
0x2e4: {  	v3 =	vadd.f32 v59, v3;
	v58 =	vadd.s32 v54, v33;
	v35 =	vadd.s32 v35, v54  }
0x2e5: {  	v57 =	vadd.f32 v61, v57;
	v61 =	vmul.f32 v63, v15;
	v9 =	vadd.f32 v9, v12  }
0x2e6: {  	v63 =	vmul.f32 v63, v14;
	v3 =	vadd.f32 v60, v3;
	v60 =	vmul.f32 v53, v15  }
0x2e7: {  	v53 =	vmul.f32 v53, v14;
	v12 =	vmul.f32 v62, v32;
	v55 =	vadd.f32 v61, v56  }
0x2e8: {  	v8 =	vadd.f32 v63, v8;
	v61 =	vmul.f32 v62, v11;
	v56 =	vadd.f32 v60, v57  }
0x2e9: {  	v3 =	vmul.f32 v3, v11;
	v9 =	vadd.f32 v53, v9;
	v5 =	vadd.f32 v12, v5  }
0x2ea: {  	v63 =	vmul.f32 v40, v37;
	v37 =	vmul.f32 $4.166666790e-02, v40;
	v40 =	vadd.s32 v24, v58  }
0x2eb: {  	v10 =	vadd.f32 v61, v10;
	v0 =	vadd.f32 v3, v0;
	v62 =	vmul.f32 v55, v11  }
0x2ec: {  	v55 =	vmul.f32 v55, v32;
	v34 =	vmul.f32 $1.666666720e-01, v63;
	v60 =	vadd.f32 v50, v37  }
0x2ed: {  	v8 =	vmul.f32 v8, v11;
	v61 =	vmul.f32 v56, v11;
	v3 =	vadd.f32 v62, v13  }
0x2ee: {  	v9 =	vmul.f32 v9, v11;
	v6 =	vadd.f32 v55, v6;
	v55 =	vsub.f32 v51, v34  }
0x2ef: {  	v13 =	vadd.s32 v20, v58;
	v12 =	vsub.f32 $0.0e+00, v60;
	v4 =	vadd.f32 v8, v4  }
0x2f0: {  	v62 =	vmul.f32 v56, v32;
	v7 =	vadd.f32 v61, v7;
	v63 =	vmul.f32 v10, v55  }
0x2f1: {  	v56 =	vadd.f32 v9, v2;
	v10 =	vmul.f32 v10, v12;
	v33 =	vmul.f32 v5, v55  }
0x2f2: {  	v8 =	vadd.s32 v23, v58;
	v2 =	vld.idx.msk [tilespmem:v40+s3+$0x0], $0xffff;
	v59 =	vmul.f32 v3, v55;
	v3 =	vmul.f32 v3, v12  }
0x2f3: {  	v61 =	vld.idx.msk [tilespmem:v40+s14+$0x0], $0xffff;
	v57 =	vadd.f32 v62, v1;
	v0 =	vmul.f32 v0, v55;
	v60 =	vmul.f32 v6, v55  }
0x2f4: {  	v62 =	vmul.f32 v4, v55;
	v50 =	vadd.f32 v33, v43;
	v43 =	vadd.f32 v3, v48;
	v3 =	vld.idx.msk [tilespmem:v40+s15+$0x0], $0xffff  }
0x2f5: {  	v12 =	vmul.f32 v7, v12;
	v53 =	vadd.f32 v63, v42;
	v51 =	vadd.f32 v10, v45;
	v5 =	vld.idx.msk [tilespmem:v13+s3+$0x0], $0xffff  }
0x2f6: {  	v45 =	vadd.f32 v0, v41;
	v63 =	vmul.f32 v7, v55;
	v10 =	vadd.s32 v25, v58;
	v33 =	vld.idx.msk [tilespmem:v13+s14+$0x0], $0xffff  }
0x2f7: {  	v44 =	vadd.f32 v59, v44;
	v9 =	vld.idx.msk [tilespmem:v13+s15+$0x0], $0xffff;
	v48 =	vmul.f32 v2, v21;
	v2 =	vmul.f32 v2, v22  }
0x2f8: {  	v0 =	vadd.f32 v12, v52;
	v52 =	vld.idx.msk [tilespmem:v8+s3+$0x0], $0xffff;
	v59 =	vmul.f32 v61, v21;
	v6 =	vmul.f32 v61, v22  }
0x2f9: {  	v40 =	vadd.f32 v60, v49;
	v61 =	vmul.f32 v3, v21;
	v3 =	vmul.f32 v3, v22  }
0x2fa: {  	v42 =	vadd.f32 v63, v47;
	v63 =	vld.idx.msk [tilespmem:v8+s15+$0x0], $0xffff;
	v49 =	vmul.f32 v5, v19;
	v5 =	vmul.f32 v5, v17  }
0x2fb: {  	v41 =	vadd.f32 v62, v46;
	v58 =	vld.idx.msk [tilespmem:v10+s3+$0x0], $0xffff;
	v60 =	vmul.f32 v33, v19;
	v7 =	vmul.f32 v33, v17  }
0x2fc: {  	v62 =	vmul.f32 v9, v19;
	v1 =	vadd.f32 v49, v48;
	v48 =	vadd.s32 v24, v35  }
0x2fd: {  	v9 =	vmul.f32 v9, v17;
	v33 =	vmul.f32 v52, v18;
	v2 =	vadd.f32 v5, v2;
	v5 =	vld.idx.msk [tilespmem:v8+s14+$0x0], $0xffff  }
0x2fe: {  	v4 =	vmul.f32 v52, v16;
	v12 =	vadd.f32 v60, v59;
	v6 =	vadd.f32 v7, v6;
	v60 =	vld.idx.msk [tilespmem:v10+s14+$0x0], $0xffff  }
0x2ff: {  	v52 =	vadd.s32 v20, v35;
	v8 =	vadd.f32 v62, v61;
	v3 =	vadd.f32 v9, v3  }
0x300: {  	v9 =	vld.idx.msk [tilespmem:v10+s15+$0x0], $0xffff;
	v7 =	vmul.f32 v63, v16;
	v2 =	vadd.f32 v4, v2;
	v46 =	vmul.f32 v58, v14  }
0x301: {  	v62 =	vmul.f32 v63, v18;
	v1 =	vadd.f32 v33, v1;
	v33 =	vmul.f32 v58, v15;
	v10 =	vld.idx.msk [tilespmem:v48+s3+$0x0], $0xffff  }
0x302: {  	v3 =	vadd.f32 v7, v3;
	v2 =	vadd.f32 v46, v2;
	v59 =	vmul.f32 v5, v18;
	v63 =	vld.idx.msk [tilespmem:v48+s14+$0x0], $0xffff  }
0x303: {  	v5 =	vmul.f32 v5, v16;
	v47 =	vld.idx.msk [tilespmem:v48+s15+$0x0], $0xffff;
	v48 =	vadd.s32 v23, v35;
	v58 =	vmul.f32 v60, v15  }
0x304: {  	v35 =	vadd.s32 v25, v35;
	v2 =	vmul.f32 v2, v27;
	v61 =	vadd.f32 v59, v12  }
0x305: {  	v5 =	vadd.f32 v5, v6;
	v6 =	vadd.f32 v62, v8;
	v59 =	vmul.f32 v60, v14  }
0x306: {  	v8 =	vld.idx.msk [tilespmem:v52+s3+$0x0], $0xffff;
	v60 =	vmul.f32 v9, v15;
	v9 =	vmul.f32 v9, v14;
	v4 =	vadd.f32 v58, v61  }
0x307: {  	v61 =	vld.idx.msk [tilespmem:v52+s14+$0x0], $0xffff;
	v5 =	vadd.f32 v59, v5;
	v62 =	vmul.f32 v10, v21;
	v10 =	vmul.f32 v10, v22  }
0x308: {  	v52 =	vld.idx.msk [tilespmem:v52+s15+$0x0], $0xffff;
	v3 =	vadd.f32 v9, v3;
	v13 =	vmul.f32 v63, v21;
	v12 =	vmul.f32 v63, v22  }
0x309: {  	v7 =	vmul.f32 v47, v21;
	v9 =	vmul.f32 v47, v22  }
0x30a: {  	v58 =	vld.idx.msk [tilespmem:v48+s3+$0x0], $0xffff;
	v5 =	vmul.f32 v5, v27;
	v3 =	vmul.f32 v3, v27  }
0x30b: {  	v6 =	vadd.f32 v60, v6;
	v60 =	vld.idx.msk [tilespmem:v35+s3+$0x0], $0xffff;
	v63 =	vmul.f32 v8, v19;
	v8 =	vmul.f32 v8, v17  }
0x30c: {  	v1 =	vadd.f32 v33, v1;
	v47 =	vld.idx.msk [tilespmem:v48+s14+$0x0], $0xffff;
	v59 =	vmul.f32 v61, v19;
	v46 =	vmul.f32 v61, v17  }
0x30d: {  	v36 =	vadd.s32 v54, v36;
	v48 =	vld.idx.msk [tilespmem:v48+s15+$0x0], $0xffff;
	v33 =	vmul.f32 v52, v19;
	v52 =	vmul.f32 v52, v17  }
0x30e: {  	v8 =	vadd.f32 v8, v10;
	v10 =	vmul.f32 v1, v27;
	v1 =	vmul.f32 v1, v30  }
0x30f: {  	v49 =	vadd.f32 v63, v62;
	v62 =	vmul.f32 v58, v18;
	v63 =	vmul.f32 v58, v16  }
0x310: {  	v58 =	vmul.f32 v60, v15;
	v13 =	vadd.f32 v59, v13;
	v12 =	vadd.f32 v46, v12  }
0x311: {  	v7 =	vadd.f32 v33, v7;
	v9 =	vadd.f32 v52, v9;
	v33 =	vmul.f32 v47, v18  }
0x312: {  	v47 =	vmul.f32 v47, v16;
	v52 =	vmul.f32 v48, v18;
	v59 =	vld.idx.msk [tilespmem:v35+s14+$0x0], $0xffff;
	v46 =	vadd.f32 v62, v49  }
0x313: {  	v48 =	vmul.f32 v48, v16;
	v35 =	vld.idx.msk [tilespmem:v35+s15+$0x0], $0xffff;
	v8 =	vadd.f32 v63, v8;
	v13 =	vadd.f32 v33, v13  }
0x314: {  	v60 =	vmul.f32 v60, v14;
	v12 =	vadd.f32 v47, v12;
	v7 =	vadd.f32 v52, v7  }
0x315: {  	v9 =	vadd.f32 v48, v9;
	v48 =	vmul.f32 v4, v27;
	v4 =	vmul.f32 v4, v30  }
0x316: {  	v33 =	vadd.s32 v54, v38;
	v30 =	vmul.f32 v6, v30;
	v6 =	vmul.f32 v6, v27  }
0x317: {  	v46 =	vadd.f32 v58, v46;
	v52 =	vadd.s32 v24, v33;
	v61 =	vmul.f32 v59, v15  }
0x318: {  	v8 =	vadd.f32 v60, v8;
	v49 =	vmul.f32 v59, v14;
	v62 =	vmul.f32 v35, v15  }
0x319: {  	v58 =	vadd.s32 v20, v33;
	v35 =	vmul.f32 v35, v14;
	v63 =	vmul.f32 v46, v26  }
0x31a: {  	v46 =	vmul.f32 v46, v28;
	v13 =	vadd.f32 v61, v13;
	v12 =	vadd.f32 v49, v12  }
0x31b: {  	v20 =	vadd.s32 v20, v36;
	v7 =	vadd.f32 v62, v7;
	v9 =	vadd.f32 v35, v9  }
0x31c: {  	v8 =	vmul.f32 v8, v26;
	v10 =	vadd.f32 v63, v10;
	v1 =	vadd.f32 v46, v1;
	v27 =	vld.idx.msk [tilespmem:v52+s3+$0x0], $0xffff  }
0x31d: {  	v49 =	vadd.s32 v23, v33;
	v35 =	vld.idx.msk [tilespmem:v52+s14+$0x0], $0xffff;
	v38 =	vmul.f32 v13, v26;
	v13 =	vmul.f32 v13, v28  }
0x31e: {  	v2 =	vadd.f32 v8, v2;
	v59 =	vld.idx.msk [tilespmem:v58+s3+$0x0], $0xffff;
	v60 =	vmul.f32 v12, v26;
	v61 =	vmul.f32 v7, v26  }
0x31f: {  	v23 =	vadd.s32 v23, v36;
	v12 =	vld.idx.msk [tilespmem:v52+s15+$0x0], $0xffff;
	v7 =	vmul.f32 v7, v28;
	v62 =	vmul.f32 v9, v26  }
0x320: {  	v9 =	vld.idx.msk [tilespmem:v58+s15+$0x0], $0xffff;
	v28 =	vadd.s32 v25, v33;
	v25 =	vadd.s32 v25, v36;
	v46 =	vadd.f32 v38, v48  }
0x321: {  	v4 =	vadd.f32 v13, v4;
	v13 =	vld.idx.msk [tilespmem:v58+s14+$0x0], $0xffff;
	v5 =	vadd.f32 v60, v5;
	v63 =	vmul.f32 v27, v21  }
0x322: {  	v6 =	vadd.f32 v61, v6;
	v48 =	vld.idx.msk [tilespmem:v49+s3+$0x0], $0xffff;
	v27 =	vmul.f32 v27, v22;
	v38 =	vmul.f32 v35, v21  }
0x323: {  	v7 =	vadd.f32 v7, v30;
	v60 =	vld.idx.msk [tilespmem:v49+s14+$0x0], $0xffff;
	v52 =	vmul.f32 v59, v19;
	v59 =	vmul.f32 v59, v17  }
0x324: {  	v3 =	vadd.f32 v62, v3;
	v62 =	vmul.f32 v12, v21;
	v12 =	vmul.f32 v12, v22  }
0x325: {  	v49 =	vld.idx.msk [tilespmem:v49+s15+$0x0], $0xffff;
	v26 =	vadd.f32 v52, v63;
	v63 =	vmul.f32 v9, v19;
	v9 =	vmul.f32 v9, v17  }
0x326: {  	v58 =	vmul.f32 v35, v22;
	v35 =	vld.idx.msk [tilespmem:v28+s3+$0x0], $0xffff;
	v27 =	vadd.f32 v59, v27;
	v61 =	vmul.f32 v13, v19  }
0x327: {  	v13 =	vmul.f32 v13, v17;
	v52 =	vmul.f32 v48, v18;
	v9 =	vadd.f32 v9, v12  }
0x328: {  	v59 =	vmul.f32 v60, v18;
	v60 =	vmul.f32 v60, v16;
	v30 =	vadd.f32 v61, v38  }
0x329: {  	v8 =	vadd.f32 v13, v58;
	v38 =	vadd.f32 v63, v62;
	v58 =	vmul.f32 v48, v16;
	v63 =	vld.idx.msk [tilespmem:v28+s14+$0x0], $0xffff  }
0x32a: {  	v61 =	vmul.f32 v49, v18;
	v28 =	vld.idx.msk [tilespmem:v28+s15+$0x0], $0xffff;
	v33 =	vadd.f32 v52, v26;
	v52 =	vmul.f32 v49, v16  }
0x32b: {  	v54 =	vmul.f32 v35, v15;
	v26 =	vmul.f32 v57, v55;
	v12 =	vadd.f32 v58, v27  }
0x32c: {  	v35 =	vmul.f32 v35, v14;
	v49 =	vld.idx.msk [tilespmem:v20+s3+$0x0], $0xffff;
	v62 =	vadd.f32 v59, v30;
	v8 =	vadd.f32 v60, v8  }
0x32d: {  	v13 =	vadd.f32 v61, v38;
	v58 =	vadd.s32 v24, v36;
	v33 =	vadd.f32 v54, v33;
	v54 =	vld.idx.msk [tilespmem:v20+s14+$0x0], $0xffff  }
0x32e: {  	v24 =	vmul.f32 v56, v55;
	v9 =	vadd.f32 v52, v9;
	v20 =	vld.idx.msk [tilespmem:v20+s15+$0x0], $0xffff;
	v59 =	vmul.f32 v63, v15  }
0x32f: {  	v12 =	vadd.f32 v35, v12;
	v30 =	vmul.f32 v63, v14;
	v60 =	vmul.f32 v28, v15  }
0x330: {  	v28 =	vmul.f32 v28, v14;
	v61 =	vmul.f32 v33, v29;
	v27 =	vadd.f32 v59, v62  }
0x331: {  	v12 =	vmul.f32 v12, v29;
	v8 =	vadd.f32 v30, v8;
	v13 =	vadd.f32 v60, v13  }
0x332: {  	v62 =	vmul.f32 v33, v31;
	v63 =	vld.idx.msk [tilespmem:v58+s3+$0x0], $0xffff;
	v10 =	vadd.f32 v61, v10;
	v61 =	vmul.f32 v49, v19  }
0x333: {  	v9 =	vadd.f32 v28, v9;
	v47 =	vld.idx.msk [tilespmem:v58+s14+$0x0], $0xffff;
	v36 =	vmul.f32 v54, v19;
	v19 =	vmul.f32 v20, v19  }
0x334: {  	v48 =	vld.idx.msk [tilespmem:v58+s15+$0x0], $0xffff;
	v2 =	vadd.f32 v12, v2;
	v38 =	vmul.f32 v27, v29;
	v27 =	vmul.f32 v27, v31  }
0x335: {  	v59 =	vld.idx.msk [tilespmem:v23+s3+$0x0], $0xffff;
	v1 =	vadd.f32 v62, v1;
	v8 =	vmul.f32 v8, v29;
	v52 =	vmul.f32 v13, v29  }
0x336: {  	v13 =	vmul.f32 v13, v31;
	v9 =	vmul.f32 v9, v29;
	v62 =	vld.idx.msk [tilespmem:v23+s14+$0x0], $0xffff;
	v12 =	vadd.f32 v38, v46  }
0x337: {  	v23 =	vld.idx.msk [tilespmem:v23+s15+$0x0], $0xffff;
	v4 =	vadd.f32 v27, v4;
	v5 =	vadd.f32 v8, v5;
	v38 =	vmul.f32 v54, v17  }
0x338: {  	v6 =	vadd.f32 v52, v6;
	v46 =	vld.idx.msk [tilespmem:v25+s3+$0x0], $0xffff;
	v55 =	vmul.f32 v63, v21;
	v56 =	vmul.f32 v63, v22  }
0x339: {  	v7 =	vadd.f32 v13, v7;
	v52 =	vld.idx.msk [tilespmem:v25+s14+$0x0], $0xffff;
	v57 =	vmul.f32 v47, v21;
	v58 =	vmul.f32 v47, v22  }
0x33a: {  	v3 =	vadd.f32 v9, v3;
	v25 =	vld.idx.msk [tilespmem:v25+s15+$0x0], $0xffff;
	v21 =	vmul.f32 v48, v21;
	v60 =	vmul.f32 v48, v22  }
0x33b: {  	s28 =	sadd.s32 $0x2, s28;
	v63 =	vmul.f32 v49, v17;
	v17 =	vmul.f32 v20, v17;
	v47 =	vadd.f32 v36, v57;
	v57 =	vld [tilespmem:$0x1FF30]  }
0x33c: {  	s7 =	sshll.u32 s28, $0x6;
	v49 =	vmul.f32 v59, v18;
	v54 =	vmul.f32 v59, v16;
	v59 =	vld [tilespmem:$0x1FF40];
	v22 =	vadd.f32 v61, v55  }
0x33d: {  	s0 =	sshll.u32 s28, $0x7;
	s31 =	sand.u32 $0x3FFFFE00, s7;
	v8 =	vadd.f32 v63, v56;
	v13 =	vadd.f32 v17, v60;
	v60 =	vld [tilespmem:$0x1FF50]  }
0x33e: {  	s0 =	sand.u32 $0x3FFFFC00, s0;
	s31 =	sadd.s32 $0x6900, s31;
	v48 =	vadd.f32 v38, v58;
	v19 =	vadd.f32 v19, v21;
	v55 =	vmul.f32 v62, v18;
	v63 =	vld [tilespmem:$0x1FF60]  }
0x33f: {  	s6 =	sadd.s32 $0x8900, s0;
	s4 =	sor.u32 s30, s31;
	v28 =	vld [tilespmem:$0x1FF70];
	v56 =	vmul.f32 v62, v16;
	v18 =	vmul.f32 v23, v18;
	v21 =	vadd.f32 v49, v22  }
0x340: {  	s7 =	sor.u32 s30, s6;
	v30 =	vld [tilespmem:$0x1FF80];
	v8 =	vadd.f32 v54, v8;
	v9 =	vadd.f32 v55, v47;
	v58 =	vmul.f32 v46, v15;
	[tilespmem:s4+$0x0] =	vst v57  }
0x341: {  	v31 =	vld [tilespmem:$0x1FF90];
	v16 =	vmul.f32 v23, v16;
	v20 =	vadd.f32 v56, v48;
	v18 =	vadd.f32 v18, v19;
	[tilespmem:s7+$0x0] =	vst v59  }
0x342: {  	v33 =	vld [tilespmem:$0x1FFA0];
	v61 =	vmul.f32 v46, v14;
	v62 =	vmul.f32 v52, v15;
	v17 =	vadd.f32 v58, v21;
	[tilespmem:s7+$0x80] =	vst v60  }
0x343: {  	v36 =	vld [tilespmem:$0x1FFB0];
	v13 =	vadd.f32 v16, v13;
	v27 =	vmul.f32 v52, v14;
	v15 =	vmul.f32 v25, v15;
	[tilespmem:s7+$0x100] =	vst v63  }
0x344: {  	v46 =	vld [tilespmem:$0x1FFC0];
	v8 =	vadd.f32 v61, v8;
	v9 =	vadd.f32 v62, v9;
	v29 =	vmul.f32 v17, v11;
	[tilespmem:s4+$0x80] =	vst v28  }
0x345: {  	v14 =	vmul.f32 v25, v14;
	v48 =	vld [tilespmem:$0x1FFD0];
	v16 =	vadd.f32 v27, v20;
	v15 =	vadd.f32 v15, v18;
	[tilespmem:s7+$0x180] =	vst v30  }
0x346: {  	v52 =	vld [tilespmem:$0x1FFE0];
	v17 =	vmul.f32 v17, v32;
	v8 =	vmul.f32 v8, v11;
	[tilespmem:s7+$0x200] =	vst v31;
	v10 =	vadd.f32 v29, v10  }
0x347: {  	v13 =	vadd.f32 v14, v13;
	v35 =	vmul.f32 v9, v11;
	v9 =	vmul.f32 v9, v32;
	[tilespmem:s7+$0x280] =	vst v33  }
0x348: {  	v49 =	vmul.f32 v16, v11;
	v1 =	vadd.f32 v17, v1;
	[tilespmem:s4+$0x100] =	vst v36;
	v38 =	vmul.f32 v10, v34  }
0x349: {  	s0 =	sadd.s32 $0xC900, s0;
	v56 =	vmul.f32 v15, v32;
	v2 =	vadd.f32 v8, v2;
	[tilespmem:s7+$0x300] =	vst v46;
	v47 =	vmul.f32 v10, v37  }
0x34a: {  	s30 =	sor.u32 s30, s0;
	v12 =	vadd.f32 v35, v12;
	[tilespmem:s7+$0x380] =	vst v48;
	v1 =	vmul.f32 v1, v34;
	v8 =	vadd.f32 v38, v53  }
0x34b: {  	s31 =	sor.u32 s29, s31;
	v4 =	vadd.f32 v9, v4;
	v2 =	vmul.f32 v2, v34;
	[tilespmem:s30+$0x0] =	vst v52;
	v9 =	vadd.f32 v47, v51  }
0x34c: {  	s6 =	sor.u32 s29, s6;
	v54 =	vmul.f32 v12, v34;
	v53 =	vmul.f32 v15, v11;
	v1 =	vadd.f32 v1, v50;
	[tilespmem:s31+$0x0] =	vst v8  }
0x34d: {  	v5 =	vadd.f32 v49, v5;
	v55 =	vmul.f32 v12, v37;
	v2 =	vadd.f32 v2, v45;
	[tilespmem:s6+$0x0] =	vst v9  }
0x34e: {  	v63 =	vld [tilespmem:$0x1FFF0];
	v4 =	vmul.f32 v4, v34;
	v10 =	vadd.f32 v54, v44;
	v6 =	vadd.f32 v53, v6;
	[tilespmem:s6+$0x80] =	vst v1  }
0x34f: {  	v57 =	vmul.f32 v13, v11;
	v5 =	vmul.f32 v5, v34;
	v8 =	vadd.f32 v55, v43;
	[tilespmem:s6+$0x100] =	vst v2  }
0x350: {  	v58 =	vadd.f32 v56, v7;
	v4 =	vadd.f32 v4, v40;
	v59 =	vmul.f32 v6, v34;
	[tilespmem:s31+$0x80] =	vst v10  }
0x351: {  	v60 =	vadd.f32 v5, v41;
	v1 =	vadd.f32 v57, v3;
	v61 =	vmul.f32 v6, v37;
	[tilespmem:s6+$0x180] =	vst v8  }
0x352: {  	p0 =	slt.u32 s28, $0x7E;
	v62 =	vadd.f32 v26, v39;
	v2 =	vmul.f32 v58, v34;
	[tilespmem:s6+$0x200] =	vst v4;
	v7 =	vadd.f32 v59, v42  }
.Ltmp0:
0x353: {  	v4 =	vadd.f32 v24, v63;
	v1 =	vmul.f32 v1, v34;
	[tilespmem:s6+$0x280] =	vst v60;
	v0 =	vadd.f32 v61, v0;
	(pc) =	sbr.rel @p0 .LBB2_3-.Ltmp0, $4  }
0x354: {  	v2 =	vadd.f32 v2, v62;
	[tilespmem:s31+$0x100] =	vst v7  }
0x355: {  	v1 =	vadd.f32 v1, v4;
	[tilespmem:s6+$0x300] =	vst v0  }
0x356: {  	s23 =	sadd.s32 $0x20, s23;
	s0 =	sor.u32 s29, s0;
	[tilespmem:s6+$0x380] =	vst v2  }
0x357: {  	s24 =	sadd.s32 $0x20, s24;
	s25 =	sadd.s32 $0x20, s25;
	s26 =	sadd.s32 $0x20, s26;
	[tilespmem:s0+$0x0] =	vst v1  }
0x358: {  	s0 =	sshrl.u32 s22, $0x1  }
0x359: {  	s0 =	sadd.s32 s1, s0  }
0x35a: {  	[hbm4b:s0+s3] =	stream.linear.scatter [tilespmem:s16], [sflag:$0x1], $0x2000, $0x38;
	[tilespmem:$0x10900] =	vst v63  }
0x35b: {  	s21 =	sadd.s32 $0x1, s21;
	_ =	swait.ge [sflag:s13], $0x2000  }
0x35c: {  	p0 =	sne.s32 s21, $0x4;
	[sflag:s13] =	ssyncset.done $0x0  }
.Ltmp1:
0x35d: {  	s31 =	sadd.s32 s2, s22;
	[sflag:s13] =	ssyncadd.s32 $0xFFFFE000;
	(pc) =	sbr.rel @p0 .LBB2_2-.Ltmp1, $4  }
0x35e: {  	[hbm4b:s31+s17] =	stream.strided.scatter [tilespmem:s19], [sflag:$0x1], $0x8000, s18, s17, $0x38;
	[tilespmem:$0x10900] =	vst v63  }
0x35f: {  	_ =	swait.ge [sflag:s13], $0x8000  }
0x360: {  	[sflag:s13] =	ssyncset.done $0x0  }
0x361: {  	[sflag:s13] =	ssyncadd.s32 $0xFFFF8000  }
0x362: {  	s20 =	sadd.s32 $0x1, s20  }
0x363: {  	p0 =	sne.s32 s20, s12  }
.Ltmp2:
0x364: {  	_ = 	snop;
	(pc) =	sbr.rel @p0 .LBB2_1-.Ltmp2, $1  }
0x365: {  	_ =	sdelay $0x3  }
0x366: {  	_ =	sfence.sel $0x180000  }
0x367: {  	[bflag:$0x0] =	sbarrier.arrive $0xFFFF  }
0x368: {  	_ =	strace $0x90000047  }
0x369: {  	s0 =	stileid.u32;
	[bflag:$0x2] =	sbarrier.arrive $0xFFFF  }
0x36a: {  	p0 =	sne.s32 s0, $0x0;
	s0 =	rddreg [dreg:$0x3]  }
0x36b: {  	s0 =	sadd.s32 @!p0 $0x100000, s0  }
0x36c: {  	[sflag:s0] =	ssyncadd.tile.s32 @!p0 $0x1;
	_ =	shalt  }
.Lfunc_end2:
_tile_overlayer_lowered:
.L_overlay_start_2:
0x36d: {  	(tag) =	ssettag $0x2  }
0x36e: {  	s0 =	rddreg [dreg:$0x0];
	s2 =	stileid.u32  }
0x36f: {  	s1 =	rddreg [dreg:$0x1];
	p0 =	sne.s32 s2, $0x0  }
0x370: {  	s3 =	rddreg [dreg:$0x2];
	[bflag:$0x3] =	sbarrier.arrive $0xFFFF;
	s2 =	simm.s32 @!p0 $0x1C01  }
0x371: {  	[timem:s3], [sflag:s2] =	dma.local @!p0 [hbm:s0], s1  }
0x372: {  	s0 =	simm.s32 @!p0 $0x1  }
0x373: {  	_ =	swait.ge @!p0 [sflag:s0], s1  }
0x374: {  	s1 =	ssub.s32 @!p0 $0x0, s1;
	[sflag:s0] =	ssyncset.done @!p0 $0x0  }
0x375: {  	[sflag:s0] =	ssyncadd.s32 @!p0 s1  }
0x376: {  	[bflag:$0x3] =	sbarrier.arrive $0xFFFF  }
0x377: {  	_ =	shalt  }

</sc_bundles>
